<compile_context>
chip_gen: v7x
topology: tpu7x:2x2x1
jax: 0.10.2.dev20260603
libtpu: 0.0.44.dev20260713+nightly
codegen_flags: <defaults>
</compile_context>

<pallas_src>
import functools

import jax
import jax.numpy as jnp
from jax import lax
from jax.experimental import pallas as pl
from jax.experimental.pallas import tpu as pltpu
from jax.experimental.pallas import tpu_sc as plsc

N = 10000
E = 320000
D_IN = 128
H1 = 128
H2 = 64
K = 16

NC = 2
NS = 16
NW = NC * NS
LANES = 16

CHUNK = 128
EPT_RAW = E // NW
NCH = 80
EPT = NCH * CHUNK
NPAD = 10240
RPT = NPAD // NS
TRASH = N

DW = 128
BR = 1000

_MESH = plsc.VectorSubcoreMesh(core_axis_name="c", subcore_axis_name="s")


NBUF = 2
NSEG = 2
NCHS = NCH // NSEG
HALF = CHUNK // 2
QTR = CHUNK // 4


def _sc_aggregate():
    d = DW

    @functools.partial(
        pl.kernel,
        mesh=_MESH,
        out_type=jax.ShapeDtypeStruct((NC, NPAD, d), jnp.float32),
        scratch_types=[
            pltpu.VMEM((NCHS, CHUNK), jnp.int32),
            pltpu.VMEM((NCHS, CHUNK), jnp.int32),
            pltpu.VMEM((NBUF, CHUNK, d), jnp.float32),
            pltpu.VMEM_SHARED((NPAD, d), jnp.float32),
        ] + [pltpu.SemaphoreType.DMA] * NBUF,
    )
    def k(hp_hbm, src_hbm, dst_hbm, zeros_hbm, out_hbm,
          src_v, dst_v, rows_v, acc_sh, *sems):
        cid = lax.axis_index("c")
        sid = lax.axis_index("s")
        wid = sid * NC + cid

        pltpu.sync_copy(zeros_hbm, rows_v.at[0])

        @pl.loop(0, RPT, step=CHUNK)
        def _(r):
            pltpu.sync_copy(rows_v.at[0], acc_sh.at[pl.ds(sid * RPT + r, CHUNK)])

        plsc.subcore_barrier()

        @pl.loop(0, NSEG)
        def _(seg):
            pltpu.sync_copy(src_hbm.at[wid].at[seg], src_v)
            pltpu.sync_copy(dst_hbm.at[wid].at[seg], dst_v)

            def issue(c, b):
                for h in (0, QTR, 2 * QTR, 3 * QTR):
                    pltpu.async_copy(
                        hp_hbm.at[src_v.at[c].at[pl.ds(h, QTR)]],
                        rows_v.at[b].at[pl.ds(h, QTR)], sems[b])

            for b in range(NBUF):
                issue(b, b)

            @pl.loop(0, NCHS, step=NBUF)
            def _(j):
                for b in range(NBUF):
                    pltpu.make_async_copy(zeros_hbm, rows_v.at[b],
                                          sems[b]).wait()
                    pltpu.sync_copy(rows_v.at[b], acc_sh.at[dst_v.at[j + b]],
                                    add=True)

                    @pl.when(j + b + NBUF < NCHS)
                    def _():
                        issue(j + b + NBUF, b)

        plsc.subcore_barrier()

        @pl.loop(0, RPT, step=CHUNK)
        def _(r):
            pltpu.sync_copy(acc_sh.at[pl.ds(sid * RPT + r, CHUNK)],
                            out_hbm.at[cid].at[pl.ds(sid * RPT + r, CHUNK)])

    return k


def _sc_degree():

    @functools.partial(
        pl.kernel,
        mesh=_MESH,
        out_type=jax.ShapeDtypeStruct((NC, NPAD, DW), jnp.float32),
        scratch_types=[
            pltpu.VMEM((NCH, CHUNK), jnp.int32),
            pltpu.VMEM((CHUNK, DW), jnp.float32),
            pltpu.VMEM((CHUNK, DW), jnp.float32),
            pltpu.VMEM_SHARED((NPAD, DW), jnp.float32),
        ],
    )
    def k(dst_hbm, zeros_hbm, ones_hbm, out_hbm, dst_v, zrows_v, ones_v, acc_sh):
        cid = lax.axis_index("c")
        sid = lax.axis_index("s")
        wid = sid * NC + cid

        pltpu.sync_copy(zeros_hbm, zrows_v)
        pltpu.sync_copy(ones_hbm, ones_v)

        @pl.loop(0, RPT, step=CHUNK)
        def _(r):
            pltpu.sync_copy(zrows_v, acc_sh.at[pl.ds(sid * RPT + r, CHUNK)])

        pltpu.sync_copy(dst_hbm.at[wid], dst_v)
        plsc.subcore_barrier()

        @pl.loop(0, NCH)
        def _(j):
            pltpu.sync_copy(ones_v, acc_sh.at[dst_v.at[j]], add=True)

        plsc.subcore_barrier()

        @pl.loop(0, RPT, step=CHUNK)
        def _(r):
            pltpu.sync_copy(acc_sh.at[pl.ds(sid * RPT + r, CHUNK)],
                            out_hbm.at[cid].at[pl.ds(sid * RPT + r, CHUNK)])

    return k


def _dot(a, b):
    return jnp.dot(a, b, precision=lax.Precision.HIGHEST,
                   preferred_element_type=jnp.float32)


def _tc_stage1(x, w1, dp):

    def body(x_ref, w_ref, dp_ref, hp_ref, dinv_ref):
        dp = dp_ref[...]
        deg = dp[0, :, 0:1] + dp[1, :, 0:1] + 1.0
        dinv = lax.rsqrt(deg)
        g = _dot(x_ref[...], w_ref[...])
        hp_ref[...] = dinv * g
        dinv_ref[...] = dinv

    return pl.pallas_call(
        body,
        grid=(N // BR,),
        in_specs=[
            pl.BlockSpec((BR, D_IN), lambda i: (i, 0)),
            pl.BlockSpec((D_IN, H1), lambda i: (0, 0)),
            pl.BlockSpec((NC, BR, DW), lambda i: (0, i, 0)),
        ],
        out_specs=[
            pl.BlockSpec((BR, H1), lambda i: (i, 0)),
            pl.BlockSpec((BR, 1), lambda i: (i, 0)),
        ],
        out_shape=[
            jax.ShapeDtypeStruct((N, H1), jnp.float32),
            jax.ShapeDtypeStruct((N, 1), jnp.float32),
        ],
    )(x, w1, dp)


def _tc_stage_mid(acc, hp, dinv, b, wn):

    def body(acc_ref, hp_ref, dinv_ref, b_ref, w_ref, out_ref):
        a = acc_ref[...]
        dinv = dinv_ref[...]
        s = a[0] + a[1] + hp_ref[...]
        h = jnp.maximum(dinv * s + b_ref[...], 0.0)
        out_ref[...] = dinv * _dot(h, w_ref[...])

    return pl.pallas_call(
        body,
        grid=(N // BR,),
        in_specs=[
            pl.BlockSpec((NC, BR, DW), lambda i: (0, i, 0)),
            pl.BlockSpec((BR, DW), lambda i: (i, 0)),
            pl.BlockSpec((BR, 1), lambda i: (i, 0)),
            pl.BlockSpec((1, DW), lambda i: (0, 0)),
            pl.BlockSpec((DW, DW), lambda i: (0, 0)),
        ],
        out_specs=pl.BlockSpec((BR, DW), lambda i: (i, 0)),
        out_shape=jax.ShapeDtypeStruct((N, DW), jnp.float32),
    )(acc, hp, dinv, b, wn)


def _tc_stage3(acc, hp, dinv, b):

    def body(acc_ref, hp_ref, dinv_ref, b_ref, out_ref):
        a = acc_ref[...]
        full = dinv_ref[...] * (a[0] + a[1] + hp_ref[...])
        logits = full[:, 0:K] + b_ref[...]
        m = jnp.max(logits, axis=1, keepdims=True)
        e = jnp.exp(logits - m)
        out_ref[...] = e / jnp.sum(e, axis=1, keepdims=True)

    return pl.pallas_call(
        body,
        grid=(N // BR,),
        in_specs=[
            pl.BlockSpec((NC, BR, DW), lambda i: (0, i, 0)),
            pl.BlockSpec((BR, DW), lambda i: (i, 0)),
            pl.BlockSpec((BR, 1), lambda i: (i, 0)),
            pl.BlockSpec((1, K), lambda i: (0, 0)),
        ],
        out_specs=pl.BlockSpec((BR, K), lambda i: (i, 0)),
        out_shape=jax.ShapeDtypeStruct((N, K), jnp.float32),
    )(acc, hp, dinv, b)


def kernel(x, edge_index, W1, b1, W2, b2, W3, b3):
    src = edge_index[0].reshape(NW, EPT_RAW)
    dst = edge_index[1].reshape(NW, EPT_RAW)
    pad = EPT - EPT_RAW
    src = jnp.pad(src, ((0, 0), (0, pad))).reshape(NW, NSEG, NCHS, CHUNK)
    dst = jnp.pad(dst, ((0, 0), (0, pad)),
                  constant_values=TRASH).reshape(NW, NSEG, NCHS, CHUNK)

    zdw = jnp.zeros((CHUNK, DW), jnp.float32)
    onesdw = jnp.ones((CHUNK, DW), jnp.float32)

    w2p = jnp.zeros((DW, DW), jnp.float32).at[:H1, :H2].set(W2)
    w3p = jnp.zeros((DW, DW), jnp.float32).at[:H2, :K].set(W3)
    b2p = jnp.zeros((1, DW), jnp.float32).at[0, :H2].set(b2)

    agg = _sc_aggregate()

    dp = _sc_degree()(dst.reshape(NW, NCH, CHUNK), zdw, onesdw)

    hp1, dinv = _tc_stage1(x, W1, dp)
    acc1 = agg(hp1, src, dst, zdw)
    hp2 = _tc_stage_mid(acc1, hp1, dinv, b1.reshape(1, H1), w2p)
    acc2 = agg(hp2, src, dst, zdw)
    hp3 = _tc_stage_mid(acc2, hp2, dinv, b2p, w3p)
    acc3 = agg(hp3, src, dst, zdw)

    return _tc_stage3(acc3, hp3, dinv, b3.reshape(1, K))

# --- scband reference (transcript-rebuilt; emitter-appended) ---
"""Pipeline reference for scband-gcn-9801115369951 (READ-ONLY COPY).

The authoritative reference and input builder live on the scoring server;
editing this copy changes nothing except your own understanding.
"""

import jax, jax.numpy as jnp
import numpy as np

N = 10000
E = 320000
D_IN = 128
H1 = 128
H2 = 64
K = 16


def gcn_conv(x, edge_index, W, b):
    n = x.shape[0]
    src = edge_index[0]
    dst = edge_index[1]
    loop = jnp.arange(n, dtype=src.dtype)
    src = jnp.concatenate([src, loop])
    dst = jnp.concatenate([dst, loop])
    deg = jnp.zeros((n,), dtype=x.dtype).at[dst].add(1.0)
    dinv = jnp.where(deg > 0, 1.0 / jnp.sqrt(deg), 0.0)
    norm = dinv[src] * dinv[dst]
    h = x @ W
    msg = h[src] * norm[:, None]
    out = jnp.zeros((n, W.shape[1]), dtype=x.dtype).at[dst].add(msg)
    return out + b


def setup_inputs(seed: int = 0):
    key = jax.random.key(seed)
    ks = jax.random.split(key, 8)
    x = jax.random.normal(ks[0], (N, D_IN), dtype=jnp.float32)
    edge_index = jax.random.randint(ks[1], (2, E), 0, N, dtype=jnp.int32)
    W1 = jax.random.normal(ks[2], (D_IN, H1), dtype=jnp.float32) / np.sqrt(D_IN)
    b1 = jnp.zeros((H1,), dtype=jnp.float32)
    W2 = jax.random.normal(ks[3], (H1, H2), dtype=jnp.float32) / np.sqrt(H1)
    b2 = jnp.zeros((H2,), dtype=jnp.float32)
    W3 = jax.random.normal(ks[4], (H2, K), dtype=jnp.float32) / np.sqrt(H2)
    b3 = jnp.zeros((K,), dtype=jnp.float32)
    return {"x": x, "edge_index": edge_index, "W1": W1, "b1": b1, "W2": W2, "b2": b2, "W3": W3, "b3": b3}


def reference(x, edge_index, W1, b1, W2, b2, W3, b3):
    h = gcn_conv(x, edge_index, W1, b1)
    h = jax.nn.relu(h)
    # dropout p=0.1 is identity in eval mode
    h = gcn_conv(h, edge_index, W2, b2)
    h = jax.nn.relu(h)
    h = gcn_conv(h, edge_index, W3, b3)
    return jax.nn.softmax(h, axis=1)

if __name__ == "__main__":
    import jax
    _d = setup_inputs()
    print(jax.jit(kernel)(*tuple(_d.values())))

</pallas_src>

<mosaic_0001>
#map = affine_map<(d0, d1) -> (0, 0, 0)>
#map1 = affine_map<(d0, d1) -> (0, 0)>
module attributes {stable_mosaic.version = 14 : i64} {
  func.func @k(%arg0: i32, %arg1: i32, %arg2: memref<32x80x128xi32, #tpu.memory_space<hbm>>, %arg3: memref<128x128xf32, #tpu.memory_space<hbm>>, %arg4: memref<128x128xf32, #tpu.memory_space<hbm>>, %arg5: memref<2x10240x128xf32, #tpu.memory_space<hbm>>, %arg6: memref<80x128xi32, #tpu.memory_space<vmem>>, %arg7: memref<128x128xf32, #tpu.memory_space<vmem>>, %arg8: memref<128x128xf32, #tpu.memory_space<vmem>>, %arg9: memref<10240x128xf32, #tpu.memory_space<vmem_shared>>) attributes {dimension_semantics = [#tpu.dimension_semantics<core_parallel>, #tpu.dimension_semantics<subcore_parallel>], iteration_bounds = array<i64: 2, 16>, scalar_prefetch = 0 : i64, scratch_operands = 4 : i64, tpu.core_type = #tpu.core_type<sc_vector_subcore>, window_params = [{transform_indices = #map}, {transform_indices = #map1}, {transform_indices = #map1}, {transform_indices = #map}]} {
    %mul3A = arith.constant 2 : i32
    %mul3A_0 = arith.muli %arg1, %mul3A : i32
    %add3A = arith.addi %mul3A_0, %arg0 : i32
    "tpu.region"() ({
      %run_scoped3A = tpu.sem_alloc : memref<!tpu.dma_semaphore, #tpu.memory_space<semaphore_mem>>
      tpu.enqueue_dma source(%arg3 : memref<128x128xf32, #tpu.memory_space<hbm>>) target(%arg7 : memref<128x128xf32, #tpu.memory_space<vmem>>) target_semaphore(%run_scoped3A : memref<!tpu.dma_semaphore, #tpu.memory_space<semaphore_mem>>)
      tpu.wait_dma2 semaphore(%run_scoped3A : memref<!tpu.dma_semaphore, #tpu.memory_space<semaphore_mem>>) src(%arg3 : memref<128x128xf32, #tpu.memory_space<hbm>>) dst(%arg7 : memref<128x128xf32, #tpu.memory_space<vmem>>)
      tpu.yield
    }) : () -> ()
    "tpu.region"() ({
      %run_scoped3A = tpu.sem_alloc : memref<!tpu.dma_semaphore, #tpu.memory_space<semaphore_mem>>
      tpu.enqueue_dma source(%arg4 : memref<128x128xf32, #tpu.memory_space<hbm>>) target(%arg8 : memref<128x128xf32, #tpu.memory_space<vmem>>) target_semaphore(%run_scoped3A : memref<!tpu.dma_semaphore, #tpu.memory_space<semaphore_mem>>)
      tpu.wait_dma2 semaphore(%run_scoped3A : memref<!tpu.dma_semaphore, #tpu.memory_space<semaphore_mem>>) src(%arg4 : memref<128x128xf32, #tpu.memory_space<hbm>>) dst(%arg8 : memref<128x128xf32, #tpu.memory_space<vmem>>)
      tpu.yield
    }) : () -> ()
    %scan3A = arith.constant 0 : i32
    %scan3A_1 = arith.constant 5 : i32
    %scan3A_2 = arith.addi %scan3A, %scan3A_1 : i32
    %scan3A_3 = arith.constant 1 : i32
    scf.for %scan3A_16 = %scan3A to %scan3A_2 step %scan3A_3  : i32 {
      %mul3A_17 = arith.constant 128 : i32
      %mul3A_18 = arith.muli %scan3A_16, %mul3A_17 : i32
      %add3A_19 = arith.constant 0 : i32
      %add3A_20 = arith.addi %add3A_19, %mul3A_18 : i32
      %mul3A_21 = arith.constant 640 : i32
      %mul3A_22 = arith.muli %arg1, %mul3A_21 : i32
      %add3A_23 = arith.addi %mul3A_22, %add3A_20 : i32
      "tpu.region"() ({
        %run_scoped3A = tpu.sem_alloc : memref<!tpu.dma_semaphore, #tpu.memory_space<semaphore_mem>>
        %dma_start3A = arith.constant 0 : i32
        %dma_start3A_24 = tpu.memref_slice %arg9[%add3A_23, %dma_start3A] : memref<10240x128xf32, #tpu.memory_space<vmem_shared>> -> memref<128x128xf32, #tpu.memory_space<vmem_shared>>
        %dma_start3A_25 = arith.constant 0 : i32
        %dma_start3A_26 = tpu.memref_slice %arg9[%add3A_23, %dma_start3A_25] : memref<10240x128xf32, #tpu.memory_space<vmem_shared>> -> memref<128x128xf32, #tpu.memory_space<vmem_shared>>
        tpu.enqueue_dma source(%arg7 : memref<128x128xf32, #tpu.memory_space<vmem>>) target(%dma_start3A_26 : memref<128x128xf32, #tpu.memory_space<vmem_shared>>) target_semaphore(%run_scoped3A : memref<!tpu.dma_semaphore, #tpu.memory_space<semaphore_mem>>)
        %dma_wait3A = arith.constant 0 : i32
        %dma_wait3A_27 = tpu.memref_slice %arg9[%add3A_23, %dma_wait3A] : memref<10240x128xf32, #tpu.memory_space<vmem_shared>> -> memref<128x128xf32, #tpu.memory_space<vmem_shared>>
        %dma_wait3A_28 = arith.constant 0 : i32
        %dma_wait3A_29 = tpu.memref_slice %arg9[%add3A_23, %dma_wait3A_28] : memref<10240x128xf32, #tpu.memory_space<vmem_shared>> -> memref<128x128xf32, #tpu.memory_space<vmem_shared>>
        tpu.wait_dma2 semaphore(%run_scoped3A : memref<!tpu.dma_semaphore, #tpu.memory_space<semaphore_mem>>) src(%arg7 : memref<128x128xf32, #tpu.memory_space<vmem>>) dst(%dma_wait3A_29 : memref<128x128xf32, #tpu.memory_space<vmem_shared>>)
        tpu.yield
      }) : () -> ()
    }
    %scan3A_4 = arith.constant 5 : i32
    "tpu.region"() ({
      %run_scoped3A = tpu.sem_alloc : memref<!tpu.dma_semaphore, #tpu.memory_space<semaphore_mem>>
      %dma_start3A = arith.constant 0 : i32
      %dma_start3A_16 = arith.constant 0 : i32
      %dma_start3A_17 = tpu.memref_slice %arg2[%add3A, %dma_start3A, %dma_start3A_16] : memref<32x80x128xi32, #tpu.memory_space<hbm>> -> memref<1x80x128xi32, #tpu.memory_space<hbm>>
      %dma_start3A_18 = tpu.memref_squeeze %dma_start3A_17 : memref<1x80x128xi32, #tpu.memory_space<hbm>> -> memref<80x128xi32, #tpu.memory_space<hbm>>
      %dma_start3A_19 = arith.constant 0 : i32
      %dma_start3A_20 = arith.constant 0 : i32
      %dma_start3A_21 = tpu.memref_slice %arg2[%add3A, %dma_start3A_19, %dma_start3A_20] : memref<32x80x128xi32, #tpu.memory_space<hbm>> -> memref<1x80x128xi32, #tpu.memory_space<hbm>>
      %dma_start3A_22 = tpu.memref_squeeze %dma_start3A_21 : memref<1x80x128xi32, #tpu.memory_space<hbm>> -> memref<80x128xi32, #tpu.memory_space<hbm>>
      tpu.enqueue_dma source(%dma_start3A_22 : memref<80x128xi32, #tpu.memory_space<hbm>>) target(%arg6 : memref<80x128xi32, #tpu.memory_space<vmem>>) target_semaphore(%run_scoped3A : memref<!tpu.dma_semaphore, #tpu.memory_space<semaphore_mem>>)
      %dma_wait3A = arith.constant 0 : i32
      %dma_wait3A_23 = arith.constant 0 : i32
      %dma_wait3A_24 = tpu.memref_slice %arg2[%add3A, %dma_wait3A, %dma_wait3A_23] : memref<32x80x128xi32, #tpu.memory_space<hbm>> -> memref<1x80x128xi32, #tpu.memory_space<hbm>>
      %dma_wait3A_25 = tpu.memref_squeeze %dma_wait3A_24 : memref<1x80x128xi32, #tpu.memory_space<hbm>> -> memref<80x128xi32, #tpu.memory_space<hbm>>
      %dma_wait3A_26 = arith.constant 0 : i32
      %dma_wait3A_27 = arith.constant 0 : i32
      %dma_wait3A_28 = tpu.memref_slice %arg2[%add3A, %dma_wait3A_26, %dma_wait3A_27] : memref<32x80x128xi32, #tpu.memory_space<hbm>> -> memref<1x80x128xi32, #tpu.memory_space<hbm>>
      %dma_wait3A_29 = tpu.memref_squeeze %dma_wait3A_28 : memref<1x80x128xi32, #tpu.memory_space<hbm>> -> memref<80x128xi32, #tpu.memory_space<hbm>>
      tpu.wait_dma2 semaphore(%run_scoped3A : memref<!tpu.dma_semaphore, #tpu.memory_space<semaphore_mem>>) src(%dma_wait3A_29 : memref<80x128xi32, #tpu.memory_space<hbm>>) dst(%arg6 : memref<80x128xi32, #tpu.memory_space<vmem>>)
      tpu.yield
    }) : () -> ()
    %barrier3A = arith.constant 0 : index
    tpu.barrier barrier_id(%barrier3A)
    %scan3A_5 = arith.constant 0 : i32
    %scan3A_6 = arith.constant 80 : i32
    %scan3A_7 = arith.addi %scan3A_5, %scan3A_6 : i32
    %scan3A_8 = arith.constant 1 : i32
    scf.for %scan3A_16 = %scan3A_5 to %scan3A_7 step %scan3A_8  : i32 {
      %mul3A_17 = arith.constant 1 : i32
      %mul3A_18 = arith.muli %scan3A_16, %mul3A_17 : i32
      %add3A_19 = arith.constant 0 : i32
      %add3A_20 = arith.addi %add3A_19, %mul3A_18 : i32
      "tpu.region"() ({
        %run_scoped3A = tpu.sem_alloc : memref<!tpu.dma_semaphore, #tpu.memory_space<semaphore_mem>>
        %dma_start3A = arith.constant 0 : i32
        %dma_start3A_21 = tpu.memref_slice %arg6[%add3A_20, %dma_start3A] : memref<80x128xi32, #tpu.memory_space<vmem>> -> memref<1x128xi32, #tpu.memory_space<vmem>>
        %dma_start3A_22 = tpu.memref_squeeze %dma_start3A_21 : memref<1x128xi32, #tpu.memory_space<vmem>> -> memref<128xi32, #tpu.memory_space<vmem>>
        %dma_start3A_23 = arith.constant 0 : i32
        %dma_start3A_24 = arith.constant 0 : i32
        %dma_start3A_25 = tpu.memref_slice %arg9[%dma_start3A_23, %dma_start3A_24] : memref<10240x128xf32, #tpu.memory_space<vmem_shared>> -> memref<10240x128xf32, #tpu.memory_space<vmem_shared>>
        tpu.enqueue_indirect_dma source(%arg8 : memref<128x128xf32, #tpu.memory_space<vmem>>) target(%dma_start3A_25 : memref<10240x128xf32, #tpu.memory_space<vmem_shared>>) offsets(%dma_start3A_22 : memref<128xi32, #tpu.memory_space<vmem>>) semaphore(%run_scoped3A : memref<!tpu.dma_semaphore, #tpu.memory_space<semaphore_mem>>) {add = true}
        %dma_wait3A = arith.constant 0 : i32
        %dma_wait3A_26 = tpu.memref_slice %arg6[%add3A_20, %dma_wait3A] : memref<80x128xi32, #tpu.memory_space<vmem>> -> memref<1x128xi32, #tpu.memory_space<vmem>>
        %dma_wait3A_27 = tpu.memref_squeeze %dma_wait3A_26 : memref<1x128xi32, #tpu.memory_space<vmem>> -> memref<128xi32, #tpu.memory_space<vmem>>
        %dma_wait3A_28 = arith.constant 0 : i32
        %dma_wait3A_29 = arith.constant 0 : i32
        %dma_wait3A_30 = tpu.memref_slice %arg9[%dma_wait3A_28, %dma_wait3A_29] : memref<10240x128xf32, #tpu.memory_space<vmem_shared>> -> memref<10240x128xf32, #tpu.memory_space<vmem_shared>>
        tpu.wait_indirect_dma semaphore(%run_scoped3A : memref<!tpu.dma_semaphore, #tpu.memory_space<semaphore_mem>>) src(%arg8 : memref<128x128xf32, #tpu.memory_space<vmem>>) dst(%dma_wait3A_30 : memref<10240x128xf32, #tpu.memory_space<vmem_shared>>)
        tpu.yield
      }) : () -> ()
    }
    %scan3A_9 = arith.constant 80 : i32
    %barrier3A_10 = arith.constant 0 : index
    tpu.barrier barrier_id(%barrier3A_10)
    %scan3A_11 = arith.constant 0 : i32
    %scan3A_12 = arith.constant 5 : i32
    %scan3A_13 = arith.addi %scan3A_11, %scan3A_12 : i32
    %scan3A_14 = arith.constant 1 : i32
    scf.for %scan3A_16 = %scan3A_11 to %scan3A_13 step %scan3A_14  : i32 {
      %mul3A_17 = arith.constant 128 : i32
      %mul3A_18 = arith.muli %scan3A_16, %mul3A_17 : i32
      %add3A_19 = arith.constant 0 : i32
      %add3A_20 = arith.addi %add3A_19, %mul3A_18 : i32
      %mul3A_21 = arith.constant 640 : i32
      %mul3A_22 = arith.muli %arg1, %mul3A_21 : i32
      %add3A_23 = arith.addi %mul3A_22, %add3A_20 : i32
      %mul3A_24 = arith.constant 640 : i32
      %mul3A_25 = arith.muli %arg1, %mul3A_24 : i32
      %add3A_26 = arith.addi %mul3A_25, %add3A_20 : i32
      "tpu.region"() ({
        %run_scoped3A = tpu.sem_alloc : memref<!tpu.dma_semaphore, #tpu.memory_space<semaphore_mem>>
        %dma_start3A = arith.constant 0 : i32
        %dma_start3A_27 = arith.constant 0 : i32
        %dma_start3A_28 = tpu.memref_slice %arg5[%arg0, %dma_start3A, %dma_start3A_27] : memref<2x10240x128xf32, #tpu.memory_space<hbm>> -> memref<1x10240x128xf32, #tpu.memory_space<hbm>>
        %dma_start3A_29 = tpu.memref_squeeze %dma_start3A_28 : memref<1x10240x128xf32, #tpu.memory_space<hbm>> -> memref<10240x128xf32, #tpu.memory_space<hbm>>
        %dma_start3A_30 = arith.constant 0 : i32
        %dma_start3A_31 = tpu.memref_slice %dma_start3A_29[%add3A_26, %dma_start3A_30] : memref<10240x128xf32, #tpu.memory_space<hbm>> -> memref<128x128xf32, #tpu.memory_space<hbm>>
        %dma_start3A_32 = arith.constant 0 : i32
        %dma_start3A_33 = tpu.memref_slice %arg9[%add3A_23, %dma_start3A_32] : memref<10240x128xf32, #tpu.memory_space<vmem_shared>> -> memref<128x128xf32, #tpu.memory_space<vmem_shared>>
        tpu.enqueue_dma source(%dma_start3A_33 : memref<128x128xf32, #tpu.memory_space<vmem_shared>>) target(%dma_start3A_31 : memref<128x128xf32, #tpu.memory_space<hbm>>) target_semaphore(%run_scoped3A : memref<!tpu.dma_semaphore, #tpu.memory_space<semaphore_mem>>)
        %dma_wait3A = arith.constant 0 : i32
        %dma_wait3A_34 = arith.constant 0 : i32
        %dma_wait3A_35 = tpu.memref_slice %arg5[%arg0, %dma_wait3A, %dma_wait3A_34] : memref<2x10240x128xf32, #tpu.memory_space<hbm>> -> memref<1x10240x128xf32, #tpu.memory_space<hbm>>
        %dma_wait3A_36 = tpu.memref_squeeze %dma_wait3A_35 : memref<1x10240x128xf32, #tpu.memory_space<hbm>> -> memref<10240x128xf32, #tpu.memory_space<hbm>>
        %dma_wait3A_37 = arith.constant 0 : i32
        %dma_wait3A_38 = tpu.memref_slice %dma_wait3A_36[%add3A_26, %dma_wait3A_37] : memref<10240x128xf32, #tpu.memory_space<hbm>> -> memref<128x128xf32, #tpu.memory_space<hbm>>
        %dma_wait3A_39 = arith.constant 0 : i32
        %dma_wait3A_40 = tpu.memref_slice %arg9[%add3A_23, %dma_wait3A_39] : memref<10240x128xf32, #tpu.memory_space<vmem_shared>> -> memref<128x128xf32, #tpu.memory_space<vmem_shared>>
        tpu.wait_dma2 semaphore(%run_scoped3A : memref<!tpu.dma_semaphore, #tpu.memory_space<semaphore_mem>>) src(%dma_wait3A_40 : memref<128x128xf32, #tpu.memory_space<vmem_shared>>) dst(%dma_wait3A_38 : memref<128x128xf32, #tpu.memory_space<hbm>>)
        tpu.yield
      }) : () -> ()
    }
    %scan3A_15 = arith.constant 5 : i32
    return
  }
}

#map = affine_map<(d0, d1) -> (0, 0)>
#map1 = affine_map<(d0, d1) -> (0, 0, 0, 0)>
#map2 = affine_map<(d0, d1) -> (0, 0, 0)>
module attributes {stable_mosaic.version = 14 : i64} {
  func.func @k(%arg0: i32, %arg1: i32, %arg2: memref<10000x128xf32, #tpu.memory_space<hbm>>, %arg3: memref<32x2x40x128xi32, #tpu.memory_space<hbm>>, %arg4: memref<32x2x40x128xi32, #tpu.memory_space<hbm>>, %arg5: memref<128x128xf32, #tpu.memory_space<hbm>>, %arg6: memref<2x10240x128xf32, #tpu.memory_space<hbm>>, %arg7: memref<40x128xi32, #tpu.memory_space<vmem>>, %arg8: memref<40x128xi32, #tpu.memory_space<vmem>>, %arg9: memref<2x128x128xf32, #tpu.memory_space<vmem>>, %arg10: memref<10240x128xf32, #tpu.memory_space<vmem_shared>>, %arg11: memref<!tpu.dma_semaphore, #tpu.memory_space<semaphore_mem>>, %arg12: memref<!tpu.dma_semaphore, #tpu.memory_space<semaphore_mem>>) attributes {dimension_semantics = [#tpu.dimension_semantics<core_parallel>, #tpu.dimension_semantics<subcore_parallel>], iteration_bounds = array<i64: 2, 16>, scalar_prefetch = 0 : i64, scratch_operands = 6 : i64, tpu.core_type = #tpu.core_type<sc_vector_subcore>, window_params = [{transform_indices = #map}, {transform_indices = #map1}, {transform_indices = #map1}, {transform_indices = #map}, {transform_indices = #map2}]} {
    %mul3A = arith.constant 2 : i32
    %mul3A_0 = arith.muli %arg1, %mul3A : i32
    %add3A = arith.addi %mul3A_0, %arg0 : i32
    %run_scoped3A = arith.constant 0 : i32
    "tpu.region"() ({
      %run_scoped3A_16 = tpu.sem_alloc : memref<!tpu.dma_semaphore, #tpu.memory_space<semaphore_mem>>
      %dma_start3A = arith.constant 0 : i32
      %dma_start3A_17 = arith.constant 0 : i32
      %dma_start3A_18 = tpu.memref_slice %arg9[%run_scoped3A, %dma_start3A, %dma_start3A_17] : memref<2x128x128xf32, #tpu.memory_space<vmem>> -> memref<1x128x128xf32, #tpu.memory_space<vmem>>
      %dma_start3A_19 = tpu.memref_squeeze %dma_start3A_18 : memref<1x128x128xf32, #tpu.memory_space<vmem>> -> memref<128x128xf32, #tpu.memory_space<vmem>>
      %dma_start3A_20 = arith.constant 0 : i32
      %dma_start3A_21 = arith.constant 0 : i32
      %dma_start3A_22 = tpu.memref_slice %arg9[%run_scoped3A, %dma_start3A_20, %dma_start3A_21] : memref<2x128x128xf32, #tpu.memory_space<vmem>> -> memref<1x128x128xf32, #tpu.memory_space<vmem>>
      %dma_start3A_23 = tpu.memref_squeeze %dma_start3A_22 : memref<1x128x128xf32, #tpu.memory_space<vmem>> -> memref<128x128xf32, #tpu.memory_space<vmem>>
      tpu.enqueue_dma source(%arg5 : memref<128x128xf32, #tpu.memory_space<hbm>>) target(%dma_start3A_23 : memref<128x128xf32, #tpu.memory_space<vmem>>) target_semaphore(%run_scoped3A_16 : memref<!tpu.dma_semaphore, #tpu.memory_space<semaphore_mem>>)
      %dma_wait3A = arith.constant 0 : i32
      %dma_wait3A_24 = arith.constant 0 : i32
      %dma_wait3A_25 = tpu.memref_slice %arg9[%run_scoped3A, %dma_wait3A, %dma_wait3A_24] : memref<2x128x128xf32, #tpu.memory_space<vmem>> -> memref<1x128x128xf32, #tpu.memory_space<vmem>>
      %dma_wait3A_26 = tpu.memref_squeeze %dma_wait3A_25 : memref<1x128x128xf32, #tpu.memory_space<vmem>> -> memref<128x128xf32, #tpu.memory_space<vmem>>
      %dma_wait3A_27 = arith.constant 0 : i32
      %dma_wait3A_28 = arith.constant 0 : i32
      %dma_wait3A_29 = tpu.memref_slice %arg9[%run_scoped3A, %dma_wait3A_27, %dma_wait3A_28] : memref<2x128x128xf32, #tpu.memory_space<vmem>> -> memref<1x128x128xf32, #tpu.memory_space<vmem>>
      %dma_wait3A_30 = tpu.memref_squeeze %dma_wait3A_29 : memref<1x128x128xf32, #tpu.memory_space<vmem>> -> memref<128x128xf32, #tpu.memory_space<vmem>>
      tpu.wait_dma2 semaphore(%run_scoped3A_16 : memref<!tpu.dma_semaphore, #tpu.memory_space<semaphore_mem>>) src(%arg5 : memref<128x128xf32, #tpu.memory_space<hbm>>) dst(%dma_wait3A_30 : memref<128x128xf32, #tpu.memory_space<vmem>>)
      tpu.yield
    }) : () -> ()
    %scan3A = arith.constant 0 : i32
    %scan3A_1 = arith.constant 5 : i32
    %scan3A_2 = arith.addi %scan3A, %scan3A_1 : i32
    %scan3A_3 = arith.constant 1 : i32
    scf.for %scan3A_16 = %scan3A to %scan3A_2 step %scan3A_3  : i32 {
      %mul3A_17 = arith.constant 128 : i32
      %mul3A_18 = arith.muli %scan3A_16, %mul3A_17 : i32
      %add3A_19 = arith.constant 0 : i32
      %add3A_20 = arith.addi %add3A_19, %mul3A_18 : i32
      %mul3A_21 = arith.constant 640 : i32
      %mul3A_22 = arith.muli %arg1, %mul3A_21 : i32
      %add3A_23 = arith.addi %mul3A_22, %add3A_20 : i32
      %run_scoped3A_24 = arith.constant 0 : i32
      "tpu.region"() ({
        %run_scoped3A_25 = tpu.sem_alloc : memref<!tpu.dma_semaphore, #tpu.memory_space<semaphore_mem>>
        %dma_start3A = arith.constant 0 : i32
        %dma_start3A_26 = arith.constant 0 : i32
        %dma_start3A_27 = tpu.memref_slice %arg9[%run_scoped3A_24, %dma_start3A, %dma_start3A_26] : memref<2x128x128xf32, #tpu.memory_space<vmem>> -> memref<1x128x128xf32, #tpu.memory_space<vmem>>
        %dma_start3A_28 = tpu.memref_squeeze %dma_start3A_27 : memref<1x128x128xf32, #tpu.memory_space<vmem>> -> memref<128x128xf32, #tpu.memory_space<vmem>>
        %dma_start3A_29 = arith.constant 0 : i32
        %dma_start3A_30 = tpu.memref_slice %arg10[%add3A_23, %dma_start3A_29] : memref<10240x128xf32, #tpu.memory_space<vmem_shared>> -> memref<128x128xf32, #tpu.memory_space<vmem_shared>>
        %dma_start3A_31 = arith.constant 0 : i32
        %dma_start3A_32 = tpu.memref_slice %arg10[%add3A_23, %dma_start3A_31] : memref<10240x128xf32, #tpu.memory_space<vmem_shared>> -> memref<128x128xf32, #tpu.memory_space<vmem_shared>>
        %dma_start3A_33 = arith.constant 0 : i32
        %dma_start3A_34 = arith.constant 0 : i32
        %dma_start3A_35 = tpu.memref_slice %arg9[%run_scoped3A_24, %dma_start3A_33, %dma_start3A_34] : memref<2x128x128xf32, #tpu.memory_space<vmem>> -> memref<1x128x128xf32, #tpu.memory_space<vmem>>
        %dma_start3A_36 = tpu.memref_squeeze %dma_start3A_35 : memref<1x128x128xf32, #tpu.memory_space<vmem>> -> memref<128x128xf32, #tpu.memory_space<vmem>>
        tpu.enqueue_dma source(%dma_start3A_36 : memref<128x128xf32, #tpu.memory_space<vmem>>) target(%dma_start3A_32 : memref<128x128xf32, #tpu.memory_space<vmem_shared>>) target_semaphore(%run_scoped3A_25 : memref<!tpu.dma_semaphore, #tpu.memory_space<semaphore_mem>>)
        %dma_wait3A = arith.constant 0 : i32
        %dma_wait3A_37 = arith.constant 0 : i32
        %dma_wait3A_38 = tpu.memref_slice %arg9[%run_scoped3A_24, %dma_wait3A, %dma_wait3A_37] : memref<2x128x128xf32, #tpu.memory_space<vmem>> -> memref<1x128x128xf32, #tpu.memory_space<vmem>>
        %dma_wait3A_39 = tpu.memref_squeeze %dma_wait3A_38 : memref<1x128x128xf32, #tpu.memory_space<vmem>> -> memref<128x128xf32, #tpu.memory_space<vmem>>
        %dma_wait3A_40 = arith.constant 0 : i32
        %dma_wait3A_41 = tpu.memref_slice %arg10[%add3A_23, %dma_wait3A_40] : memref<10240x128xf32, #tpu.memory_space<vmem_shared>> -> memref<128x128xf32, #tpu.memory_space<vmem_shared>>
        %dma_wait3A_42 = arith.constant 0 : i32
        %dma_wait3A_43 = tpu.memref_slice %arg10[%add3A_23, %dma_wait3A_42] : memref<10240x128xf32, #tpu.memory_space<vmem_shared>> -> memref<128x128xf32, #tpu.memory_space<vmem_shared>>
        %dma_wait3A_44 = arith.constant 0 : i32
        %dma_wait3A_45 = arith.constant 0 : i32
        %dma_wait3A_46 = tpu.memref_slice %arg9[%run_scoped3A_24, %dma_wait3A_44, %dma_wait3A_45] : memref<2x128x128xf32, #tpu.memory_space<vmem>> -> memref<1x128x128xf32, #tpu.memory_space<vmem>>
        %dma_wait3A_47 = tpu.memref_squeeze %dma_wait3A_46 : memref<1x128x128xf32, #tpu.memory_space<vmem>> -> memref<128x128xf32, #tpu.memory_space<vmem>>
        tpu.wait_dma2 semaphore(%run_scoped3A_25 : memref<!tpu.dma_semaphore, #tpu.memory_space<semaphore_mem>>) src(%dma_wait3A_47 : memref<128x128xf32, #tpu.memory_space<vmem>>) dst(%dma_wait3A_43 : memref<128x128xf32, #tpu.memory_space<vmem_shared>>)
        tpu.yield
      }) : () -> ()
    }
    %scan3A_4 = arith.constant 5 : i32
    %barrier3A = arith.constant 0 : index
    tpu.barrier barrier_id(%barrier3A)
    %scan3A_5 = arith.constant 0 : i32
    %scan3A_6 = arith.constant 2 : i32
    %scan3A_7 = arith.addi %scan3A_5, %scan3A_6 : i32
    %scan3A_8 = arith.constant 1 : i32
    scf.for %scan3A_16 = %scan3A_5 to %scan3A_7 step %scan3A_8  : i32 {
      %mul3A_17 = arith.constant 1 : i32
      %mul3A_18 = arith.muli %scan3A_16, %mul3A_17 : i32
      %add3A_19 = arith.constant 0 : i32
      %add3A_20 = arith.addi %add3A_19, %mul3A_18 : i32
      "tpu.region"() ({
        %run_scoped3A_161 = tpu.sem_alloc : memref<!tpu.dma_semaphore, #tpu.memory_space<semaphore_mem>>
        %dma_start3A_162 = arith.constant 0 : i32
        %dma_start3A_163 = arith.constant 0 : i32
        %dma_start3A_164 = arith.constant 0 : i32
        %dma_start3A_165 = tpu.memref_slice %arg3[%add3A, %dma_start3A_162, %dma_start3A_163, %dma_start3A_164] : memref<32x2x40x128xi32, #tpu.memory_space<hbm>> -> memref<1x2x40x128xi32, #tpu.memory_space<hbm>>
        %dma_start3A_166 = tpu.memref_squeeze %dma_start3A_165 : memref<1x2x40x128xi32, #tpu.memory_space<hbm>> -> memref<2x40x128xi32, #tpu.memory_space<hbm>>
        %dma_start3A_167 = arith.constant 0 : i32
        %dma_start3A_168 = arith.constant 0 : i32
        %dma_start3A_169 = tpu.memref_slice %dma_start3A_166[%add3A_20, %dma_start3A_167, %dma_start3A_168] : memref<2x40x128xi32, #tpu.memory_space<hbm>> -> memref<1x40x128xi32, #tpu.memory_space<hbm>>
        %dma_start3A_170 = tpu.memref_squeeze %dma_start3A_169 : memref<1x40x128xi32, #tpu.memory_space<hbm>> -> memref<40x128xi32, #tpu.memory_space<hbm>>
        %dma_start3A_171 = arith.constant 0 : i32
        %dma_start3A_172 = arith.constant 0 : i32
        %dma_start3A_173 = arith.constant 0 : i32
        %dma_start3A_174 = tpu.memref_slice %arg3[%add3A, %dma_start3A_171, %dma_start3A_172, %dma_start3A_173] : memref<32x2x40x128xi32, #tpu.memory_space<hbm>> -> memref<1x2x40x128xi32, #tpu.memory_space<hbm>>
        %dma_start3A_175 = tpu.memref_squeeze %dma_start3A_174 : memref<1x2x40x128xi32, #tpu.memory_space<hbm>> -> memref<2x40x128xi32, #tpu.memory_space<hbm>>
        %dma_start3A_176 = arith.constant 0 : i32
        %dma_start3A_177 = arith.constant 0 : i32
        %dma_start3A_178 = tpu.memref_slice %dma_start3A_175[%add3A_20, %dma_start3A_176, %dma_start3A_177] : memref<2x40x128xi32, #tpu.memory_space<hbm>> -> memref<1x40x128xi32, #tpu.memory_space<hbm>>
        %dma_start3A_179 = tpu.memref_squeeze %dma_start3A_178 : memref<1x40x128xi32, #tpu.memory_space<hbm>> -> memref<40x128xi32, #tpu.memory_space<hbm>>
        tpu.enqueue_dma source(%dma_start3A_179 : memref<40x128xi32, #tpu.memory_space<hbm>>) target(%arg7 : memref<40x128xi32, #tpu.memory_space<vmem>>) target_semaphore(%run_scoped3A_161 : memref<!tpu.dma_semaphore, #tpu.memory_space<semaphore_mem>>)
        %dma_wait3A = arith.constant 0 : i32
        %dma_wait3A_180 = arith.constant 0 : i32
        %dma_wait3A_181 = arith.constant 0 : i32
        %dma_wait3A_182 = tpu.memref_slice %arg3[%add3A, %dma_wait3A, %dma_wait3A_180, %dma_wait3A_181] : memref<32x2x40x128xi32, #tpu.memory_space<hbm>> -> memref<1x2x40x128xi32, #tpu.memory_space<hbm>>
        %dma_wait3A_183 = tpu.memref_squeeze %dma_wait3A_182 : memref<1x2x40x128xi32, #tpu.memory_space<hbm>> -> memref<2x40x128xi32, #tpu.memory_space<hbm>>
        %dma_wait3A_184 = arith.constant 0 : i32
        %dma_wait3A_185 = arith.constant 0 : i32
        %dma_wait3A_186 = tpu.memref_slice %dma_wait3A_183[%add3A_20, %dma_wait3A_184, %dma_wait3A_185] : memref<2x40x128xi32, #tpu.memory_space<hbm>> -> memref<1x40x128xi32, #tpu.memory_space<hbm>>
        %dma_wait3A_187 = tpu.memref_squeeze %dma_wait3A_186 : memref<1x40x128xi32, #tpu.memory_space<hbm>> -> memref<40x128xi32, #tpu.memory_space<hbm>>
        %dma_wait3A_188 = arith.constant 0 : i32
        %dma_wait3A_189 = arith.constant 0 : i32
        %dma_wait3A_190 = arith.constant 0 : i32
        %dma_wait3A_191 = tpu.memref_slice %arg3[%add3A, %dma_wait3A_188, %dma_wait3A_189, %dma_wait3A_190] : memref<32x2x40x128xi32, #tpu.memory_space<hbm>> -> memref<1x2x40x128xi32, #tpu.memory_space<hbm>>
        %dma_wait3A_192 = tpu.memref_squeeze %dma_wait3A_191 : memref<1x2x40x128xi32, #tpu.memory_space<hbm>> -> memref<2x40x128xi32, #tpu.memory_space<hbm>>
        %dma_wait3A_193 = arith.constant 0 : i32
        %dma_wait3A_194 = arith.constant 0 : i32
        %dma_wait3A_195 = tpu.memref_slice %dma_wait3A_192[%add3A_20, %dma_wait3A_193, %dma_wait3A_194] : memref<2x40x128xi32, #tpu.memory_space<hbm>> -> memref<1x40x128xi32, #tpu.memory_space<hbm>>
        %dma_wait3A_196 = tpu.memref_squeeze %dma_wait3A_195 : memref<1x40x128xi32, #tpu.memory_space<hbm>> -> memref<40x128xi32, #tpu.memory_space<hbm>>
        tpu.wait_dma2 semaphore(%run_scoped3A_161 : memref<!tpu.dma_semaphore, #tpu.memory_space<semaphore_mem>>) src(%dma_wait3A_196 : memref<40x128xi32, #tpu.memory_space<hbm>>) dst(%arg7 : memref<40x128xi32, #tpu.memory_space<vmem>>)
        tpu.yield
      }) : () -> ()
      "tpu.region"() ({
        %run_scoped3A_161 = tpu.sem_alloc : memref<!tpu.dma_semaphore, #tpu.memory_space<semaphore_mem>>
        %dma_start3A_162 = arith.constant 0 : i32
        %dma_start3A_163 = arith.constant 0 : i32
        %dma_start3A_164 = arith.constant 0 : i32
        %dma_start3A_165 = tpu.memref_slice %arg4[%add3A, %dma_start3A_162, %dma_start3A_163, %dma_start3A_164] : memref<32x2x40x128xi32, #tpu.memory_space<hbm>> -> memref<1x2x40x128xi32, #tpu.memory_space<hbm>>
        %dma_start3A_166 = tpu.memref_squeeze %dma_start3A_165 : memref<1x2x40x128xi32, #tpu.memory_space<hbm>> -> memref<2x40x128xi32, #tpu.memory_space<hbm>>
        %dma_start3A_167 = arith.constant 0 : i32
        %dma_start3A_168 = arith.constant 0 : i32
        %dma_start3A_169 = tpu.memref_slice %dma_start3A_166[%add3A_20, %dma_start3A_167, %dma_start3A_168] : memref<2x40x128xi32, #tpu.memory_space<hbm>> -> memref<1x40x128xi32, #tpu.memory_space<hbm>>
        %dma_start3A_170 = tpu.memref_squeeze %dma_start3A_169 : memref<1x40x128xi32, #tpu.memory_space<hbm>> -> memref<40x128xi32, #tpu.memory_space<hbm>>
        %dma_start3A_171 = arith.constant 0 : i32
        %dma_start3A_172 = arith.constant 0 : i32
        %dma_start3A_173 = arith.constant 0 : i32
        %dma_start3A_174 = tpu.memref_slice %arg4[%add3A, %dma_start3A_171, %dma_start3A_172, %dma_start3A_173] : memref<32x2x40x128xi32, #tpu.memory_space<hbm>> -> memref<1x2x40x128xi32, #tpu.memory_space<hbm>>
        %dma_start3A_175 = tpu.memref_squeeze %dma_start3A_174 : memref<1x2x40x128xi32, #tpu.memory_space<hbm>> -> memref<2x40x128xi32, #tpu.memory_space<hbm>>
        %dma_start3A_176 = arith.constant 0 : i32
        %dma_start3A_177 = arith.constant 0 : i32
        %dma_start3A_178 = tpu.memref_slice %dma_start3A_175[%add3A_20, %dma_start3A_176, %dma_start3A_177] : memref<2x40x128xi32, #tpu.memory_space<hbm>> -> memref<1x40x128xi32, #tpu.memory_space<hbm>>
        %dma_start3A_179 = tpu.memref_squeeze %dma_start3A_178 : memref<1x40x128xi32, #tpu.memory_space<hbm>> -> memref<40x128xi32, #tpu.memory_space<hbm>>
        tpu.enqueue_dma source(%dma_start3A_179 : memref<40x128xi32, #tpu.memory_space<hbm>>) target(%arg8 : memref<40x128xi32, #tpu.memory_space<vmem>>) target_semaphore(%run_scoped3A_161 : memref<!tpu.dma_semaphore, #tpu.memory_space<semaphore_mem>>)
        %dma_wait3A = arith.constant 0 : i32
        %dma_wait3A_180 = arith.constant 0 : i32
        %dma_wait3A_181 = arith.constant 0 : i32
        %dma_wait3A_182 = tpu.memref_slice %arg4[%add3A, %dma_wait3A, %dma_wait3A_180, %dma_wait3A_181] : memref<32x2x40x128xi32, #tpu.memory_space<hbm>> -> memref<1x2x40x128xi32, #tpu.memory_space<hbm>>
        %dma_wait3A_183 = tpu.memref_squeeze %dma_wait3A_182 : memref<1x2x40x128xi32, #tpu.memory_space<hbm>> -> memref<2x40x128xi32, #tpu.memory_space<hbm>>
        %dma_wait3A_184 = arith.constant 0 : i32
        %dma_wait3A_185 = arith.constant 0 : i32
        %dma_wait3A_186 = tpu.memref_slice %dma_wait3A_183[%add3A_20, %dma_wait3A_184, %dma_wait3A_185] : memref<2x40x128xi32, #tpu.memory_space<hbm>> -> memref<1x40x128xi32, #tpu.memory_space<hbm>>
        %dma_wait3A_187 = tpu.memref_squeeze %dma_wait3A_186 : memref<1x40x128xi32, #tpu.memory_space<hbm>> -> memref<40x128xi32, #tpu.memory_space<hbm>>
        %dma_wait3A_188 = arith.constant 0 : i32
        %dma_wait3A_189 = arith.constant 0 : i32
        %dma_wait3A_190 = arith.constant 0 : i32
        %dma_wait3A_191 = tpu.memref_slice %arg4[%add3A, %dma_wait3A_188, %dma_wait3A_189, %dma_wait3A_190] : memref<32x2x40x128xi32, #tpu.memory_space<hbm>> -> memref<1x2x40x128xi32, #tpu.memory_space<hbm>>
        %dma_wait3A_192 = tpu.memref_squeeze %dma_wait3A_191 : memref<1x2x40x128xi32, #tpu.memory_space<hbm>> -> memref<2x40x128xi32, #tpu.memory_space<hbm>>
        %dma_wait3A_193 = arith.constant 0 : i32
        %dma_wait3A_194 = arith.constant 0 : i32
        %dma_wait3A_195 = tpu.memref_slice %dma_wait3A_192[%add3A_20, %dma_wait3A_193, %dma_wait3A_194] : memref<2x40x128xi32, #tpu.memory_space<hbm>> -> memref<1x40x128xi32, #tpu.memory_space<hbm>>
        %dma_wait3A_196 = tpu.memref_squeeze %dma_wait3A_195 : memref<1x40x128xi32, #tpu.memory_space<hbm>> -> memref<40x128xi32, #tpu.memory_space<hbm>>
        tpu.wait_dma2 semaphore(%run_scoped3A_161 : memref<!tpu.dma_semaphore, #tpu.memory_space<semaphore_mem>>) src(%dma_wait3A_196 : memref<40x128xi32, #tpu.memory_space<hbm>>) dst(%arg8 : memref<40x128xi32, #tpu.memory_space<vmem>>)
        tpu.yield
      }) : () -> ()
      %dma_start3A = arith.constant 0 : i32
      %dma_start3A_21 = arith.constant 0 : i32
      %dma_start3A_22 = arith.constant 0 : i32
      %dma_start3A_23 = arith.constant 0 : i32
      %dma_start3A_24 = tpu.memref_slice %arg9[%dma_start3A_21, %dma_start3A_22, %dma_start3A_23] : memref<2x128x128xf32, #tpu.memory_space<vmem>> -> memref<1x128x128xf32, #tpu.memory_space<vmem>>
      %dma_start3A_25 = tpu.memref_squeeze %dma_start3A_24 : memref<1x128x128xf32, #tpu.memory_space<vmem>> -> memref<128x128xf32, #tpu.memory_space<vmem>>
      %dma_start3A_26 = arith.constant 0 : i32
      %dma_start3A_27 = arith.constant 0 : i32
      %dma_start3A_28 = tpu.memref_slice %dma_start3A_25[%dma_start3A_26, %dma_start3A_27] : memref<128x128xf32, #tpu.memory_space<vmem>> -> memref<32x128xf32, #tpu.memory_space<vmem>>
      %dma_start3A_29 = arith.constant 0 : i32
      %dma_start3A_30 = tpu.memref_slice %arg7[%dma_start3A, %dma_start3A_29] : memref<40x128xi32, #tpu.memory_space<vmem>> -> memref<1x128xi32, #tpu.memory_space<vmem>>
      %dma_start3A_31 = tpu.memref_squeeze %dma_start3A_30 : memref<1x128xi32, #tpu.memory_space<vmem>> -> memref<128xi32, #tpu.memory_space<vmem>>
      %dma_start3A_32 = arith.constant 0 : i32
      %dma_start3A_33 = tpu.memref_slice %dma_start3A_31[%dma_start3A_32] : memref<128xi32, #tpu.memory_space<vmem>> -> memref<32xi32, #tpu.memory_space<vmem>>
      %dma_start3A_34 = arith.constant 0 : i32
      %dma_start3A_35 = arith.constant 0 : i32
      %dma_start3A_36 = tpu.memref_slice %arg2[%dma_start3A_34, %dma_start3A_35] : memref<10000x128xf32, #tpu.memory_space<hbm>> -> memref<10000x128xf32, #tpu.memory_space<hbm>>
      tpu.enqueue_indirect_dma source(%dma_start3A_36 : memref<10000x128xf32, #tpu.memory_space<hbm>>) target(%dma_start3A_28 : memref<32x128xf32, #tpu.memory_space<vmem>>) offsets(%dma_start3A_33 : memref<32xi32, #tpu.memory_space<vmem>>) semaphore(%arg11 : memref<!tpu.dma_semaphore, #tpu.memory_space<semaphore_mem>>)
      %dma_start3A_37 = arith.constant 0 : i32
      %dma_start3A_38 = arith.constant 0 : i32
      %dma_start3A_39 = arith.constant 0 : i32
      %dma_start3A_40 = arith.constant 0 : i32
      %dma_start3A_41 = tpu.memref_slice %arg9[%dma_start3A_38, %dma_start3A_39, %dma_start3A_40] : memref<2x128x128xf32, #tpu.memory_space<vmem>> -> memref<1x128x128xf32, #tpu.memory_space<vmem>>
      %dma_start3A_42 = tpu.memref_squeeze %dma_start3A_41 : memref<1x128x128xf32, #tpu.memory_space<vmem>> -> memref<128x128xf32, #tpu.memory_space<vmem>>
      %dma_start3A_43 = arith.constant 32 : i32
      %dma_start3A_44 = arith.constant 0 : i32
      %dma_start3A_45 = tpu.memref_slice %dma_start3A_42[%dma_start3A_43, %dma_start3A_44] : memref<128x128xf32, #tpu.memory_space<vmem>> -> memref<32x128xf32, #tpu.memory_space<vmem>>
      %dma_start3A_46 = arith.constant 0 : i32
      %dma_start3A_47 = tpu.memref_slice %arg7[%dma_start3A_37, %dma_start3A_46] : memref<40x128xi32, #tpu.memory_space<vmem>> -> memref<1x128xi32, #tpu.memory_space<vmem>>
      %dma_start3A_48 = tpu.memref_squeeze %dma_start3A_47 : memref<1x128xi32, #tpu.memory_space<vmem>> -> memref<128xi32, #tpu.memory_space<vmem>>
      %dma_start3A_49 = arith.constant 32 : i32
      %dma_start3A_50 = tpu.memref_slice %dma_start3A_48[%dma_start3A_49] : memref<128xi32, #tpu.memory_space<vmem>> -> memref<32xi32, #tpu.memory_space<vmem>>
      %dma_start3A_51 = arith.constant 0 : i32
      %dma_start3A_52 = arith.constant 0 : i32
      %dma_start3A_53 = tpu.memref_slice %arg2[%dma_start3A_51, %dma_start3A_52] : memref<10000x128xf32, #tpu.memory_space<hbm>> -> memref<10000x128xf32, #tpu.memory_space<hbm>>
      tpu.enqueue_indirect_dma source(%dma_start3A_53 : memref<10000x128xf32, #tpu.memory_space<hbm>>) target(%dma_start3A_45 : memref<32x128xf32, #tpu.memory_space<vmem>>) offsets(%dma_start3A_50 : memref<32xi32, #tpu.memory_space<vmem>>) semaphore(%arg11 : memref<!tpu.dma_semaphore, #tpu.memory_space<semaphore_mem>>)
      %dma_start3A_54 = arith.constant 0 : i32
      %dma_start3A_55 = arith.constant 0 : i32
      %dma_start3A_56 = arith.constant 0 : i32
      %dma_start3A_57 = arith.constant 0 : i32
      %dma_start3A_58 = tpu.memref_slice %arg9[%dma_start3A_55, %dma_start3A_56, %dma_start3A_57] : memref<2x128x128xf32, #tpu.memory_space<vmem>> -> memref<1x128x128xf32, #tpu.memory_space<vmem>>
      %dma_start3A_59 = tpu.memref_squeeze %dma_start3A_58 : memref<1x128x128xf32, #tpu.memory_space<vmem>> -> memref<128x128xf32, #tpu.memory_space<vmem>>
      %dma_start3A_60 = arith.constant 64 : i32
      %dma_start3A_61 = arith.constant 0 : i32
      %dma_start3A_62 = tpu.memref_slice %dma_start3A_59[%dma_start3A_60, %dma_start3A_61] : memref<128x128xf32, #tpu.memory_space<vmem>> -> memref<32x128xf32, #tpu.memory_space<vmem>>
      %dma_start3A_63 = arith.constant 0 : i32
      %dma_start3A_64 = tpu.memref_slice %arg7[%dma_start3A_54, %dma_start3A_63] : memref<40x128xi32, #tpu.memory_space<vmem>> -> memref<1x128xi32, #tpu.memory_space<vmem>>
      %dma_start3A_65 = tpu.memref_squeeze %dma_start3A_64 : memref<1x128xi32, #tpu.memory_space<vmem>> -> memref<128xi32, #tpu.memory_space<vmem>>
      %dma_start3A_66 = arith.constant 64 : i32
      %dma_start3A_67 = tpu.memref_slice %dma_start3A_65[%dma_start3A_66] : memref<128xi32, #tpu.memory_space<vmem>> -> memref<32xi32, #tpu.memory_space<vmem>>
      %dma_start3A_68 = arith.constant 0 : i32
      %dma_start3A_69 = arith.constant 0 : i32
      %dma_start3A_70 = tpu.memref_slice %arg2[%dma_start3A_68, %dma_start3A_69] : memref<10000x128xf32, #tpu.memory_space<hbm>> -> memref<10000x128xf32, #tpu.memory_space<hbm>>
      tpu.enqueue_indirect_dma source(%dma_start3A_70 : memref<10000x128xf32, #tpu.memory_space<hbm>>) target(%dma_start3A_62 : memref<32x128xf32, #tpu.memory_space<vmem>>) offsets(%dma_start3A_67 : memref<32xi32, #tpu.memory_space<vmem>>) semaphore(%arg11 : memref<!tpu.dma_semaphore, #tpu.memory_space<semaphore_mem>>)
      %dma_start3A_71 = arith.constant 0 : i32
      %dma_start3A_72 = arith.constant 0 : i32
      %dma_start3A_73 = arith.constant 0 : i32
      %dma_start3A_74 = arith.constant 0 : i32
      %dma_start3A_75 = tpu.memref_slice %arg9[%dma_start3A_72, %dma_start3A_73, %dma_start3A_74] : memref<2x128x128xf32, #tpu.memory_space<vmem>> -> memref<1x128x128xf32, #tpu.memory_space<vmem>>
      %dma_start3A_76 = tpu.memref_squeeze %dma_start3A_75 : memref<1x128x128xf32, #tpu.memory_space<vmem>> -> memref<128x128xf32, #tpu.memory_space<vmem>>
      %dma_start3A_77 = arith.constant 96 : i32
      %dma_start3A_78 = arith.constant 0 : i32
      %dma_start3A_79 = tpu.memref_slice %dma_start3A_76[%dma_start3A_77, %dma_start3A_78] : memref<128x128xf32, #tpu.memory_space<vmem>> -> memref<32x128xf32, #tpu.memory_space<vmem>>
      %dma_start3A_80 = arith.constant 0 : i32
      %dma_start3A_81 = tpu.memref_slice %arg7[%dma_start3A_71, %dma_start3A_80] : memref<40x128xi32, #tpu.memory_space<vmem>> -> memref<1x128xi32, #tpu.memory_space<vmem>>
      %dma_start3A_82 = tpu.memref_squeeze %dma_start3A_81 : memref<1x128xi32, #tpu.memory_space<vmem>> -> memref<128xi32, #tpu.memory_space<vmem>>
      %dma_start3A_83 = arith.constant 96 : i32
      %dma_start3A_84 = tpu.memref_slice %dma_start3A_82[%dma_start3A_83] : memref<128xi32, #tpu.memory_space<vmem>> -> memref<32xi32, #tpu.memory_space<vmem>>
      %dma_start3A_85 = arith.constant 0 : i32
      %dma_start3A_86 = arith.constant 0 : i32
      %dma_start3A_87 = tpu.memref_slice %arg2[%dma_start3A_85, %dma_start3A_86] : memref<10000x128xf32, #tpu.memory_space<hbm>> -> memref<10000x128xf32, #tpu.memory_space<hbm>>
      tpu.enqueue_indirect_dma source(%dma_start3A_87 : memref<10000x128xf32, #tpu.memory_space<hbm>>) target(%dma_start3A_79 : memref<32x128xf32, #tpu.memory_space<vmem>>) offsets(%dma_start3A_84 : memref<32xi32, #tpu.memory_space<vmem>>) semaphore(%arg11 : memref<!tpu.dma_semaphore, #tpu.memory_space<semaphore_mem>>)
      %dma_start3A_88 = arith.constant 1 : i32
      %dma_start3A_89 = arith.constant 1 : i32
      %dma_start3A_90 = arith.constant 0 : i32
      %dma_start3A_91 = arith.constant 0 : i32
      %dma_start3A_92 = tpu.memref_slice %arg9[%dma_start3A_89, %dma_start3A_90, %dma_start3A_91] : memref<2x128x128xf32, #tpu.memory_space<vmem>> -> memref<1x128x128xf32, #tpu.memory_space<vmem>>
      %dma_start3A_93 = tpu.memref_squeeze %dma_start3A_92 : memref<1x128x128xf32, #tpu.memory_space<vmem>> -> memref<128x128xf32, #tpu.memory_space<vmem>>
      %dma_start3A_94 = arith.constant 0 : i32
      %dma_start3A_95 = arith.constant 0 : i32
      %dma_start3A_96 = tpu.memref_slice %dma_start3A_93[%dma_start3A_94, %dma_start3A_95] : memref<128x128xf32, #tpu.memory_space<vmem>> -> memref<32x128xf32, #tpu.memory_space<vmem>>
      %dma_start3A_97 = arith.constant 0 : i32
      %dma_start3A_98 = tpu.memref_slice %arg7[%dma_start3A_88, %dma_start3A_97] : memref<40x128xi32, #tpu.memory_space<vmem>> -> memref<1x128xi32, #tpu.memory_space<vmem>>
      %dma_start3A_99 = tpu.memref_squeeze %dma_start3A_98 : memref<1x128xi32, #tpu.memory_space<vmem>> -> memref<128xi32, #tpu.memory_space<vmem>>
      %dma_start3A_100 = arith.constant 0 : i32
      %dma_start3A_101 = tpu.memref_slice %dma_start3A_99[%dma_start3A_100] : memref<128xi32, #tpu.memory_space<vmem>> -> memref<32xi32, #tpu.memory_space<vmem>>
      %dma_start3A_102 = arith.constant 0 : i32
      %dma_start3A_103 = arith.constant 0 : i32
      %dma_start3A_104 = tpu.memref_slice %arg2[%dma_start3A_102, %dma_start3A_103] : memref<10000x128xf32, #tpu.memory_space<hbm>> -> memref<10000x128xf32, #tpu.memory_space<hbm>>
      tpu.enqueue_indirect_dma source(%dma_start3A_104 : memref<10000x128xf32, #tpu.memory_space<hbm>>) target(%dma_start3A_96 : memref<32x128xf32, #tpu.memory_space<vmem>>) offsets(%dma_start3A_101 : memref<32xi32, #tpu.memory_space<vmem>>) semaphore(%arg12 : memref<!tpu.dma_semaphore, #tpu.memory_space<semaphore_mem>>)
      %dma_start3A_105 = arith.constant 1 : i32
      %dma_start3A_106 = arith.constant 1 : i32
      %dma_start3A_107 = arith.constant 0 : i32
      %dma_start3A_108 = arith.constant 0 : i32
      %dma_start3A_109 = tpu.memref_slice %arg9[%dma_start3A_106, %dma_start3A_107, %dma_start3A_108] : memref<2x128x128xf32, #tpu.memory_space<vmem>> -> memref<1x128x128xf32, #tpu.memory_space<vmem>>
      %dma_start3A_110 = tpu.memref_squeeze %dma_start3A_109 : memref<1x128x128xf32, #tpu.memory_space<vmem>> -> memref<128x128xf32, #tpu.memory_space<vmem>>
      %dma_start3A_111 = arith.constant 32 : i32
      %dma_start3A_112 = arith.constant 0 : i32
      %dma_start3A_113 = tpu.memref_slice %dma_start3A_110[%dma_start3A_111, %dma_start3A_112] : memref<128x128xf32, #tpu.memory_space<vmem>> -> memref<32x128xf32, #tpu.memory_space<vmem>>
      %dma_start3A_114 = arith.constant 0 : i32
      %dma_start3A_115 = tpu.memref_slice %arg7[%dma_start3A_105, %dma_start3A_114] : memref<40x128xi32, #tpu.memory_space<vmem>> -> memref<1x128xi32, #tpu.memory_space<vmem>>
      %dma_start3A_116 = tpu.memref_squeeze %dma_start3A_115 : memref<1x128xi32, #tpu.memory_space<vmem>> -> memref<128xi32, #tpu.memory_space<vmem>>
      %dma_start3A_117 = arith.constant 32 : i32
      %dma_start3A_118 = tpu.memref_slice %dma_start3A_116[%dma_start3A_117] : memref<128xi32, #tpu.memory_space<vmem>> -> memref<32xi32, #tpu.memory_space<vmem>>
      %dma_start3A_119 = arith.constant 0 : i32
      %dma_start3A_120 = arith.constant 0 : i32
      %dma_start3A_121 = tpu.memref_slice %arg2[%dma_start3A_119, %dma_start3A_120] : memref<10000x128xf32, #tpu.memory_space<hbm>> -> memref<10000x128xf32, #tpu.memory_space<hbm>>
      tpu.enqueue_indirect_dma source(%dma_start3A_121 : memref<10000x128xf32, #tpu.memory_space<hbm>>) target(%dma_start3A_113 : memref<32x128xf32, #tpu.memory_space<vmem>>) offsets(%dma_start3A_118 : memref<32xi32, #tpu.memory_space<vmem>>) semaphore(%arg12 : memref<!tpu.dma_semaphore, #tpu.memory_space<semaphore_mem>>)
      %dma_start3A_122 = arith.constant 1 : i32
      %dma_start3A_123 = arith.constant 1 : i32
      %dma_start3A_124 = arith.constant 0 : i32
      %dma_start3A_125 = arith.constant 0 : i32
      %dma_start3A_126 = tpu.memref_slice %arg9[%dma_start3A_123, %dma_start3A_124, %dma_start3A_125] : memref<2x128x128xf32, #tpu.memory_space<vmem>> -> memref<1x128x128xf32, #tpu.memory_space<vmem>>
      %dma_start3A_127 = tpu.memref_squeeze %dma_start3A_126 : memref<1x128x128xf32, #tpu.memory_space<vmem>> -> memref<128x128xf32, #tpu.memory_space<vmem>>
      %dma_start3A_128 = arith.constant 64 : i32
      %dma_start3A_129 = arith.constant 0 : i32
      %dma_start3A_130 = tpu.memref_slice %dma_start3A_127[%dma_start3A_128, %dma_start3A_129] : memref<128x128xf32, #tpu.memory_space<vmem>> -> memref<32x128xf32, #tpu.memory_space<vmem>>
      %dma_start3A_131 = arith.constant 0 : i32
      %dma_start3A_132 = tpu.memref_slice %arg7[%dma_start3A_122, %dma_start3A_131] : memref<40x128xi32, #tpu.memory_space<vmem>> -> memref<1x128xi32, #tpu.memory_space<vmem>>
      %dma_start3A_133 = tpu.memref_squeeze %dma_start3A_132 : memref<1x128xi32, #tpu.memory_space<vmem>> -> memref<128xi32, #tpu.memory_space<vmem>>
      %dma_start3A_134 = arith.constant 64 : i32
      %dma_start3A_135 = tpu.memref_slice %dma_start3A_133[%dma_start3A_134] : memref<128xi32, #tpu.memory_space<vmem>> -> memref<32xi32, #tpu.memory_space<vmem>>
      %dma_start3A_136 = arith.constant 0 : i32
      %dma_start3A_137 = arith.constant 0 : i32
      %dma_start3A_138 = tpu.memref_slice %arg2[%dma_start3A_136, %dma_start3A_137] : memref<10000x128xf32, #tpu.memory_space<hbm>> -> memref<10000x128xf32, #tpu.memory_space<hbm>>
      tpu.enqueue_indirect_dma source(%dma_start3A_138 : memref<10000x128xf32, #tpu.memory_space<hbm>>) target(%dma_start3A_130 : memref<32x128xf32, #tpu.memory_space<vmem>>) offsets(%dma_start3A_135 : memref<32xi32, #tpu.memory_space<vmem>>) semaphore(%arg12 : memref<!tpu.dma_semaphore, #tpu.memory_space<semaphore_mem>>)
      %dma_start3A_139 = arith.constant 1 : i32
      %dma_start3A_140 = arith.constant 1 : i32
      %dma_start3A_141 = arith.constant 0 : i32
      %dma_start3A_142 = arith.constant 0 : i32
      %dma_start3A_143 = tpu.memref_slice %arg9[%dma_start3A_140, %dma_start3A_141, %dma_start3A_142] : memref<2x128x128xf32, #tpu.memory_space<vmem>> -> memref<1x128x128xf32, #tpu.memory_space<vmem>>
      %dma_start3A_144 = tpu.memref_squeeze %dma_start3A_143 : memref<1x128x128xf32, #tpu.memory_space<vmem>> -> memref<128x128xf32, #tpu.memory_space<vmem>>
      %dma_start3A_145 = arith.constant 96 : i32
      %dma_start3A_146 = arith.constant 0 : i32
      %dma_start3A_147 = tpu.memref_slice %dma_start3A_144[%dma_start3A_145, %dma_start3A_146] : memref<128x128xf32, #tpu.memory_space<vmem>> -> memref<32x128xf32, #tpu.memory_space<vmem>>
      %dma_start3A_148 = arith.constant 0 : i32
      %dma_start3A_149 = tpu.memref_slice %arg7[%dma_start3A_139, %dma_start3A_148] : memref<40x128xi32, #tpu.memory_space<vmem>> -> memref<1x128xi32, #tpu.memory_space<vmem>>
      %dma_start3A_150 = tpu.memref_squeeze %dma_start3A_149 : memref<1x128xi32, #tpu.memory_space<vmem>> -> memref<128xi32, #tpu.memory_space<vmem>>
      %dma_start3A_151 = arith.constant 96 : i32
      %dma_start3A_152 = tpu.memref_slice %dma_start3A_150[%dma_start3A_151] : memref<128xi32, #tpu.memory_space<vmem>> -> memref<32xi32, #tpu.memory_space<vmem>>
      %dma_start3A_153 = arith.constant 0 : i32
      %dma_start3A_154 = arith.constant 0 : i32
      %dma_start3A_155 = tpu.memref_slice %arg2[%dma_start3A_153, %dma_start3A_154] : memref<10000x128xf32, #tpu.memory_space<hbm>> -> memref<10000x128xf32, #tpu.memory_space<hbm>>
      tpu.enqueue_indirect_dma source(%dma_start3A_155 : memref<10000x128xf32, #tpu.memory_space<hbm>>) target(%dma_start3A_147 : memref<32x128xf32, #tpu.memory_space<vmem>>) offsets(%dma_start3A_152 : memref<32xi32, #tpu.memory_space<vmem>>) semaphore(%arg12 : memref<!tpu.dma_semaphore, #tpu.memory_space<semaphore_mem>>)
      %scan3A_156 = arith.constant 0 : i32
      %scan3A_157 = arith.constant 20 : i32
      %scan3A_158 = arith.addi %scan3A_156, %scan3A_157 : i32
      %scan3A_159 = arith.constant 1 : i32
      scf.for %scan3A_161 = %scan3A_156 to %scan3A_158 step %scan3A_159  : i32 {
        %mul3A_162 = arith.constant 2 : i32
        %mul3A_163 = arith.muli %scan3A_161, %mul3A_162 : i32
        %add3A_164 = arith.constant 0 : i32
        %add3A_165 = arith.addi %add3A_164, %mul3A_163 : i32
        %dma_wait3A = arith.constant 0 : i32
        %dma_wait3A_166 = arith.constant 0 : i32
        %dma_wait3A_167 = arith.constant 0 : i32
        %dma_wait3A_168 = tpu.memref_slice %arg9[%dma_wait3A, %dma_wait3A_166, %dma_wait3A_167] : memref<2x128x128xf32, #tpu.memory_space<vmem>> -> memref<1x128x128xf32, #tpu.memory_space<vmem>>
        %dma_wait3A_169 = tpu.memref_squeeze %dma_wait3A_168 : memref<1x128x128xf32, #tpu.memory_space<vmem>> -> memref<128x128xf32, #tpu.memory_space<vmem>>
        %dma_wait3A_170 = arith.constant 0 : i32
        %dma_wait3A_171 = arith.constant 0 : i32
        %dma_wait3A_172 = tpu.memref_slice %arg9[%dma_wait3A, %dma_wait3A_170, %dma_wait3A_171] : memref<2x128x128xf32, #tpu.memory_space<vmem>> -> memref<1x128x128xf32, #tpu.memory_space<vmem>>
        %dma_wait3A_173 = tpu.memref_squeeze %dma_wait3A_172 : memref<1x128x128xf32, #tpu.memory_space<vmem>> -> memref<128x128xf32, #tpu.memory_space<vmem>>
        tpu.wait_dma2 semaphore(%arg11 : memref<!tpu.dma_semaphore, #tpu.memory_space<semaphore_mem>>) src(%arg5 : memref<128x128xf32, #tpu.memory_space<hbm>>) dst(%dma_wait3A_173 : memref<128x128xf32, #tpu.memory_space<vmem>>)
        %add3A_174 = arith.constant 0 : i32
        %add3A_175 = arith.addi %add3A_165, %add3A_174 : i32
        %run_scoped3A_176 = arith.constant 0 : i32
        "tpu.region"() ({
          %run_scoped3A_204 = tpu.sem_alloc : memref<!tpu.dma_semaphore, #tpu.memory_space<semaphore_mem>>
          %dma_start3A_205 = arith.constant 0 : i32
          %dma_start3A_206 = arith.constant 0 : i32
          %dma_start3A_207 = tpu.memref_slice %arg9[%run_scoped3A_176, %dma_start3A_205, %dma_start3A_206] : memref<2x128x128xf32, #tpu.memory_space<vmem>> -> memref<1x128x128xf32, #tpu.memory_space<vmem>>
          %dma_start3A_208 = tpu.memref_squeeze %dma_start3A_207 : memref<1x128x128xf32, #tpu.memory_space<vmem>> -> memref<128x128xf32, #tpu.memory_space<vmem>>
          %dma_start3A_209 = arith.constant 0 : i32
          %dma_start3A_210 = tpu.memref_slice %arg8[%add3A_175, %dma_start3A_209] : memref<40x128xi32, #tpu.memory_space<vmem>> -> memref<1x128xi32, #tpu.memory_space<vmem>>
          %dma_start3A_211 = tpu.memref_squeeze %dma_start3A_210 : memref<1x128xi32, #tpu.memory_space<vmem>> -> memref<128xi32, #tpu.memory_space<vmem>>
          %dma_start3A_212 = arith.constant 0 : i32
          %dma_start3A_213 = arith.constant 0 : i32
          %dma_start3A_214 = tpu.memref_slice %arg10[%dma_start3A_212, %dma_start3A_213] : memref<10240x128xf32, #tpu.memory_space<vmem_shared>> -> memref<10240x128xf32, #tpu.memory_space<vmem_shared>>
          tpu.enqueue_indirect_dma source(%dma_start3A_208 : memref<128x128xf32, #tpu.memory_space<vmem>>) target(%dma_start3A_214 : memref<10240x128xf32, #tpu.memory_space<vmem_shared>>) offsets(%dma_start3A_211 : memref<128xi32, #tpu.memory_space<vmem>>) semaphore(%run_scoped3A_204 : memref<!tpu.dma_semaphore, #tpu.memory_space<semaphore_mem>>) {add = true}
          %dma_wait3A_215 = arith.constant 0 : i32
          %dma_wait3A_216 = arith.constant 0 : i32
          %dma_wait3A_217 = tpu.memref_slice %arg9[%run_scoped3A_176, %dma_wait3A_215, %dma_wait3A_216] : memref<2x128x128xf32, #tpu.memory_space<vmem>> -> memref<1x128x128xf32, #tpu.memory_space<vmem>>
          %dma_wait3A_218 = tpu.memref_squeeze %dma_wait3A_217 : memref<1x128x128xf32, #tpu.memory_space<vmem>> -> memref<128x128xf32, #tpu.memory_space<vmem>>
          %dma_wait3A_219 = arith.constant 0 : i32
          %dma_wait3A_220 = tpu.memref_slice %arg8[%add3A_175, %dma_wait3A_219] : memref<40x128xi32, #tpu.memory_space<vmem>> -> memref<1x128xi32, #tpu.memory_space<vmem>>
          %dma_wait3A_221 = tpu.memref_squeeze %dma_wait3A_220 : memref<1x128xi32, #tpu.memory_space<vmem>> -> memref<128xi32, #tpu.memory_space<vmem>>
          %dma_wait3A_222 = arith.constant 0 : i32
          %dma_wait3A_223 = arith.constant 0 : i32
          %dma_wait3A_224 = tpu.memref_slice %arg10[%dma_wait3A_222, %dma_wait3A_223] : memref<10240x128xf32, #tpu.memory_space<vmem_shared>> -> memref<10240x128xf32, #tpu.memory_space<vmem_shared>>
          tpu.wait_indirect_dma semaphore(%run_scoped3A_204 : memref<!tpu.dma_semaphore, #tpu.memory_space<semaphore_mem>>) src(%dma_wait3A_218 : memref<128x128xf32, #tpu.memory_space<vmem>>) dst(%dma_wait3A_224 : memref<10240x128xf32, #tpu.memory_space<vmem_shared>>)
          tpu.yield
        }) : () -> ()
        %add3A_177 = arith.constant 0 : i32
        %add3A_178 = arith.addi %add3A_165, %add3A_177 : i32
        %add3A_179 = arith.constant 2 : i32
        %add3A_180 = arith.addi %add3A_178, %add3A_179 : i32
        %lt3A = arith.constant 40 : i32
        %lt3A_181 = arith.cmpi slt, %add3A_180, %lt3A : i32
        %convert_element_type3A = arith.extui %lt3A_181 : i1 to i32
        %cond3A = arith.constant 0 : i32
        %cond3A_182 = arith.cmpi ne, %convert_element_type3A, %cond3A : i32
        scf.if %cond3A_182 {
          %add3A_204 = arith.constant 0 : i32
          %add3A_205 = arith.addi %add3A_165, %add3A_204 : i32
          %add3A_206 = arith.constant 2 : i32
          %add3A_207 = arith.addi %add3A_205, %add3A_206 : i32
          %dma_start3A_208 = arith.constant 0 : i32
          %dma_start3A_209 = arith.constant 0 : i32
          %dma_start3A_210 = arith.constant 0 : i32
          %dma_start3A_211 = tpu.memref_slice %arg9[%dma_start3A_208, %dma_start3A_209, %dma_start3A_210] : memref<2x128x128xf32, #tpu.memory_space<vmem>> -> memref<1x128x128xf32, #tpu.memory_space<vmem>>
          %dma_start3A_212 = tpu.memref_squeeze %dma_start3A_211 : memref<1x128x128xf32, #tpu.memory_space<vmem>> -> memref<128x128xf32, #tpu.memory_space<vmem>>
          %dma_start3A_213 = arith.constant 0 : i32
          %dma_start3A_214 = arith.constant 0 : i32
          %dma_start3A_215 = tpu.memref_slice %dma_start3A_212[%dma_start3A_213, %dma_start3A_214] : memref<128x128xf32, #tpu.memory_space<vmem>> -> memref<32x128xf32, #tpu.memory_space<vmem>>
          %dma_start3A_216 = arith.constant 0 : i32
          %dma_start3A_217 = tpu.memref_slice %arg7[%add3A_207, %dma_start3A_216] : memref<40x128xi32, #tpu.memory_space<vmem>> -> memref<1x128xi32, #tpu.memory_space<vmem>>
          %dma_start3A_218 = tpu.memref_squeeze %dma_start3A_217 : memref<1x128xi32, #tpu.memory_space<vmem>> -> memref<128xi32, #tpu.memory_space<vmem>>
          %dma_start3A_219 = arith.constant 0 : i32
          %dma_start3A_220 = tpu.memref_slice %dma_start3A_218[%dma_start3A_219] : memref<128xi32, #tpu.memory_space<vmem>> -> memref<32xi32, #tpu.memory_space<vmem>>
          %dma_start3A_221 = arith.constant 0 : i32
          %dma_start3A_222 = arith.constant 0 : i32
          %dma_start3A_223 = tpu.memref_slice %arg2[%dma_start3A_221, %dma_start3A_222] : memref<10000x128xf32, #tpu.memory_space<hbm>> -> memref<10000x128xf32, #tpu.memory_space<hbm>>
          tpu.enqueue_indirect_dma source(%dma_start3A_223 : memref<10000x128xf32, #tpu.memory_space<hbm>>) target(%dma_start3A_215 : memref<32x128xf32, #tpu.memory_space<vmem>>) offsets(%dma_start3A_220 : memref<32xi32, #tpu.memory_space<vmem>>) semaphore(%arg11 : memref<!tpu.dma_semaphore, #tpu.memory_space<semaphore_mem>>)
          %dma_start3A_224 = arith.constant 0 : i32
          %dma_start3A_225 = arith.constant 0 : i32
          %dma_start3A_226 = arith.constant 0 : i32
          %dma_start3A_227 = tpu.memref_slice %arg9[%dma_start3A_224, %dma_start3A_225, %dma_start3A_226] : memref<2x128x128xf32, #tpu.memory_space<vmem>> -> memref<1x128x128xf32, #tpu.memory_space<vmem>>
          %dma_start3A_228 = tpu.memref_squeeze %dma_start3A_227 : memref<1x128x128xf32, #tpu.memory_space<vmem>> -> memref<128x128xf32, #tpu.memory_space<vmem>>
          %dma_start3A_229 = arith.constant 32 : i32
          %dma_start3A_230 = arith.constant 0 : i32
          %dma_start3A_231 = tpu.memref_slice %dma_start3A_228[%dma_start3A_229, %dma_start3A_230] : memref<128x128xf32, #tpu.memory_space<vmem>> -> memref<32x128xf32, #tpu.memory_space<vmem>>
          %dma_start3A_232 = arith.constant 0 : i32
          %dma_start3A_233 = tpu.memref_slice %arg7[%add3A_207, %dma_start3A_232] : memref<40x128xi32, #tpu.memory_space<vmem>> -> memref<1x128xi32, #tpu.memory_space<vmem>>
          %dma_start3A_234 = tpu.memref_squeeze %dma_start3A_233 : memref<1x128xi32, #tpu.memory_space<vmem>> -> memref<128xi32, #tpu.memory_space<vmem>>
          %dma_start3A_235 = arith.constant 32 : i32
          %dma_start3A_236 = tpu.memref_slice %dma_start3A_234[%dma_start3A_235] : memref<128xi32, #tpu.memory_space<vmem>> -> memref<32xi32, #tpu.memory_space<vmem>>
          %dma_start3A_237 = arith.constant 0 : i32
          %dma_start3A_238 = arith.constant 0 : i32
          %dma_start3A_239 = tpu.memref_slice %arg2[%dma_start3A_237, %dma_start3A_238] : memref<10000x128xf32, #tpu.memory_space<hbm>> -> memref<10000x128xf32, #tpu.memory_space<hbm>>
          tpu.enqueue_indirect_dma source(%dma_start3A_239 : memref<10000x128xf32, #tpu.memory_space<hbm>>) target(%dma_start3A_231 : memref<32x128xf32, #tpu.memory_space<vmem>>) offsets(%dma_start3A_236 : memref<32xi32, #tpu.memory_space<vmem>>) semaphore(%arg11 : memref<!tpu.dma_semaphore, #tpu.memory_space<semaphore_mem>>)
          %dma_start3A_240 = arith.constant 0 : i32
          %dma_start3A_241 = arith.constant 0 : i32
          %dma_start3A_242 = arith.constant 0 : i32
          %dma_start3A_243 = tpu.memref_slice %arg9[%dma_start3A_240, %dma_start3A_241, %dma_start3A_242] : memref<2x128x128xf32, #tpu.memory_space<vmem>> -> memref<1x128x128xf32, #tpu.memory_space<vmem>>
          %dma_start3A_244 = tpu.memref_squeeze %dma_start3A_243 : memref<1x128x128xf32, #tpu.memory_space<vmem>> -> memref<128x128xf32, #tpu.memory_space<vmem>>
          %dma_start3A_245 = arith.constant 64 : i32
          %dma_start3A_246 = arith.constant 0 : i32
          %dma_start3A_247 = tpu.memref_slice %dma_start3A_244[%dma_start3A_245, %dma_start3A_246] : memref<128x128xf32, #tpu.memory_space<vmem>> -> memref<32x128xf32, #tpu.memory_space<vmem>>
          %dma_start3A_248 = arith.constant 0 : i32
          %dma_start3A_249 = tpu.memref_slice %arg7[%add3A_207, %dma_start3A_248] : memref<40x128xi32, #tpu.memory_space<vmem>> -> memref<1x128xi32, #tpu.memory_space<vmem>>
          %dma_start3A_250 = tpu.memref_squeeze %dma_start3A_249 : memref<1x128xi32, #tpu.memory_space<vmem>> -> memref<128xi32, #tpu.memory_space<vmem>>
          %dma_start3A_251 = arith.constant 64 : i32
          %dma_start3A_252 = tpu.memref_slice %dma_start3A_250[%dma_start3A_251] : memref<128xi32, #tpu.memory_space<vmem>> -> memref<32xi32, #tpu.memory_space<vmem>>
          %dma_start3A_253 = arith.constant 0 : i32
          %dma_start3A_254 = arith.constant 0 : i32
          %dma_start3A_255 = tpu.memref_slice %arg2[%dma_start3A_253, %dma_start3A_254] : memref<10000x128xf32, #tpu.memory_space<hbm>> -> memref<10000x128xf32, #tpu.memory_space<hbm>>
          tpu.enqueue_indirect_dma source(%dma_start3A_255 : memref<10000x128xf32, #tpu.memory_space<hbm>>) target(%dma_start3A_247 : memref<32x128xf32, #tpu.memory_space<vmem>>) offsets(%dma_start3A_252 : memref<32xi32, #tpu.memory_space<vmem>>) semaphore(%arg11 : memref<!tpu.dma_semaphore, #tpu.memory_space<semaphore_mem>>)
          %dma_start3A_256 = arith.constant 0 : i32
          %dma_start3A_257 = arith.constant 0 : i32
          %dma_start3A_258 = arith.constant 0 : i32
          %dma_start3A_259 = tpu.memref_slice %arg9[%dma_start3A_256, %dma_start3A_257, %dma_start3A_258] : memref<2x128x128xf32, #tpu.memory_space<vmem>> -> memref<1x128x128xf32, #tpu.memory_space<vmem>>
          %dma_start3A_260 = tpu.memref_squeeze %dma_start3A_259 : memref<1x128x128xf32, #tpu.memory_space<vmem>> -> memref<128x128xf32, #tpu.memory_space<vmem>>
          %dma_start3A_261 = arith.constant 96 : i32
          %dma_start3A_262 = arith.constant 0 : i32
          %dma_start3A_263 = tpu.memref_slice %dma_start3A_260[%dma_start3A_261, %dma_start3A_262] : memref<128x128xf32, #tpu.memory_space<vmem>> -> memref<32x128xf32, #tpu.memory_space<vmem>>
          %dma_start3A_264 = arith.constant 0 : i32
          %dma_start3A_265 = tpu.memref_slice %arg7[%add3A_207, %dma_start3A_264] : memref<40x128xi32, #tpu.memory_space<vmem>> -> memref<1x128xi32, #tpu.memory_space<vmem>>
          %dma_start3A_266 = tpu.memref_squeeze %dma_start3A_265 : memref<1x128xi32, #tpu.memory_space<vmem>> -> memref<128xi32, #tpu.memory_space<vmem>>
          %dma_start3A_267 = arith.constant 96 : i32
          %dma_start3A_268 = tpu.memref_slice %dma_start3A_266[%dma_start3A_267] : memref<128xi32, #tpu.memory_space<vmem>> -> memref<32xi32, #tpu.memory_space<vmem>>
          %dma_start3A_269 = arith.constant 0 : i32
          %dma_start3A_270 = arith.constant 0 : i32
          %dma_start3A_271 = tpu.memref_slice %arg2[%dma_start3A_269, %dma_start3A_270] : memref<10000x128xf32, #tpu.memory_space<hbm>> -> memref<10000x128xf32, #tpu.memory_space<hbm>>
          tpu.enqueue_indirect_dma source(%dma_start3A_271 : memref<10000x128xf32, #tpu.memory_space<hbm>>) target(%dma_start3A_263 : memref<32x128xf32, #tpu.memory_space<vmem>>) offsets(%dma_start3A_268 : memref<32xi32, #tpu.memory_space<vmem>>) semaphore(%arg11 : memref<!tpu.dma_semaphore, #tpu.memory_space<semaphore_mem>>)
        } else {
        }
        %dma_wait3A_183 = arith.constant 1 : i32
        %dma_wait3A_184 = arith.constant 0 : i32
        %dma_wait3A_185 = arith.constant 0 : i32
        %dma_wait3A_186 = tpu.memref_slice %arg9[%dma_wait3A_183, %dma_wait3A_184, %dma_wait3A_185] : memref<2x128x128xf32, #tpu.memory_space<vmem>> -> memref<1x128x128xf32, #tpu.memory_space<vmem>>
        %dma_wait3A_187 = tpu.memref_squeeze %dma_wait3A_186 : memref<1x128x128xf32, #tpu.memory_space<vmem>> -> memref<128x128xf32, #tpu.memory_space<vmem>>
        %dma_wait3A_188 = arith.constant 0 : i32
        %dma_wait3A_189 = arith.constant 0 : i32
        %dma_wait3A_190 = tpu.memref_slice %arg9[%dma_wait3A_183, %dma_wait3A_188, %dma_wait3A_189] : memref<2x128x128xf32, #tpu.memory_space<vmem>> -> memref<1x128x128xf32, #tpu.memory_space<vmem>>
        %dma_wait3A_191 = tpu.memref_squeeze %dma_wait3A_190 : memref<1x128x128xf32, #tpu.memory_space<vmem>> -> memref<128x128xf32, #tpu.memory_space<vmem>>
        tpu.wait_dma2 semaphore(%arg12 : memref<!tpu.dma_semaphore, #tpu.memory_space<semaphore_mem>>) src(%arg5 : memref<128x128xf32, #tpu.memory_space<hbm>>) dst(%dma_wait3A_191 : memref<128x128xf32, #tpu.memory_space<vmem>>)
        %add3A_192 = arith.constant 1 : i32
        %add3A_193 = arith.addi %add3A_165, %add3A_192 : i32
        %run_scoped3A_194 = arith.constant 1 : i32
        "tpu.region"() ({
          %run_scoped3A_204 = tpu.sem_alloc : memref<!tpu.dma_semaphore, #tpu.memory_space<semaphore_mem>>
          %dma_start3A_205 = arith.constant 0 : i32
          %dma_start3A_206 = arith.constant 0 : i32
          %dma_start3A_207 = tpu.memref_slice %arg9[%run_scoped3A_194, %dma_start3A_205, %dma_start3A_206] : memref<2x128x128xf32, #tpu.memory_space<vmem>> -> memref<1x128x128xf32, #tpu.memory_space<vmem>>
          %dma_start3A_208 = tpu.memref_squeeze %dma_start3A_207 : memref<1x128x128xf32, #tpu.memory_space<vmem>> -> memref<128x128xf32, #tpu.memory_space<vmem>>
          %dma_start3A_209 = arith.constant 0 : i32
          %dma_start3A_210 = tpu.memref_slice %arg8[%add3A_193, %dma_start3A_209] : memref<40x128xi32, #tpu.memory_space<vmem>> -> memref<1x128xi32, #tpu.memory_space<vmem>>
          %dma_start3A_211 = tpu.memref_squeeze %dma_start3A_210 : memref<1x128xi32, #tpu.memory_space<vmem>> -> memref<128xi32, #tpu.memory_space<vmem>>
          %dma_start3A_212 = arith.constant 0 : i32
          %dma_start3A_213 = arith.constant 0 : i32
          %dma_start3A_214 = tpu.memref_slice %arg10[%dma_start3A_212, %dma_start3A_213] : memref<10240x128xf32, #tpu.memory_space<vmem_shared>> -> memref<10240x128xf32, #tpu.memory_space<vmem_shared>>
          tpu.enqueue_indirect_dma source(%dma_start3A_208 : memref<128x128xf32, #tpu.memory_space<vmem>>) target(%dma_start3A_214 : memref<10240x128xf32, #tpu.memory_space<vmem_shared>>) offsets(%dma_start3A_211 : memref<128xi32, #tpu.memory_space<vmem>>) semaphore(%run_scoped3A_204 : memref<!tpu.dma_semaphore, #tpu.memory_space<semaphore_mem>>) {add = true}
          %dma_wait3A_215 = arith.constant 0 : i32
          %dma_wait3A_216 = arith.constant 0 : i32
          %dma_wait3A_217 = tpu.memref_slice %arg9[%run_scoped3A_194, %dma_wait3A_215, %dma_wait3A_216] : memref<2x128x128xf32, #tpu.memory_space<vmem>> -> memref<1x128x128xf32, #tpu.memory_space<vmem>>
          %dma_wait3A_218 = tpu.memref_squeeze %dma_wait3A_217 : memref<1x128x128xf32, #tpu.memory_space<vmem>> -> memref<128x128xf32, #tpu.memory_space<vmem>>
          %dma_wait3A_219 = arith.constant 0 : i32
          %dma_wait3A_220 = tpu.memref_slice %arg8[%add3A_193, %dma_wait3A_219] : memref<40x128xi32, #tpu.memory_space<vmem>> -> memref<1x128xi32, #tpu.memory_space<vmem>>
          %dma_wait3A_221 = tpu.memref_squeeze %dma_wait3A_220 : memref<1x128xi32, #tpu.memory_space<vmem>> -> memref<128xi32, #tpu.memory_space<vmem>>
          %dma_wait3A_222 = arith.constant 0 : i32
          %dma_wait3A_223 = arith.constant 0 : i32
          %dma_wait3A_224 = tpu.memref_slice %arg10[%dma_wait3A_222, %dma_wait3A_223] : memref<10240x128xf32, #tpu.memory_space<vmem_shared>> -> memref<10240x128xf32, #tpu.memory_space<vmem_shared>>
          tpu.wait_indirect_dma semaphore(%run_scoped3A_204 : memref<!tpu.dma_semaphore, #tpu.memory_space<semaphore_mem>>) src(%dma_wait3A_218 : memref<128x128xf32, #tpu.memory_space<vmem>>) dst(%dma_wait3A_224 : memref<10240x128xf32, #tpu.memory_space<vmem_shared>>)
          tpu.yield
        }) : () -> ()
        %add3A_195 = arith.constant 1 : i32
        %add3A_196 = arith.addi %add3A_165, %add3A_195 : i32
        %add3A_197 = arith.constant 2 : i32
        %add3A_198 = arith.addi %add3A_196, %add3A_197 : i32
        %lt3A_199 = arith.constant 40 : i32
        %lt3A_200 = arith.cmpi slt, %add3A_198, %lt3A_199 : i32
        %convert_element_type3A_201 = arith.extui %lt3A_200 : i1 to i32
        %cond3A_202 = arith.constant 0 : i32
        %cond3A_203 = arith.cmpi ne, %convert_element_type3A_201, %cond3A_202 : i32
        scf.if %cond3A_203 {
          %add3A_204 = arith.constant 1 : i32
          %add3A_205 = arith.addi %add3A_165, %add3A_204 : i32
          %add3A_206 = arith.constant 2 : i32
          %add3A_207 = arith.addi %add3A_205, %add3A_206 : i32
          %dma_start3A_208 = arith.constant 1 : i32
          %dma_start3A_209 = arith.constant 0 : i32
          %dma_start3A_210 = arith.constant 0 : i32
          %dma_start3A_211 = tpu.memref_slice %arg9[%dma_start3A_208, %dma_start3A_209, %dma_start3A_210] : memref<2x128x128xf32, #tpu.memory_space<vmem>> -> memref<1x128x128xf32, #tpu.memory_space<vmem>>
          %dma_start3A_212 = tpu.memref_squeeze %dma_start3A_211 : memref<1x128x128xf32, #tpu.memory_space<vmem>> -> memref<128x128xf32, #tpu.memory_space<vmem>>
          %dma_start3A_213 = arith.constant 0 : i32
          %dma_start3A_214 = arith.constant 0 : i32
          %dma_start3A_215 = tpu.memref_slice %dma_start3A_212[%dma_start3A_213, %dma_start3A_214] : memref<128x128xf32, #tpu.memory_space<vmem>> -> memref<32x128xf32, #tpu.memory_space<vmem>>
          %dma_start3A_216 = arith.constant 0 : i32
          %dma_start3A_217 = tpu.memref_slice %arg7[%add3A_207, %dma_start3A_216] : memref<40x128xi32, #tpu.memory_space<vmem>> -> memref<1x128xi32, #tpu.memory_space<vmem>>
          %dma_start3A_218 = tpu.memref_squeeze %dma_start3A_217 : memref<1x128xi32, #tpu.memory_space<vmem>> -> memref<128xi32, #tpu.memory_space<vmem>>
          %dma_start3A_219 = arith.constant 0 : i32
          %dma_start3A_220 = tpu.memref_slice %dma_start3A_218[%dma_start3A_219] : memref<128xi32, #tpu.memory_space<vmem>> -> memref<32xi32, #tpu.memory_space<vmem>>
          %dma_start3A_221 = arith.constant 0 : i32
          %dma_start3A_222 = arith.constant 0 : i32
          %dma_start3A_223 = tpu.memref_slice %arg2[%dma_start3A_221, %dma_start3A_222] : memref<10000x128xf32, #tpu.memory_space<hbm>> -> memref<10000x128xf32, #tpu.memory_space<hbm>>
          tpu.enqueue_indirect_dma source(%dma_start3A_223 : memref<10000x128xf32, #tpu.memory_space<hbm>>) target(%dma_start3A_215 : memref<32x128xf32, #tpu.memory_space<vmem>>) offsets(%dma_start3A_220 : memref<32xi32, #tpu.memory_space<vmem>>) semaphore(%arg12 : memref<!tpu.dma_semaphore, #tpu.memory_space<semaphore_mem>>)
          %dma_start3A_224 = arith.constant 1 : i32
          %dma_start3A_225 = arith.constant 0 : i32
          %dma_start3A_226 = arith.constant 0 : i32
          %dma_start3A_227 = tpu.memref_slice %arg9[%dma_start3A_224, %dma_start3A_225, %dma_start3A_226] : memref<2x128x128xf32, #tpu.memory_space<vmem>> -> memref<1x128x128xf32, #tpu.memory_space<vmem>>
          %dma_start3A_228 = tpu.memref_squeeze %dma_start3A_227 : memref<1x128x128xf32, #tpu.memory_space<vmem>> -> memref<128x128xf32, #tpu.memory_space<vmem>>
          %dma_start3A_229 = arith.constant 32 : i32
          %dma_start3A_230 = arith.constant 0 : i32
          %dma_start3A_231 = tpu.memref_slice %dma_start3A_228[%dma_start3A_229, %dma_start3A_230] : memref<128x128xf32, #tpu.memory_space<vmem>> -> memref<32x128xf32, #tpu.memory_space<vmem>>
          %dma_start3A_232 = arith.constant 0 : i32
          %dma_start3A_233 = tpu.memref_slice %arg7[%add3A_207, %dma_start3A_232] : memref<40x128xi32, #tpu.memory_space<vmem>> -> memref<1x128xi32, #tpu.memory_space<vmem>>
          %dma_start3A_234 = tpu.memref_squeeze %dma_start3A_233 : memref<1x128xi32, #tpu.memory_space<vmem>> -> memref<128xi32, #tpu.memory_space<vmem>>
          %dma_start3A_235 = arith.constant 32 : i32
          %dma_start3A_236 = tpu.memref_slice %dma_start3A_234[%dma_start3A_235] : memref<128xi32, #tpu.memory_space<vmem>> -> memref<32xi32, #tpu.memory_space<vmem>>
          %dma_start3A_237 = arith.constant 0 : i32
          %dma_start3A_238 = arith.constant 0 : i32
          %dma_start3A_239 = tpu.memref_slice %arg2[%dma_start3A_237, %dma_start3A_238] : memref<10000x128xf32, #tpu.memory_space<hbm>> -> memref<10000x128xf32, #tpu.memory_space<hbm>>
          tpu.enqueue_indirect_dma source(%dma_start3A_239 : memref<10000x128xf32, #tpu.memory_space<hbm>>) target(%dma_start3A_231 : memref<32x128xf32, #tpu.memory_space<vmem>>) offsets(%dma_start3A_236 : memref<32xi32, #tpu.memory_space<vmem>>) semaphore(%arg12 : memref<!tpu.dma_semaphore, #tpu.memory_space<semaphore_mem>>)
          %dma_start3A_240 = arith.constant 1 : i32
          %dma_start3A_241 = arith.constant 0 : i32
          %dma_start3A_242 = arith.constant 0 : i32
          %dma_start3A_243 = tpu.memref_slice %arg9[%dma_start3A_240, %dma_start3A_241, %dma_start3A_242] : memref<2x128x128xf32, #tpu.memory_space<vmem>> -> memref<1x128x128xf32, #tpu.memory_space<vmem>>
          %dma_start3A_244 = tpu.memref_squeeze %dma_start3A_243 : memref<1x128x128xf32, #tpu.memory_space<vmem>> -> memref<128x128xf32, #tpu.memory_space<vmem>>
          %dma_start3A_245 = arith.constant 64 : i32
          %dma_start3A_246 = arith.constant 0 : i32
          %dma_start3A_247 = tpu.memref_slice %dma_start3A_244[%dma_start3A_245, %dma_start3A_246] : memref<128x128xf32, #tpu.memory_space<vmem>> -> memref<32x128xf32, #tpu.memory_space<vmem>>
          %dma_start3A_248 = arith.constant 0 : i32
          %dma_start3A_249 = tpu.memref_slice %arg7[%add3A_207, %dma_start3A_248] : memref<40x128xi32, #tpu.memory_space<vmem>> -> memref<1x128xi32, #tpu.memory_space<vmem>>
          %dma_start3A_250 = tpu.memref_squeeze %dma_start3A_249 : memref<1x128xi32, #tpu.memory_space<vmem>> -> memref<128xi32, #tpu.memory_space<vmem>>
          %dma_start3A_251 = arith.constant 64 : i32
          %dma_start3A_252 = tpu.memref_slice %dma_start3A_250[%dma_start3A_251] : memref<128xi32, #tpu.memory_space<vmem>> -> memref<32xi32, #tpu.memory_space<vmem>>
          %dma_start3A_253 = arith.constant 0 : i32
          %dma_start3A_254 = arith.constant 0 : i32
          %dma_start3A_255 = tpu.memref_slice %arg2[%dma_start3A_253, %dma_start3A_254] : memref<10000x128xf32, #tpu.memory_space<hbm>> -> memref<10000x128xf32, #tpu.memory_space<hbm>>
          tpu.enqueue_indirect_dma source(%dma_start3A_255 : memref<10000x128xf32, #tpu.memory_space<hbm>>) target(%dma_start3A_247 : memref<32x128xf32, #tpu.memory_space<vmem>>) offsets(%dma_start3A_252 : memref<32xi32, #tpu.memory_space<vmem>>) semaphore(%arg12 : memref<!tpu.dma_semaphore, #tpu.memory_space<semaphore_mem>>)
          %dma_start3A_256 = arith.constant 1 : i32
          %dma_start3A_257 = arith.constant 0 : i32
          %dma_start3A_258 = arith.constant 0 : i32
          %dma_start3A_259 = tpu.memref_slice %arg9[%dma_start3A_256, %dma_start3A_257, %dma_start3A_258] : memref<2x128x128xf32, #tpu.memory_space<vmem>> -> memref<1x128x128xf32, #tpu.memory_space<vmem>>
          %dma_start3A_260 = tpu.memref_squeeze %dma_start3A_259 : memref<1x128x128xf32, #tpu.memory_space<vmem>> -> memref<128x128xf32, #tpu.memory_space<vmem>>
          %dma_start3A_261 = arith.constant 96 : i32
          %dma_start3A_262 = arith.constant 0 : i32
          %dma_start3A_263 = tpu.memref_slice %dma_start3A_260[%dma_start3A_261, %dma_start3A_262] : memref<128x128xf32, #tpu.memory_space<vmem>> -> memref<32x128xf32, #tpu.memory_space<vmem>>
          %dma_start3A_264 = arith.constant 0 : i32
          %dma_start3A_265 = tpu.memref_slice %arg7[%add3A_207, %dma_start3A_264] : memref<40x128xi32, #tpu.memory_space<vmem>> -> memref<1x128xi32, #tpu.memory_space<vmem>>
          %dma_start3A_266 = tpu.memref_squeeze %dma_start3A_265 : memref<1x128xi32, #tpu.memory_space<vmem>> -> memref<128xi32, #tpu.memory_space<vmem>>
          %dma_start3A_267 = arith.constant 96 : i32
          %dma_start3A_268 = tpu.memref_slice %dma_start3A_266[%dma_start3A_267] : memref<128xi32, #tpu.memory_space<vmem>> -> memref<32xi32, #tpu.memory_space<vmem>>
          %dma_start3A_269 = arith.constant 0 : i32
          %dma_start3A_270 = arith.constant 0 : i32
          %dma_start3A_271 = tpu.memref_slice %arg2[%dma_start3A_269, %dma_start3A_270] : memref<10000x128xf32, #tpu.memory_space<hbm>> -> memref<10000x128xf32, #tpu.memory_space<hbm>>
          tpu.enqueue_indirect_dma source(%dma_start3A_271 : memref<10000x128xf32, #tpu.memory_space<hbm>>) target(%dma_start3A_263 : memref<32x128xf32, #tpu.memory_space<vmem>>) offsets(%dma_start3A_268 : memref<32xi32, #tpu.memory_space<vmem>>) semaphore(%arg12 : memref<!tpu.dma_semaphore, #tpu.memory_space<semaphore_mem>>)
        } else {
        }
      }
      %scan3A_160 = arith.constant 20 : i32
    }
    %scan3A_9 = arith.constant 2 : i32
    %barrier3A_10 = arith.constant 0 : index
    tpu.barrier barrier_id(%barrier3A_10)
    %scan3A_11 = arith.constant 0 : i32
    %scan3A_12 = arith.constant 5 : i32
    %scan3A_13 = arith.addi %scan3A_11, %scan3A_12 : i32
    %scan3A_14 = arith.constant 1 : i32
    scf.for %scan3A_16 = %scan3A_11 to %scan3A_13 step %scan3A_14  : i32 {
      %mul3A_17 = arith.constant 128 : i32
      %mul3A_18 = arith.muli %scan3A_16, %mul3A_17 : i32
      %add3A_19 = arith.constant 0 : i32
      %add3A_20 = arith.addi %add3A_19, %mul3A_18 : i32
      %mul3A_21 = arith.constant 640 : i32
      %mul3A_22 = arith.muli %arg1, %mul3A_21 : i32
      %add3A_23 = arith.addi %mul3A_22, %add3A_20 : i32
      %mul3A_24 = arith.constant 640 : i32
      %mul3A_25 = arith.muli %arg1, %mul3A_24 : i32
      %add3A_26 = arith.addi %mul3A_25, %add3A_20 : i32
      "tpu.region"() ({
        %run_scoped3A_27 = tpu.sem_alloc : memref<!tpu.dma_semaphore, #tpu.memory_space<semaphore_mem>>
        %dma_start3A = arith.constant 0 : i32
        %dma_start3A_28 = arith.constant 0 : i32
        %dma_start3A_29 = tpu.memref_slice %arg6[%arg0, %dma_start3A, %dma_start3A_28] : memref<2x10240x128xf32, #tpu.memory_space<hbm>> -> memref<1x10240x128xf32, #tpu.memory_space<hbm>>
        %dma_start3A_30 = tpu.memref_squeeze %dma_start3A_29 : memref<1x10240x128xf32, #tpu.memory_space<hbm>> -> memref<10240x128xf32, #tpu.memory_space<hbm>>
        %dma_start3A_31 = arith.constant 0 : i32
        %dma_start3A_32 = tpu.memref_slice %dma_start3A_30[%add3A_26, %dma_start3A_31] : memref<10240x128xf32, #tpu.memory_space<hbm>> -> memref<128x128xf32, #tpu.memory_space<hbm>>
        %dma_start3A_33 = arith.constant 0 : i32
        %dma_start3A_34 = tpu.memref_slice %arg10[%add3A_23, %dma_start3A_33] : memref<10240x128xf32, #tpu.memory_space<vmem_shared>> -> memref<128x128xf32, #tpu.memory_space<vmem_shared>>
        tpu.enqueue_dma source(%dma_start3A_34 : memref<128x128xf32, #tpu.memory_space<vmem_shared>>) target(%dma_start3A_32 : memref<128x128xf32, #tpu.memory_space<hbm>>) target_semaphore(%run_scoped3A_27 : memref<!tpu.dma_semaphore, #tpu.memory_space<semaphore_mem>>)
        %dma_wait3A = arith.constant 0 : i32
        %dma_wait3A_35 = arith.constant 0 : i32
        %dma_wait3A_36 = tpu.memref_slice %arg6[%arg0, %dma_wait3A, %dma_wait3A_35] : memref<2x10240x128xf32, #tpu.memory_space<hbm>> -> memref<1x10240x128xf32, #tpu.memory_space<hbm>>
        %dma_wait3A_37 = tpu.memref_squeeze %dma_wait3A_36 : memref<1x10240x128xf32, #tpu.memory_space<hbm>> -> memref<10240x128xf32, #tpu.memory_space<hbm>>
        %dma_wait3A_38 = arith.constant 0 : i32
        %dma_wait3A_39 = tpu.memref_slice %dma_wait3A_37[%add3A_26, %dma_wait3A_38] : memref<10240x128xf32, #tpu.memory_space<hbm>> -> memref<128x128xf32, #tpu.memory_space<hbm>>
        %dma_wait3A_40 = arith.constant 0 : i32
        %dma_wait3A_41 = tpu.memref_slice %arg10[%add3A_23, %dma_wait3A_40] : memref<10240x128xf32, #tpu.memory_space<vmem_shared>> -> memref<128x128xf32, #tpu.memory_space<vmem_shared>>
        tpu.wait_dma2 semaphore(%run_scoped3A_27 : memref<!tpu.dma_semaphore, #tpu.memory_space<semaphore_mem>>) src(%dma_wait3A_41 : memref<128x128xf32, #tpu.memory_space<vmem_shared>>) dst(%dma_wait3A_39 : memref<128x128xf32, #tpu.memory_space<hbm>>)
        tpu.yield
      }) : () -> ()
    }
    %scan3A_15 = arith.constant 5 : i32
    return
  }
}

#map = affine_map<(d0, d1) -> (0, 0)>
#map1 = affine_map<(d0, d1) -> (0, 0, 0, 0)>
#map2 = affine_map<(d0, d1) -> (0, 0, 0)>
module attributes {stable_mosaic.version = 14 : i64} {
  func.func @k(%arg0: i32, %arg1: i32, %arg2: memref<10000x128xf32, #tpu.memory_space<hbm>>, %arg3: memref<32x2x40x128xi32, #tpu.memory_space<hbm>>, %arg4: memref<32x2x40x128xi32, #tpu.memory_space<hbm>>, %arg5: memref<128x128xf32, #tpu.memory_space<hbm>>, %arg6: memref<2x10240x128xf32, #tpu.memory_space<hbm>>, %arg7: memref<40x128xi32, #tpu.memory_space<vmem>>, %arg8: memref<40x128xi32, #tpu.memory_space<vmem>>, %arg9: memref<2x128x128xf32, #tpu.memory_space<vmem>>, %arg10: memref<10240x128xf32, #tpu.memory_space<vmem_shared>>, %arg11: memref<!tpu.dma_semaphore, #tpu.memory_space<semaphore_mem>>, %arg12: memref<!tpu.dma_semaphore, #tpu.memory_space<semaphore_mem>>) attributes {dimension_semantics = [#tpu.dimension_semantics<core_parallel>, #tpu.dimension_semantics<subcore_parallel>], iteration_bounds = array<i64: 2, 16>, scalar_prefetch = 0 : i64, scratch_operands = 6 : i64, tpu.core_type = #tpu.core_type<sc_vector_subcore>, window_params = [{transform_indices = #map}, {transform_indices = #map1}, {transform_indices = #map1}, {transform_indices = #map}, {transform_indices = #map2}]} {
    %mul3A = arith.constant 2 : i32
    %mul3A_0 = arith.muli %arg1, %mul3A : i32
    %add3A = arith.addi %mul3A_0, %arg0 : i32
    %run_scoped3A = arith.constant 0 : i32
    "tpu.region"() ({
      %run_scoped3A_16 = tpu.sem_alloc : memref<!tpu.dma_semaphore, #tpu.memory_space<semaphore_mem>>
      %dma_start3A = arith.constant 0 : i32
      %dma_start3A_17 = arith.constant 0 : i32
      %dma_start3A_18 = tpu.memref_slice %arg9[%run_scoped3A, %dma_start3A, %dma_start3A_17] : memref<2x128x128xf32, #tpu.memory_space<vmem>> -> memref<1x128x128xf32, #tpu.memory_space<vmem>>
      %dma_start3A_19 = tpu.memref_squeeze %dma_start3A_18 : memref<1x128x128xf32, #tpu.memory_space<vmem>> -> memref<128x128xf32, #tpu.memory_space<vmem>>
      %dma_start3A_20 = arith.constant 0 : i32
      %dma_start3A_21 = arith.constant 0 : i32
      %dma_start3A_22 = tpu.memref_slice %arg9[%run_scoped3A, %dma_start3A_20, %dma_start3A_21] : memref<2x128x128xf32, #tpu.memory_space<vmem>> -> memref<1x128x128xf32, #tpu.memory_space<vmem>>
      %dma_start3A_23 = tpu.memref_squeeze %dma_start3A_22 : memref<1x128x128xf32, #tpu.memory_space<vmem>> -> memref<128x128xf32, #tpu.memory_space<vmem>>
      tpu.enqueue_dma source(%arg5 : memref<128x128xf32, #tpu.memory_space<hbm>>) target(%dma_start3A_23 : memref<128x128xf32, #tpu.memory_space<vmem>>) target_semaphore(%run_scoped3A_16 : memref<!tpu.dma_semaphore, #tpu.memory_space<semaphore_mem>>)
      %dma_wait3A = arith.constant 0 : i32
      %dma_wait3A_24 = arith.constant 0 : i32
      %dma_wait3A_25 = tpu.memref_slice %arg9[%run_scoped3A, %dma_wait3A, %dma_wait3A_24] : memref<2x128x128xf32, #tpu.memory_space<vmem>> -> memref<1x128x128xf32, #tpu.memory_space<vmem>>
      %dma_wait3A_26 = tpu.memref_squeeze %dma_wait3A_25 : memref<1x128x128xf32, #tpu.memory_space<vmem>> -> memref<128x128xf32, #tpu.memory_space<vmem>>
      %dma_wait3A_27 = arith.constant 0 : i32
      %dma_wait3A_28 = arith.constant 0 : i32
      %dma_wait3A_29 = tpu.memref_slice %arg9[%run_scoped3A, %dma_wait3A_27, %dma_wait3A_28] : memref<2x128x128xf32, #tpu.memory_space<vmem>> -> memref<1x128x128xf32, #tpu.memory_space<vmem>>
      %dma_wait3A_30 = tpu.memref_squeeze %dma_wait3A_29 : memref<1x128x128xf32, #tpu.memory_space<vmem>> -> memref<128x128xf32, #tpu.memory_space<vmem>>
      tpu.wait_dma2 semaphore(%run_scoped3A_16 : memref<!tpu.dma_semaphore, #tpu.memory_space<semaphore_mem>>) src(%arg5 : memref<128x128xf32, #tpu.memory_space<hbm>>) dst(%dma_wait3A_30 : memref<128x128xf32, #tpu.memory_space<vmem>>)
      tpu.yield
    }) : () -> ()
    %scan3A = arith.constant 0 : i32
    %scan3A_1 = arith.constant 5 : i32
    %scan3A_2 = arith.addi %scan3A, %scan3A_1 : i32
    %scan3A_3 = arith.constant 1 : i32
    scf.for %scan3A_16 = %scan3A to %scan3A_2 step %scan3A_3  : i32 {
      %mul3A_17 = arith.constant 128 : i32
      %mul3A_18 = arith.muli %scan3A_16, %mul3A_17 : i32
      %add3A_19 = arith.constant 0 : i32
      %add3A_20 = arith.addi %add3A_19, %mul3A_18 : i32
      %mul3A_21 = arith.constant 640 : i32
      %mul3A_22 = arith.muli %arg1, %mul3A_21 : i32
      %add3A_23 = arith.addi %mul3A_22, %add3A_20 : i32
      %run_scoped3A_24 = arith.constant 0 : i32
      "tpu.region"() ({
        %run_scoped3A_25 = tpu.sem_alloc : memref<!tpu.dma_semaphore, #tpu.memory_space<semaphore_mem>>
        %dma_start3A = arith.constant 0 : i32
        %dma_start3A_26 = arith.constant 0 : i32
        %dma_start3A_27 = tpu.memref_slice %arg9[%run_scoped3A_24, %dma_start3A, %dma_start3A_26] : memref<2x128x128xf32, #tpu.memory_space<vmem>> -> memref<1x128x128xf32, #tpu.memory_space<vmem>>
        %dma_start3A_28 = tpu.memref_squeeze %dma_start3A_27 : memref<1x128x128xf32, #tpu.memory_space<vmem>> -> memref<128x128xf32, #tpu.memory_space<vmem>>
        %dma_start3A_29 = arith.constant 0 : i32
        %dma_start3A_30 = tpu.memref_slice %arg10[%add3A_23, %dma_start3A_29] : memref<10240x128xf32, #tpu.memory_space<vmem_shared>> -> memref<128x128xf32, #tpu.memory_space<vmem_shared>>
        %dma_start3A_31 = arith.constant 0 : i32
        %dma_start3A_32 = tpu.memref_slice %arg10[%add3A_23, %dma_start3A_31] : memref<10240x128xf32, #tpu.memory_space<vmem_shared>> -> memref<128x128xf32, #tpu.memory_space<vmem_shared>>
        %dma_start3A_33 = arith.constant 0 : i32
        %dma_start3A_34 = arith.constant 0 : i32
        %dma_start3A_35 = tpu.memref_slice %arg9[%run_scoped3A_24, %dma_start3A_33, %dma_start3A_34] : memref<2x128x128xf32, #tpu.memory_space<vmem>> -> memref<1x128x128xf32, #tpu.memory_space<vmem>>
        %dma_start3A_36 = tpu.memref_squeeze %dma_start3A_35 : memref<1x128x128xf32, #tpu.memory_space<vmem>> -> memref<128x128xf32, #tpu.memory_space<vmem>>
        tpu.enqueue_dma source(%dma_start3A_36 : memref<128x128xf32, #tpu.memory_space<vmem>>) target(%dma_start3A_32 : memref<128x128xf32, #tpu.memory_space<vmem_shared>>) target_semaphore(%run_scoped3A_25 : memref<!tpu.dma_semaphore, #tpu.memory_space<semaphore_mem>>)
        %dma_wait3A = arith.constant 0 : i32
        %dma_wait3A_37 = arith.constant 0 : i32
        %dma_wait3A_38 = tpu.memref_slice %arg9[%run_scoped3A_24, %dma_wait3A, %dma_wait3A_37] : memref<2x128x128xf32, #tpu.memory_space<vmem>> -> memref<1x128x128xf32, #tpu.memory_space<vmem>>
        %dma_wait3A_39 = tpu.memref_squeeze %dma_wait3A_38 : memref<1x128x128xf32, #tpu.memory_space<vmem>> -> memref<128x128xf32, #tpu.memory_space<vmem>>
        %dma_wait3A_40 = arith.constant 0 : i32
        %dma_wait3A_41 = tpu.memref_slice %arg10[%add3A_23, %dma_wait3A_40] : memref<10240x128xf32, #tpu.memory_space<vmem_shared>> -> memref<128x128xf32, #tpu.memory_space<vmem_shared>>
        %dma_wait3A_42 = arith.constant 0 : i32
        %dma_wait3A_43 = tpu.memref_slice %arg10[%add3A_23, %dma_wait3A_42] : memref<10240x128xf32, #tpu.memory_space<vmem_shared>> -> memref<128x128xf32, #tpu.memory_space<vmem_shared>>
        %dma_wait3A_44 = arith.constant 0 : i32
        %dma_wait3A_45 = arith.constant 0 : i32
        %dma_wait3A_46 = tpu.memref_slice %arg9[%run_scoped3A_24, %dma_wait3A_44, %dma_wait3A_45] : memref<2x128x128xf32, #tpu.memory_space<vmem>> -> memref<1x128x128xf32, #tpu.memory_space<vmem>>
        %dma_wait3A_47 = tpu.memref_squeeze %dma_wait3A_46 : memref<1x128x128xf32, #tpu.memory_space<vmem>> -> memref<128x128xf32, #tpu.memory_space<vmem>>
        tpu.wait_dma2 semaphore(%run_scoped3A_25 : memref<!tpu.dma_semaphore, #tpu.memory_space<semaphore_mem>>) src(%dma_wait3A_47 : memref<128x128xf32, #tpu.memory_space<vmem>>) dst(%dma_wait3A_43 : memref<128x128xf32, #tpu.memory_space<vmem_shared>>)
        tpu.yield
      }) : () -> ()
    }
    %scan3A_4 = arith.constant 5 : i32
    %barrier3A = arith.constant 0 : index
    tpu.barrier barrier_id(%barrier3A)
    %scan3A_5 = arith.constant 0 : i32
    %scan3A_6 = arith.constant 2 : i32
    %scan3A_7 = arith.addi %scan3A_5, %scan3A_6 : i32
    %scan3A_8 = arith.constant 1 : i32
    scf.for %scan3A_16 = %scan3A_5 to %scan3A_7 step %scan3A_8  : i32 {
      %mul3A_17 = arith.constant 1 : i32
      %mul3A_18 = arith.muli %scan3A_16, %mul3A_17 : i32
      %add3A_19 = arith.constant 0 : i32
      %add3A_20 = arith.addi %add3A_19, %mul3A_18 : i32
      "tpu.region"() ({
        %run_scoped3A_161 = tpu.sem_alloc : memref<!tpu.dma_semaphore, #tpu.memory_space<semaphore_mem>>
        %dma_start3A_162 = arith.constant 0 : i32
        %dma_start3A_163 = arith.constant 0 : i32
        %dma_start3A_164 = arith.constant 0 : i32
        %dma_start3A_165 = tpu.memref_slice %arg3[%add3A, %dma_start3A_162, %dma_start3A_163, %dma_start3A_164] : memref<32x2x40x128xi32, #tpu.memory_space<hbm>> -> memref<1x2x40x128xi32, #tpu.memory_space<hbm>>
        %dma_start3A_166 = tpu.memref_squeeze %dma_start3A_165 : memref<1x2x40x128xi32, #tpu.memory_space<hbm>> -> memref<2x40x128xi32, #tpu.memory_space<hbm>>
        %dma_start3A_167 = arith.constant 0 : i32
        %dma_start3A_168 = arith.constant 0 : i32
        %dma_start3A_169 = tpu.memref_slice %dma_start3A_166[%add3A_20, %dma_start3A_167, %dma_start3A_168] : memref<2x40x128xi32, #tpu.memory_space<hbm>> -> memref<1x40x128xi32, #tpu.memory_space<hbm>>
        %dma_start3A_170 = tpu.memref_squeeze %dma_start3A_169 : memref<1x40x128xi32, #tpu.memory_space<hbm>> -> memref<40x128xi32, #tpu.memory_space<hbm>>
        %dma_start3A_171 = arith.constant 0 : i32
        %dma_start3A_172 = arith.constant 0 : i32
        %dma_start3A_173 = arith.constant 0 : i32
        %dma_start3A_174 = tpu.memref_slice %arg3[%add3A, %dma_start3A_171, %dma_start3A_172, %dma_start3A_173] : memref<32x2x40x128xi32, #tpu.memory_space<hbm>> -> memref<1x2x40x128xi32, #tpu.memory_space<hbm>>
        %dma_start3A_175 = tpu.memref_squeeze %dma_start3A_174 : memref<1x2x40x128xi32, #tpu.memory_space<hbm>> -> memref<2x40x128xi32, #tpu.memory_space<hbm>>
        %dma_start3A_176 = arith.constant 0 : i32
        %dma_start3A_177 = arith.constant 0 : i32
        %dma_start3A_178 = tpu.memref_slice %dma_start3A_175[%add3A_20, %dma_start3A_176, %dma_start3A_177] : memref<2x40x128xi32, #tpu.memory_space<hbm>> -> memref<1x40x128xi32, #tpu.memory_space<hbm>>
        %dma_start3A_179 = tpu.memref_squeeze %dma_start3A_178 : memref<1x40x128xi32, #tpu.memory_space<hbm>> -> memref<40x128xi32, #tpu.memory_space<hbm>>
        tpu.enqueue_dma source(%dma_start3A_179 : memref<40x128xi32, #tpu.memory_space<hbm>>) target(%arg7 : memref<40x128xi32, #tpu.memory_space<vmem>>) target_semaphore(%run_scoped3A_161 : memref<!tpu.dma_semaphore, #tpu.memory_space<semaphore_mem>>)
        %dma_wait3A = arith.constant 0 : i32
        %dma_wait3A_180 = arith.constant 0 : i32
        %dma_wait3A_181 = arith.constant 0 : i32
        %dma_wait3A_182 = tpu.memref_slice %arg3[%add3A, %dma_wait3A, %dma_wait3A_180, %dma_wait3A_181] : memref<32x2x40x128xi32, #tpu.memory_space<hbm>> -> memref<1x2x40x128xi32, #tpu.memory_space<hbm>>
        %dma_wait3A_183 = tpu.memref_squeeze %dma_wait3A_182 : memref<1x2x40x128xi32, #tpu.memory_space<hbm>> -> memref<2x40x128xi32, #tpu.memory_space<hbm>>
        %dma_wait3A_184 = arith.constant 0 : i32
        %dma_wait3A_185 = arith.constant 0 : i32
        %dma_wait3A_186 = tpu.memref_slice %dma_wait3A_183[%add3A_20, %dma_wait3A_184, %dma_wait3A_185] : memref<2x40x128xi32, #tpu.memory_space<hbm>> -> memref<1x40x128xi32, #tpu.memory_space<hbm>>
        %dma_wait3A_187 = tpu.memref_squeeze %dma_wait3A_186 : memref<1x40x128xi32, #tpu.memory_space<hbm>> -> memref<40x128xi32, #tpu.memory_space<hbm>>
        %dma_wait3A_188 = arith.constant 0 : i32
        %dma_wait3A_189 = arith.constant 0 : i32
        %dma_wait3A_190 = arith.constant 0 : i32
        %dma_wait3A_191 = tpu.memref_slice %arg3[%add3A, %dma_wait3A_188, %dma_wait3A_189, %dma_wait3A_190] : memref<32x2x40x128xi32, #tpu.memory_space<hbm>> -> memref<1x2x40x128xi32, #tpu.memory_space<hbm>>
        %dma_wait3A_192 = tpu.memref_squeeze %dma_wait3A_191 : memref<1x2x40x128xi32, #tpu.memory_space<hbm>> -> memref<2x40x128xi32, #tpu.memory_space<hbm>>
        %dma_wait3A_193 = arith.constant 0 : i32
        %dma_wait3A_194 = arith.constant 0 : i32
        %dma_wait3A_195 = tpu.memref_slice %dma_wait3A_192[%add3A_20, %dma_wait3A_193, %dma_wait3A_194] : memref<2x40x128xi32, #tpu.memory_space<hbm>> -> memref<1x40x128xi32, #tpu.memory_space<hbm>>
        %dma_wait3A_196 = tpu.memref_squeeze %dma_wait3A_195 : memref<1x40x128xi32, #tpu.memory_space<hbm>> -> memref<40x128xi32, #tpu.memory_space<hbm>>
        tpu.wait_dma2 semaphore(%run_scoped3A_161 : memref<!tpu.dma_semaphore, #tpu.memory_space<semaphore_mem>>) src(%dma_wait3A_196 : memref<40x128xi32, #tpu.memory_space<hbm>>) dst(%arg7 : memref<40x128xi32, #tpu.memory_space<vmem>>)
        tpu.yield
      }) : () -> ()
      "tpu.region"() ({
        %run_scoped3A_161 = tpu.sem_alloc : memref<!tpu.dma_semaphore, #tpu.memory_space<semaphore_mem>>
        %dma_start3A_162 = arith.constant 0 : i32
        %dma_start3A_163 = arith.constant 0 : i32
        %dma_start3A_164 = arith.constant 0 : i32
        %dma_start3A_165 = tpu.memref_slice %arg4[%add3A, %dma_start3A_162, %dma_start3A_163, %dma_start3A_164] : memref<32x2x40x128xi32, #tpu.memory_space<hbm>> -> memref<1x2x40x128xi32, #tpu.memory_space<hbm>>
        %dma_start3A_166 = tpu.memref_squeeze %dma_start3A_165 : memref<1x2x40x128xi32, #tpu.memory_space<hbm>> -> memref<2x40x128xi32, #tpu.memory_space<hbm>>
        %dma_start3A_167 = arith.constant 0 : i32
        %dma_start3A_168 = arith.constant 0 : i32
        %dma_start3A_169 = tpu.memref_slice %dma_start3A_166[%add3A_20, %dma_start3A_167, %dma_start3A_168] : memref<2x40x128xi32, #tpu.memory_space<hbm>> -> memref<1x40x128xi32, #tpu.memory_space<hbm>>
        %dma_start3A_170 = tpu.memref_squeeze %dma_start3A_169 : memref<1x40x128xi32, #tpu.memory_space<hbm>> -> memref<40x128xi32, #tpu.memory_space<hbm>>
        %dma_start3A_171 = arith.constant 0 : i32
        %dma_start3A_172 = arith.constant 0 : i32
        %dma_start3A_173 = arith.constant 0 : i32
        %dma_start3A_174 = tpu.memref_slice %arg4[%add3A, %dma_start3A_171, %dma_start3A_172, %dma_start3A_173] : memref<32x2x40x128xi32, #tpu.memory_space<hbm>> -> memref<1x2x40x128xi32, #tpu.memory_space<hbm>>
        %dma_start3A_175 = tpu.memref_squeeze %dma_start3A_174 : memref<1x2x40x128xi32, #tpu.memory_space<hbm>> -> memref<2x40x128xi32, #tpu.memory_space<hbm>>
        %dma_start3A_176 = arith.constant 0 : i32
        %dma_start3A_177 = arith.constant 0 : i32
        %dma_start3A_178 = tpu.memref_slice %dma_start3A_175[%add3A_20, %dma_start3A_176, %dma_start3A_177] : memref<2x40x128xi32, #tpu.memory_space<hbm>> -> memref<1x40x128xi32, #tpu.memory_space<hbm>>
        %dma_start3A_179 = tpu.memref_squeeze %dma_start3A_178 : memref<1x40x128xi32, #tpu.memory_space<hbm>> -> memref<40x128xi32, #tpu.memory_space<hbm>>
        tpu.enqueue_dma source(%dma_start3A_179 : memref<40x128xi32, #tpu.memory_space<hbm>>) target(%arg8 : memref<40x128xi32, #tpu.memory_space<vmem>>) target_semaphore(%run_scoped3A_161 : memref<!tpu.dma_semaphore, #tpu.memory_space<semaphore_mem>>)
        %dma_wait3A = arith.constant 0 : i32
        %dma_wait3A_180 = arith.constant 0 : i32
        %dma_wait3A_181 = arith.constant 0 : i32
        %dma_wait3A_182 = tpu.memref_slice %arg4[%add3A, %dma_wait3A, %dma_wait3A_180, %dma_wait3A_181] : memref<32x2x40x128xi32, #tpu.memory_space<hbm>> -> memref<1x2x40x128xi32, #tpu.memory_space<hbm>>
        %dma_wait3A_183 = tpu.memref_squeeze %dma_wait3A_182 : memref<1x2x40x128xi32, #tpu.memory_space<hbm>> -> memref<2x40x128xi32, #tpu.memory_space<hbm>>
        %dma_wait3A_184 = arith.constant 0 : i32
        %dma_wait3A_185 = arith.constant 0 : i32
        %dma_wait3A_186 = tpu.memref_slice %dma_wait3A_183[%add3A_20, %dma_wait3A_184, %dma_wait3A_185] : memref<2x40x128xi32, #tpu.memory_space<hbm>> -> memref<1x40x128xi32, #tpu.memory_space<hbm>>
        %dma_wait3A_187 = tpu.memref_squeeze %dma_wait3A_186 : memref<1x40x128xi32, #tpu.memory_space<hbm>> -> memref<40x128xi32, #tpu.memory_space<hbm>>
        %dma_wait3A_188 = arith.constant 0 : i32
        %dma_wait3A_189 = arith.constant 0 : i32
        %dma_wait3A_190 = arith.constant 0 : i32
        %dma_wait3A_191 = tpu.memref_slice %arg4[%add3A, %dma_wait3A_188, %dma_wait3A_189, %dma_wait3A_190] : memref<32x2x40x128xi32, #tpu.memory_space<hbm>> -> memref<1x2x40x128xi32, #tpu.memory_space<hbm>>
        %dma_wait3A_192 = tpu.memref_squeeze %dma_wait3A_191 : memref<1x2x40x128xi32, #tpu.memory_space<hbm>> -> memref<2x40x128xi32, #tpu.memory_space<hbm>>
        %dma_wait3A_193 = arith.constant 0 : i32
        %dma_wait3A_194 = arith.constant 0 : i32
        %dma_wait3A_195 = tpu.memref_slice %dma_wait3A_192[%add3A_20, %dma_wait3A_193, %dma_wait3A_194] : memref<2x40x128xi32, #tpu.memory_space<hbm>> -> memref<1x40x128xi32, #tpu.memory_space<hbm>>
        %dma_wait3A_196 = tpu.memref_squeeze %dma_wait3A_195 : memref<1x40x128xi32, #tpu.memory_space<hbm>> -> memref<40x128xi32, #tpu.memory_space<hbm>>
        tpu.wait_dma2 semaphore(%run_scoped3A_161 : memref<!tpu.dma_semaphore, #tpu.memory_space<semaphore_mem>>) src(%dma_wait3A_196 : memref<40x128xi32, #tpu.memory_space<hbm>>) dst(%arg8 : memref<40x128xi32, #tpu.memory_space<vmem>>)
        tpu.yield
      }) : () -> ()
      %dma_start3A = arith.constant 0 : i32
      %dma_start3A_21 = arith.constant 0 : i32
      %dma_start3A_22 = arith.constant 0 : i32
      %dma_start3A_23 = arith.constant 0 : i32
      %dma_start3A_24 = tpu.memref_slice %arg9[%dma_start3A_21, %dma_start3A_22, %dma_start3A_23] : memref<2x128x128xf32, #tpu.memory_space<vmem>> -> memref<1x128x128xf32, #tpu.memory_space<vmem>>
      %dma_start3A_25 = tpu.memref_squeeze %dma_start3A_24 : memref<1x128x128xf32, #tpu.memory_space<vmem>> -> memref<128x128xf32, #tpu.memory_space<vmem>>
      %dma_start3A_26 = arith.constant 0 : i32
      %dma_start3A_27 = arith.constant 0 : i32
      %dma_start3A_28 = tpu.memref_slice %dma_start3A_25[%dma_start3A_26, %dma_start3A_27] : memref<128x128xf32, #tpu.memory_space<vmem>> -> memref<32x128xf32, #tpu.memory_space<vmem>>
      %dma_start3A_29 = arith.constant 0 : i32
      %dma_start3A_30 = tpu.memref_slice %arg7[%dma_start3A, %dma_start3A_29] : memref<40x128xi32, #tpu.memory_space<vmem>> -> memref<1x128xi32, #tpu.memory_space<vmem>>
      %dma_start3A_31 = tpu.memref_squeeze %dma_start3A_30 : memref<1x128xi32, #tpu.memory_space<vmem>> -> memref<128xi32, #tpu.memory_space<vmem>>
      %dma_start3A_32 = arith.constant 0 : i32
      %dma_start3A_33 = tpu.memref_slice %dma_start3A_31[%dma_start3A_32] : memref<128xi32, #tpu.memory_space<vmem>> -> memref<32xi32, #tpu.memory_space<vmem>>
      %dma_start3A_34 = arith.constant 0 : i32
      %dma_start3A_35 = arith.constant 0 : i32
      %dma_start3A_36 = tpu.memref_slice %arg2[%dma_start3A_34, %dma_start3A_35] : memref<10000x128xf32, #tpu.memory_space<hbm>> -> memref<10000x128xf32, #tpu.memory_space<hbm>>
      tpu.enqueue_indirect_dma source(%dma_start3A_36 : memref<10000x128xf32, #tpu.memory_space<hbm>>) target(%dma_start3A_28 : memref<32x128xf32, #tpu.memory_space<vmem>>) offsets(%dma_start3A_33 : memref<32xi32, #tpu.memory_space<vmem>>) semaphore(%arg11 : memref<!tpu.dma_semaphore, #tpu.memory_space<semaphore_mem>>)
      %dma_start3A_37 = arith.constant 0 : i32
      %dma_start3A_38 = arith.constant 0 : i32
      %dma_start3A_39 = arith.constant 0 : i32
      %dma_start3A_40 = arith.constant 0 : i32
      %dma_start3A_41 = tpu.memref_slice %arg9[%dma_start3A_38, %dma_start3A_39, %dma_start3A_40] : memref<2x128x128xf32, #tpu.memory_space<vmem>> -> memref<1x128x128xf32, #tpu.memory_space<vmem>>
      %dma_start3A_42 = tpu.memref_squeeze %dma_start3A_41 : memref<1x128x128xf32, #tpu.memory_space<vmem>> -> memref<128x128xf32, #tpu.memory_space<vmem>>
      %dma_start3A_43 = arith.constant 32 : i32
      %dma_start3A_44 = arith.constant 0 : i32
      %dma_start3A_45 = tpu.memref_slice %dma_start3A_42[%dma_start3A_43, %dma_start3A_44] : memref<128x128xf32, #tpu.memory_space<vmem>> -> memref<32x128xf32, #tpu.memory_space<vmem>>
      %dma_start3A_46 = arith.constant 0 : i32
      %dma_start3A_47 = tpu.memref_slice %arg7[%dma_start3A_37, %dma_start3A_46] : memref<40x128xi32, #tpu.memory_space<vmem>> -> memref<1x128xi32, #tpu.memory_space<vmem>>
      %dma_start3A_48 = tpu.memref_squeeze %dma_start3A_47 : memref<1x128xi32, #tpu.memory_space<vmem>> -> memref<128xi32, #tpu.memory_space<vmem>>
      %dma_start3A_49 = arith.constant 32 : i32
      %dma_start3A_50 = tpu.memref_slice %dma_start3A_48[%dma_start3A_49] : memref<128xi32, #tpu.memory_space<vmem>> -> memref<32xi32, #tpu.memory_space<vmem>>
      %dma_start3A_51 = arith.constant 0 : i32
      %dma_start3A_52 = arith.constant 0 : i32
      %dma_start3A_53 = tpu.memref_slice %arg2[%dma_start3A_51, %dma_start3A_52] : memref<10000x128xf32, #tpu.memory_space<hbm>> -> memref<10000x128xf32, #tpu.memory_space<hbm>>
      tpu.enqueue_indirect_dma source(%dma_start3A_53 : memref<10000x128xf32, #tpu.memory_space<hbm>>) target(%dma_start3A_45 : memref<32x128xf32, #tpu.memory_space<vmem>>) offsets(%dma_start3A_50 : memref<32xi32, #tpu.memory_space<vmem>>) semaphore(%arg11 : memref<!tpu.dma_semaphore, #tpu.memory_space<semaphore_mem>>)
      %dma_start3A_54 = arith.constant 0 : i32
      %dma_start3A_55 = arith.constant 0 : i32
      %dma_start3A_56 = arith.constant 0 : i32
      %dma_start3A_57 = arith.constant 0 : i32
      %dma_start3A_58 = tpu.memref_slice %arg9[%dma_start3A_55, %dma_start3A_56, %dma_start3A_57] : memref<2x128x128xf32, #tpu.memory_space<vmem>> -> memref<1x128x128xf32, #tpu.memory_space<vmem>>
      %dma_start3A_59 = tpu.memref_squeeze %dma_start3A_58 : memref<1x128x128xf32, #tpu.memory_space<vmem>> -> memref<128x128xf32, #tpu.memory_space<vmem>>
      %dma_start3A_60 = arith.constant 64 : i32
      %dma_start3A_61 = arith.constant 0 : i32
      %dma_start3A_62 = tpu.memref_slice %dma_start3A_59[%dma_start3A_60, %dma_start3A_61] : memref<128x128xf32, #tpu.memory_space<vmem>> -> memref<32x128xf32, #tpu.memory_space<vmem>>
      %dma_start3A_63 = arith.constant 0 : i32
      %dma_start3A_64 = tpu.memref_slice %arg7[%dma_start3A_54, %dma_start3A_63] : memref<40x128xi32, #tpu.memory_space<vmem>> -> memref<1x128xi32, #tpu.memory_space<vmem>>
      %dma_start3A_65 = tpu.memref_squeeze %dma_start3A_64 : memref<1x128xi32, #tpu.memory_space<vmem>> -> memref<128xi32, #tpu.memory_space<vmem>>
      %dma_start3A_66 = arith.constant 64 : i32
      %dma_start3A_67 = tpu.memref_slice %dma_start3A_65[%dma_start3A_66] : memref<128xi32, #tpu.memory_space<vmem>> -> memref<32xi32, #tpu.memory_space<vmem>>
      %dma_start3A_68 = arith.constant 0 : i32
      %dma_start3A_69 = arith.constant 0 : i32
      %dma_start3A_70 = tpu.memref_slice %arg2[%dma_start3A_68, %dma_start3A_69] : memref<10000x128xf32, #tpu.memory_space<hbm>> -> memref<10000x128xf32, #tpu.memory_space<hbm>>
      tpu.enqueue_indirect_dma source(%dma_start3A_70 : memref<10000x128xf32, #tpu.memory_space<hbm>>) target(%dma_start3A_62 : memref<32x128xf32, #tpu.memory_space<vmem>>) offsets(%dma_start3A_67 : memref<32xi32, #tpu.memory_space<vmem>>) semaphore(%arg11 : memref<!tpu.dma_semaphore, #tpu.memory_space<semaphore_mem>>)
      %dma_start3A_71 = arith.constant 0 : i32
      %dma_start3A_72 = arith.constant 0 : i32
      %dma_start3A_73 = arith.constant 0 : i32
      %dma_start3A_74 = arith.constant 0 : i32
      %dma_start3A_75 = tpu.memref_slice %arg9[%dma_start3A_72, %dma_start3A_73, %dma_start3A_74] : memref<2x128x128xf32, #tpu.memory_space<vmem>> -> memref<1x128x128xf32, #tpu.memory_space<vmem>>
      %dma_start3A_76 = tpu.memref_squeeze %dma_start3A_75 : memref<1x128x128xf32, #tpu.memory_space<vmem>> -> memref<128x128xf32, #tpu.memory_space<vmem>>
      %dma_start3A_77 = arith.constant 96 : i32
      %dma_start3A_78 = arith.constant 0 : i32
      %dma_start3A_79 = tpu.memref_slice %dma_start3A_76[%dma_start3A_77, %dma_start3A_78] : memref<128x128xf32, #tpu.memory_space<vmem>> -> memref<32x128xf32, #tpu.memory_space<vmem>>
      %dma_start3A_80 = arith.constant 0 : i32
      %dma_start3A_81 = tpu.memref_slice %arg7[%dma_start3A_71, %dma_start3A_80] : memref<40x128xi32, #tpu.memory_space<vmem>> -> memref<1x128xi32, #tpu.memory_space<vmem>>
      %dma_start3A_82 = tpu.memref_squeeze %dma_start3A_81 : memref<1x128xi32, #tpu.memory_space<vmem>> -> memref<128xi32, #tpu.memory_space<vmem>>
      %dma_start3A_83 = arith.constant 96 : i32
      %dma_start3A_84 = tpu.memref_slice %dma_start3A_82[%dma_start3A_83] : memref<128xi32, #tpu.memory_space<vmem>> -> memref<32xi32, #tpu.memory_space<vmem>>
      %dma_start3A_85 = arith.constant 0 : i32
      %dma_start3A_86 = arith.constant 0 : i32
      %dma_start3A_87 = tpu.memref_slice %arg2[%dma_start3A_85, %dma_start3A_86] : memref<10000x128xf32, #tpu.memory_space<hbm>> -> memref<10000x128xf32, #tpu.memory_space<hbm>>
      tpu.enqueue_indirect_dma source(%dma_start3A_87 : memref<10000x128xf32, #tpu.memory_space<hbm>>) target(%dma_start3A_79 : memref<32x128xf32, #tpu.memory_space<vmem>>) offsets(%dma_start3A_84 : memref<32xi32, #tpu.memory_space<vmem>>) semaphore(%arg11 : memref<!tpu.dma_semaphore, #tpu.memory_space<semaphore_mem>>)
      %dma_start3A_88 = arith.constant 1 : i32
      %dma_start3A_89 = arith.constant 1 : i32
      %dma_start3A_90 = arith.constant 0 : i32
      %dma_start3A_91 = arith.constant 0 : i32
      %dma_start3A_92 = tpu.memref_slice %arg9[%dma_start3A_89, %dma_start3A_90, %dma_start3A_91] : memref<2x128x128xf32, #tpu.memory_space<vmem>> -> memref<1x128x128xf32, #tpu.memory_space<vmem>>
      %dma_start3A_93 = tpu.memref_squeeze %dma_start3A_92 : memref<1x128x128xf32, #tpu.memory_space<vmem>> -> memref<128x128xf32, #tpu.memory_space<vmem>>
      %dma_start3A_94 = arith.constant 0 : i32
      %dma_start3A_95 = arith.constant 0 : i32
      %dma_start3A_96 = tpu.memref_slice %dma_start3A_93[%dma_start3A_94, %dma_start3A_95] : memref<128x128xf32, #tpu.memory_space<vmem>> -> memref<32x128xf32, #tpu.memory_space<vmem>>
      %dma_start3A_97 = arith.constant 0 : i32
      %dma_start3A_98 = tpu.memref_slice %arg7[%dma_start3A_88, %dma_start3A_97] : memref<40x128xi32, #tpu.memory_space<vmem>> -> memref<1x128xi32, #tpu.memory_space<vmem>>
      %dma_start3A_99 = tpu.memref_squeeze %dma_start3A_98 : memref<1x128xi32, #tpu.memory_space<vmem>> -> memref<128xi32, #tpu.memory_space<vmem>>
      %dma_start3A_100 = arith.constant 0 : i32
      %dma_start3A_101 = tpu.memref_slice %dma_start3A_99[%dma_start3A_100] : memref<128xi32, #tpu.memory_space<vmem>> -> memref<32xi32, #tpu.memory_space<vmem>>
      %dma_start3A_102 = arith.constant 0 : i32
      %dma_start3A_103 = arith.constant 0 : i32
      %dma_start3A_104 = tpu.memref_slice %arg2[%dma_start3A_102, %dma_start3A_103] : memref<10000x128xf32, #tpu.memory_space<hbm>> -> memref<10000x128xf32, #tpu.memory_space<hbm>>
      tpu.enqueue_indirect_dma source(%dma_start3A_104 : memref<10000x128xf32, #tpu.memory_space<hbm>>) target(%dma_start3A_96 : memref<32x128xf32, #tpu.memory_space<vmem>>) offsets(%dma_start3A_101 : memref<32xi32, #tpu.memory_space<vmem>>) semaphore(%arg12 : memref<!tpu.dma_semaphore, #tpu.memory_space<semaphore_mem>>)
      %dma_start3A_105 = arith.constant 1 : i32
      %dma_start3A_106 = arith.constant 1 : i32
      %dma_start3A_107 = arith.constant 0 : i32
      %dma_start3A_108 = arith.constant 0 : i32
      %dma_start3A_109 = tpu.memref_slice %arg9[%dma_start3A_106, %dma_start3A_107, %dma_start3A_108] : memref<2x128x128xf32, #tpu.memory_space<vmem>> -> memref<1x128x128xf32, #tpu.memory_space<vmem>>
      %dma_start3A_110 = tpu.memref_squeeze %dma_start3A_109 : memref<1x128x128xf32, #tpu.memory_space<vmem>> -> memref<128x128xf32, #tpu.memory_space<vmem>>
      %dma_start3A_111 = arith.constant 32 : i32
      %dma_start3A_112 = arith.constant 0 : i32
      %dma_start3A_113 = tpu.memref_slice %dma_start3A_110[%dma_start3A_111, %dma_start3A_112] : memref<128x128xf32, #tpu.memory_space<vmem>> -> memref<32x128xf32, #tpu.memory_space<vmem>>
      %dma_start3A_114 = arith.constant 0 : i32
      %dma_start3A_115 = tpu.memref_slice %arg7[%dma_start3A_105, %dma_start3A_114] : memref<40x128xi32, #tpu.memory_space<vmem>> -> memref<1x128xi32, #tpu.memory_space<vmem>>
      %dma_start3A_116 = tpu.memref_squeeze %dma_start3A_115 : memref<1x128xi32, #tpu.memory_space<vmem>> -> memref<128xi32, #tpu.memory_space<vmem>>
      %dma_start3A_117 = arith.constant 32 : i32
      %dma_start3A_118 = tpu.memref_slice %dma_start3A_116[%dma_start3A_117] : memref<128xi32, #tpu.memory_space<vmem>> -> memref<32xi32, #tpu.memory_space<vmem>>
      %dma_start3A_119 = arith.constant 0 : i32
      %dma_start3A_120 = arith.constant 0 : i32
      %dma_start3A_121 = tpu.memref_slice %arg2[%dma_start3A_119, %dma_start3A_120] : memref<10000x128xf32, #tpu.memory_space<hbm>> -> memref<10000x128xf32, #tpu.memory_space<hbm>>
      tpu.enqueue_indirect_dma source(%dma_start3A_121 : memref<10000x128xf32, #tpu.memory_space<hbm>>) target(%dma_start3A_113 : memref<32x128xf32, #tpu.memory_space<vmem>>) offsets(%dma_start3A_118 : memref<32xi32, #tpu.memory_space<vmem>>) semaphore(%arg12 : memref<!tpu.dma_semaphore, #tpu.memory_space<semaphore_mem>>)
      %dma_start3A_122 = arith.constant 1 : i32
      %dma_start3A_123 = arith.constant 1 : i32
      %dma_start3A_124 = arith.constant 0 : i32
      %dma_start3A_125 = arith.constant 0 : i32
      %dma_start3A_126 = tpu.memref_slice %arg9[%dma_start3A_123, %dma_start3A_124, %dma_start3A_125] : memref<2x128x128xf32, #tpu.memory_space<vmem>> -> memref<1x128x128xf32, #tpu.memory_space<vmem>>
      %dma_start3A_127 = tpu.memref_squeeze %dma_start3A_126 : memref<1x128x128xf32, #tpu.memory_space<vmem>> -> memref<128x128xf32, #tpu.memory_space<vmem>>
      %dma_start3A_128 = arith.constant 64 : i32
      %dma_start3A_129 = arith.constant 0 : i32
      %dma_start3A_130 = tpu.memref_slice %dma_start3A_127[%dma_start3A_128, %dma_start3A_129] : memref<128x128xf32, #tpu.memory_space<vmem>> -> memref<32x128xf32, #tpu.memory_space<vmem>>
      %dma_start3A_131 = arith.constant 0 : i32
      %dma_start3A_132 = tpu.memref_slice %arg7[%dma_start3A_122, %dma_start3A_131] : memref<40x128xi32, #tpu.memory_space<vmem>> -> memref<1x128xi32, #tpu.memory_space<vmem>>
      %dma_start3A_133 = tpu.memref_squeeze %dma_start3A_132 : memref<1x128xi32, #tpu.memory_space<vmem>> -> memref<128xi32, #tpu.memory_space<vmem>>
      %dma_start3A_134 = arith.constant 64 : i32
      %dma_start3A_135 = tpu.memref_slice %dma_start3A_133[%dma_start3A_134] : memref<128xi32, #tpu.memory_space<vmem>> -> memref<32xi32, #tpu.memory_space<vmem>>
      %dma_start3A_136 = arith.constant 0 : i32
      %dma_start3A_137 = arith.constant 0 : i32
      %dma_start3A_138 = tpu.memref_slice %arg2[%dma_start3A_136, %dma_start3A_137] : memref<10000x128xf32, #tpu.memory_space<hbm>> -> memref<10000x128xf32, #tpu.memory_space<hbm>>
      tpu.enqueue_indirect_dma source(%dma_start3A_138 : memref<10000x128xf32, #tpu.memory_space<hbm>>) target(%dma_start3A_130 : memref<32x128xf32, #tpu.memory_space<vmem>>) offsets(%dma_start3A_135 : memref<32xi32, #tpu.memory_space<vmem>>) semaphore(%arg12 : memref<!tpu.dma_semaphore, #tpu.memory_space<semaphore_mem>>)
      %dma_start3A_139 = arith.constant 1 : i32
      %dma_start3A_140 = arith.constant 1 : i32
      %dma_start3A_141 = arith.constant 0 : i32
      %dma_start3A_142 = arith.constant 0 : i32
      %dma_start3A_143 = tpu.memref_slice %arg9[%dma_start3A_140, %dma_start3A_141, %dma_start3A_142] : memref<2x128x128xf32, #tpu.memory_space<vmem>> -> memref<1x128x128xf32, #tpu.memory_space<vmem>>
      %dma_start3A_144 = tpu.memref_squeeze %dma_start3A_143 : memref<1x128x128xf32, #tpu.memory_space<vmem>> -> memref<128x128xf32, #tpu.memory_space<vmem>>
      %dma_start3A_145 = arith.constant 96 : i32
      %dma_start3A_146 = arith.constant 0 : i32
      %dma_start3A_147 = tpu.memref_slice %dma_start3A_144[%dma_start3A_145, %dma_start3A_146] : memref<128x128xf32, #tpu.memory_space<vmem>> -> memref<32x128xf32, #tpu.memory_space<vmem>>
      %dma_start3A_148 = arith.constant 0 : i32
      %dma_start3A_149 = tpu.memref_slice %arg7[%dma_start3A_139, %dma_start3A_148] : memref<40x128xi32, #tpu.memory_space<vmem>> -> memref<1x128xi32, #tpu.memory_space<vmem>>
      %dma_start3A_150 = tpu.memref_squeeze %dma_start3A_149 : memref<1x128xi32, #tpu.memory_space<vmem>> -> memref<128xi32, #tpu.memory_space<vmem>>
      %dma_start3A_151 = arith.constant 96 : i32
      %dma_start3A_152 = tpu.memref_slice %dma_start3A_150[%dma_start3A_151] : memref<128xi32, #tpu.memory_space<vmem>> -> memref<32xi32, #tpu.memory_space<vmem>>
      %dma_start3A_153 = arith.constant 0 : i32
      %dma_start3A_154 = arith.constant 0 : i32
      %dma_start3A_155 = tpu.memref_slice %arg2[%dma_start3A_153, %dma_start3A_154] : memref<10000x128xf32, #tpu.memory_space<hbm>> -> memref<10000x128xf32, #tpu.memory_space<hbm>>
      tpu.enqueue_indirect_dma source(%dma_start3A_155 : memref<10000x128xf32, #tpu.memory_space<hbm>>) target(%dma_start3A_147 : memref<32x128xf32, #tpu.memory_space<vmem>>) offsets(%dma_start3A_152 : memref<32xi32, #tpu.memory_space<vmem>>) semaphore(%arg12 : memref<!tpu.dma_semaphore, #tpu.memory_space<semaphore_mem>>)
      %scan3A_156 = arith.constant 0 : i32
      %scan3A_157 = arith.constant 20 : i32
      %scan3A_158 = arith.addi %scan3A_156, %scan3A_157 : i32
      %scan3A_159 = arith.constant 1 : i32
      scf.for %scan3A_161 = %scan3A_156 to %scan3A_158 step %scan3A_159  : i32 {
        %mul3A_162 = arith.constant 2 : i32
        %mul3A_163 = arith.muli %scan3A_161, %mul3A_162 : i32
        %add3A_164 = arith.constant 0 : i32
        %add3A_165 = arith.addi %add3A_164, %mul3A_163 : i32
        %dma_wait3A = arith.constant 0 : i32
        %dma_wait3A_166 = arith.constant 0 : i32
        %dma_wait3A_167 = arith.constant 0 : i32
        %dma_wait3A_168 = tpu.memref_slice %arg9[%dma_wait3A, %dma_wait3A_166, %dma_wait3A_167] : memref<2x128x128xf32, #tpu.memory_space<vmem>> -> memref<1x128x128xf32, #tpu.memory_space<vmem>>
        %dma_wait3A_169 = tpu.memref_squeeze %dma_wait3A_168 : memref<1x128x128xf32, #tpu.memory_space<vmem>> -> memref<128x128xf32, #tpu.memory_space<vmem>>
        %dma_wait3A_170 = arith.constant 0 : i32
        %dma_wait3A_171 = arith.constant 0 : i32
        %dma_wait3A_172 = tpu.memref_slice %arg9[%dma_wait3A, %dma_wait3A_170, %dma_wait3A_171] : memref<2x128x128xf32, #tpu.memory_space<vmem>> -> memref<1x128x128xf32, #tpu.memory_space<vmem>>
        %dma_wait3A_173 = tpu.memref_squeeze %dma_wait3A_172 : memref<1x128x128xf32, #tpu.memory_space<vmem>> -> memref<128x128xf32, #tpu.memory_space<vmem>>
        tpu.wait_dma2 semaphore(%arg11 : memref<!tpu.dma_semaphore, #tpu.memory_space<semaphore_mem>>) src(%arg5 : memref<128x128xf32, #tpu.memory_space<hbm>>) dst(%dma_wait3A_173 : memref<128x128xf32, #tpu.memory_space<vmem>>)
        %add3A_174 = arith.constant 0 : i32
        %add3A_175 = arith.addi %add3A_165, %add3A_174 : i32
        %run_scoped3A_176 = arith.constant 0 : i32
        "tpu.region"() ({
          %run_scoped3A_204 = tpu.sem_alloc : memref<!tpu.dma_semaphore, #tpu.memory_space<semaphore_mem>>
          %dma_start3A_205 = arith.constant 0 : i32
          %dma_start3A_206 = arith.constant 0 : i32
          %dma_start3A_207 = tpu.memref_slice %arg9[%run_scoped3A_176, %dma_start3A_205, %dma_start3A_206] : memref<2x128x128xf32, #tpu.memory_space<vmem>> -> memref<1x128x128xf32, #tpu.memory_space<vmem>>
          %dma_start3A_208 = tpu.memref_squeeze %dma_start3A_207 : memref<1x128x128xf32, #tpu.memory_space<vmem>> -> memref<128x128xf32, #tpu.memory_space<vmem>>
          %dma_start3A_209 = arith.constant 0 : i32
          %dma_start3A_210 = tpu.memref_slice %arg8[%add3A_175, %dma_start3A_209] : memref<40x128xi32, #tpu.memory_space<vmem>> -> memref<1x128xi32, #tpu.memory_space<vmem>>
          %dma_start3A_211 = tpu.memref_squeeze %dma_start3A_210 : memref<1x128xi32, #tpu.memory_space<vmem>> -> memref<128xi32, #tpu.memory_space<vmem>>
          %dma_start3A_212 = arith.constant 0 : i32
          %dma_start3A_213 = arith.constant 0 : i32
          %dma_start3A_214 = tpu.memref_slice %arg10[%dma_start3A_212, %dma_start3A_213] : memref<10240x128xf32, #tpu.memory_space<vmem_shared>> -> memref<10240x128xf32, #tpu.memory_space<vmem_shared>>
          tpu.enqueue_indirect_dma source(%dma_start3A_208 : memref<128x128xf32, #tpu.memory_space<vmem>>) target(%dma_start3A_214 : memref<10240x128xf32, #tpu.memory_space<vmem_shared>>) offsets(%dma_start3A_211 : memref<128xi32, #tpu.memory_space<vmem>>) semaphore(%run_scoped3A_204 : memref<!tpu.dma_semaphore, #tpu.memory_space<semaphore_mem>>) {add = true}
          %dma_wait3A_215 = arith.constant 0 : i32
          %dma_wait3A_216 = arith.constant 0 : i32
          %dma_wait3A_217 = tpu.memref_slice %arg9[%run_scoped3A_176, %dma_wait3A_215, %dma_wait3A_216] : memref<2x128x128xf32, #tpu.memory_space<vmem>> -> memref<1x128x128xf32, #tpu.memory_space<vmem>>
          %dma_wait3A_218 = tpu.memref_squeeze %dma_wait3A_217 : memref<1x128x128xf32, #tpu.memory_space<vmem>> -> memref<128x128xf32, #tpu.memory_space<vmem>>
          %dma_wait3A_219 = arith.constant 0 : i32
          %dma_wait3A_220 = tpu.memref_slice %arg8[%add3A_175, %dma_wait3A_219] : memref<40x128xi32, #tpu.memory_space<vmem>> -> memref<1x128xi32, #tpu.memory_space<vmem>>
          %dma_wait3A_221 = tpu.memref_squeeze %dma_wait3A_220 : memref<1x128xi32, #tpu.memory_space<vmem>> -> memref<128xi32, #tpu.memory_space<vmem>>
          %dma_wait3A_222 = arith.constant 0 : i32
          %dma_wait3A_223 = arith.constant 0 : i32
          %dma_wait3A_224 = tpu.memref_slice %arg10[%dma_wait3A_222, %dma_wait3A_223] : memref<10240x128xf32, #tpu.memory_space<vmem_shared>> -> memref<10240x128xf32, #tpu.memory_space<vmem_shared>>
          tpu.wait_indirect_dma semaphore(%run_scoped3A_204 : memref<!tpu.dma_semaphore, #tpu.memory_space<semaphore_mem>>) src(%dma_wait3A_218 : memref<128x128xf32, #tpu.memory_space<vmem>>) dst(%dma_wait3A_224 : memref<10240x128xf32, #tpu.memory_space<vmem_shared>>)
          tpu.yield
        }) : () -> ()
        %add3A_177 = arith.constant 0 : i32
        %add3A_178 = arith.addi %add3A_165, %add3A_177 : i32
        %add3A_179 = arith.constant 2 : i32
        %add3A_180 = arith.addi %add3A_178, %add3A_179 : i32
        %lt3A = arith.constant 40 : i32
        %lt3A_181 = arith.cmpi slt, %add3A_180, %lt3A : i32
        %convert_element_type3A = arith.extui %lt3A_181 : i1 to i32
        %cond3A = arith.constant 0 : i32
        %cond3A_182 = arith.cmpi ne, %convert_element_type3A, %cond3A : i32
        scf.if %cond3A_182 {
          %add3A_204 = arith.constant 0 : i32
          %add3A_205 = arith.addi %add3A_165, %add3A_204 : i32
          %add3A_206 = arith.constant 2 : i32
          %add3A_207 = arith.addi %add3A_205, %add3A_206 : i32
          %dma_start3A_208 = arith.constant 0 : i32
          %dma_start3A_209 = arith.constant 0 : i32
          %dma_start3A_210 = arith.constant 0 : i32
          %dma_start3A_211 = tpu.memref_slice %arg9[%dma_start3A_208, %dma_start3A_209, %dma_start3A_210] : memref<2x128x128xf32, #tpu.memory_space<vmem>> -> memref<1x128x128xf32, #tpu.memory_space<vmem>>
          %dma_start3A_212 = tpu.memref_squeeze %dma_start3A_211 : memref<1x128x128xf32, #tpu.memory_space<vmem>> -> memref<128x128xf32, #tpu.memory_space<vmem>>
          %dma_start3A_213 = arith.constant 0 : i32
          %dma_start3A_214 = arith.constant 0 : i32
          %dma_start3A_215 = tpu.memref_slice %dma_start3A_212[%dma_start3A_213, %dma_start3A_214] : memref<128x128xf32, #tpu.memory_space<vmem>> -> memref<32x128xf32, #tpu.memory_space<vmem>>
          %dma_start3A_216 = arith.constant 0 : i32
          %dma_start3A_217 = tpu.memref_slice %arg7[%add3A_207, %dma_start3A_216] : memref<40x128xi32, #tpu.memory_space<vmem>> -> memref<1x128xi32, #tpu.memory_space<vmem>>
          %dma_start3A_218 = tpu.memref_squeeze %dma_start3A_217 : memref<1x128xi32, #tpu.memory_space<vmem>> -> memref<128xi32, #tpu.memory_space<vmem>>
          %dma_start3A_219 = arith.constant 0 : i32
          %dma_start3A_220 = tpu.memref_slice %dma_start3A_218[%dma_start3A_219] : memref<128xi32, #tpu.memory_space<vmem>> -> memref<32xi32, #tpu.memory_space<vmem>>
          %dma_start3A_221 = arith.constant 0 : i32
          %dma_start3A_222 = arith.constant 0 : i32
          %dma_start3A_223 = tpu.memref_slice %arg2[%dma_start3A_221, %dma_start3A_222] : memref<10000x128xf32, #tpu.memory_space<hbm>> -> memref<10000x128xf32, #tpu.memory_space<hbm>>
          tpu.enqueue_indirect_dma source(%dma_start3A_223 : memref<10000x128xf32, #tpu.memory_space<hbm>>) target(%dma_start3A_215 : memref<32x128xf32, #tpu.memory_space<vmem>>) offsets(%dma_start3A_220 : memref<32xi32, #tpu.memory_space<vmem>>) semaphore(%arg11 : memref<!tpu.dma_semaphore, #tpu.memory_space<semaphore_mem>>)
          %dma_start3A_224 = arith.constant 0 : i32
          %dma_start3A_225 = arith.constant 0 : i32
          %dma_start3A_226 = arith.constant 0 : i32
          %dma_start3A_227 = tpu.memref_slice %arg9[%dma_start3A_224, %dma_start3A_225, %dma_start3A_226] : memref<2x128x128xf32, #tpu.memory_space<vmem>> -> memref<1x128x128xf32, #tpu.memory_space<vmem>>
          %dma_start3A_228 = tpu.memref_squeeze %dma_start3A_227 : memref<1x128x128xf32, #tpu.memory_space<vmem>> -> memref<128x128xf32, #tpu.memory_space<vmem>>
          %dma_start3A_229 = arith.constant 32 : i32
          %dma_start3A_230 = arith.constant 0 : i32
          %dma_start3A_231 = tpu.memref_slice %dma_start3A_228[%dma_start3A_229, %dma_start3A_230] : memref<128x128xf32, #tpu.memory_space<vmem>> -> memref<32x128xf32, #tpu.memory_space<vmem>>
          %dma_start3A_232 = arith.constant 0 : i32
          %dma_start3A_233 = tpu.memref_slice %arg7[%add3A_207, %dma_start3A_232] : memref<40x128xi32, #tpu.memory_space<vmem>> -> memref<1x128xi32, #tpu.memory_space<vmem>>
          %dma_start3A_234 = tpu.memref_squeeze %dma_start3A_233 : memref<1x128xi32, #tpu.memory_space<vmem>> -> memref<128xi32, #tpu.memory_space<vmem>>
          %dma_start3A_235 = arith.constant 32 : i32
          %dma_start3A_236 = tpu.memref_slice %dma_start3A_234[%dma_start3A_235] : memref<128xi32, #tpu.memory_space<vmem>> -> memref<32xi32, #tpu.memory_space<vmem>>
          %dma_start3A_237 = arith.constant 0 : i32
          %dma_start3A_238 = arith.constant 0 : i32
          %dma_start3A_239 = tpu.memref_slice %arg2[%dma_start3A_237, %dma_start3A_238] : memref<10000x128xf32, #tpu.memory_space<hbm>> -> memref<10000x128xf32, #tpu.memory_space<hbm>>
          tpu.enqueue_indirect_dma source(%dma_start3A_239 : memref<10000x128xf32, #tpu.memory_space<hbm>>) target(%dma_start3A_231 : memref<32x128xf32, #tpu.memory_space<vmem>>) offsets(%dma_start3A_236 : memref<32xi32, #tpu.memory_space<vmem>>) semaphore(%arg11 : memref<!tpu.dma_semaphore, #tpu.memory_space<semaphore_mem>>)
          %dma_start3A_240 = arith.constant 0 : i32
          %dma_start3A_241 = arith.constant 0 : i32
          %dma_start3A_242 = arith.constant 0 : i32
          %dma_start3A_243 = tpu.memref_slice %arg9[%dma_start3A_240, %dma_start3A_241, %dma_start3A_242] : memref<2x128x128xf32, #tpu.memory_space<vmem>> -> memref<1x128x128xf32, #tpu.memory_space<vmem>>
          %dma_start3A_244 = tpu.memref_squeeze %dma_start3A_243 : memref<1x128x128xf32, #tpu.memory_space<vmem>> -> memref<128x128xf32, #tpu.memory_space<vmem>>
          %dma_start3A_245 = arith.constant 64 : i32
          %dma_start3A_246 = arith.constant 0 : i32
          %dma_start3A_247 = tpu.memref_slice %dma_start3A_244[%dma_start3A_245, %dma_start3A_246] : memref<128x128xf32, #tpu.memory_space<vmem>> -> memref<32x128xf32, #tpu.memory_space<vmem>>
          %dma_start3A_248 = arith.constant 0 : i32
          %dma_start3A_249 = tpu.memref_slice %arg7[%add3A_207, %dma_start3A_248] : memref<40x128xi32, #tpu.memory_space<vmem>> -> memref<1x128xi32, #tpu.memory_space<vmem>>
          %dma_start3A_250 = tpu.memref_squeeze %dma_start3A_249 : memref<1x128xi32, #tpu.memory_space<vmem>> -> memref<128xi32, #tpu.memory_space<vmem>>
          %dma_start3A_251 = arith.constant 64 : i32
          %dma_start3A_252 = tpu.memref_slice %dma_start3A_250[%dma_start3A_251] : memref<128xi32, #tpu.memory_space<vmem>> -> memref<32xi32, #tpu.memory_space<vmem>>
          %dma_start3A_253 = arith.constant 0 : i32
          %dma_start3A_254 = arith.constant 0 : i32
          %dma_start3A_255 = tpu.memref_slice %arg2[%dma_start3A_253, %dma_start3A_254] : memref<10000x128xf32, #tpu.memory_space<hbm>> -> memref<10000x128xf32, #tpu.memory_space<hbm>>
          tpu.enqueue_indirect_dma source(%dma_start3A_255 : memref<10000x128xf32, #tpu.memory_space<hbm>>) target(%dma_start3A_247 : memref<32x128xf32, #tpu.memory_space<vmem>>) offsets(%dma_start3A_252 : memref<32xi32, #tpu.memory_space<vmem>>) semaphore(%arg11 : memref<!tpu.dma_semaphore, #tpu.memory_space<semaphore_mem>>)
          %dma_start3A_256 = arith.constant 0 : i32
          %dma_start3A_257 = arith.constant 0 : i32
          %dma_start3A_258 = arith.constant 0 : i32
          %dma_start3A_259 = tpu.memref_slice %arg9[%dma_start3A_256, %dma_start3A_257, %dma_start3A_258] : memref<2x128x128xf32, #tpu.memory_space<vmem>> -> memref<1x128x128xf32, #tpu.memory_space<vmem>>
          %dma_start3A_260 = tpu.memref_squeeze %dma_start3A_259 : memref<1x128x128xf32, #tpu.memory_space<vmem>> -> memref<128x128xf32, #tpu.memory_space<vmem>>
          %dma_start3A_261 = arith.constant 96 : i32
          %dma_start3A_262 = arith.constant 0 : i32
          %dma_start3A_263 = tpu.memref_slice %dma_start3A_260[%dma_start3A_261, %dma_start3A_262] : memref<128x128xf32, #tpu.memory_space<vmem>> -> memref<32x128xf32, #tpu.memory_space<vmem>>
          %dma_start3A_264 = arith.constant 0 : i32
          %dma_start3A_265 = tpu.memref_slice %arg7[%add3A_207, %dma_start3A_264] : memref<40x128xi32, #tpu.memory_space<vmem>> -> memref<1x128xi32, #tpu.memory_space<vmem>>
          %dma_start3A_266 = tpu.memref_squeeze %dma_start3A_265 : memref<1x128xi32, #tpu.memory_space<vmem>> -> memref<128xi32, #tpu.memory_space<vmem>>
          %dma_start3A_267 = arith.constant 96 : i32
          %dma_start3A_268 = tpu.memref_slice %dma_start3A_266[%dma_start3A_267] : memref<128xi32, #tpu.memory_space<vmem>> -> memref<32xi32, #tpu.memory_space<vmem>>
          %dma_start3A_269 = arith.constant 0 : i32
          %dma_start3A_270 = arith.constant 0 : i32
          %dma_start3A_271 = tpu.memref_slice %arg2[%dma_start3A_269, %dma_start3A_270] : memref<10000x128xf32, #tpu.memory_space<hbm>> -> memref<10000x128xf32, #tpu.memory_space<hbm>>
          tpu.enqueue_indirect_dma source(%dma_start3A_271 : memref<10000x128xf32, #tpu.memory_space<hbm>>) target(%dma_start3A_263 : memref<32x128xf32, #tpu.memory_space<vmem>>) offsets(%dma_start3A_268 : memref<32xi32, #tpu.memory_space<vmem>>) semaphore(%arg11 : memref<!tpu.dma_semaphore, #tpu.memory_space<semaphore_mem>>)
        } else {
        }
        %dma_wait3A_183 = arith.constant 1 : i32
        %dma_wait3A_184 = arith.constant 0 : i32
        %dma_wait3A_185 = arith.constant 0 : i32
        %dma_wait3A_186 = tpu.memref_slice %arg9[%dma_wait3A_183, %dma_wait3A_184, %dma_wait3A_185] : memref<2x128x128xf32, #tpu.memory_space<vmem>> -> memref<1x128x128xf32, #tpu.memory_space<vmem>>
        %dma_wait3A_187 = tpu.memref_squeeze %dma_wait3A_186 : memref<1x128x128xf32, #tpu.memory_space<vmem>> -> memref<128x128xf32, #tpu.memory_space<vmem>>
        %dma_wait3A_188 = arith.constant 0 : i32
        %dma_wait3A_189 = arith.constant 0 : i32
        %dma_wait3A_190 = tpu.memref_slice %arg9[%dma_wait3A_183, %dma_wait3A_188, %dma_wait3A_189] : memref<2x128x128xf32, #tpu.memory_space<vmem>> -> memref<1x128x128xf32, #tpu.memory_space<vmem>>
        %dma_wait3A_191 = tpu.memref_squeeze %dma_wait3A_190 : memref<1x128x128xf32, #tpu.memory_space<vmem>> -> memref<128x128xf32, #tpu.memory_space<vmem>>
        tpu.wait_dma2 semaphore(%arg12 : memref<!tpu.dma_semaphore, #tpu.memory_space<semaphore_mem>>) src(%arg5 : memref<128x128xf32, #tpu.memory_space<hbm>>) dst(%dma_wait3A_191 : memref<128x128xf32, #tpu.memory_space<vmem>>)
        %add3A_192 = arith.constant 1 : i32
        %add3A_193 = arith.addi %add3A_165, %add3A_192 : i32
        %run_scoped3A_194 = arith.constant 1 : i32
        "tpu.region"() ({
          %run_scoped3A_204 = tpu.sem_alloc : memref<!tpu.dma_semaphore, #tpu.memory_space<semaphore_mem>>
          %dma_start3A_205 = arith.constant 0 : i32
          %dma_start3A_206 = arith.constant 0 : i32
          %dma_start3A_207 = tpu.memref_slice %arg9[%run_scoped3A_194, %dma_start3A_205, %dma_start3A_206] : memref<2x128x128xf32, #tpu.memory_space<vmem>> -> memref<1x128x128xf32, #tpu.memory_space<vmem>>
          %dma_start3A_208 = tpu.memref_squeeze %dma_start3A_207 : memref<1x128x128xf32, #tpu.memory_space<vmem>> -> memref<128x128xf32, #tpu.memory_space<vmem>>
          %dma_start3A_209 = arith.constant 0 : i32
          %dma_start3A_210 = tpu.memref_slice %arg8[%add3A_193, %dma_start3A_209] : memref<40x128xi32, #tpu.memory_space<vmem>> -> memref<1x128xi32, #tpu.memory_space<vmem>>
          %dma_start3A_211 = tpu.memref_squeeze %dma_start3A_210 : memref<1x128xi32, #tpu.memory_space<vmem>> -> memref<128xi32, #tpu.memory_space<vmem>>
          %dma_start3A_212 = arith.constant 0 : i32
          %dma_start3A_213 = arith.constant 0 : i32
          %dma_start3A_214 = tpu.memref_slice %arg10[%dma_start3A_212, %dma_start3A_213] : memref<10240x128xf32, #tpu.memory_space<vmem_shared>> -> memref<10240x128xf32, #tpu.memory_space<vmem_shared>>
          tpu.enqueue_indirect_dma source(%dma_start3A_208 : memref<128x128xf32, #tpu.memory_space<vmem>>) target(%dma_start3A_214 : memref<10240x128xf32, #tpu.memory_space<vmem_shared>>) offsets(%dma_start3A_211 : memref<128xi32, #tpu.memory_space<vmem>>) semaphore(%run_scoped3A_204 : memref<!tpu.dma_semaphore, #tpu.memory_space<semaphore_mem>>) {add = true}
          %dma_wait3A_215 = arith.constant 0 : i32
          %dma_wait3A_216 = arith.constant 0 : i32
          %dma_wait3A_217 = tpu.memref_slice %arg9[%run_scoped3A_194, %dma_wait3A_215, %dma_wait3A_216] : memref<2x128x128xf32, #tpu.memory_space<vmem>> -> memref<1x128x128xf32, #tpu.memory_space<vmem>>
          %dma_wait3A_218 = tpu.memref_squeeze %dma_wait3A_217 : memref<1x128x128xf32, #tpu.memory_space<vmem>> -> memref<128x128xf32, #tpu.memory_space<vmem>>
          %dma_wait3A_219 = arith.constant 0 : i32
          %dma_wait3A_220 = tpu.memref_slice %arg8[%add3A_193, %dma_wait3A_219] : memref<40x128xi32, #tpu.memory_space<vmem>> -> memref<1x128xi32, #tpu.memory_space<vmem>>
          %dma_wait3A_221 = tpu.memref_squeeze %dma_wait3A_220 : memref<1x128xi32, #tpu.memory_space<vmem>> -> memref<128xi32, #tpu.memory_space<vmem>>
          %dma_wait3A_222 = arith.constant 0 : i32
          %dma_wait3A_223 = arith.constant 0 : i32
          %dma_wait3A_224 = tpu.memref_slice %arg10[%dma_wait3A_222, %dma_wait3A_223] : memref<10240x128xf32, #tpu.memory_space<vmem_shared>> -> memref<10240x128xf32, #tpu.memory_space<vmem_shared>>
          tpu.wait_indirect_dma semaphore(%run_scoped3A_204 : memref<!tpu.dma_semaphore, #tpu.memory_space<semaphore_mem>>) src(%dma_wait3A_218 : memref<128x128xf32, #tpu.memory_space<vmem>>) dst(%dma_wait3A_224 : memref<10240x128xf32, #tpu.memory_space<vmem_shared>>)
          tpu.yield
        }) : () -> ()
        %add3A_195 = arith.constant 1 : i32
        %add3A_196 = arith.addi %add3A_165, %add3A_195 : i32
        %add3A_197 = arith.constant 2 : i32
        %add3A_198 = arith.addi %add3A_196, %add3A_197 : i32
        %lt3A_199 = arith.constant 40 : i32
        %lt3A_200 = arith.cmpi slt, %add3A_198, %lt3A_199 : i32
        %convert_element_type3A_201 = arith.extui %lt3A_200 : i1 to i32
        %cond3A_202 = arith.constant 0 : i32
        %cond3A_203 = arith.cmpi ne, %convert_element_type3A_201, %cond3A_202 : i32
        scf.if %cond3A_203 {
          %add3A_204 = arith.constant 1 : i32
          %add3A_205 = arith.addi %add3A_165, %add3A_204 : i32
          %add3A_206 = arith.constant 2 : i32
          %add3A_207 = arith.addi %add3A_205, %add3A_206 : i32
          %dma_start3A_208 = arith.constant 1 : i32
          %dma_start3A_209 = arith.constant 0 : i32
          %dma_start3A_210 = arith.constant 0 : i32
          %dma_start3A_211 = tpu.memref_slice %arg9[%dma_start3A_208, %dma_start3A_209, %dma_start3A_210] : memref<2x128x128xf32, #tpu.memory_space<vmem>> -> memref<1x128x128xf32, #tpu.memory_space<vmem>>
          %dma_start3A_212 = tpu.memref_squeeze %dma_start3A_211 : memref<1x128x128xf32, #tpu.memory_space<vmem>> -> memref<128x128xf32, #tpu.memory_space<vmem>>
          %dma_start3A_213 = arith.constant 0 : i32
          %dma_start3A_214 = arith.constant 0 : i32
          %dma_start3A_215 = tpu.memref_slice %dma_start3A_212[%dma_start3A_213, %dma_start3A_214] : memref<128x128xf32, #tpu.memory_space<vmem>> -> memref<32x128xf32, #tpu.memory_space<vmem>>
          %dma_start3A_216 = arith.constant 0 : i32
          %dma_start3A_217 = tpu.memref_slice %arg7[%add3A_207, %dma_start3A_216] : memref<40x128xi32, #tpu.memory_space<vmem>> -> memref<1x128xi32, #tpu.memory_space<vmem>>
          %dma_start3A_218 = tpu.memref_squeeze %dma_start3A_217 : memref<1x128xi32, #tpu.memory_space<vmem>> -> memref<128xi32, #tpu.memory_space<vmem>>
          %dma_start3A_219 = arith.constant 0 : i32
          %dma_start3A_220 = tpu.memref_slice %dma_start3A_218[%dma_start3A_219] : memref<128xi32, #tpu.memory_space<vmem>> -> memref<32xi32, #tpu.memory_space<vmem>>
          %dma_start3A_221 = arith.constant 0 : i32
          %dma_start3A_222 = arith.constant 0 : i32
          %dma_start3A_223 = tpu.memref_slice %arg2[%dma_start3A_221, %dma_start3A_222] : memref<10000x128xf32, #tpu.memory_space<hbm>> -> memref<10000x128xf32, #tpu.memory_space<hbm>>
          tpu.enqueue_indirect_dma source(%dma_start3A_223 : memref<10000x128xf32, #tpu.memory_space<hbm>>) target(%dma_start3A_215 : memref<32x128xf32, #tpu.memory_space<vmem>>) offsets(%dma_start3A_220 : memref<32xi32, #tpu.memory_space<vmem>>) semaphore(%arg12 : memref<!tpu.dma_semaphore, #tpu.memory_space<semaphore_mem>>)
          %dma_start3A_224 = arith.constant 1 : i32
          %dma_start3A_225 = arith.constant 0 : i32
          %dma_start3A_226 = arith.constant 0 : i32
          %dma_start3A_227 = tpu.memref_slice %arg9[%dma_start3A_224, %dma_start3A_225, %dma_start3A_226] : memref<2x128x128xf32, #tpu.memory_space<vmem>> -> memref<1x128x128xf32, #tpu.memory_space<vmem>>
          %dma_start3A_228 = tpu.memref_squeeze %dma_start3A_227 : memref<1x128x128xf32, #tpu.memory_space<vmem>> -> memref<128x128xf32, #tpu.memory_space<vmem>>
          %dma_start3A_229 = arith.constant 32 : i32
          %dma_start3A_230 = arith.constant 0 : i32
          %dma_start3A_231 = tpu.memref_slice %dma_start3A_228[%dma_start3A_229, %dma_start3A_230] : memref<128x128xf32, #tpu.memory_space<vmem>> -> memref<32x128xf32, #tpu.memory_space<vmem>>
          %dma_start3A_232 = arith.constant 0 : i32
          %dma_start3A_233 = tpu.memref_slice %arg7[%add3A_207, %dma_start3A_232] : memref<40x128xi32, #tpu.memory_space<vmem>> -> memref<1x128xi32, #tpu.memory_space<vmem>>
          %dma_start3A_234 = tpu.memref_squeeze %dma_start3A_233 : memref<1x128xi32, #tpu.memory_space<vmem>> -> memref<128xi32, #tpu.memory_space<vmem>>
          %dma_start3A_235 = arith.constant 32 : i32
          %dma_start3A_236 = tpu.memref_slice %dma_start3A_234[%dma_start3A_235] : memref<128xi32, #tpu.memory_space<vmem>> -> memref<32xi32, #tpu.memory_space<vmem>>
          %dma_start3A_237 = arith.constant 0 : i32
          %dma_start3A_238 = arith.constant 0 : i32
          %dma_start3A_239 = tpu.memref_slice %arg2[%dma_start3A_237, %dma_start3A_238] : memref<10000x128xf32, #tpu.memory_space<hbm>> -> memref<10000x128xf32, #tpu.memory_space<hbm>>
          tpu.enqueue_indirect_dma source(%dma_start3A_239 : memref<10000x128xf32, #tpu.memory_space<hbm>>) target(%dma_start3A_231 : memref<32x128xf32, #tpu.memory_space<vmem>>) offsets(%dma_start3A_236 : memref<32xi32, #tpu.memory_space<vmem>>) semaphore(%arg12 : memref<!tpu.dma_semaphore, #tpu.memory_space<semaphore_mem>>)
          %dma_start3A_240 = arith.constant 1 : i32
          %dma_start3A_241 = arith.constant 0 : i32
          %dma_start3A_242 = arith.constant 0 : i32
          %dma_start3A_243 = tpu.memref_slice %arg9[%dma_start3A_240, %dma_start3A_241, %dma_start3A_242] : memref<2x128x128xf32, #tpu.memory_space<vmem>> -> memref<1x128x128xf32, #tpu.memory_space<vmem>>
          %dma_start3A_244 = tpu.memref_squeeze %dma_start3A_243 : memref<1x128x128xf32, #tpu.memory_space<vmem>> -> memref<128x128xf32, #tpu.memory_space<vmem>>
          %dma_start3A_245 = arith.constant 64 : i32
          %dma_start3A_246 = arith.constant 0 : i32
          %dma_start3A_247 = tpu.memref_slice %dma_start3A_244[%dma_start3A_245, %dma_start3A_246] : memref<128x128xf32, #tpu.memory_space<vmem>> -> memref<32x128xf32, #tpu.memory_space<vmem>>
          %dma_start3A_248 = arith.constant 0 : i32
          %dma_start3A_249 = tpu.memref_slice %arg7[%add3A_207, %dma_start3A_248] : memref<40x128xi32, #tpu.memory_space<vmem>> -> memref<1x128xi32, #tpu.memory_space<vmem>>
          %dma_start3A_250 = tpu.memref_squeeze %dma_start3A_249 : memref<1x128xi32, #tpu.memory_space<vmem>> -> memref<128xi32, #tpu.memory_space<vmem>>
          %dma_start3A_251 = arith.constant 64 : i32
          %dma_start3A_252 = tpu.memref_slice %dma_start3A_250[%dma_start3A_251] : memref<128xi32, #tpu.memory_space<vmem>> -> memref<32xi32, #tpu.memory_space<vmem>>
          %dma_start3A_253 = arith.constant 0 : i32
          %dma_start3A_254 = arith.constant 0 : i32
          %dma_start3A_255 = tpu.memref_slice %arg2[%dma_start3A_253, %dma_start3A_254] : memref<10000x128xf32, #tpu.memory_space<hbm>> -> memref<10000x128xf32, #tpu.memory_space<hbm>>
          tpu.enqueue_indirect_dma source(%dma_start3A_255 : memref<10000x128xf32, #tpu.memory_space<hbm>>) target(%dma_start3A_247 : memref<32x128xf32, #tpu.memory_space<vmem>>) offsets(%dma_start3A_252 : memref<32xi32, #tpu.memory_space<vmem>>) semaphore(%arg12 : memref<!tpu.dma_semaphore, #tpu.memory_space<semaphore_mem>>)
          %dma_start3A_256 = arith.constant 1 : i32
          %dma_start3A_257 = arith.constant 0 : i32
          %dma_start3A_258 = arith.constant 0 : i32
          %dma_start3A_259 = tpu.memref_slice %arg9[%dma_start3A_256, %dma_start3A_257, %dma_start3A_258] : memref<2x128x128xf32, #tpu.memory_space<vmem>> -> memref<1x128x128xf32, #tpu.memory_space<vmem>>
          %dma_start3A_260 = tpu.memref_squeeze %dma_start3A_259 : memref<1x128x128xf32, #tpu.memory_space<vmem>> -> memref<128x128xf32, #tpu.memory_space<vmem>>
          %dma_start3A_261 = arith.constant 96 : i32
          %dma_start3A_262 = arith.constant 0 : i32
          %dma_start3A_263 = tpu.memref_slice %dma_start3A_260[%dma_start3A_261, %dma_start3A_262] : memref<128x128xf32, #tpu.memory_space<vmem>> -> memref<32x128xf32, #tpu.memory_space<vmem>>
          %dma_start3A_264 = arith.constant 0 : i32
          %dma_start3A_265 = tpu.memref_slice %arg7[%add3A_207, %dma_start3A_264] : memref<40x128xi32, #tpu.memory_space<vmem>> -> memref<1x128xi32, #tpu.memory_space<vmem>>
          %dma_start3A_266 = tpu.memref_squeeze %dma_start3A_265 : memref<1x128xi32, #tpu.memory_space<vmem>> -> memref<128xi32, #tpu.memory_space<vmem>>
          %dma_start3A_267 = arith.constant 96 : i32
          %dma_start3A_268 = tpu.memref_slice %dma_start3A_266[%dma_start3A_267] : memref<128xi32, #tpu.memory_space<vmem>> -> memref<32xi32, #tpu.memory_space<vmem>>
          %dma_start3A_269 = arith.constant 0 : i32
          %dma_start3A_270 = arith.constant 0 : i32
          %dma_start3A_271 = tpu.memref_slice %arg2[%dma_start3A_269, %dma_start3A_270] : memref<10000x128xf32, #tpu.memory_space<hbm>> -> memref<10000x128xf32, #tpu.memory_space<hbm>>
          tpu.enqueue_indirect_dma source(%dma_start3A_271 : memref<10000x128xf32, #tpu.memory_space<hbm>>) target(%dma_start3A_263 : memref<32x128xf32, #tpu.memory_space<vmem>>) offsets(%dma_start3A_268 : memref<32xi32, #tpu.memory_space<vmem>>) semaphore(%arg12 : memref<!tpu.dma_semaphore, #tpu.memory_space<semaphore_mem>>)
        } else {
        }
      }
      %scan3A_160 = arith.constant 20 : i32
    }
    %scan3A_9 = arith.constant 2 : i32
    %barrier3A_10 = arith.constant 0 : index
    tpu.barrier barrier_id(%barrier3A_10)
    %scan3A_11 = arith.constant 0 : i32
    %scan3A_12 = arith.constant 5 : i32
    %scan3A_13 = arith.addi %scan3A_11, %scan3A_12 : i32
    %scan3A_14 = arith.constant 1 : i32
    scf.for %scan3A_16 = %scan3A_11 to %scan3A_13 step %scan3A_14  : i32 {
      %mul3A_17 = arith.constant 128 : i32
      %mul3A_18 = arith.muli %scan3A_16, %mul3A_17 : i32
      %add3A_19 = arith.constant 0 : i32
      %add3A_20 = arith.addi %add3A_19, %mul3A_18 : i32
      %mul3A_21 = arith.constant 640 : i32
      %mul3A_22 = arith.muli %arg1, %mul3A_21 : i32
      %add3A_23 = arith.addi %mul3A_22, %add3A_20 : i32
      %mul3A_24 = arith.constant 640 : i32
      %mul3A_25 = arith.muli %arg1, %mul3A_24 : i32
      %add3A_26 = arith.addi %mul3A_25, %add3A_20 : i32
      "tpu.region"() ({
        %run_scoped3A_27 = tpu.sem_alloc : memref<!tpu.dma_semaphore, #tpu.memory_space<semaphore_mem>>
        %dma_start3A = arith.constant 0 : i32
        %dma_start3A_28 = arith.constant 0 : i32
        %dma_start3A_29 = tpu.memref_slice %arg6[%arg0, %dma_start3A, %dma_start3A_28] : memref<2x10240x128xf32, #tpu.memory_space<hbm>> -> memref<1x10240x128xf32, #tpu.memory_space<hbm>>
        %dma_start3A_30 = tpu.memref_squeeze %dma_start3A_29 : memref<1x10240x128xf32, #tpu.memory_space<hbm>> -> memref<10240x128xf32, #tpu.memory_space<hbm>>
        %dma_start3A_31 = arith.constant 0 : i32
        %dma_start3A_32 = tpu.memref_slice %dma_start3A_30[%add3A_26, %dma_start3A_31] : memref<10240x128xf32, #tpu.memory_space<hbm>> -> memref<128x128xf32, #tpu.memory_space<hbm>>
        %dma_start3A_33 = arith.constant 0 : i32
        %dma_start3A_34 = tpu.memref_slice %arg10[%add3A_23, %dma_start3A_33] : memref<10240x128xf32, #tpu.memory_space<vmem_shared>> -> memref<128x128xf32, #tpu.memory_space<vmem_shared>>
        tpu.enqueue_dma source(%dma_start3A_34 : memref<128x128xf32, #tpu.memory_space<vmem_shared>>) target(%dma_start3A_32 : memref<128x128xf32, #tpu.memory_space<hbm>>) target_semaphore(%run_scoped3A_27 : memref<!tpu.dma_semaphore, #tpu.memory_space<semaphore_mem>>)
        %dma_wait3A = arith.constant 0 : i32
        %dma_wait3A_35 = arith.constant 0 : i32
        %dma_wait3A_36 = tpu.memref_slice %arg6[%arg0, %dma_wait3A, %dma_wait3A_35] : memref<2x10240x128xf32, #tpu.memory_space<hbm>> -> memref<1x10240x128xf32, #tpu.memory_space<hbm>>
        %dma_wait3A_37 = tpu.memref_squeeze %dma_wait3A_36 : memref<1x10240x128xf32, #tpu.memory_space<hbm>> -> memref<10240x128xf32, #tpu.memory_space<hbm>>
        %dma_wait3A_38 = arith.constant 0 : i32
        %dma_wait3A_39 = tpu.memref_slice %dma_wait3A_37[%add3A_26, %dma_wait3A_38] : memref<10240x128xf32, #tpu.memory_space<hbm>> -> memref<128x128xf32, #tpu.memory_space<hbm>>
        %dma_wait3A_40 = arith.constant 0 : i32
        %dma_wait3A_41 = tpu.memref_slice %arg10[%add3A_23, %dma_wait3A_40] : memref<10240x128xf32, #tpu.memory_space<vmem_shared>> -> memref<128x128xf32, #tpu.memory_space<vmem_shared>>
        tpu.wait_dma2 semaphore(%run_scoped3A_27 : memref<!tpu.dma_semaphore, #tpu.memory_space<semaphore_mem>>) src(%dma_wait3A_41 : memref<128x128xf32, #tpu.memory_space<vmem_shared>>) dst(%dma_wait3A_39 : memref<128x128xf32, #tpu.memory_space<hbm>>)
        tpu.yield
      }) : () -> ()
    }
    %scan3A_15 = arith.constant 5 : i32
    return
  }
}

#map = affine_map<(d0, d1) -> (0, 0)>
#map1 = affine_map<(d0, d1) -> (0, 0, 0, 0)>
#map2 = affine_map<(d0, d1) -> (0, 0, 0)>
module attributes {stable_mosaic.version = 14 : i64} {
  func.func @k(%arg0: i32, %arg1: i32, %arg2: memref<10000x128xf32, #tpu.memory_space<hbm>>, %arg3: memref<32x2x40x128xi32, #tpu.memory_space<hbm>>, %arg4: memref<32x2x40x128xi32, #tpu.memory_space<hbm>>, %arg5: memref<128x128xf32, #tpu.memory_space<hbm>>, %arg6: memref<2x10240x128xf32, #tpu.memory_space<hbm>>, %arg7: memref<40x128xi32, #tpu.memory_space<vmem>>, %arg8: memref<40x128xi32, #tpu.memory_space<vmem>>, %arg9: memref<2x128x128xf32, #tpu.memory_space<vmem>>, %arg10: memref<10240x128xf32, #tpu.memory_space<vmem_shared>>, %arg11: memref<!tpu.dma_semaphore, #tpu.memory_space<semaphore_mem>>, %arg12: memref<!tpu.dma_semaphore, #tpu.memory_space<semaphore_mem>>) attributes {dimension_semantics = [#tpu.dimension_semantics<core_parallel>, #tpu.dimension_semantics<subcore_parallel>], iteration_bounds = array<i64: 2, 16>, scalar_prefetch = 0 : i64, scratch_operands = 6 : i64, tpu.core_type = #tpu.core_type<sc_vector_subcore>, window_params = [{transform_indices = #map}, {transform_indices = #map1}, {transform_indices = #map1}, {transform_indices = #map}, {transform_indices = #map2}]} {
    %mul3A = arith.constant 2 : i32
    %mul3A_0 = arith.muli %arg1, %mul3A : i32
    %add3A = arith.addi %mul3A_0, %arg0 : i32
    %run_scoped3A = arith.constant 0 : i32
    "tpu.region"() ({
      %run_scoped3A_16 = tpu.sem_alloc : memref<!tpu.dma_semaphore, #tpu.memory_space<semaphore_mem>>
      %dma_start3A = arith.constant 0 : i32
      %dma_start3A_17 = arith.constant 0 : i32
      %dma_start3A_18 = tpu.memref_slice %arg9[%run_scoped3A, %dma_start3A, %dma_start3A_17] : memref<2x128x128xf32, #tpu.memory_space<vmem>> -> memref<1x128x128xf32, #tpu.memory_space<vmem>>
      %dma_start3A_19 = tpu.memref_squeeze %dma_start3A_18 : memref<1x128x128xf32, #tpu.memory_space<vmem>> -> memref<128x128xf32, #tpu.memory_space<vmem>>
      %dma_start3A_20 = arith.constant 0 : i32
      %dma_start3A_21 = arith.constant 0 : i32
      %dma_start3A_22 = tpu.memref_slice %arg9[%run_scoped3A, %dma_start3A_20, %dma_start3A_21] : memref<2x128x128xf32, #tpu.memory_space<vmem>> -> memref<1x128x128xf32, #tpu.memory_space<vmem>>
      %dma_start3A_23 = tpu.memref_squeeze %dma_start3A_22 : memref<1x128x128xf32, #tpu.memory_space<vmem>> -> memref<128x128xf32, #tpu.memory_space<vmem>>
      tpu.enqueue_dma source(%arg5 : memref<128x128xf32, #tpu.memory_space<hbm>>) target(%dma_start3A_23 : memref<128x128xf32, #tpu.memory_space<vmem>>) target_semaphore(%run_scoped3A_16 : memref<!tpu.dma_semaphore, #tpu.memory_space<semaphore_mem>>)
      %dma_wait3A = arith.constant 0 : i32
      %dma_wait3A_24 = arith.constant 0 : i32
      %dma_wait3A_25 = tpu.memref_slice %arg9[%run_scoped3A, %dma_wait3A, %dma_wait3A_24] : memref<2x128x128xf32, #tpu.memory_space<vmem>> -> memref<1x128x128xf32, #tpu.memory_space<vmem>>
      %dma_wait3A_26 = tpu.memref_squeeze %dma_wait3A_25 : memref<1x128x128xf32, #tpu.memory_space<vmem>> -> memref<128x128xf32, #tpu.memory_space<vmem>>
      %dma_wait3A_27 = arith.constant 0 : i32
      %dma_wait3A_28 = arith.constant 0 : i32
      %dma_wait3A_29 = tpu.memref_slice %arg9[%run_scoped3A, %dma_wait3A_27, %dma_wait3A_28] : memref<2x128x128xf32, #tpu.memory_space<vmem>> -> memref<1x128x128xf32, #tpu.memory_space<vmem>>
      %dma_wait3A_30 = tpu.memref_squeeze %dma_wait3A_29 : memref<1x128x128xf32, #tpu.memory_space<vmem>> -> memref<128x128xf32, #tpu.memory_space<vmem>>
      tpu.wait_dma2 semaphore(%run_scoped3A_16 : memref<!tpu.dma_semaphore, #tpu.memory_space<semaphore_mem>>) src(%arg5 : memref<128x128xf32, #tpu.memory_space<hbm>>) dst(%dma_wait3A_30 : memref<128x128xf32, #tpu.memory_space<vmem>>)
      tpu.yield
    }) : () -> ()
    %scan3A = arith.constant 0 : i32
    %scan3A_1 = arith.constant 5 : i32
    %scan3A_2 = arith.addi %scan3A, %scan3A_1 : i32
    %scan3A_3 = arith.constant 1 : i32
    scf.for %scan3A_16 = %scan3A to %scan3A_2 step %scan3A_3  : i32 {
      %mul3A_17 = arith.constant 128 : i32
      %mul3A_18 = arith.muli %scan3A_16, %mul3A_17 : i32
      %add3A_19 = arith.constant 0 : i32
      %add3A_20 = arith.addi %add3A_19, %mul3A_18 : i32
      %mul3A_21 = arith.constant 640 : i32
      %mul3A_22 = arith.muli %arg1, %mul3A_21 : i32
      %add3A_23 = arith.addi %mul3A_22, %add3A_20 : i32
      %run_scoped3A_24 = arith.constant 0 : i32
      "tpu.region"() ({
        %run_scoped3A_25 = tpu.sem_alloc : memref<!tpu.dma_semaphore, #tpu.memory_space<semaphore_mem>>
        %dma_start3A = arith.constant 0 : i32
        %dma_start3A_26 = arith.constant 0 : i32
        %dma_start3A_27 = tpu.memref_slice %arg9[%run_scoped3A_24, %dma_start3A, %dma_start3A_26] : memref<2x128x128xf32, #tpu.memory_space<vmem>> -> memref<1x128x128xf32, #tpu.memory_space<vmem>>
        %dma_start3A_28 = tpu.memref_squeeze %dma_start3A_27 : memref<1x128x128xf32, #tpu.memory_space<vmem>> -> memref<128x128xf32, #tpu.memory_space<vmem>>
        %dma_start3A_29 = arith.constant 0 : i32
        %dma_start3A_30 = tpu.memref_slice %arg10[%add3A_23, %dma_start3A_29] : memref<10240x128xf32, #tpu.memory_space<vmem_shared>> -> memref<128x128xf32, #tpu.memory_space<vmem_shared>>
        %dma_start3A_31 = arith.constant 0 : i32
        %dma_start3A_32 = tpu.memref_slice %arg10[%add3A_23, %dma_start3A_31] : memref<10240x128xf32, #tpu.memory_space<vmem_shared>> -> memref<128x128xf32, #tpu.memory_space<vmem_shared>>
        %dma_start3A_33 = arith.constant 0 : i32
        %dma_start3A_34 = arith.constant 0 : i32
        %dma_start3A_35 = tpu.memref_slice %arg9[%run_scoped3A_24, %dma_start3A_33, %dma_start3A_34] : memref<2x128x128xf32, #tpu.memory_space<vmem>> -> memref<1x128x128xf32, #tpu.memory_space<vmem>>
        %dma_start3A_36 = tpu.memref_squeeze %dma_start3A_35 : memref<1x128x128xf32, #tpu.memory_space<vmem>> -> memref<128x128xf32, #tpu.memory_space<vmem>>
        tpu.enqueue_dma source(%dma_start3A_36 : memref<128x128xf32, #tpu.memory_space<vmem>>) target(%dma_start3A_32 : memref<128x128xf32, #tpu.memory_space<vmem_shared>>) target_semaphore(%run_scoped3A_25 : memref<!tpu.dma_semaphore, #tpu.memory_space<semaphore_mem>>)
        %dma_wait3A = arith.constant 0 : i32
        %dma_wait3A_37 = arith.constant 0 : i32
        %dma_wait3A_38 = tpu.memref_slice %arg9[%run_scoped3A_24, %dma_wait3A, %dma_wait3A_37] : memref<2x128x128xf32, #tpu.memory_space<vmem>> -> memref<1x128x128xf32, #tpu.memory_space<vmem>>
        %dma_wait3A_39 = tpu.memref_squeeze %dma_wait3A_38 : memref<1x128x128xf32, #tpu.memory_space<vmem>> -> memref<128x128xf32, #tpu.memory_space<vmem>>
        %dma_wait3A_40 = arith.constant 0 : i32
        %dma_wait3A_41 = tpu.memref_slice %arg10[%add3A_23, %dma_wait3A_40] : memref<10240x128xf32, #tpu.memory_space<vmem_shared>> -> memref<128x128xf32, #tpu.memory_space<vmem_shared>>
        %dma_wait3A_42 = arith.constant 0 : i32
        %dma_wait3A_43 = tpu.memref_slice %arg10[%add3A_23, %dma_wait3A_42] : memref<10240x128xf32, #tpu.memory_space<vmem_shared>> -> memref<128x128xf32, #tpu.memory_space<vmem_shared>>
        %dma_wait3A_44 = arith.constant 0 : i32
        %dma_wait3A_45 = arith.constant 0 : i32
        %dma_wait3A_46 = tpu.memref_slice %arg9[%run_scoped3A_24, %dma_wait3A_44, %dma_wait3A_45] : memref<2x128x128xf32, #tpu.memory_space<vmem>> -> memref<1x128x128xf32, #tpu.memory_space<vmem>>
        %dma_wait3A_47 = tpu.memref_squeeze %dma_wait3A_46 : memref<1x128x128xf32, #tpu.memory_space<vmem>> -> memref<128x128xf32, #tpu.memory_space<vmem>>
        tpu.wait_dma2 semaphore(%run_scoped3A_25 : memref<!tpu.dma_semaphore, #tpu.memory_space<semaphore_mem>>) src(%dma_wait3A_47 : memref<128x128xf32, #tpu.memory_space<vmem>>) dst(%dma_wait3A_43 : memref<128x128xf32, #tpu.memory_space<vmem_shared>>)
        tpu.yield
      }) : () -> ()
    }
    %scan3A_4 = arith.constant 5 : i32
    %barrier3A = arith.constant 0 : index
    tpu.barrier barrier_id(%barrier3A)
    %scan3A_5 = arith.constant 0 : i32
    %scan3A_6 = arith.constant 2 : i32
    %scan3A_7 = arith.addi %scan3A_5, %scan3A_6 : i32
    %scan3A_8 = arith.constant 1 : i32
    scf.for %scan3A_16 = %scan3A_5 to %scan3A_7 step %scan3A_8  : i32 {
      %mul3A_17 = arith.constant 1 : i32
      %mul3A_18 = arith.muli %scan3A_16, %mul3A_17 : i32
      %add3A_19 = arith.constant 0 : i32
      %add3A_20 = arith.addi %add3A_19, %mul3A_18 : i32
      "tpu.region"() ({
        %run_scoped3A_161 = tpu.sem_alloc : memref<!tpu.dma_semaphore, #tpu.memory_space<semaphore_mem>>
        %dma_start3A_162 = arith.constant 0 : i32
        %dma_start3A_163 = arith.constant 0 : i32
        %dma_start3A_164 = arith.constant 0 : i32
        %dma_start3A_165 = tpu.memref_slice %arg3[%add3A, %dma_start3A_162, %dma_start3A_163, %dma_start3A_164] : memref<32x2x40x128xi32, #tpu.memory_space<hbm>> -> memref<1x2x40x128xi32, #tpu.memory_space<hbm>>
        %dma_start3A_166 = tpu.memref_squeeze %dma_start3A_165 : memref<1x2x40x128xi32, #tpu.memory_space<hbm>> -> memref<2x40x128xi32, #tpu.memory_space<hbm>>
        %dma_start3A_167 = arith.constant 0 : i32
        %dma_start3A_168 = arith.constant 0 : i32
        %dma_start3A_169 = tpu.memref_slice %dma_start3A_166[%add3A_20, %dma_start3A_167, %dma_start3A_168] : memref<2x40x128xi32, #tpu.memory_space<hbm>> -> memref<1x40x128xi32, #tpu.memory_space<hbm>>
        %dma_start3A_170 = tpu.memref_squeeze %dma_start3A_169 : memref<1x40x128xi32, #tpu.memory_space<hbm>> -> memref<40x128xi32, #tpu.memory_space<hbm>>
        %dma_start3A_171 = arith.constant 0 : i32
        %dma_start3A_172 = arith.constant 0 : i32
        %dma_start3A_173 = arith.constant 0 : i32
        %dma_start3A_174 = tpu.memref_slice %arg3[%add3A, %dma_start3A_171, %dma_start3A_172, %dma_start3A_173] : memref<32x2x40x128xi32, #tpu.memory_space<hbm>> -> memref<1x2x40x128xi32, #tpu.memory_space<hbm>>
        %dma_start3A_175 = tpu.memref_squeeze %dma_start3A_174 : memref<1x2x40x128xi32, #tpu.memory_space<hbm>> -> memref<2x40x128xi32, #tpu.memory_space<hbm>>
        %dma_start3A_176 = arith.constant 0 : i32
        %dma_start3A_177 = arith.constant 0 : i32
        %dma_start3A_178 = tpu.memref_slice %dma_start3A_175[%add3A_20, %dma_start3A_176, %dma_start3A_177] : memref<2x40x128xi32, #tpu.memory_space<hbm>> -> memref<1x40x128xi32, #tpu.memory_space<hbm>>
        %dma_start3A_179 = tpu.memref_squeeze %dma_start3A_178 : memref<1x40x128xi32, #tpu.memory_space<hbm>> -> memref<40x128xi32, #tpu.memory_space<hbm>>
        tpu.enqueue_dma source(%dma_start3A_179 : memref<40x128xi32, #tpu.memory_space<hbm>>) target(%arg7 : memref<40x128xi32, #tpu.memory_space<vmem>>) target_semaphore(%run_scoped3A_161 : memref<!tpu.dma_semaphore, #tpu.memory_space<semaphore_mem>>)
        %dma_wait3A = arith.constant 0 : i32
        %dma_wait3A_180 = arith.constant 0 : i32
        %dma_wait3A_181 = arith.constant 0 : i32
        %dma_wait3A_182 = tpu.memref_slice %arg3[%add3A, %dma_wait3A, %dma_wait3A_180, %dma_wait3A_181] : memref<32x2x40x128xi32, #tpu.memory_space<hbm>> -> memref<1x2x40x128xi32, #tpu.memory_space<hbm>>
        %dma_wait3A_183 = tpu.memref_squeeze %dma_wait3A_182 : memref<1x2x40x128xi32, #tpu.memory_space<hbm>> -> memref<2x40x128xi32, #tpu.memory_space<hbm>>
        %dma_wait3A_184 = arith.constant 0 : i32
        %dma_wait3A_185 = arith.constant 0 : i32
        %dma_wait3A_186 = tpu.memref_slice %dma_wait3A_183[%add3A_20, %dma_wait3A_184, %dma_wait3A_185] : memref<2x40x128xi32, #tpu.memory_space<hbm>> -> memref<1x40x128xi32, #tpu.memory_space<hbm>>
        %dma_wait3A_187 = tpu.memref_squeeze %dma_wait3A_186 : memref<1x40x128xi32, #tpu.memory_space<hbm>> -> memref<40x128xi32, #tpu.memory_space<hbm>>
        %dma_wait3A_188 = arith.constant 0 : i32
        %dma_wait3A_189 = arith.constant 0 : i32
        %dma_wait3A_190 = arith.constant 0 : i32
        %dma_wait3A_191 = tpu.memref_slice %arg3[%add3A, %dma_wait3A_188, %dma_wait3A_189, %dma_wait3A_190] : memref<32x2x40x128xi32, #tpu.memory_space<hbm>> -> memref<1x2x40x128xi32, #tpu.memory_space<hbm>>
        %dma_wait3A_192 = tpu.memref_squeeze %dma_wait3A_191 : memref<1x2x40x128xi32, #tpu.memory_space<hbm>> -> memref<2x40x128xi32, #tpu.memory_space<hbm>>
        %dma_wait3A_193 = arith.constant 0 : i32
        %dma_wait3A_194 = arith.constant 0 : i32
        %dma_wait3A_195 = tpu.memref_slice %dma_wait3A_192[%add3A_20, %dma_wait3A_193, %dma_wait3A_194] : memref<2x40x128xi32, #tpu.memory_space<hbm>> -> memref<1x40x128xi32, #tpu.memory_space<hbm>>
        %dma_wait3A_196 = tpu.memref_squeeze %dma_wait3A_195 : memref<1x40x128xi32, #tpu.memory_space<hbm>> -> memref<40x128xi32, #tpu.memory_space<hbm>>
        tpu.wait_dma2 semaphore(%run_scoped3A_161 : memref<!tpu.dma_semaphore, #tpu.memory_space<semaphore_mem>>) src(%dma_wait3A_196 : memref<40x128xi32, #tpu.memory_space<hbm>>) dst(%arg7 : memref<40x128xi32, #tpu.memory_space<vmem>>)
        tpu.yield
      }) : () -> ()
      "tpu.region"() ({
        %run_scoped3A_161 = tpu.sem_alloc : memref<!tpu.dma_semaphore, #tpu.memory_space<semaphore_mem>>
        %dma_start3A_162 = arith.constant 0 : i32
        %dma_start3A_163 = arith.constant 0 : i32
        %dma_start3A_164 = arith.constant 0 : i32
        %dma_start3A_165 = tpu.memref_slice %arg4[%add3A, %dma_start3A_162, %dma_start3A_163, %dma_start3A_164] : memref<32x2x40x128xi32, #tpu.memory_space<hbm>> -> memref<1x2x40x128xi32, #tpu.memory_space<hbm>>
        %dma_start3A_166 = tpu.memref_squeeze %dma_start3A_165 : memref<1x2x40x128xi32, #tpu.memory_space<hbm>> -> memref<2x40x128xi32, #tpu.memory_space<hbm>>
        %dma_start3A_167 = arith.constant 0 : i32
        %dma_start3A_168 = arith.constant 0 : i32
        %dma_start3A_169 = tpu.memref_slice %dma_start3A_166[%add3A_20, %dma_start3A_167, %dma_start3A_168] : memref<2x40x128xi32, #tpu.memory_space<hbm>> -> memref<1x40x128xi32, #tpu.memory_space<hbm>>
        %dma_start3A_170 = tpu.memref_squeeze %dma_start3A_169 : memref<1x40x128xi32, #tpu.memory_space<hbm>> -> memref<40x128xi32, #tpu.memory_space<hbm>>
        %dma_start3A_171 = arith.constant 0 : i32
        %dma_start3A_172 = arith.constant 0 : i32
        %dma_start3A_173 = arith.constant 0 : i32
        %dma_start3A_174 = tpu.memref_slice %arg4[%add3A, %dma_start3A_171, %dma_start3A_172, %dma_start3A_173] : memref<32x2x40x128xi32, #tpu.memory_space<hbm>> -> memref<1x2x40x128xi32, #tpu.memory_space<hbm>>
        %dma_start3A_175 = tpu.memref_squeeze %dma_start3A_174 : memref<1x2x40x128xi32, #tpu.memory_space<hbm>> -> memref<2x40x128xi32, #tpu.memory_space<hbm>>
        %dma_start3A_176 = arith.constant 0 : i32
        %dma_start3A_177 = arith.constant 0 : i32
        %dma_start3A_178 = tpu.memref_slice %dma_start3A_175[%add3A_20, %dma_start3A_176, %dma_start3A_177] : memref<2x40x128xi32, #tpu.memory_space<hbm>> -> memref<1x40x128xi32, #tpu.memory_space<hbm>>
        %dma_start3A_179 = tpu.memref_squeeze %dma_start3A_178 : memref<1x40x128xi32, #tpu.memory_space<hbm>> -> memref<40x128xi32, #tpu.memory_space<hbm>>
        tpu.enqueue_dma source(%dma_start3A_179 : memref<40x128xi32, #tpu.memory_space<hbm>>) target(%arg8 : memref<40x128xi32, #tpu.memory_space<vmem>>) target_semaphore(%run_scoped3A_161 : memref<!tpu.dma_semaphore, #tpu.memory_space<semaphore_mem>>)
        %dma_wait3A = arith.constant 0 : i32
        %dma_wait3A_180 = arith.constant 0 : i32
        %dma_wait3A_181 = arith.constant 0 : i32
        %dma_wait3A_182 = tpu.memref_slice %arg4[%add3A, %dma_wait3A, %dma_wait3A_180, %dma_wait3A_181] : memref<32x2x40x128xi32, #tpu.memory_space<hbm>> -> memref<1x2x40x128xi32, #tpu.memory_space<hbm>>
        %dma_wait3A_183 = tpu.memref_squeeze %dma_wait3A_182 : memref<1x2x40x128xi32, #tpu.memory_space<hbm>> -> memref<2x40x128xi32, #tpu.memory_space<hbm>>
        %dma_wait3A_184 = arith.constant 0 : i32
        %dma_wait3A_185 = arith.constant 0 : i32
        %dma_wait3A_186 = tpu.memref_slice %dma_wait3A_183[%add3A_20, %dma_wait3A_184, %dma_wait3A_185] : memref<2x40x128xi32, #tpu.memory_space<hbm>> -> memref<1x40x128xi32, #tpu.memory_space<hbm>>
        %dma_wait3A_187 = tpu.memref_squeeze %dma_wait3A_186 : memref<1x40x128xi32, #tpu.memory_space<hbm>> -> memref<40x128xi32, #tpu.memory_space<hbm>>
        %dma_wait3A_188 = arith.constant 0 : i32
        %dma_wait3A_189 = arith.constant 0 : i32
        %dma_wait3A_190 = arith.constant 0 : i32
        %dma_wait3A_191 = tpu.memref_slice %arg4[%add3A, %dma_wait3A_188, %dma_wait3A_189, %dma_wait3A_190] : memref<32x2x40x128xi32, #tpu.memory_space<hbm>> -> memref<1x2x40x128xi32, #tpu.memory_space<hbm>>
        %dma_wait3A_192 = tpu.memref_squeeze %dma_wait3A_191 : memref<1x2x40x128xi32, #tpu.memory_space<hbm>> -> memref<2x40x128xi32, #tpu.memory_space<hbm>>
        %dma_wait3A_193 = arith.constant 0 : i32
        %dma_wait3A_194 = arith.constant 0 : i32
        %dma_wait3A_195 = tpu.memref_slice %dma_wait3A_192[%add3A_20, %dma_wait3A_193, %dma_wait3A_194] : memref<2x40x128xi32, #tpu.memory_space<hbm>> -> memref<1x40x128xi32, #tpu.memory_space<hbm>>
        %dma_wait3A_196 = tpu.memref_squeeze %dma_wait3A_195 : memref<1x40x128xi32, #tpu.memory_space<hbm>> -> memref<40x128xi32, #tpu.memory_space<hbm>>
        tpu.wait_dma2 semaphore(%run_scoped3A_161 : memref<!tpu.dma_semaphore, #tpu.memory_space<semaphore_mem>>) src(%dma_wait3A_196 : memref<40x128xi32, #tpu.memory_space<hbm>>) dst(%arg8 : memref<40x128xi32, #tpu.memory_space<vmem>>)
        tpu.yield
      }) : () -> ()
      %dma_start3A = arith.constant 0 : i32
      %dma_start3A_21 = arith.constant 0 : i32
      %dma_start3A_22 = arith.constant 0 : i32
      %dma_start3A_23 = arith.constant 0 : i32
      %dma_start3A_24 = tpu.memref_slice %arg9[%dma_start3A_21, %dma_start3A_22, %dma_start3A_23] : memref<2x128x128xf32, #tpu.memory_space<vmem>> -> memref<1x128x128xf32, #tpu.memory_space<vmem>>
      %dma_start3A_25 = tpu.memref_squeeze %dma_start3A_24 : memref<1x128x128xf32, #tpu.memory_space<vmem>> -> memref<128x128xf32, #tpu.memory_space<vmem>>
      %dma_start3A_26 = arith.constant 0 : i32
      %dma_start3A_27 = arith.constant 0 : i32
      %dma_start3A_28 = tpu.memref_slice %dma_start3A_25[%dma_start3A_26, %dma_start3A_27] : memref<128x128xf32, #tpu.memory_space<vmem>> -> memref<32x128xf32, #tpu.memory_space<vmem>>
      %dma_start3A_29 = arith.constant 0 : i32
      %dma_start3A_30 = tpu.memref_slice %arg7[%dma_start3A, %dma_start3A_29] : memref<40x128xi32, #tpu.memory_space<vmem>> -> memref<1x128xi32, #tpu.memory_space<vmem>>
      %dma_start3A_31 = tpu.memref_squeeze %dma_start3A_30 : memref<1x128xi32, #tpu.memory_space<vmem>> -> memref<128xi32, #tpu.memory_space<vmem>>
      %dma_start3A_32 = arith.constant 0 : i32
      %dma_start3A_33 = tpu.memref_slice %dma_start3A_31[%dma_start3A_32] : memref<128xi32, #tpu.memory_space<vmem>> -> memref<32xi32, #tpu.memory_space<vmem>>
      %dma_start3A_34 = arith.constant 0 : i32
      %dma_start3A_35 = arith.constant 0 : i32
      %dma_start3A_36 = tpu.memref_slice %arg2[%dma_start3A_34, %dma_start3A_35] : memref<10000x128xf32, #tpu.memory_space<hbm>> -> memref<10000x128xf32, #tpu.memory_space<hbm>>
      tpu.enqueue_indirect_dma source(%dma_start3A_36 : memref<10000x128xf32, #tpu.memory_space<hbm>>) target(%dma_start3A_28 : memref<32x128xf32, #tpu.memory_space<vmem>>) offsets(%dma_start3A_33 : memref<32xi32, #tpu.memory_space<vmem>>) semaphore(%arg11 : memref<!tpu.dma_semaphore, #tpu.memory_space<semaphore_mem>>)
      %dma_start3A_37 = arith.constant 0 : i32
      %dma_start3A_38 = arith.constant 0 : i32
      %dma_start3A_39 = arith.constant 0 : i32
      %dma_start3A_40 = arith.constant 0 : i32
      %dma_start3A_41 = tpu.memref_slice %arg9[%dma_start3A_38, %dma_start3A_39, %dma_start3A_40] : memref<2x128x128xf32, #tpu.memory_space<vmem>> -> memref<1x128x128xf32, #tpu.memory_space<vmem>>
      %dma_start3A_42 = tpu.memref_squeeze %dma_start3A_41 : memref<1x128x128xf32, #tpu.memory_space<vmem>> -> memref<128x128xf32, #tpu.memory_space<vmem>>
      %dma_start3A_43 = arith.constant 32 : i32
      %dma_start3A_44 = arith.constant 0 : i32
      %dma_start3A_45 = tpu.memref_slice %dma_start3A_42[%dma_start3A_43, %dma_start3A_44] : memref<128x128xf32, #tpu.memory_space<vmem>> -> memref<32x128xf32, #tpu.memory_space<vmem>>
      %dma_start3A_46 = arith.constant 0 : i32
      %dma_start3A_47 = tpu.memref_slice %arg7[%dma_start3A_37, %dma_start3A_46] : memref<40x128xi32, #tpu.memory_space<vmem>> -> memref<1x128xi32, #tpu.memory_space<vmem>>
      %dma_start3A_48 = tpu.memref_squeeze %dma_start3A_47 : memref<1x128xi32, #tpu.memory_space<vmem>> -> memref<128xi32, #tpu.memory_space<vmem>>
      %dma_start3A_49 = arith.constant 32 : i32
      %dma_start3A_50 = tpu.memref_slice %dma_start3A_48[%dma_start3A_49] : memref<128xi32, #tpu.memory_space<vmem>> -> memref<32xi32, #tpu.memory_space<vmem>>
      %dma_start3A_51 = arith.constant 0 : i32
      %dma_start3A_52 = arith.constant 0 : i32
      %dma_start3A_53 = tpu.memref_slice %arg2[%dma_start3A_51, %dma_start3A_52] : memref<10000x128xf32, #tpu.memory_space<hbm>> -> memref<10000x128xf32, #tpu.memory_space<hbm>>
      tpu.enqueue_indirect_dma source(%dma_start3A_53 : memref<10000x128xf32, #tpu.memory_space<hbm>>) target(%dma_start3A_45 : memref<32x128xf32, #tpu.memory_space<vmem>>) offsets(%dma_start3A_50 : memref<32xi32, #tpu.memory_space<vmem>>) semaphore(%arg11 : memref<!tpu.dma_semaphore, #tpu.memory_space<semaphore_mem>>)
      %dma_start3A_54 = arith.constant 0 : i32
      %dma_start3A_55 = arith.constant 0 : i32
      %dma_start3A_56 = arith.constant 0 : i32
      %dma_start3A_57 = arith.constant 0 : i32
      %dma_start3A_58 = tpu.memref_slice %arg9[%dma_start3A_55, %dma_start3A_56, %dma_start3A_57] : memref<2x128x128xf32, #tpu.memory_space<vmem>> -> memref<1x128x128xf32, #tpu.memory_space<vmem>>
      %dma_start3A_59 = tpu.memref_squeeze %dma_start3A_58 : memref<1x128x128xf32, #tpu.memory_space<vmem>> -> memref<128x128xf32, #tpu.memory_space<vmem>>
      %dma_start3A_60 = arith.constant 64 : i32
      %dma_start3A_61 = arith.constant 0 : i32
      %dma_start3A_62 = tpu.memref_slice %dma_start3A_59[%dma_start3A_60, %dma_start3A_61] : memref<128x128xf32, #tpu.memory_space<vmem>> -> memref<32x128xf32, #tpu.memory_space<vmem>>
      %dma_start3A_63 = arith.constant 0 : i32
      %dma_start3A_64 = tpu.memref_slice %arg7[%dma_start3A_54, %dma_start3A_63] : memref<40x128xi32, #tpu.memory_space<vmem>> -> memref<1x128xi32, #tpu.memory_space<vmem>>
      %dma_start3A_65 = tpu.memref_squeeze %dma_start3A_64 : memref<1x128xi32, #tpu.memory_space<vmem>> -> memref<128xi32, #tpu.memory_space<vmem>>
      %dma_start3A_66 = arith.constant 64 : i32
      %dma_start3A_67 = tpu.memref_slice %dma_start3A_65[%dma_start3A_66] : memref<128xi32, #tpu.memory_space<vmem>> -> memref<32xi32, #tpu.memory_space<vmem>>
      %dma_start3A_68 = arith.constant 0 : i32
      %dma_start3A_69 = arith.constant 0 : i32
      %dma_start3A_70 = tpu.memref_slice %arg2[%dma_start3A_68, %dma_start3A_69] : memref<10000x128xf32, #tpu.memory_space<hbm>> -> memref<10000x128xf32, #tpu.memory_space<hbm>>
      tpu.enqueue_indirect_dma source(%dma_start3A_70 : memref<10000x128xf32, #tpu.memory_space<hbm>>) target(%dma_start3A_62 : memref<32x128xf32, #tpu.memory_space<vmem>>) offsets(%dma_start3A_67 : memref<32xi32, #tpu.memory_space<vmem>>) semaphore(%arg11 : memref<!tpu.dma_semaphore, #tpu.memory_space<semaphore_mem>>)
      %dma_start3A_71 = arith.constant 0 : i32
      %dma_start3A_72 = arith.constant 0 : i32
      %dma_start3A_73 = arith.constant 0 : i32
      %dma_start3A_74 = arith.constant 0 : i32
      %dma_start3A_75 = tpu.memref_slice %arg9[%dma_start3A_72, %dma_start3A_73, %dma_start3A_74] : memref<2x128x128xf32, #tpu.memory_space<vmem>> -> memref<1x128x128xf32, #tpu.memory_space<vmem>>
      %dma_start3A_76 = tpu.memref_squeeze %dma_start3A_75 : memref<1x128x128xf32, #tpu.memory_space<vmem>> -> memref<128x128xf32, #tpu.memory_space<vmem>>
      %dma_start3A_77 = arith.constant 96 : i32
      %dma_start3A_78 = arith.constant 0 : i32
      %dma_start3A_79 = tpu.memref_slice %dma_start3A_76[%dma_start3A_77, %dma_start3A_78] : memref<128x128xf32, #tpu.memory_space<vmem>> -> memref<32x128xf32, #tpu.memory_space<vmem>>
      %dma_start3A_80 = arith.constant 0 : i32
      %dma_start3A_81 = tpu.memref_slice %arg7[%dma_start3A_71, %dma_start3A_80] : memref<40x128xi32, #tpu.memory_space<vmem>> -> memref<1x128xi32, #tpu.memory_space<vmem>>
      %dma_start3A_82 = tpu.memref_squeeze %dma_start3A_81 : memref<1x128xi32, #tpu.memory_space<vmem>> -> memref<128xi32, #tpu.memory_space<vmem>>
      %dma_start3A_83 = arith.constant 96 : i32
      %dma_start3A_84 = tpu.memref_slice %dma_start3A_82[%dma_start3A_83] : memref<128xi32, #tpu.memory_space<vmem>> -> memref<32xi32, #tpu.memory_space<vmem>>
      %dma_start3A_85 = arith.constant 0 : i32
      %dma_start3A_86 = arith.constant 0 : i32
      %dma_start3A_87 = tpu.memref_slice %arg2[%dma_start3A_85, %dma_start3A_86] : memref<10000x128xf32, #tpu.memory_space<hbm>> -> memref<10000x128xf32, #tpu.memory_space<hbm>>
      tpu.enqueue_indirect_dma source(%dma_start3A_87 : memref<10000x128xf32, #tpu.memory_space<hbm>>) target(%dma_start3A_79 : memref<32x128xf32, #tpu.memory_space<vmem>>) offsets(%dma_start3A_84 : memref<32xi32, #tpu.memory_space<vmem>>) semaphore(%arg11 : memref<!tpu.dma_semaphore, #tpu.memory_space<semaphore_mem>>)
      %dma_start3A_88 = arith.constant 1 : i32
      %dma_start3A_89 = arith.constant 1 : i32
      %dma_start3A_90 = arith.constant 0 : i32
      %dma_start3A_91 = arith.constant 0 : i32
      %dma_start3A_92 = tpu.memref_slice %arg9[%dma_start3A_89, %dma_start3A_90, %dma_start3A_91] : memref<2x128x128xf32, #tpu.memory_space<vmem>> -> memref<1x128x128xf32, #tpu.memory_space<vmem>>
      %dma_start3A_93 = tpu.memref_squeeze %dma_start3A_92 : memref<1x128x128xf32, #tpu.memory_space<vmem>> -> memref<128x128xf32, #tpu.memory_space<vmem>>
      %dma_start3A_94 = arith.constant 0 : i32
      %dma_start3A_95 = arith.constant 0 : i32
      %dma_start3A_96 = tpu.memref_slice %dma_start3A_93[%dma_start3A_94, %dma_start3A_95] : memref<128x128xf32, #tpu.memory_space<vmem>> -> memref<32x128xf32, #tpu.memory_space<vmem>>
      %dma_start3A_97 = arith.constant 0 : i32
      %dma_start3A_98 = tpu.memref_slice %arg7[%dma_start3A_88, %dma_start3A_97] : memref<40x128xi32, #tpu.memory_space<vmem>> -> memref<1x128xi32, #tpu.memory_space<vmem>>
      %dma_start3A_99 = tpu.memref_squeeze %dma_start3A_98 : memref<1x128xi32, #tpu.memory_space<vmem>> -> memref<128xi32, #tpu.memory_space<vmem>>
      %dma_start3A_100 = arith.constant 0 : i32
      %dma_start3A_101 = tpu.memref_slice %dma_start3A_99[%dma_start3A_100] : memref<128xi32, #tpu.memory_space<vmem>> -> memref<32xi32, #tpu.memory_space<vmem>>
      %dma_start3A_102 = arith.constant 0 : i32
      %dma_start3A_103 = arith.constant 0 : i32
      %dma_start3A_104 = tpu.memref_slice %arg2[%dma_start3A_102, %dma_start3A_103] : memref<10000x128xf32, #tpu.memory_space<hbm>> -> memref<10000x128xf32, #tpu.memory_space<hbm>>
      tpu.enqueue_indirect_dma source(%dma_start3A_104 : memref<10000x128xf32, #tpu.memory_space<hbm>>) target(%dma_start3A_96 : memref<32x128xf32, #tpu.memory_space<vmem>>) offsets(%dma_start3A_101 : memref<32xi32, #tpu.memory_space<vmem>>) semaphore(%arg12 : memref<!tpu.dma_semaphore, #tpu.memory_space<semaphore_mem>>)
      %dma_start3A_105 = arith.constant 1 : i32
      %dma_start3A_106 = arith.constant 1 : i32
      %dma_start3A_107 = arith.constant 0 : i32
      %dma_start3A_108 = arith.constant 0 : i32
      %dma_start3A_109 = tpu.memref_slice %arg9[%dma_start3A_106, %dma_start3A_107, %dma_start3A_108] : memref<2x128x128xf32, #tpu.memory_space<vmem>> -> memref<1x128x128xf32, #tpu.memory_space<vmem>>
      %dma_start3A_110 = tpu.memref_squeeze %dma_start3A_109 : memref<1x128x128xf32, #tpu.memory_space<vmem>> -> memref<128x128xf32, #tpu.memory_space<vmem>>
      %dma_start3A_111 = arith.constant 32 : i32
      %dma_start3A_112 = arith.constant 0 : i32
      %dma_start3A_113 = tpu.memref_slice %dma_start3A_110[%dma_start3A_111, %dma_start3A_112] : memref<128x128xf32, #tpu.memory_space<vmem>> -> memref<32x128xf32, #tpu.memory_space<vmem>>
      %dma_start3A_114 = arith.constant 0 : i32
      %dma_start3A_115 = tpu.memref_slice %arg7[%dma_start3A_105, %dma_start3A_114] : memref<40x128xi32, #tpu.memory_space<vmem>> -> memref<1x128xi32, #tpu.memory_space<vmem>>
      %dma_start3A_116 = tpu.memref_squeeze %dma_start3A_115 : memref<1x128xi32, #tpu.memory_space<vmem>> -> memref<128xi32, #tpu.memory_space<vmem>>
      %dma_start3A_117 = arith.constant 32 : i32
      %dma_start3A_118 = tpu.memref_slice %dma_start3A_116[%dma_start3A_117] : memref<128xi32, #tpu.memory_space<vmem>> -> memref<32xi32, #tpu.memory_space<vmem>>
      %dma_start3A_119 = arith.constant 0 : i32
      %dma_start3A_120 = arith.constant 0 : i32
      %dma_start3A_121 = tpu.memref_slice %arg2[%dma_start3A_119, %dma_start3A_120] : memref<10000x128xf32, #tpu.memory_space<hbm>> -> memref<10000x128xf32, #tpu.memory_space<hbm>>
      tpu.enqueue_indirect_dma source(%dma_start3A_121 : memref<10000x128xf32, #tpu.memory_space<hbm>>) target(%dma_start3A_113 : memref<32x128xf32, #tpu.memory_space<vmem>>) offsets(%dma_start3A_118 : memref<32xi32, #tpu.memory_space<vmem>>) semaphore(%arg12 : memref<!tpu.dma_semaphore, #tpu.memory_space<semaphore_mem>>)
      %dma_start3A_122 = arith.constant 1 : i32
      %dma_start3A_123 = arith.constant 1 : i32
      %dma_start3A_124 = arith.constant 0 : i32
      %dma_start3A_125 = arith.constant 0 : i32
      %dma_start3A_126 = tpu.memref_slice %arg9[%dma_start3A_123, %dma_start3A_124, %dma_start3A_125] : memref<2x128x128xf32, #tpu.memory_space<vmem>> -> memref<1x128x128xf32, #tpu.memory_space<vmem>>
      %dma_start3A_127 = tpu.memref_squeeze %dma_start3A_126 : memref<1x128x128xf32, #tpu.memory_space<vmem>> -> memref<128x128xf32, #tpu.memory_space<vmem>>
      %dma_start3A_128 = arith.constant 64 : i32
      %dma_start3A_129 = arith.constant 0 : i32
      %dma_start3A_130 = tpu.memref_slice %dma_start3A_127[%dma_start3A_128, %dma_start3A_129] : memref<128x128xf32, #tpu.memory_space<vmem>> -> memref<32x128xf32, #tpu.memory_space<vmem>>
      %dma_start3A_131 = arith.constant 0 : i32
      %dma_start3A_132 = tpu.memref_slice %arg7[%dma_start3A_122, %dma_start3A_131] : memref<40x128xi32, #tpu.memory_space<vmem>> -> memref<1x128xi32, #tpu.memory_space<vmem>>
      %dma_start3A_133 = tpu.memref_squeeze %dma_start3A_132 : memref<1x128xi32, #tpu.memory_space<vmem>> -> memref<128xi32, #tpu.memory_space<vmem>>
      %dma_start3A_134 = arith.constant 64 : i32
      %dma_start3A_135 = tpu.memref_slice %dma_start3A_133[%dma_start3A_134] : memref<128xi32, #tpu.memory_space<vmem>> -> memref<32xi32, #tpu.memory_space<vmem>>
      %dma_start3A_136 = arith.constant 0 : i32
      %dma_start3A_137 = arith.constant 0 : i32
      %dma_start3A_138 = tpu.memref_slice %arg2[%dma_start3A_136, %dma_start3A_137] : memref<10000x128xf32, #tpu.memory_space<hbm>> -> memref<10000x128xf32, #tpu.memory_space<hbm>>
      tpu.enqueue_indirect_dma source(%dma_start3A_138 : memref<10000x128xf32, #tpu.memory_space<hbm>>) target(%dma_start3A_130 : memref<32x128xf32, #tpu.memory_space<vmem>>) offsets(%dma_start3A_135 : memref<32xi32, #tpu.memory_space<vmem>>) semaphore(%arg12 : memref<!tpu.dma_semaphore, #tpu.memory_space<semaphore_mem>>)
      %dma_start3A_139 = arith.constant 1 : i32
      %dma_start3A_140 = arith.constant 1 : i32
      %dma_start3A_141 = arith.constant 0 : i32
      %dma_start3A_142 = arith.constant 0 : i32
      %dma_start3A_143 = tpu.memref_slice %arg9[%dma_start3A_140, %dma_start3A_141, %dma_start3A_142] : memref<2x128x128xf32, #tpu.memory_space<vmem>> -> memref<1x128x128xf32, #tpu.memory_space<vmem>>
      %dma_start3A_144 = tpu.memref_squeeze %dma_start3A_143 : memref<1x128x128xf32, #tpu.memory_space<vmem>> -> memref<128x128xf32, #tpu.memory_space<vmem>>
      %dma_start3A_145 = arith.constant 96 : i32
      %dma_start3A_146 = arith.constant 0 : i32
      %dma_start3A_147 = tpu.memref_slice %dma_start3A_144[%dma_start3A_145, %dma_start3A_146] : memref<128x128xf32, #tpu.memory_space<vmem>> -> memref<32x128xf32, #tpu.memory_space<vmem>>
      %dma_start3A_148 = arith.constant 0 : i32
      %dma_start3A_149 = tpu.memref_slice %arg7[%dma_start3A_139, %dma_start3A_148] : memref<40x128xi32, #tpu.memory_space<vmem>> -> memref<1x128xi32, #tpu.memory_space<vmem>>
      %dma_start3A_150 = tpu.memref_squeeze %dma_start3A_149 : memref<1x128xi32, #tpu.memory_space<vmem>> -> memref<128xi32, #tpu.memory_space<vmem>>
      %dma_start3A_151 = arith.constant 96 : i32
      %dma_start3A_152 = tpu.memref_slice %dma_start3A_150[%dma_start3A_151] : memref<128xi32, #tpu.memory_space<vmem>> -> memref<32xi32, #tpu.memory_space<vmem>>
      %dma_start3A_153 = arith.constant 0 : i32
      %dma_start3A_154 = arith.constant 0 : i32
      %dma_start3A_155 = tpu.memref_slice %arg2[%dma_start3A_153, %dma_start3A_154] : memref<10000x128xf32, #tpu.memory_space<hbm>> -> memref<10000x128xf32, #tpu.memory_space<hbm>>
      tpu.enqueue_indirect_dma source(%dma_start3A_155 : memref<10000x128xf32, #tpu.memory_space<hbm>>) target(%dma_start3A_147 : memref<32x128xf32, #tpu.memory_space<vmem>>) offsets(%dma_start3A_152 : memref<32xi32, #tpu.memory_space<vmem>>) semaphore(%arg12 : memref<!tpu.dma_semaphore, #tpu.memory_space<semaphore_mem>>)
      %scan3A_156 = arith.constant 0 : i32
      %scan3A_157 = arith.constant 20 : i32
      %scan3A_158 = arith.addi %scan3A_156, %scan3A_157 : i32
      %scan3A_159 = arith.constant 1 : i32
      scf.for %scan3A_161 = %scan3A_156 to %scan3A_158 step %scan3A_159  : i32 {
        %mul3A_162 = arith.constant 2 : i32
        %mul3A_163 = arith.muli %scan3A_161, %mul3A_162 : i32
        %add3A_164 = arith.constant 0 : i32
        %add3A_165 = arith.addi %add3A_164, %mul3A_163 : i32
        %dma_wait3A = arith.constant 0 : i32
        %dma_wait3A_166 = arith.constant 0 : i32
        %dma_wait3A_167 = arith.constant 0 : i32
        %dma_wait3A_168 = tpu.memref_slice %arg9[%dma_wait3A, %dma_wait3A_166, %dma_wait3A_167] : memref<2x128x128xf32, #tpu.memory_space<vmem>> -> memref<1x128x128xf32, #tpu.memory_space<vmem>>
        %dma_wait3A_169 = tpu.memref_squeeze %dma_wait3A_168 : memref<1x128x128xf32, #tpu.memory_space<vmem>> -> memref<128x128xf32, #tpu.memory_space<vmem>>
        %dma_wait3A_170 = arith.constant 0 : i32
        %dma_wait3A_171 = arith.constant 0 : i32
        %dma_wait3A_172 = tpu.memref_slice %arg9[%dma_wait3A, %dma_wait3A_170, %dma_wait3A_171] : memref<2x128x128xf32, #tpu.memory_space<vmem>> -> memref<1x128x128xf32, #tpu.memory_space<vmem>>
        %dma_wait3A_173 = tpu.memref_squeeze %dma_wait3A_172 : memref<1x128x128xf32, #tpu.memory_space<vmem>> -> memref<128x128xf32, #tpu.memory_space<vmem>>
        tpu.wait_dma2 semaphore(%arg11 : memref<!tpu.dma_semaphore, #tpu.memory_space<semaphore_mem>>) src(%arg5 : memref<128x128xf32, #tpu.memory_space<hbm>>) dst(%dma_wait3A_173 : memref<128x128xf32, #tpu.memory_space<vmem>>)
        %add3A_174 = arith.constant 0 : i32
        %add3A_175 = arith.addi %add3A_165, %add3A_174 : i32
        %run_scoped3A_176 = arith.constant 0 : i32
        "tpu.region"() ({
          %run_scoped3A_204 = tpu.sem_alloc : memref<!tpu.dma_semaphore, #tpu.memory_space<semaphore_mem>>
          %dma_start3A_205 = arith.constant 0 : i32
          %dma_start3A_206 = arith.constant 0 : i32
          %dma_start3A_207 = tpu.memref_slice %arg9[%run_scoped3A_176, %dma_start3A_205, %dma_start3A_206] : memref<2x128x128xf32, #tpu.memory_space<vmem>> -> memref<1x128x128xf32, #tpu.memory_space<vmem>>
          %dma_start3A_208 = tpu.memref_squeeze %dma_start3A_207 : memref<1x128x128xf32, #tpu.memory_space<vmem>> -> memref<128x128xf32, #tpu.memory_space<vmem>>
          %dma_start3A_209 = arith.constant 0 : i32
          %dma_start3A_210 = tpu.memref_slice %arg8[%add3A_175, %dma_start3A_209] : memref<40x128xi32, #tpu.memory_space<vmem>> -> memref<1x128xi32, #tpu.memory_space<vmem>>
          %dma_start3A_211 = tpu.memref_squeeze %dma_start3A_210 : memref<1x128xi32, #tpu.memory_space<vmem>> -> memref<128xi32, #tpu.memory_space<vmem>>
          %dma_start3A_212 = arith.constant 0 : i32
          %dma_start3A_213 = arith.constant 0 : i32
          %dma_start3A_214 = tpu.memref_slice %arg10[%dma_start3A_212, %dma_start3A_213] : memref<10240x128xf32, #tpu.memory_space<vmem_shared>> -> memref<10240x128xf32, #tpu.memory_space<vmem_shared>>
          tpu.enqueue_indirect_dma source(%dma_start3A_208 : memref<128x128xf32, #tpu.memory_space<vmem>>) target(%dma_start3A_214 : memref<10240x128xf32, #tpu.memory_space<vmem_shared>>) offsets(%dma_start3A_211 : memref<128xi32, #tpu.memory_space<vmem>>) semaphore(%run_scoped3A_204 : memref<!tpu.dma_semaphore, #tpu.memory_space<semaphore_mem>>) {add = true}
          %dma_wait3A_215 = arith.constant 0 : i32
          %dma_wait3A_216 = arith.constant 0 : i32
          %dma_wait3A_217 = tpu.memref_slice %arg9[%run_scoped3A_176, %dma_wait3A_215, %dma_wait3A_216] : memref<2x128x128xf32, #tpu.memory_space<vmem>> -> memref<1x128x128xf32, #tpu.memory_space<vmem>>
          %dma_wait3A_218 = tpu.memref_squeeze %dma_wait3A_217 : memref<1x128x128xf32, #tpu.memory_space<vmem>> -> memref<128x128xf32, #tpu.memory_space<vmem>>
          %dma_wait3A_219 = arith.constant 0 : i32
          %dma_wait3A_220 = tpu.memref_slice %arg8[%add3A_175, %dma_wait3A_219] : memref<40x128xi32, #tpu.memory_space<vmem>> -> memref<1x128xi32, #tpu.memory_space<vmem>>
          %dma_wait3A_221 = tpu.memref_squeeze %dma_wait3A_220 : memref<1x128xi32, #tpu.memory_space<vmem>> -> memref<128xi32, #tpu.memory_space<vmem>>
          %dma_wait3A_222 = arith.constant 0 : i32
          %dma_wait3A_223 = arith.constant 0 : i32
          %dma_wait3A_224 = tpu.memref_slice %arg10[%dma_wait3A_222, %dma_wait3A_223] : memref<10240x128xf32, #tpu.memory_space<vmem_shared>> -> memref<10240x128xf32, #tpu.memory_space<vmem_shared>>
          tpu.wait_indirect_dma semaphore(%run_scoped3A_204 : memref<!tpu.dma_semaphore, #tpu.memory_space<semaphore_mem>>) src(%dma_wait3A_218 : memref<128x128xf32, #tpu.memory_space<vmem>>) dst(%dma_wait3A_224 : memref<10240x128xf32, #tpu.memory_space<vmem_shared>>)
          tpu.yield
        }) : () -> ()
        %add3A_177 = arith.constant 0 : i32
        %add3A_178 = arith.addi %add3A_165, %add3A_177 : i32
        %add3A_179 = arith.constant 2 : i32
        %add3A_180 = arith.addi %add3A_178, %add3A_179 : i32
        %lt3A = arith.constant 40 : i32
        %lt3A_181 = arith.cmpi slt, %add3A_180, %lt3A : i32
        %convert_element_type3A = arith.extui %lt3A_181 : i1 to i32
        %cond3A = arith.constant 0 : i32
        %cond3A_182 = arith.cmpi ne, %convert_element_type3A, %cond3A : i32
        scf.if %cond3A_182 {
          %add3A_204 = arith.constant 0 : i32
          %add3A_205 = arith.addi %add3A_165, %add3A_204 : i32
          %add3A_206 = arith.constant 2 : i32
          %add3A_207 = arith.addi %add3A_205, %add3A_206 : i32
          %dma_start3A_208 = arith.constant 0 : i32
          %dma_start3A_209 = arith.constant 0 : i32
          %dma_start3A_210 = arith.constant 0 : i32
          %dma_start3A_211 = tpu.memref_slice %arg9[%dma_start3A_208, %dma_start3A_209, %dma_start3A_210] : memref<2x128x128xf32, #tpu.memory_space<vmem>> -> memref<1x128x128xf32, #tpu.memory_space<vmem>>
          %dma_start3A_212 = tpu.memref_squeeze %dma_start3A_211 : memref<1x128x128xf32, #tpu.memory_space<vmem>> -> memref<128x128xf32, #tpu.memory_space<vmem>>
          %dma_start3A_213 = arith.constant 0 : i32
          %dma_start3A_214 = arith.constant 0 : i32
          %dma_start3A_215 = tpu.memref_slice %dma_start3A_212[%dma_start3A_213, %dma_start3A_214] : memref<128x128xf32, #tpu.memory_space<vmem>> -> memref<32x128xf32, #tpu.memory_space<vmem>>
          %dma_start3A_216 = arith.constant 0 : i32
          %dma_start3A_217 = tpu.memref_slice %arg7[%add3A_207, %dma_start3A_216] : memref<40x128xi32, #tpu.memory_space<vmem>> -> memref<1x128xi32, #tpu.memory_space<vmem>>
          %dma_start3A_218 = tpu.memref_squeeze %dma_start3A_217 : memref<1x128xi32, #tpu.memory_space<vmem>> -> memref<128xi32, #tpu.memory_space<vmem>>
          %dma_start3A_219 = arith.constant 0 : i32
          %dma_start3A_220 = tpu.memref_slice %dma_start3A_218[%dma_start3A_219] : memref<128xi32, #tpu.memory_space<vmem>> -> memref<32xi32, #tpu.memory_space<vmem>>
          %dma_start3A_221 = arith.constant 0 : i32
          %dma_start3A_222 = arith.constant 0 : i32
          %dma_start3A_223 = tpu.memref_slice %arg2[%dma_start3A_221, %dma_start3A_222] : memref<10000x128xf32, #tpu.memory_space<hbm>> -> memref<10000x128xf32, #tpu.memory_space<hbm>>
          tpu.enqueue_indirect_dma source(%dma_start3A_223 : memref<10000x128xf32, #tpu.memory_space<hbm>>) target(%dma_start3A_215 : memref<32x128xf32, #tpu.memory_space<vmem>>) offsets(%dma_start3A_220 : memref<32xi32, #tpu.memory_space<vmem>>) semaphore(%arg11 : memref<!tpu.dma_semaphore, #tpu.memory_space<semaphore_mem>>)
          %dma_start3A_224 = arith.constant 0 : i32
          %dma_start3A_225 = arith.constant 0 : i32
          %dma_start3A_226 = arith.constant 0 : i32
          %dma_start3A_227 = tpu.memref_slice %arg9[%dma_start3A_224, %dma_start3A_225, %dma_start3A_226] : memref<2x128x128xf32, #tpu.memory_space<vmem>> -> memref<1x128x128xf32, #tpu.memory_space<vmem>>
          %dma_start3A_228 = tpu.memref_squeeze %dma_start3A_227 : memref<1x128x128xf32, #tpu.memory_space<vmem>> -> memref<128x128xf32, #tpu.memory_space<vmem>>
          %dma_start3A_229 = arith.constant 32 : i32
          %dma_start3A_230 = arith.constant 0 : i32
          %dma_start3A_231 = tpu.memref_slice %dma_start3A_228[%dma_start3A_229, %dma_start3A_230] : memref<128x128xf32, #tpu.memory_space<vmem>> -> memref<32x128xf32, #tpu.memory_space<vmem>>
          %dma_start3A_232 = arith.constant 0 : i32
          %dma_start3A_233 = tpu.memref_slice %arg7[%add3A_207, %dma_start3A_232] : memref<40x128xi32, #tpu.memory_space<vmem>> -> memref<1x128xi32, #tpu.memory_space<vmem>>
          %dma_start3A_234 = tpu.memref_squeeze %dma_start3A_233 : memref<1x128xi32, #tpu.memory_space<vmem>> -> memref<128xi32, #tpu.memory_space<vmem>>
          %dma_start3A_235 = arith.constant 32 : i32
          %dma_start3A_236 = tpu.memref_slice %dma_start3A_234[%dma_start3A_235] : memref<128xi32, #tpu.memory_space<vmem>> -> memref<32xi32, #tpu.memory_space<vmem>>
          %dma_start3A_237 = arith.constant 0 : i32
          %dma_start3A_238 = arith.constant 0 : i32
          %dma_start3A_239 = tpu.memref_slice %arg2[%dma_start3A_237, %dma_start3A_238] : memref<10000x128xf32, #tpu.memory_space<hbm>> -> memref<10000x128xf32, #tpu.memory_space<hbm>>
          tpu.enqueue_indirect_dma source(%dma_start3A_239 : memref<10000x128xf32, #tpu.memory_space<hbm>>) target(%dma_start3A_231 : memref<32x128xf32, #tpu.memory_space<vmem>>) offsets(%dma_start3A_236 : memref<32xi32, #tpu.memory_space<vmem>>) semaphore(%arg11 : memref<!tpu.dma_semaphore, #tpu.memory_space<semaphore_mem>>)
          %dma_start3A_240 = arith.constant 0 : i32
          %dma_start3A_241 = arith.constant 0 : i32
          %dma_start3A_242 = arith.constant 0 : i32
          %dma_start3A_243 = tpu.memref_slice %arg9[%dma_start3A_240, %dma_start3A_241, %dma_start3A_242] : memref<2x128x128xf32, #tpu.memory_space<vmem>> -> memref<1x128x128xf32, #tpu.memory_space<vmem>>
          %dma_start3A_244 = tpu.memref_squeeze %dma_start3A_243 : memref<1x128x128xf32, #tpu.memory_space<vmem>> -> memref<128x128xf32, #tpu.memory_space<vmem>>
          %dma_start3A_245 = arith.constant 64 : i32
          %dma_start3A_246 = arith.constant 0 : i32
          %dma_start3A_247 = tpu.memref_slice %dma_start3A_244[%dma_start3A_245, %dma_start3A_246] : memref<128x128xf32, #tpu.memory_space<vmem>> -> memref<32x128xf32, #tpu.memory_space<vmem>>
          %dma_start3A_248 = arith.constant 0 : i32
          %dma_start3A_249 = tpu.memref_slice %arg7[%add3A_207, %dma_start3A_248] : memref<40x128xi32, #tpu.memory_space<vmem>> -> memref<1x128xi32, #tpu.memory_space<vmem>>
          %dma_start3A_250 = tpu.memref_squeeze %dma_start3A_249 : memref<1x128xi32, #tpu.memory_space<vmem>> -> memref<128xi32, #tpu.memory_space<vmem>>
          %dma_start3A_251 = arith.constant 64 : i32
          %dma_start3A_252 = tpu.memref_slice %dma_start3A_250[%dma_start3A_251] : memref<128xi32, #tpu.memory_space<vmem>> -> memref<32xi32, #tpu.memory_space<vmem>>
          %dma_start3A_253 = arith.constant 0 : i32
          %dma_start3A_254 = arith.constant 0 : i32
          %dma_start3A_255 = tpu.memref_slice %arg2[%dma_start3A_253, %dma_start3A_254] : memref<10000x128xf32, #tpu.memory_space<hbm>> -> memref<10000x128xf32, #tpu.memory_space<hbm>>
          tpu.enqueue_indirect_dma source(%dma_start3A_255 : memref<10000x128xf32, #tpu.memory_space<hbm>>) target(%dma_start3A_247 : memref<32x128xf32, #tpu.memory_space<vmem>>) offsets(%dma_start3A_252 : memref<32xi32, #tpu.memory_space<vmem>>) semaphore(%arg11 : memref<!tpu.dma_semaphore, #tpu.memory_space<semaphore_mem>>)
          %dma_start3A_256 = arith.constant 0 : i32
          %dma_start3A_257 = arith.constant 0 : i32
          %dma_start3A_258 = arith.constant 0 : i32
          %dma_start3A_259 = tpu.memref_slice %arg9[%dma_start3A_256, %dma_start3A_257, %dma_start3A_258] : memref<2x128x128xf32, #tpu.memory_space<vmem>> -> memref<1x128x128xf32, #tpu.memory_space<vmem>>
          %dma_start3A_260 = tpu.memref_squeeze %dma_start3A_259 : memref<1x128x128xf32, #tpu.memory_space<vmem>> -> memref<128x128xf32, #tpu.memory_space<vmem>>
          %dma_start3A_261 = arith.constant 96 : i32
          %dma_start3A_262 = arith.constant 0 : i32
          %dma_start3A_263 = tpu.memref_slice %dma_start3A_260[%dma_start3A_261, %dma_start3A_262] : memref<128x128xf32, #tpu.memory_space<vmem>> -> memref<32x128xf32, #tpu.memory_space<vmem>>
          %dma_start3A_264 = arith.constant 0 : i32
          %dma_start3A_265 = tpu.memref_slice %arg7[%add3A_207, %dma_start3A_264] : memref<40x128xi32, #tpu.memory_space<vmem>> -> memref<1x128xi32, #tpu.memory_space<vmem>>
          %dma_start3A_266 = tpu.memref_squeeze %dma_start3A_265 : memref<1x128xi32, #tpu.memory_space<vmem>> -> memref<128xi32, #tpu.memory_space<vmem>>
          %dma_start3A_267 = arith.constant 96 : i32
          %dma_start3A_268 = tpu.memref_slice %dma_start3A_266[%dma_start3A_267] : memref<128xi32, #tpu.memory_space<vmem>> -> memref<32xi32, #tpu.memory_space<vmem>>
          %dma_start3A_269 = arith.constant 0 : i32
          %dma_start3A_270 = arith.constant 0 : i32
          %dma_start3A_271 = tpu.memref_slice %arg2[%dma_start3A_269, %dma_start3A_270] : memref<10000x128xf32, #tpu.memory_space<hbm>> -> memref<10000x128xf32, #tpu.memory_space<hbm>>
          tpu.enqueue_indirect_dma source(%dma_start3A_271 : memref<10000x128xf32, #tpu.memory_space<hbm>>) target(%dma_start3A_263 : memref<32x128xf32, #tpu.memory_space<vmem>>) offsets(%dma_start3A_268 : memref<32xi32, #tpu.memory_space<vmem>>) semaphore(%arg11 : memref<!tpu.dma_semaphore, #tpu.memory_space<semaphore_mem>>)
        } else {
        }
        %dma_wait3A_183 = arith.constant 1 : i32
        %dma_wait3A_184 = arith.constant 0 : i32
        %dma_wait3A_185 = arith.constant 0 : i32
        %dma_wait3A_186 = tpu.memref_slice %arg9[%dma_wait3A_183, %dma_wait3A_184, %dma_wait3A_185] : memref<2x128x128xf32, #tpu.memory_space<vmem>> -> memref<1x128x128xf32, #tpu.memory_space<vmem>>
        %dma_wait3A_187 = tpu.memref_squeeze %dma_wait3A_186 : memref<1x128x128xf32, #tpu.memory_space<vmem>> -> memref<128x128xf32, #tpu.memory_space<vmem>>
        %dma_wait3A_188 = arith.constant 0 : i32
        %dma_wait3A_189 = arith.constant 0 : i32
        %dma_wait3A_190 = tpu.memref_slice %arg9[%dma_wait3A_183, %dma_wait3A_188, %dma_wait3A_189] : memref<2x128x128xf32, #tpu.memory_space<vmem>> -> memref<1x128x128xf32, #tpu.memory_space<vmem>>
        %dma_wait3A_191 = tpu.memref_squeeze %dma_wait3A_190 : memref<1x128x128xf32, #tpu.memory_space<vmem>> -> memref<128x128xf32, #tpu.memory_space<vmem>>
        tpu.wait_dma2 semaphore(%arg12 : memref<!tpu.dma_semaphore, #tpu.memory_space<semaphore_mem>>) src(%arg5 : memref<128x128xf32, #tpu.memory_space<hbm>>) dst(%dma_wait3A_191 : memref<128x128xf32, #tpu.memory_space<vmem>>)
        %add3A_192 = arith.constant 1 : i32
        %add3A_193 = arith.addi %add3A_165, %add3A_192 : i32
        %run_scoped3A_194 = arith.constant 1 : i32
        "tpu.region"() ({
          %run_scoped3A_204 = tpu.sem_alloc : memref<!tpu.dma_semaphore, #tpu.memory_space<semaphore_mem>>
          %dma_start3A_205 = arith.constant 0 : i32
          %dma_start3A_206 = arith.constant 0 : i32
          %dma_start3A_207 = tpu.memref_slice %arg9[%run_scoped3A_194, %dma_start3A_205, %dma_start3A_206] : memref<2x128x128xf32, #tpu.memory_space<vmem>> -> memref<1x128x128xf32, #tpu.memory_space<vmem>>
          %dma_start3A_208 = tpu.memref_squeeze %dma_start3A_207 : memref<1x128x128xf32, #tpu.memory_space<vmem>> -> memref<128x128xf32, #tpu.memory_space<vmem>>
          %dma_start3A_209 = arith.constant 0 : i32
          %dma_start3A_210 = tpu.memref_slice %arg8[%add3A_193, %dma_start3A_209] : memref<40x128xi32, #tpu.memory_space<vmem>> -> memref<1x128xi32, #tpu.memory_space<vmem>>
          %dma_start3A_211 = tpu.memref_squeeze %dma_start3A_210 : memref<1x128xi32, #tpu.memory_space<vmem>> -> memref<128xi32, #tpu.memory_space<vmem>>
          %dma_start3A_212 = arith.constant 0 : i32
          %dma_start3A_213 = arith.constant 0 : i32
          %dma_start3A_214 = tpu.memref_slice %arg10[%dma_start3A_212, %dma_start3A_213] : memref<10240x128xf32, #tpu.memory_space<vmem_shared>> -> memref<10240x128xf32, #tpu.memory_space<vmem_shared>>
          tpu.enqueue_indirect_dma source(%dma_start3A_208 : memref<128x128xf32, #tpu.memory_space<vmem>>) target(%dma_start3A_214 : memref<10240x128xf32, #tpu.memory_space<vmem_shared>>) offsets(%dma_start3A_211 : memref<128xi32, #tpu.memory_space<vmem>>) semaphore(%run_scoped3A_204 : memref<!tpu.dma_semaphore, #tpu.memory_space<semaphore_mem>>) {add = true}
          %dma_wait3A_215 = arith.constant 0 : i32
          %dma_wait3A_216 = arith.constant 0 : i32
          %dma_wait3A_217 = tpu.memref_slice %arg9[%run_scoped3A_194, %dma_wait3A_215, %dma_wait3A_216] : memref<2x128x128xf32, #tpu.memory_space<vmem>> -> memref<1x128x128xf32, #tpu.memory_space<vmem>>
          %dma_wait3A_218 = tpu.memref_squeeze %dma_wait3A_217 : memref<1x128x128xf32, #tpu.memory_space<vmem>> -> memref<128x128xf32, #tpu.memory_space<vmem>>
          %dma_wait3A_219 = arith.constant 0 : i32
          %dma_wait3A_220 = tpu.memref_slice %arg8[%add3A_193, %dma_wait3A_219] : memref<40x128xi32, #tpu.memory_space<vmem>> -> memref<1x128xi32, #tpu.memory_space<vmem>>
          %dma_wait3A_221 = tpu.memref_squeeze %dma_wait3A_220 : memref<1x128xi32, #tpu.memory_space<vmem>> -> memref<128xi32, #tpu.memory_space<vmem>>
          %dma_wait3A_222 = arith.constant 0 : i32
          %dma_wait3A_223 = arith.constant 0 : i32
          %dma_wait3A_224 = tpu.memref_slice %arg10[%dma_wait3A_222, %dma_wait3A_223] : memref<10240x128xf32, #tpu.memory_space<vmem_shared>> -> memref<10240x128xf32, #tpu.memory_space<vmem_shared>>
          tpu.wait_indirect_dma semaphore(%run_scoped3A_204 : memref<!tpu.dma_semaphore, #tpu.memory_space<semaphore_mem>>) src(%dma_wait3A_218 : memref<128x128xf32, #tpu.memory_space<vmem>>) dst(%dma_wait3A_224 : memref<10240x128xf32, #tpu.memory_space<vmem_shared>>)
          tpu.yield
        }) : () -> ()
        %add3A_195 = arith.constant 1 : i32
        %add3A_196 = arith.addi %add3A_165, %add3A_195 : i32
        %add3A_197 = arith.constant 2 : i32
        %add3A_198 = arith.addi %add3A_196, %add3A_197 : i32
        %lt3A_199 = arith.constant 40 : i32
        %lt3A_200 = arith.cmpi slt, %add3A_198, %lt3A_199 : i32
        %convert_element_type3A_201 = arith.extui %lt3A_200 : i1 to i32
        %cond3A_202 = arith.constant 0 : i32
        %cond3A_203 = arith.cmpi ne, %convert_element_type3A_201, %cond3A_202 : i32
        scf.if %cond3A_203 {
          %add3A_204 = arith.constant 1 : i32
          %add3A_205 = arith.addi %add3A_165, %add3A_204 : i32
          %add3A_206 = arith.constant 2 : i32
          %add3A_207 = arith.addi %add3A_205, %add3A_206 : i32
          %dma_start3A_208 = arith.constant 1 : i32
          %dma_start3A_209 = arith.constant 0 : i32
          %dma_start3A_210 = arith.constant 0 : i32
          %dma_start3A_211 = tpu.memref_slice %arg9[%dma_start3A_208, %dma_start3A_209, %dma_start3A_210] : memref<2x128x128xf32, #tpu.memory_space<vmem>> -> memref<1x128x128xf32, #tpu.memory_space<vmem>>
          %dma_start3A_212 = tpu.memref_squeeze %dma_start3A_211 : memref<1x128x128xf32, #tpu.memory_space<vmem>> -> memref<128x128xf32, #tpu.memory_space<vmem>>
          %dma_start3A_213 = arith.constant 0 : i32
          %dma_start3A_214 = arith.constant 0 : i32
          %dma_start3A_215 = tpu.memref_slice %dma_start3A_212[%dma_start3A_213, %dma_start3A_214] : memref<128x128xf32, #tpu.memory_space<vmem>> -> memref<32x128xf32, #tpu.memory_space<vmem>>
          %dma_start3A_216 = arith.constant 0 : i32
          %dma_start3A_217 = tpu.memref_slice %arg7[%add3A_207, %dma_start3A_216] : memref<40x128xi32, #tpu.memory_space<vmem>> -> memref<1x128xi32, #tpu.memory_space<vmem>>
          %dma_start3A_218 = tpu.memref_squeeze %dma_start3A_217 : memref<1x128xi32, #tpu.memory_space<vmem>> -> memref<128xi32, #tpu.memory_space<vmem>>
          %dma_start3A_219 = arith.constant 0 : i32
          %dma_start3A_220 = tpu.memref_slice %dma_start3A_218[%dma_start3A_219] : memref<128xi32, #tpu.memory_space<vmem>> -> memref<32xi32, #tpu.memory_space<vmem>>
          %dma_start3A_221 = arith.constant 0 : i32
          %dma_start3A_222 = arith.constant 0 : i32
          %dma_start3A_223 = tpu.memref_slice %arg2[%dma_start3A_221, %dma_start3A_222] : memref<10000x128xf32, #tpu.memory_space<hbm>> -> memref<10000x128xf32, #tpu.memory_space<hbm>>
          tpu.enqueue_indirect_dma source(%dma_start3A_223 : memref<10000x128xf32, #tpu.memory_space<hbm>>) target(%dma_start3A_215 : memref<32x128xf32, #tpu.memory_space<vmem>>) offsets(%dma_start3A_220 : memref<32xi32, #tpu.memory_space<vmem>>) semaphore(%arg12 : memref<!tpu.dma_semaphore, #tpu.memory_space<semaphore_mem>>)
          %dma_start3A_224 = arith.constant 1 : i32
          %dma_start3A_225 = arith.constant 0 : i32
          %dma_start3A_226 = arith.constant 0 : i32
          %dma_start3A_227 = tpu.memref_slice %arg9[%dma_start3A_224, %dma_start3A_225, %dma_start3A_226] : memref<2x128x128xf32, #tpu.memory_space<vmem>> -> memref<1x128x128xf32, #tpu.memory_space<vmem>>
          %dma_start3A_228 = tpu.memref_squeeze %dma_start3A_227 : memref<1x128x128xf32, #tpu.memory_space<vmem>> -> memref<128x128xf32, #tpu.memory_space<vmem>>
          %dma_start3A_229 = arith.constant 32 : i32
          %dma_start3A_230 = arith.constant 0 : i32
          %dma_start3A_231 = tpu.memref_slice %dma_start3A_228[%dma_start3A_229, %dma_start3A_230] : memref<128x128xf32, #tpu.memory_space<vmem>> -> memref<32x128xf32, #tpu.memory_space<vmem>>
          %dma_start3A_232 = arith.constant 0 : i32
          %dma_start3A_233 = tpu.memref_slice %arg7[%add3A_207, %dma_start3A_232] : memref<40x128xi32, #tpu.memory_space<vmem>> -> memref<1x128xi32, #tpu.memory_space<vmem>>
          %dma_start3A_234 = tpu.memref_squeeze %dma_start3A_233 : memref<1x128xi32, #tpu.memory_space<vmem>> -> memref<128xi32, #tpu.memory_space<vmem>>
          %dma_start3A_235 = arith.constant 32 : i32
          %dma_start3A_236 = tpu.memref_slice %dma_start3A_234[%dma_start3A_235] : memref<128xi32, #tpu.memory_space<vmem>> -> memref<32xi32, #tpu.memory_space<vmem>>
          %dma_start3A_237 = arith.constant 0 : i32
          %dma_start3A_238 = arith.constant 0 : i32
          %dma_start3A_239 = tpu.memref_slice %arg2[%dma_start3A_237, %dma_start3A_238] : memref<10000x128xf32, #tpu.memory_space<hbm>> -> memref<10000x128xf32, #tpu.memory_space<hbm>>
          tpu.enqueue_indirect_dma source(%dma_start3A_239 : memref<10000x128xf32, #tpu.memory_space<hbm>>) target(%dma_start3A_231 : memref<32x128xf32, #tpu.memory_space<vmem>>) offsets(%dma_start3A_236 : memref<32xi32, #tpu.memory_space<vmem>>) semaphore(%arg12 : memref<!tpu.dma_semaphore, #tpu.memory_space<semaphore_mem>>)
          %dma_start3A_240 = arith.constant 1 : i32
          %dma_start3A_241 = arith.constant 0 : i32
          %dma_start3A_242 = arith.constant 0 : i32
          %dma_start3A_243 = tpu.memref_slice %arg9[%dma_start3A_240, %dma_start3A_241, %dma_start3A_242] : memref<2x128x128xf32, #tpu.memory_space<vmem>> -> memref<1x128x128xf32, #tpu.memory_space<vmem>>
          %dma_start3A_244 = tpu.memref_squeeze %dma_start3A_243 : memref<1x128x128xf32, #tpu.memory_space<vmem>> -> memref<128x128xf32, #tpu.memory_space<vmem>>
          %dma_start3A_245 = arith.constant 64 : i32
          %dma_start3A_246 = arith.constant 0 : i32
          %dma_start3A_247 = tpu.memref_slice %dma_start3A_244[%dma_start3A_245, %dma_start3A_246] : memref<128x128xf32, #tpu.memory_space<vmem>> -> memref<32x128xf32, #tpu.memory_space<vmem>>
          %dma_start3A_248 = arith.constant 0 : i32
          %dma_start3A_249 = tpu.memref_slice %arg7[%add3A_207, %dma_start3A_248] : memref<40x128xi32, #tpu.memory_space<vmem>> -> memref<1x128xi32, #tpu.memory_space<vmem>>
          %dma_start3A_250 = tpu.memref_squeeze %dma_start3A_249 : memref<1x128xi32, #tpu.memory_space<vmem>> -> memref<128xi32, #tpu.memory_space<vmem>>
          %dma_start3A_251 = arith.constant 64 : i32
          %dma_start3A_252 = tpu.memref_slice %dma_start3A_250[%dma_start3A_251] : memref<128xi32, #tpu.memory_space<vmem>> -> memref<32xi32, #tpu.memory_space<vmem>>
          %dma_start3A_253 = arith.constant 0 : i32
          %dma_start3A_254 = arith.constant 0 : i32
          %dma_start3A_255 = tpu.memref_slice %arg2[%dma_start3A_253, %dma_start3A_254] : memref<10000x128xf32, #tpu.memory_space<hbm>> -> memref<10000x128xf32, #tpu.memory_space<hbm>>
          tpu.enqueue_indirect_dma source(%dma_start3A_255 : memref<10000x128xf32, #tpu.memory_space<hbm>>) target(%dma_start3A_247 : memref<32x128xf32, #tpu.memory_space<vmem>>) offsets(%dma_start3A_252 : memref<32xi32, #tpu.memory_space<vmem>>) semaphore(%arg12 : memref<!tpu.dma_semaphore, #tpu.memory_space<semaphore_mem>>)
          %dma_start3A_256 = arith.constant 1 : i32
          %dma_start3A_257 = arith.constant 0 : i32
          %dma_start3A_258 = arith.constant 0 : i32
          %dma_start3A_259 = tpu.memref_slice %arg9[%dma_start3A_256, %dma_start3A_257, %dma_start3A_258] : memref<2x128x128xf32, #tpu.memory_space<vmem>> -> memref<1x128x128xf32, #tpu.memory_space<vmem>>
          %dma_start3A_260 = tpu.memref_squeeze %dma_start3A_259 : memref<1x128x128xf32, #tpu.memory_space<vmem>> -> memref<128x128xf32, #tpu.memory_space<vmem>>
          %dma_start3A_261 = arith.constant 96 : i32
          %dma_start3A_262 = arith.constant 0 : i32
          %dma_start3A_263 = tpu.memref_slice %dma_start3A_260[%dma_start3A_261, %dma_start3A_262] : memref<128x128xf32, #tpu.memory_space<vmem>> -> memref<32x128xf32, #tpu.memory_space<vmem>>
          %dma_start3A_264 = arith.constant 0 : i32
          %dma_start3A_265 = tpu.memref_slice %arg7[%add3A_207, %dma_start3A_264] : memref<40x128xi32, #tpu.memory_space<vmem>> -> memref<1x128xi32, #tpu.memory_space<vmem>>
          %dma_start3A_266 = tpu.memref_squeeze %dma_start3A_265 : memref<1x128xi32, #tpu.memory_space<vmem>> -> memref<128xi32, #tpu.memory_space<vmem>>
          %dma_start3A_267 = arith.constant 96 : i32
          %dma_start3A_268 = tpu.memref_slice %dma_start3A_266[%dma_start3A_267] : memref<128xi32, #tpu.memory_space<vmem>> -> memref<32xi32, #tpu.memory_space<vmem>>
          %dma_start3A_269 = arith.constant 0 : i32
          %dma_start3A_270 = arith.constant 0 : i32
          %dma_start3A_271 = tpu.memref_slice %arg2[%dma_start3A_269, %dma_start3A_270] : memref<10000x128xf32, #tpu.memory_space<hbm>> -> memref<10000x128xf32, #tpu.memory_space<hbm>>
          tpu.enqueue_indirect_dma source(%dma_start3A_271 : memref<10000x128xf32, #tpu.memory_space<hbm>>) target(%dma_start3A_263 : memref<32x128xf32, #tpu.memory_space<vmem>>) offsets(%dma_start3A_268 : memref<32xi32, #tpu.memory_space<vmem>>) semaphore(%arg12 : memref<!tpu.dma_semaphore, #tpu.memory_space<semaphore_mem>>)
        } else {
        }
      }
      %scan3A_160 = arith.constant 20 : i32
    }
    %scan3A_9 = arith.constant 2 : i32
    %barrier3A_10 = arith.constant 0 : index
    tpu.barrier barrier_id(%barrier3A_10)
    %scan3A_11 = arith.constant 0 : i32
    %scan3A_12 = arith.constant 5 : i32
    %scan3A_13 = arith.addi %scan3A_11, %scan3A_12 : i32
    %scan3A_14 = arith.constant 1 : i32
    scf.for %scan3A_16 = %scan3A_11 to %scan3A_13 step %scan3A_14  : i32 {
      %mul3A_17 = arith.constant 128 : i32
      %mul3A_18 = arith.muli %scan3A_16, %mul3A_17 : i32
      %add3A_19 = arith.constant 0 : i32
      %add3A_20 = arith.addi %add3A_19, %mul3A_18 : i32
      %mul3A_21 = arith.constant 640 : i32
      %mul3A_22 = arith.muli %arg1, %mul3A_21 : i32
      %add3A_23 = arith.addi %mul3A_22, %add3A_20 : i32
      %mul3A_24 = arith.constant 640 : i32
      %mul3A_25 = arith.muli %arg1, %mul3A_24 : i32
      %add3A_26 = arith.addi %mul3A_25, %add3A_20 : i32
      "tpu.region"() ({
        %run_scoped3A_27 = tpu.sem_alloc : memref<!tpu.dma_semaphore, #tpu.memory_space<semaphore_mem>>
        %dma_start3A = arith.constant 0 : i32
        %dma_start3A_28 = arith.constant 0 : i32
        %dma_start3A_29 = tpu.memref_slice %arg6[%arg0, %dma_start3A, %dma_start3A_28] : memref<2x10240x128xf32, #tpu.memory_space<hbm>> -> memref<1x10240x128xf32, #tpu.memory_space<hbm>>
        %dma_start3A_30 = tpu.memref_squeeze %dma_start3A_29 : memref<1x10240x128xf32, #tpu.memory_space<hbm>> -> memref<10240x128xf32, #tpu.memory_space<hbm>>
        %dma_start3A_31 = arith.constant 0 : i32
        %dma_start3A_32 = tpu.memref_slice %dma_start3A_30[%add3A_26, %dma_start3A_31] : memref<10240x128xf32, #tpu.memory_space<hbm>> -> memref<128x128xf32, #tpu.memory_space<hbm>>
        %dma_start3A_33 = arith.constant 0 : i32
        %dma_start3A_34 = tpu.memref_slice %arg10[%add3A_23, %dma_start3A_33] : memref<10240x128xf32, #tpu.memory_space<vmem_shared>> -> memref<128x128xf32, #tpu.memory_space<vmem_shared>>
        tpu.enqueue_dma source(%dma_start3A_34 : memref<128x128xf32, #tpu.memory_space<vmem_shared>>) target(%dma_start3A_32 : memref<128x128xf32, #tpu.memory_space<hbm>>) target_semaphore(%run_scoped3A_27 : memref<!tpu.dma_semaphore, #tpu.memory_space<semaphore_mem>>)
        %dma_wait3A = arith.constant 0 : i32
        %dma_wait3A_35 = arith.constant 0 : i32
        %dma_wait3A_36 = tpu.memref_slice %arg6[%arg0, %dma_wait3A, %dma_wait3A_35] : memref<2x10240x128xf32, #tpu.memory_space<hbm>> -> memref<1x10240x128xf32, #tpu.memory_space<hbm>>
        %dma_wait3A_37 = tpu.memref_squeeze %dma_wait3A_36 : memref<1x10240x128xf32, #tpu.memory_space<hbm>> -> memref<10240x128xf32, #tpu.memory_space<hbm>>
        %dma_wait3A_38 = arith.constant 0 : i32
        %dma_wait3A_39 = tpu.memref_slice %dma_wait3A_37[%add3A_26, %dma_wait3A_38] : memref<10240x128xf32, #tpu.memory_space<hbm>> -> memref<128x128xf32, #tpu.memory_space<hbm>>
        %dma_wait3A_40 = arith.constant 0 : i32
        %dma_wait3A_41 = tpu.memref_slice %arg10[%add3A_23, %dma_wait3A_40] : memref<10240x128xf32, #tpu.memory_space<vmem_shared>> -> memref<128x128xf32, #tpu.memory_space<vmem_shared>>
        tpu.wait_dma2 semaphore(%run_scoped3A_27 : memref<!tpu.dma_semaphore, #tpu.memory_space<semaphore_mem>>) src(%dma_wait3A_41 : memref<128x128xf32, #tpu.memory_space<vmem_shared>>) dst(%dma_wait3A_39 : memref<128x128xf32, #tpu.memory_space<hbm>>)
        tpu.yield
      }) : () -> ()
    }
    %scan3A_15 = arith.constant 5 : i32
    return
  }
}

module attributes {stable_mosaic.version = 14 : i64} {
  func.func @body(%arg0: i32, %arg1: memref<1000x128xf32, #tpu.memory_space<vmem>>, %arg2: memref<128x128xf32, #tpu.memory_space<vmem>>, %arg3: memref<2x1000x128xf32, #tpu.memory_space<vmem>>, %arg4: memref<1000x128xf32, #tpu.memory_space<vmem>>, %arg5: memref<1000x1xf32, #tpu.memory_space<vmem>>) attributes {dimension_semantics = [#tpu.dimension_semantics<arbitrary>], iteration_bounds = array<i64: 10>, scalar_prefetch = 0 : i64, scratch_operands = 0 : i64, tpu.core_type = #tpu.core_type<tc>, window_params = [{transform_indices = @transform_0, window_bounds = array<i64: 1000, 128>}, {pipeline_mode = #tpu.pipeline_mode<synchronous>, transform_indices = @transform_1, window_bounds = array<i64: 128, 128>}, {transform_indices = @transform_2, window_bounds = array<i64: 2, 1000, 128>}, {transform_indices = @transform_3, window_bounds = array<i64: 1000, 128>}, {transform_indices = @transform_4, window_bounds = array<i64: 1000, 1>}]} {
    %get3A = arith.constant 0 : index
    %get3A_0 = arith.constant 0 : index
    %get3A_1 = arith.constant 0 : index
    %get3A_2 = vector.load %arg3[%get3A, %get3A_0, %get3A_1] : memref<2x1000x128xf32, #tpu.memory_space<vmem>>, vector<2x1000x128xf32>
    %slice3A = vector.extract_strided_slice %get3A_2 {offsets = [0, 0, 0], sizes = [1, 1000, 1], strides = [1, 1, 1]} : vector<2x1000x128xf32> to vector<1x1000x1xf32>
    %squeeze3A = vector.shape_cast %slice3A : vector<1x1000x1xf32> to vector<1000x1xf32>
    %slice3A_3 = vector.extract_strided_slice %get3A_2 {offsets = [1, 0, 0], sizes = [1, 1000, 1], strides = [1, 1, 1]} : vector<2x1000x128xf32> to vector<1x1000x1xf32>
    %squeeze3A_4 = vector.shape_cast %slice3A_3 : vector<1x1000x1xf32> to vector<1000x1xf32>
    %add3A = arith.addf %squeeze3A, %squeeze3A_4 : vector<1000x1xf32>
    %add3A_5 = arith.constant 1.000000e+00 : f32
    %add3A_6 = vector.broadcast %add3A_5 : f32 to vector<1000x1xf32>
    %add3A_7 = arith.addf %add3A, %add3A_6 : vector<1000x1xf32>
    %rsqrt3A = math.rsqrt %add3A_7 : vector<1000x1xf32>
    %get3A_8 = arith.constant 0 : index
    %get3A_9 = arith.constant 0 : index
    %get3A_10 = vector.load %arg1[%get3A_8, %get3A_9] : memref<1000x128xf32, #tpu.memory_space<vmem>>, vector<1000x128xf32>
    %get3A_11 = arith.constant 0 : index
    %get3A_12 = arith.constant 0 : index
    %get3A_13 = vector.load %arg2[%get3A_11, %get3A_12] : memref<128x128xf32, #tpu.memory_space<vmem>>, vector<128x128xf32>
    %dot_general3A = arith.constant dense<0.000000e+00> : vector<1000x128xf32>
    %dot_general3A_14 = tpu.matmul %get3A_10, %get3A_13, %dot_general3A {dimension_numbers = #tpu.dot_dimension_numbers<[1], [0], [0], [1], [0, 0, 1, 1], [], []>, precision = #tpu.contract_precision<fp32>, transpose_lhs_hint = false} : vector<1000x128xf32>, vector<128x128xf32>, vector<1000x128xf32> -> vector<1000x128xf32>
    %mul3A = vector.broadcast %rsqrt3A : vector<1000x1xf32> to vector<1000x128xf32>
    %mul3A_15 = arith.mulf %mul3A, %dot_general3A_14 : vector<1000x128xf32>
    %swap3A = arith.constant 0 : index
    %swap3A_16 = arith.constant 0 : index
    %swap3A_17 = vector.load %arg4[%swap3A, %swap3A_16] : memref<1000x128xf32, #tpu.memory_space<vmem>>, vector<1000x128xf32>
    tpu.vector_store %arg4[%swap3A, %swap3A_16], %mul3A_15 {strides = array<i32>} : memref<1000x128xf32, #tpu.memory_space<vmem>>, vector<1000x128xf32>,
    %swap3A_18 = arith.constant 0 : index
    %swap3A_19 = arith.constant 0 : index
    %swap3A_20 = vector.load %arg5[%swap3A_18, %swap3A_19] : memref<1000x1xf32, #tpu.memory_space<vmem>>, vector<1000x1xf32>
    tpu.vector_store %arg5[%swap3A_18, %swap3A_19], %rsqrt3A {strides = array<i32>} : memref<1000x1xf32, #tpu.memory_space<vmem>>, vector<1000x1xf32>,
    return
  }
  func.func @transform_0(%arg0: i32) -> (i32, i32) {
    %c0_i32 = arith.constant 0 : i32
    %c0_i32_0 = arith.constant 0 : i32
    return %arg0, %c0_i32 : i32, i32
  }
  func.func @transform_1(%arg0: i32) -> (i32, i32) {
    %c0_i32 = arith.constant 0 : i32
    %c0_i32_0 = arith.constant 0 : i32
    %c0_i32_1 = arith.constant 0 : i32
    return %c0_i32, %c0_i32_0 : i32, i32
  }
  func.func @transform_2(%arg0: i32) -> (i32, i32, i32) {
    %c0_i32 = arith.constant 0 : i32
    %c0_i32_0 = arith.constant 0 : i32
    %c0_i32_1 = arith.constant 0 : i32
    return %c0_i32, %arg0, %c0_i32_0 : i32, i32, i32
  }
  func.func @transform_3(%arg0: i32) -> (i32, i32) {
    %c0_i32 = arith.constant 0 : i32
    %c0_i32_0 = arith.constant 0 : i32
    return %arg0, %c0_i32 : i32, i32
  }
  func.func @transform_4(%arg0: i32) -> (i32, i32) {
    %c0_i32 = arith.constant 0 : i32
    %c0_i32_0 = arith.constant 0 : i32
    return %arg0, %c0_i32 : i32, i32
  }
}

module attributes {stable_mosaic.version = 14 : i64} {
  func.func @body(%arg0: i32, %arg1: memref<2x1000x128xf32, #tpu.memory_space<vmem>>, %arg2: memref<1000x128xf32, #tpu.memory_space<vmem>>, %arg3: memref<1000x1xf32, #tpu.memory_space<vmem>>, %arg4: memref<1x128xf32, #tpu.memory_space<vmem>>, %arg5: memref<128x128xf32, #tpu.memory_space<vmem>>, %arg6: memref<1000x128xf32, #tpu.memory_space<vmem>>) attributes {dimension_semantics = [#tpu.dimension_semantics<arbitrary>], iteration_bounds = array<i64: 10>, scalar_prefetch = 0 : i64, scratch_operands = 0 : i64, tpu.core_type = #tpu.core_type<tc>, window_params = [{transform_indices = @transform_0, window_bounds = array<i64: 2, 1000, 128>}, {transform_indices = @transform_1, window_bounds = array<i64: 1000, 128>}, {transform_indices = @transform_2, window_bounds = array<i64: 1000, 1>}, {pipeline_mode = #tpu.pipeline_mode<synchronous>, transform_indices = @transform_3, window_bounds = array<i64: 1, 128>}, {pipeline_mode = #tpu.pipeline_mode<synchronous>, transform_indices = @transform_4, window_bounds = array<i64: 128, 128>}, {transform_indices = @transform_5, window_bounds = array<i64: 1000, 128>}]} {
    %get3A = arith.constant 0 : index
    %get3A_0 = arith.constant 0 : index
    %get3A_1 = arith.constant 0 : index
    %get3A_2 = vector.load %arg1[%get3A, %get3A_0, %get3A_1] : memref<2x1000x128xf32, #tpu.memory_space<vmem>>, vector<2x1000x128xf32>
    %get3A_3 = arith.constant 0 : index
    %get3A_4 = arith.constant 0 : index
    %get3A_5 = vector.load %arg3[%get3A_3, %get3A_4] : memref<1000x1xf32, #tpu.memory_space<vmem>>, vector<1000x1xf32>
    %slice3A = vector.extract_strided_slice %get3A_2 {offsets = [0, 0, 0], sizes = [1, 1000, 128], strides = [1, 1, 1]} : vector<2x1000x128xf32> to vector<1x1000x128xf32>
    %squeeze3A = vector.shape_cast %slice3A : vector<1x1000x128xf32> to vector<1000x128xf32>
    %slice3A_6 = vector.extract_strided_slice %get3A_2 {offsets = [1, 0, 0], sizes = [1, 1000, 128], strides = [1, 1, 1]} : vector<2x1000x128xf32> to vector<1x1000x128xf32>
    %squeeze3A_7 = vector.shape_cast %slice3A_6 : vector<1x1000x128xf32> to vector<1000x128xf32>
    %add3A = arith.addf %squeeze3A, %squeeze3A_7 : vector<1000x128xf32>
    %get3A_8 = arith.constant 0 : index
    %get3A_9 = arith.constant 0 : index
    %get3A_10 = vector.load %arg2[%get3A_8, %get3A_9] : memref<1000x128xf32, #tpu.memory_space<vmem>>, vector<1000x128xf32>
    %add3A_11 = arith.addf %add3A, %get3A_10 : vector<1000x128xf32>
    %mul3A = vector.broadcast %get3A_5 : vector<1000x1xf32> to vector<1000x128xf32>
    %mul3A_12 = arith.mulf %mul3A, %add3A_11 : vector<1000x128xf32>
    %get3A_13 = arith.constant 0 : index
    %get3A_14 = arith.constant 0 : index
    %get3A_15 = vector.load %arg4[%get3A_13, %get3A_14] : memref<1x128xf32, #tpu.memory_space<vmem>>, vector<1x128xf32>
    %add3A_16 = vector.broadcast %get3A_15 : vector<1x128xf32> to vector<1000x128xf32>
    %add3A_17 = arith.addf %mul3A_12, %add3A_16 : vector<1000x128xf32>
    %max3A = arith.constant 0.000000e+00 : f32
    %max3A_18 = vector.broadcast %max3A : f32 to vector<1000x128xf32>
    %max3A_19 = arith.maximumf %add3A_17, %max3A_18 : vector<1000x128xf32>
    %get3A_20 = arith.constant 0 : index
    %get3A_21 = arith.constant 0 : index
    %get3A_22 = vector.load %arg5[%get3A_20, %get3A_21] : memref<128x128xf32, #tpu.memory_space<vmem>>, vector<128x128xf32>
    %dot_general3A = arith.constant dense<0.000000e+00> : vector<1000x128xf32>
    %dot_general3A_23 = tpu.matmul %max3A_19, %get3A_22, %dot_general3A {dimension_numbers = #tpu.dot_dimension_numbers<[1], [0], [0], [1], [0, 0, 1, 1], [], []>, precision = #tpu.contract_precision<fp32>, transpose_lhs_hint = false} : vector<1000x128xf32>, vector<128x128xf32>, vector<1000x128xf32> -> vector<1000x128xf32>
    %mul3A_24 = vector.broadcast %get3A_5 : vector<1000x1xf32> to vector<1000x128xf32>
    %mul3A_25 = arith.mulf %mul3A_24, %dot_general3A_23 : vector<1000x128xf32>
    %swap3A = arith.constant 0 : index
    %swap3A_26 = arith.constant 0 : index
    %swap3A_27 = vector.load %arg6[%swap3A, %swap3A_26] : memref<1000x128xf32, #tpu.memory_space<vmem>>, vector<1000x128xf32>
    tpu.vector_store %arg6[%swap3A, %swap3A_26], %mul3A_25 {strides = array<i32>} : memref<1000x128xf32, #tpu.memory_space<vmem>>, vector<1000x128xf32>,
    return
  }
  func.func @transform_0(%arg0: i32) -> (i32, i32, i32) {
    %c0_i32 = arith.constant 0 : i32
    %c0_i32_0 = arith.constant 0 : i32
    %c0_i32_1 = arith.constant 0 : i32
    return %c0_i32, %arg0, %c0_i32_0 : i32, i32, i32
  }
  func.func @transform_1(%arg0: i32) -> (i32, i32) {
    %c0_i32 = arith.constant 0 : i32
    %c0_i32_0 = arith.constant 0 : i32
    return %arg0, %c0_i32 : i32, i32
  }
  func.func @transform_2(%arg0: i32) -> (i32, i32) {
    %c0_i32 = arith.constant 0 : i32
    %c0_i32_0 = arith.constant 0 : i32
    return %arg0, %c0_i32 : i32, i32
  }
  func.func @transform_3(%arg0: i32) -> (i32, i32) {
    %c0_i32 = arith.constant 0 : i32
    %c0_i32_0 = arith.constant 0 : i32
    %c0_i32_1 = arith.constant 0 : i32
    return %c0_i32, %c0_i32_0 : i32, i32
  }
  func.func @transform_4(%arg0: i32) -> (i32, i32) {
    %c0_i32 = arith.constant 0 : i32
    %c0_i32_0 = arith.constant 0 : i32
    %c0_i32_1 = arith.constant 0 : i32
    return %c0_i32, %c0_i32_0 : i32, i32
  }
  func.func @transform_5(%arg0: i32) -> (i32, i32) {
    %c0_i32 = arith.constant 0 : i32
    %c0_i32_0 = arith.constant 0 : i32
    return %arg0, %c0_i32 : i32, i32
  }
}

module attributes {stable_mosaic.version = 14 : i64} {
  func.func @body(%arg0: i32, %arg1: memref<2x1000x128xf32, #tpu.memory_space<vmem>>, %arg2: memref<1000x128xf32, #tpu.memory_space<vmem>>, %arg3: memref<1000x1xf32, #tpu.memory_space<vmem>>, %arg4: memref<1x16xf32, #tpu.memory_space<vmem>>, %arg5: memref<1000x16xf32, #tpu.memory_space<vmem>>) attributes {dimension_semantics = [#tpu.dimension_semantics<arbitrary>], iteration_bounds = array<i64: 10>, scalar_prefetch = 0 : i64, scratch_operands = 0 : i64, tpu.core_type = #tpu.core_type<tc>, window_params = [{transform_indices = @transform_0, window_bounds = array<i64: 2, 1000, 128>}, {transform_indices = @transform_1, window_bounds = array<i64: 1000, 128>}, {transform_indices = @transform_2, window_bounds = array<i64: 1000, 1>}, {pipeline_mode = #tpu.pipeline_mode<synchronous>, transform_indices = @transform_3, window_bounds = array<i64: 1, 16>}, {transform_indices = @transform_4, window_bounds = array<i64: 1000, 16>}]} {
    %get3A = arith.constant 0 : index
    %get3A_0 = arith.constant 0 : index
    %get3A_1 = arith.constant 0 : index
    %get3A_2 = vector.load %arg1[%get3A, %get3A_0, %get3A_1] : memref<2x1000x128xf32, #tpu.memory_space<vmem>>, vector<2x1000x128xf32>
    %get3A_3 = arith.constant 0 : index
    %get3A_4 = arith.constant 0 : index
    %get3A_5 = vector.load %arg3[%get3A_3, %get3A_4] : memref<1000x1xf32, #tpu.memory_space<vmem>>, vector<1000x1xf32>
    %slice3A = vector.extract_strided_slice %get3A_2 {offsets = [0, 0, 0], sizes = [1, 1000, 128], strides = [1, 1, 1]} : vector<2x1000x128xf32> to vector<1x1000x128xf32>
    %squeeze3A = vector.shape_cast %slice3A : vector<1x1000x128xf32> to vector<1000x128xf32>
    %slice3A_6 = vector.extract_strided_slice %get3A_2 {offsets = [1, 0, 0], sizes = [1, 1000, 128], strides = [1, 1, 1]} : vector<2x1000x128xf32> to vector<1x1000x128xf32>
    %squeeze3A_7 = vector.shape_cast %slice3A_6 : vector<1x1000x128xf32> to vector<1000x128xf32>
    %add3A = arith.addf %squeeze3A, %squeeze3A_7 : vector<1000x128xf32>
    %get3A_8 = arith.constant 0 : index
    %get3A_9 = arith.constant 0 : index
    %get3A_10 = vector.load %arg2[%get3A_8, %get3A_9] : memref<1000x128xf32, #tpu.memory_space<vmem>>, vector<1000x128xf32>
    %add3A_11 = arith.addf %add3A, %get3A_10 : vector<1000x128xf32>
    %mul3A = vector.broadcast %get3A_5 : vector<1000x1xf32> to vector<1000x128xf32>
    %mul3A_12 = arith.mulf %mul3A, %add3A_11 : vector<1000x128xf32>
    %slice3A_13 = vector.extract_strided_slice %mul3A_12 {offsets = [0, 0], sizes = [1000, 16], strides = [1, 1]} : vector<1000x128xf32> to vector<1000x16xf32>
    %get3A_14 = arith.constant 0 : index
    %get3A_15 = arith.constant 0 : index
    %get3A_16 = vector.load %arg4[%get3A_14, %get3A_15] : memref<1x16xf32, #tpu.memory_space<vmem>>, vector<1x16xf32>
    %add3A_17 = vector.broadcast %get3A_16 : vector<1x16xf32> to vector<1000x16xf32>
    %add3A_18 = arith.addf %slice3A_13, %add3A_17 : vector<1000x16xf32>
    %reduce_max3A = arith.constant dense<0xFF800000> : vector<1000xf32>
    %reduce_max3A_19 = vector.multi_reduction <maximumf>, %add3A_18, %reduce_max3A [1] : vector<1000x16xf32> to vector<1000xf32>
    %broadcast_in_dim3A = vector.shape_cast %reduce_max3A_19 : vector<1000xf32> to vector<1000x1xf32>
    %sub3A = vector.broadcast %broadcast_in_dim3A : vector<1000x1xf32> to vector<1000x16xf32>
    %sub3A_20 = arith.subf %add3A_18, %sub3A : vector<1000x16xf32>
    %exp3A = math.exp %sub3A_20 : vector<1000x16xf32>
    %reduce_sum3A = arith.constant dense<0.000000e+00> : vector<1000xf32>
    %reduce_sum3A_21 = vector.multi_reduction <add>, %exp3A, %reduce_sum3A [1] : vector<1000x16xf32> to vector<1000xf32>
    %broadcast_in_dim3A_22 = vector.shape_cast %reduce_sum3A_21 : vector<1000xf32> to vector<1000x1xf32>
    %div3A = vector.broadcast %broadcast_in_dim3A_22 : vector<1000x1xf32> to vector<1000x16xf32>
    %div3A_23 = arith.divf %exp3A, %div3A : vector<1000x16xf32>
    %swap3A = arith.constant 0 : index
    %swap3A_24 = arith.constant 0 : index
    %swap3A_25 = vector.load %arg5[%swap3A, %swap3A_24] : memref<1000x16xf32, #tpu.memory_space<vmem>>, vector<1000x16xf32>
    tpu.vector_store %arg5[%swap3A, %swap3A_24], %div3A_23 {strides = array<i32>} : memref<1000x16xf32, #tpu.memory_space<vmem>>, vector<1000x16xf32>,
    return
  }
  func.func @transform_0(%arg0: i32) -> (i32, i32, i32) {
    %c0_i32 = arith.constant 0 : i32
    %c0_i32_0 = arith.constant 0 : i32
    %c0_i32_1 = arith.constant 0 : i32
    return %c0_i32, %arg0, %c0_i32_0 : i32, i32, i32
  }
  func.func @transform_1(%arg0: i32) -> (i32, i32) {
    %c0_i32 = arith.constant 0 : i32
    %c0_i32_0 = arith.constant 0 : i32
    return %arg0, %c0_i32 : i32, i32
  }
  func.func @transform_2(%arg0: i32) -> (i32, i32) {
    %c0_i32 = arith.constant 0 : i32
    %c0_i32_0 = arith.constant 0 : i32
    return %arg0, %c0_i32 : i32, i32
  }
  func.func @transform_3(%arg0: i32) -> (i32, i32) {
    %c0_i32 = arith.constant 0 : i32
    %c0_i32_0 = arith.constant 0 : i32
    %c0_i32_1 = arith.constant 0 : i32
    return %c0_i32, %c0_i32_0 : i32, i32
  }
  func.func @transform_4(%arg0: i32) -> (i32, i32) {
    %c0_i32 = arith.constant 0 : i32
    %c0_i32_0 = arith.constant 0 : i32
    return %arg0, %c0_i32 : i32, i32
  }
}

</mosaic_0001>

<sc_bundles>
// kernel: kernel.10.cloned.1.call-start
scs
__scs_entry_jumppad:
0x0: {  	(pc) =	sbr.rel $0x88, $3  }
0x1: {  	(tag) =	ssettag $0x0;
	lr =	simm.s32 $0x1  }
0x2: {  	[smem:$0x3F99] =	sst lr;
	_ =	strace $0xD0000000  }
0x3: {  	_ = 	snop  }
0x4: {  	_ = 	snop  }
0x5: {  	_ = 	snop  }
0x6: {  	_ = 	snop  }
0x7: {  	_ = 	snop  }
__scs_overlays_trampoline_lowered:
0x8: {  	[smem:$0x3FA8] =	sst s0  }
0x9: {  	[smem:$0x3FA9] =	sst s1  }
0xa: {  	[smem:$0x3FAA] =	sst s2  }
0xb: {  	[smem:$0x3FAB] =	sst s3  }
0xc: {  	[smem:$0x3FAC] =	sst s4  }
0xd: {  	[smem:$0x3FAD] =	sst s5  }
0xe: {  	[smem:$0x3FAE] =	sst s6  }
0xf: {  	[smem:$0x3FAF] =	sst s7  }
0x10: {  	[smem:$0x3FB0] =	sst s8  }
0x11: {  	[smem:$0x3FB1] =	sst s9;
	s0 =	simm.s32 @!p0 $0x0  }
0x12: {  	s1 =	sld [smem:$0x3F97];
	s0 =	simm.s32 @p0 $0x1  }
0x13: {  	[smem:$0x3FB2] =	sst s0;
	s0 =	simm.s32 @!p1 $0x0  }
0x14: {  	s2 =	sld [smem:$0x3F96];
	s0 =	simm.s32 @p1 $0x1  }
0x15: {  	[smem:$0x3FB3] =	sst s0;
	s0 =	simm.s32 @!p2 $0x0  }
0x16: {  	s3 =	sld [smem:$0x3FDB];
	s0 =	simm.s32 @p2 $0x1  }
0x17: {  	s4 =	simm.s32 $0x1BF5;
	[smem:$0x3FB5] =	sst s0  }
0x18: {  	s0 =	sld [smem:$0x3F98];
	_ =	swait.ge [sflag:s4], $0x0  }
0x19: {  	s7 =	sld [smem:$0x3F99]  }
0x1a: {  	s8 =	sadd.s32 $0xFFFFE003, lr  }
0x1b: {  	s9 =	sadd.s32 $0xFFFFFEF7, lr;
	s5 =	simm.s32 $0xFFFFFFFF;
	p2 =	slt.u32 s8, $0xFFFFF086  }
0x1c: {  	p1 =	slt.u32 s9, $0xF7A;
	s5 =	simm.s32 @!p2 $0x0  }
0x1d: {  	s5 =	simm.s32 @p1 $0x1;
	p0 =	seq.s32 s7, s2  }
0x1e: {  	s7 =	smul.u32 @!p0 $0xF7A, s2;
	p2 =	seq.s32 @!p0 s5, $0x0  }
0x1f: {  	s9 =	smul.u32 $0xF7A, s1;
	s8 =	simm.s32 @!p0 $0x1BF5;
	p2 =	por !p2, p0  }
0x20: {  	[sflag:s8] =	ssyncset.s32 @!p0 $0xFFFFF086;
	s6 =	sadd.s32 @!p0 s3, s7;
	s7 =	simm.s32 @!p0 $0x108  }
0x21: {  	s3 =	sadd.s32 s3, s9;
	s6 =	sadd.s32 @!p0 $0x88, s6;
	s7 =	simm.s32 @p2 $0x1082  }
0x22: {  	[simem:s7], [sflag:s8] =	dma.local @!p0 [hbm:s6], $0xF7A  }
0x23: {  	s9 =	sor.u32 $0xD0000000, s2;
	s6 =	simm.s32 $0x108;
	_ =	swait.ge @!p0 [sflag:s8], $0x0  }
0x24: {  	s3 =	sadd.s32 $0x88, s3;
	s6 =	simm.s32 @!p1 $0x1082;
	[sflag:s4] =	ssyncset.s32 $0xFFFFF086  }
0x25: {  	[simem:s6], [sflag:s4] =	dma.local [hbm:s3], $0xF7A  }
0x26: {  	[smem:$0x3F99] =	sst s1;
	(tag) =	ssettag s2;
	_ =	strace s9  }
0x27: {  	s1 =	sld [smem:$0x3FA9]  }
0x28: {  	s2 =	sld [smem:$0x3FAA]  }
0x29: {  	s4 =	sld [smem:$0x3FAC]  }
0x2a: {  	p0 =	seq.s32 s5, $0x0;
	s5 =	sld [smem:$0x3FAD]  }
0x2b: {  	s6 =	sld [smem:$0x3FAE]  }
0x2c: {  	s7 =	sld [smem:$0x3FAF]  }
0x2d: {  	s3 =	simm.s32 $0x108;
	s8 =	sld [smem:$0x3FB0]  }
0x2e: {  	s3 =	simm.s32 @!p0 $0x1082;
	s9 =	sld [smem:$0x3FB1]  }
0x2f: {  	lr =	sadd.s32 s0, s3;
	s0 =	sld [smem:$0x3FA8]  }
0x30: {  	s3 =	sld [smem:$0x3FAB]  }
0x31: {  	[smem:$0x3FB4] =	sst s10  }
0x32: {  	s10 =	sld [smem:$0x3FB2];
	_ =	sdelay $0x3  }
0x33: {  	p0 =	seq.s32 s10, $0x1;
	s10 =	sld [smem:$0x3FB4];
	_ =	sdelay $0x3  }
0x34: {  	[smem:$0x3FB4] =	sst s10  }
0x35: {  	s10 =	sld [smem:$0x3FB3];
	_ =	sdelay $0x3  }
0x36: {  	p1 =	seq.s32 s10, $0x1;
	s10 =	sld [smem:$0x3FB4];
	_ =	sdelay $0x3  }
0x37: {  	[smem:$0x3FB4] =	sst s10  }
0x38: {  	s10 =	sld [smem:$0x3FB5]  }
0x39: {  	_ = 	snop;
	(pc) =	sbr.ind lr, $3  }
0x3a: {  	_ = 	snop  }
0x3b: {  	_ = 	snop  }
0x3c: {  	p2 =	seq.s32 s10, $0x1;
	s10 =	sld [smem:$0x3FB4]  }
0x3d: {  	_ =	shalt  }
0x3e: {  	_ =	shalt  }
0x3f: {  	_ =	shalt  }
0x40: {  	_ =	shalt  }
0x41: {  	_ =	shalt  }
0x42: {  	_ =	shalt  }
0x43: {  	_ =	shalt  }
0x44: {  	_ =	shalt  }
0x45: {  	_ =	shalt  }
0x46: {  	_ =	shalt  }
0x47: {  	_ =	shalt  }
0x48: {  	_ =	shalt  }
0x49: {  	_ =	shalt  }
0x4a: {  	_ =	shalt  }
0x4b: {  	_ =	shalt  }
0x4c: {  	_ =	shalt  }
0x4d: {  	_ =	shalt  }
0x4e: {  	_ =	shalt  }
0x4f: {  	_ =	shalt  }
0x50: {  	_ =	shalt  }
0x51: {  	_ =	shalt  }
0x52: {  	_ =	shalt  }
0x53: {  	_ =	shalt  }
0x54: {  	_ =	shalt  }
0x55: {  	_ =	shalt  }
0x56: {  	_ =	shalt  }
0x57: {  	_ =	shalt  }
0x58: {  	_ =	shalt  }
0x59: {  	_ =	shalt  }
0x5a: {  	_ =	shalt  }
0x5b: {  	_ =	shalt  }
0x5c: {  	_ =	shalt  }
0x5d: {  	_ =	shalt  }
0x5e: {  	_ =	shalt  }
0x5f: {  	_ =	shalt  }
0x60: {  	_ =	shalt  }
0x61: {  	_ =	shalt  }
0x62: {  	_ =	shalt  }
0x63: {  	_ =	shalt  }
0x64: {  	_ =	shalt  }
0x65: {  	_ =	shalt  }
0x66: {  	_ =	shalt  }
0x67: {  	_ =	shalt  }
0x68: {  	_ =	shalt  }
0x69: {  	_ =	shalt  }
0x6a: {  	_ =	shalt  }
0x6b: {  	_ =	shalt  }
0x6c: {  	_ =	shalt  }
0x6d: {  	_ =	shalt  }
0x6e: {  	_ =	shalt  }
0x6f: {  	_ =	shalt  }
0x70: {  	_ =	shalt  }
0x71: {  	_ =	shalt  }
0x72: {  	_ =	shalt  }
0x73: {  	_ =	shalt  }
0x74: {  	_ =	shalt  }
0x75: {  	_ =	shalt  }
0x76: {  	_ =	shalt  }
0x77: {  	_ =	shalt  }
0x78: {  	_ =	shalt  }
0x79: {  	_ =	shalt  }
0x7a: {  	_ =	shalt  }
0x7b: {  	_ =	shalt  }
0x7c: {  	_ =	shalt  }
0x7d: {  	_ =	shalt  }
0x7e: {  	_ =	shalt  }
0x7f: {  	_ =	shalt  }
0x80: {  	_ =	shalt  }
0x81: {  	_ =	shalt  }
0x82: {  	_ =	shalt  }
0x83: {  	_ =	shalt  }
0x84: {  	_ =	shalt  }
0x85: {  	_ =	shalt  }
0x86: {  	_ =	shalt  }
0x87: {  	_ =	shalt  }
.Lfunc_end0:
.L_simem_size_0:
called_computation_lowered:
.L_overlay_start_0:
0x88: {  	s2 =	sld [smem:$0x3FD9]  }
0x89: {  	s3 =	sld [smem:$0x3FFE];
	_ =	sdelay $0x1  }
0x8a: {  	s1 =	srdreg.scid  }
0x8b: {  	s0 =	sand.u32 $0x1, s1  }
0x8c: {  	s17 =	sshll.u32 s0, $0xA;
	s2 =	sadd.s32 s3, s2  }
0x8d: {  	s2 =	sadd.s32 s2, s17  }
0x8e: {  	[smem:$0x3FC0] =	sst s2  }
0x8f: {  	_ = 	snop  }
0x90: {  	s2 =	sld [smem:$0x3FD0];
	(tm) =	ssettm $0x1  }
0x91: {  	s18 =	sld [smem:$0x3FFB];
	_ =	sdelay $0x3  }
0x92: {  	_ =	strace s18  }
0x93: {  	s3 =	sld [smem:$0x3FFC];
	_ =	sdelay $0x3  }
0x94: {  	_ =	strace s3  }
0x95: {  	s3 =	sld [smem:$0x3FFD];
	_ =	sdelay $0x3  }
0x96: {  	_ =	strace s3  }
0x97: {  	_ =	strace $0x8FFFFFFF  }
0x98: {  	s19 =	sld [smem:$0x3FDB];
	_ =	sdelay $0x1  }
0x99: {  	s4 =	simm.s32 $_scs_section_size  }
0x9a: {  	s5 =	simm.s32 $_size__tile_overlayer_lowered;
	s6 =	simm.s32 $_tile_overlayer_lowered  }
0x9b: {  	s22 =	simm.s32 $0x1BFF;
	s21 =	sshll.u32 s6, $0x1;
	s3 =	sadd.s32 s4, s19  }
0x9c: {  	s7 =	simm.s32 $0x0;
	s20 =	sshll.u32 s5, $0x1;
	s5 =	sadd.s32 s21, s3  }
0x9d: {  	[timem:s7], [sflag:s22] =	dma.local [hbm:s5], s20  }
0x9e: {  	_ =	swait.ge [sflag:s22], s20  }
0x9f: {  	s4 =	ssub.s32 $0x0, s20;
	[sflag:s22] =	ssyncset.done $0x0  }
0xa0: {  	[sflag:s22] =	ssyncadd.s32 s4;
	_ =	sdelay $0x1  }
0xa1: {  	s23 =	simm.s32 $0x1B8B  }
0xa2: {  	_ =	swait.ge [sflag:s23], $0x1  }
0xa3: {  	[sflag:s23] =	ssyncset.done $0x0  }
0xa4: {  	s25 =	simm.s32 $0x1B8E;
	s24 =	sld [smem:$0x3FFE];
	[sflag:s23] =	ssyncadd.s32 $0xFFFFFFFF  }
0xa5: {  	s26 =	simm.s32 $execute0_lowered;
	[smem:$0x3FD2] =	sst s25  }
0xa6: {  	s5 =	sshll.u32 s26, $0x1;
	_ =	strace $0x80000046;
	[dreg:$0x1] =	wrdreg $0xFFFFFFFF  }
0xa7: {  	s28 =	simm.s32 $_size_execute0_lowered;
	s3 =	sadd.s32 s3, s5;
	[dreg:$0x0] =	wrdreg $0x0  }
0xa8: {  	s5 =	sshll.u32 s28, $0x1;
	[dreg:$0x2] =	wrdreg s3  }
0xa9: {  	[dreg:$0x3] =	wrdreg s5  }
0xaa: {  	[dreg:$0x4] =	wrdreg $0xC0  }
0xab: {  	_ =	task [dreg:s7], $0x5FFFF  }
0xac: {  	[dreg:$0x1] =	wrdreg $0xFFFFFFFF  }
0xad: {  	[dreg:$0x0] =	wrdreg $0x60  }
0xae: {  	[dreg:$0x2] =	wrdreg s24  }
0xaf: {  	[dreg:$0x3] =	wrdreg s2  }
0xb0: {  	[dreg:$0x4] =	wrdreg $0xA8000  }
0xb1: {  	[dreg:$0x5] =	wrdreg $0x9  }
0xb2: {  	_ =	task.clear_ibuf [dreg:s7], $0x6FFFF;
	_ =	strace $0x90000046  }
0xb3: {  	s29 =	simm.s32 $0x9;
	_ =	strace $0x80000048  }
0xb4: {  	_ =	swait.ge [sflag:s29], $0x1  }
0xb5: {  	[sflag:s29] =	ssyncadd.s32 $0xFFFFFFFF  }
0xb6: {  	_ =	strace $0x90000048  }
0xb7: {  	_ =	sfence  }
0xb8: {  	s30 =	sld [smem:$0x0];
	_ =	sdelay $0x2  }
0xb9: {  	s31 =	sshll.u32 s1, $0xD;
	s1 =	sshrl.u32 s1, $0x2  }
0xba: {  	s3 =	sand.u32 $0x4000, s31;
	s1 =	sadd.s32 s1, s30  }
0xbb: {  	s0 =	sor.u32 s3, s0;
	s1 =	sshll.u32 s1, $0x11  }
0xbc: {  	s0 =	sor.u32 s1, s0  }
0xbd: {  	s0 =	sadd.s32 $0x8F2B, s0  }
0xbe: {  	[sflag:s0] =	ssyncadd.remote.s32 $0x1  }
0xbf: {  	_ =	sfence.sel $0xFFFF  }
0xc0: {  	[dreg:$0x0] =	wrdreg $0xFFFFFFFF;
	(pc) =	sbr.abs _section_cstart, $3  }
0xc1: {  	[dreg:$0x1] =	wrdreg $0xFFFFFFFF  }
0xc2: {  	_ =	task.clear_ibuf [dreg:s7], $0x2FFFF;
	_ =	strace $0x9FFFFFFF  }
0xc3: {  	(tm) =	ssettm $0x7FFFFFFF  }
tec
execute0_lowered:
.L_overlay_start_1:
0x0: {  	(tag) =	ssettag $0x1  }
0x1: {  	s6 =	rddreg [dreg:$0x0]  }
0x2: {  	s2 =	rddreg [dreg:$0x1];
	s1 =	srdreg.scid  }
0x3: {  	s0 =	stileid.u32;
	s3 =	rddreg [dreg:$0x2]  }
0x4: {  	s4 =	simm.s32 $0x0;
	s5 =	sand.u32 $0x1, s1;
	s8 =	smul.u32 $0x50000, s0  }
0x5: {  	s7 =	sshll.u32 s0, $0x1;
	s1 =	rddreg [dreg:$0x3];
	s13 =	smul.u32 $0x280, s0  }
0x6: {  	[smem:$0x7FF] =	sst s4;
	s16 =	smul.u32 $0x2800, s0;
	s7 =	sor.u32 s5, s7  }
0x7: {  	_ =	strace $0x80000047;
	s9 =	smul.u32 $0x28000, s5;
	s10 =	ssub.s32 $0x2, s5  }
0x8: {  	s5 =	sadd.s32 $0xCA00, s6;
	s7 =	smul.u32 $0x500, s7;
	s11 =	sshrl.u32 s10, $0x1  }
0x9: {  	s8 =	sshrl.u32 s8, $0x2;
	s14 =	sadd.s32 $0x80, s13;
	s17 =	sadd.s32 $0x100, s13  }
0xa: {  	s29 =	sadd.s32 $0x180, s13;
	s13 =	sadd.s32 $0x200, s13;
	s9 =	sadd.s32 s9, s6  }
0xb: {  	s10 =	ssub.s32 s10, s11;
	s15 =	sshll.u32 s14, $0x7;
	s18 =	sshll.u32 s14, $0x4  }
0xc: {  	s28 =	sshll.u32 s17, $0x7;
	s19 =	sshll.u32 s17, $0x4;
	s30 =	sshll.u32 s29, $0x7  }
0xd: {  	s31 =	sshll.u32 s13, $0x7;
	s21 =	sshll.u32 s29, $0x4;
	s26 =	sshll.u32 s13, $0x4  }
0xe: {  	s13 =	simm.s32 $0x2800;
	s14 =	simm.s32 $0x1;
	s7 =	sadd.s32 s7, s6  }
0xf: {  	s6 =	sadd.s32 s8, s3;
	s20 =	sadd.s32 $0xD200, s9;
	s8 =	smax.u32 s10, $0x1  }
0x10: {  	s22 =	sadd.s32 s15, s3;
	s23 =	sadd.s32 s28, s3;
	s24 =	sadd.s32 s30, s3  }
0x11: {  	s25 =	sadd.s32 s31, s3;
	s15 =	simm.s32 $0x6800;
	s7 =	sadd.s32 $0x2A00, s7  }
0x12: {  	s9 =	sadd.s32 $0x4000, s6;
	s10 =	sadd.s32 $0x8000, s6;
	s11 =	sadd.s32 $0xC000, s6  }
0x13: {  	s12 =	sadd.s32 $0x10000, s6;
	s16 =	sadd.s32 s16, s20;
	s17 =	sadd.s32 s18, s20  }
0x14: {  	s18 =	sadd.s32 s19, s20;
	s19 =	sadd.s32 s21, s20;
	s20 =	sadd.s32 s26, s20  }
0x15: {  	s21 =	simm.s32 $0x80;
	s22 =	sshrl.u32 s22, $0x3;
	s23 =	sshrl.u32 s23, $0x3  }
0x16: {  	s24 =	sshrl.u32 s24, $0x3;
	s25 =	sshrl.u32 s25, $0x3;
	s26 =	simm.s32 $0x0  }
.LBB2_1:
0x17: {  	[tilespmem:s13], [sflag:$0x1] =	stream.linear.gather [hbm4b:s2+s4], $0x4000, $0x38;
	[tilespmem:$0x1E800] =	vst v63  }
0x18: {  	_ =	swait.ge [sflag:s14], $0x4000  }
0x19: {  	[sflag:s14] =	ssyncset.done $0x0  }
0x1a: {  	[sflag:s14] =	ssyncadd.s32 $0xFFFFC000  }
0x1b: {  	[tilespmem:s15], [sflag:$0x1] =	stream.linear.gather [hbm4b:s5+s4], $0x4000, $0x38;
	[tilespmem:$0x1E800] =	vst v63  }
0x1c: {  	_ =	swait.ge [sflag:s14], $0x4000  }
0x1d: {  	[sflag:s14] =	ssyncset.done $0x0  }
0x1e: {  	[sflag:s14] =	ssyncadd.s32 $0xFFFFC000  }
0x1f: {  	[spmem:s6] =	stream.linear.scatter [tilespmem:s13], [sflag:$0x1], $0x4000, $0x38;
	[tilespmem:$0x1E800] =	vst v63  }
0x20: {  	_ =	swait.ge [sflag:s14], $0x4000  }
0x21: {  	[sflag:s14] =	ssyncset.done $0x0  }
0x22: {  	[sflag:s14] =	ssyncadd.s32 $0xFFFFC000  }
0x23: {  	[spmem:s9] =	stream.linear.scatter [tilespmem:s13], [sflag:$0x1], $0x4000, $0x38;
	[tilespmem:$0x1E800] =	vst v63  }
0x24: {  	_ =	swait.ge [sflag:s14], $0x4000  }
0x25: {  	[sflag:s14] =	ssyncset.done $0x0  }
0x26: {  	[sflag:s14] =	ssyncadd.s32 $0xFFFFC000  }
0x27: {  	[spmem:s10] =	stream.linear.scatter [tilespmem:s13], [sflag:$0x1], $0x4000, $0x38;
	[tilespmem:$0x1E800] =	vst v63  }
0x28: {  	_ =	swait.ge [sflag:s14], $0x4000  }
0x29: {  	[sflag:s14] =	ssyncset.done $0x0  }
0x2a: {  	[sflag:s14] =	ssyncadd.s32 $0xFFFFC000  }
0x2b: {  	[spmem:s11] =	stream.linear.scatter [tilespmem:s13], [sflag:$0x1], $0x4000, $0x38;
	[tilespmem:$0x1E800] =	vst v63  }
0x2c: {  	_ =	swait.ge [sflag:s14], $0x4000  }
0x2d: {  	[sflag:s14] =	ssyncset.done $0x0  }
0x2e: {  	[sflag:s14] =	ssyncadd.s32 $0xFFFFC000  }
0x2f: {  	[spmem:s12] =	stream.linear.scatter [tilespmem:s13], [sflag:$0x1], $0x4000, $0x38;
	[tilespmem:$0x1E800] =	vst v63  }
0x30: {  	_ =	swait.ge [sflag:s14], $0x4000  }
0x31: {  	[sflag:s14] =	ssyncset.done $0x0  }
0x32: {  	[sflag:s14] =	ssyncadd.s32 $0xFFFFC000  }
0x33: {  	[tilespmem:s4], [sflag:$0x1] =	stream.linear.gather [hbm4b:s7+s4], $0x2800, $0x38;
	[tilespmem:$0x1E800] =	vst v63  }
0x34: {  	_ =	swait.ge [sflag:s14], $0x2800  }
0x35: {  	[sflag:s14] =	ssyncset.done $0x0  }
0x36: {  	[sflag:s14] =	ssyncadd.s32 $0xFFFFD800  }
0x37: {  	s28 =	simm.s32 $0x0;
	[bflag:$0x0] =	sbarrier.arrive $0xFFFF  }
0x38: {  	[spmem:s3] =	stream.indirect.scatter.add.f32 [tilespmem:s15], [sflag:$0x1], $0x80, s28, s21, $0xb8;
	[tilespmem:$0x1E800] =	vst v63  }
0x39: {  	_ =	swait.ge [sflag:s14], $0x4000  }
0x3a: {  	s28 =	simm.s32 $0x200;
	[sflag:s14] =	ssyncset.done $0x0  }
.LBB2_2:
0x3b: {  	s29 =	sshra.s32 s28, $0x2;
	[sflag:s14] =	ssyncadd.s32 $0xFFFFC000;
	p0 =	sne.s32 s28, $0x9E00  }
0x3c: {  	[spmem:s3] =	stream.indirect.scatter.add.f32 [tilespmem:s15], [sflag:$0x1], $0x80, s29, s21, $0xb8;
	[tilespmem:$0x1E800] =	vst v63  }
.Ltmp0:
0x3d: {  	_ = 	snop;
	(pc) =	sbr.rel @p0 .LBB2_2-.Ltmp0, $4  }
0x3e: {  	_ = 	snop  }
0x3f: {  	s28 =	sadd.s32 $0x200, s28  }
0x40: {  	_ =	swait.ge [sflag:s14], $0x4000  }
0x41: {  	[sflag:s14] =	ssyncset.done $0x0  }
0x42: {  	[sflag:s14] =	ssyncadd.s32 $0xFFFFC000;
	s28 =	sshll.u32 s0, $0x6  }
0x43: {  	s29 =	sshrl.u32 s6, $0x3;
	[bflag:$0x0] =	sbarrier.arrive $0xFFFF;
	s28 =	sor.u32 $0x1C01, s28  }
0x44: {  	[hbm:s16], [sflag:s28] =	dma.local [spmem:s29], $0x800  }
0x45: {  	_ =	swait.ge [sflag:s14], $0x800  }
0x46: {  	[sflag:s14] =	ssyncset.done $0x0  }
0x47: {  	[sflag:s14] =	ssyncadd.s32 $0xFFFFF800  }
0x48: {  	[hbm:s17], [sflag:s28] =	dma.local [spmem:s22], $0x800  }
0x49: {  	_ =	swait.ge [sflag:s14], $0x800  }
0x4a: {  	[sflag:s14] =	ssyncset.done $0x0  }
0x4b: {  	[sflag:s14] =	ssyncadd.s32 $0xFFFFF800  }
0x4c: {  	[hbm:s18], [sflag:s28] =	dma.local [spmem:s23], $0x800  }
0x4d: {  	_ =	swait.ge [sflag:s14], $0x800  }
0x4e: {  	[sflag:s14] =	ssyncset.done $0x0  }
0x4f: {  	[sflag:s14] =	ssyncadd.s32 $0xFFFFF800  }
0x50: {  	[hbm:s19], [sflag:s28] =	dma.local [spmem:s24], $0x800  }
0x51: {  	s26 =	sadd.s32 $0x1, s26;
	_ =	swait.ge [sflag:s14], $0x800  }
0x52: {  	p0 =	sne.s32 s26, s8;
	[sflag:s14] =	ssyncset.done $0x0  }
.Ltmp1:
0x53: {  	[sflag:s14] =	ssyncadd.s32 $0xFFFFF800;
	(pc) =	sbr.rel @p0 .LBB2_1-.Ltmp1, $4  }
0x54: {  	[hbm:s20], [sflag:s28] =	dma.local [spmem:s25], $0x800  }
0x55: {  	_ =	swait.ge [sflag:s14], $0x800  }
0x56: {  	[sflag:s14] =	ssyncset.done $0x0  }
0x57: {  	[sflag:s14] =	ssyncadd.s32 $0xFFFFF800  }
0x58: {  	_ =	sfence.sel $0x180000  }
0x59: {  	[bflag:$0x0] =	sbarrier.arrive $0xFFFF  }
0x5a: {  	p0 =	sne.s32 s0, $0x0;
	_ =	strace $0x90000047  }
0x5b: {  	s0 =	sadd.s32 @!p0 $0x100000, s1;
	[bflag:$0x2] =	sbarrier.arrive $0xFFFF  }
0x5c: {  	[sflag:s0] =	ssyncadd.tile.s32 @!p0 $0x1;
	_ =	shalt  }
.Lfunc_end2:
_tile_overlayer_lowered:
.L_overlay_start_2:
0x5d: {  	(tag) =	ssettag $0x2  }
0x5e: {  	s0 =	rddreg [dreg:$0x0];
	s2 =	stileid.u32  }
0x5f: {  	s1 =	rddreg [dreg:$0x1];
	p0 =	sne.s32 s2, $0x0  }
0x60: {  	s3 =	rddreg [dreg:$0x2];
	[bflag:$0x3] =	sbarrier.arrive $0xFFFF;
	s2 =	simm.s32 @!p0 $0x1C01  }
0x61: {  	[timem:s3], [sflag:s2] =	dma.local @!p0 [hbm:s0], s1  }
0x62: {  	s0 =	simm.s32 @!p0 $0x1  }
0x63: {  	_ =	swait.ge @!p0 [sflag:s0], s1  }
0x64: {  	s1 =	ssub.s32 @!p0 $0x0, s1;
	[sflag:s0] =	ssyncset.done @!p0 $0x0  }
0x65: {  	[sflag:s0] =	ssyncadd.s32 @!p0 s1  }
0x66: {  	[bflag:$0x3] =	sbarrier.arrive $0xFFFF  }
0x67: {  	_ =	shalt  }

// kernel: kernel.13.cloned.1.call-start
scs
__scs_entry_jumppad:
0x0: {  	(pc) =	sbr.rel $0x88, $3  }
0x1: {  	(tag) =	ssettag $0x0;
	lr =	simm.s32 $0x1  }
0x2: {  	[smem:$0x3F99] =	sst lr;
	_ =	strace $0xD0000000  }
0x3: {  	_ = 	snop  }
0x4: {  	_ = 	snop  }
0x5: {  	_ = 	snop  }
0x6: {  	_ = 	snop  }
0x7: {  	_ = 	snop  }
__scs_overlays_trampoline_lowered:
0x8: {  	[smem:$0x3FA8] =	sst s0  }
0x9: {  	[smem:$0x3FA9] =	sst s1  }
0xa: {  	[smem:$0x3FAA] =	sst s2  }
0xb: {  	[smem:$0x3FAB] =	sst s3  }
0xc: {  	[smem:$0x3FAC] =	sst s4  }
0xd: {  	[smem:$0x3FAD] =	sst s5  }
0xe: {  	[smem:$0x3FAE] =	sst s6  }
0xf: {  	[smem:$0x3FAF] =	sst s7  }
0x10: {  	[smem:$0x3FB0] =	sst s8  }
0x11: {  	[smem:$0x3FB1] =	sst s9;
	s0 =	simm.s32 @!p0 $0x0  }
0x12: {  	s1 =	sld [smem:$0x3F97];
	s0 =	simm.s32 @p0 $0x1  }
0x13: {  	[smem:$0x3FB2] =	sst s0;
	s0 =	simm.s32 @!p1 $0x0  }
0x14: {  	s2 =	sld [smem:$0x3F96];
	s0 =	simm.s32 @p1 $0x1  }
0x15: {  	[smem:$0x3FB3] =	sst s0;
	s0 =	simm.s32 @!p2 $0x0  }
0x16: {  	s3 =	sld [smem:$0x3FDB];
	s0 =	simm.s32 @p2 $0x1  }
0x17: {  	s4 =	simm.s32 $0x1BF5;
	[smem:$0x3FB5] =	sst s0  }
0x18: {  	s0 =	sld [smem:$0x3F98];
	_ =	swait.ge [sflag:s4], $0x0  }
0x19: {  	s7 =	sld [smem:$0x3F99]  }
0x1a: {  	s8 =	sadd.s32 $0xFFFFE003, lr  }
0x1b: {  	s9 =	sadd.s32 $0xFFFFFEF7, lr;
	s5 =	simm.s32 $0xFFFFFFFF;
	p2 =	slt.u32 s8, $0xFFFFF086  }
0x1c: {  	p1 =	slt.u32 s9, $0xF7A;
	s5 =	simm.s32 @!p2 $0x0  }
0x1d: {  	s5 =	simm.s32 @p1 $0x1;
	p0 =	seq.s32 s7, s2  }
0x1e: {  	s7 =	smul.u32 @!p0 $0xF7A, s2;
	p2 =	seq.s32 @!p0 s5, $0x0  }
0x1f: {  	s9 =	smul.u32 $0xF7A, s1;
	s8 =	simm.s32 @!p0 $0x1BF5;
	p2 =	por !p2, p0  }
0x20: {  	[sflag:s8] =	ssyncset.s32 @!p0 $0xFFFFF086;
	s6 =	sadd.s32 @!p0 s3, s7;
	s7 =	simm.s32 @!p0 $0x108  }
0x21: {  	s3 =	sadd.s32 s3, s9;
	s6 =	sadd.s32 @!p0 $0x88, s6;
	s7 =	simm.s32 @p2 $0x1082  }
0x22: {  	[simem:s7], [sflag:s8] =	dma.local @!p0 [hbm:s6], $0xF7A  }
0x23: {  	s9 =	sor.u32 $0xD0000000, s2;
	s6 =	simm.s32 $0x108;
	_ =	swait.ge @!p0 [sflag:s8], $0x0  }
0x24: {  	s3 =	sadd.s32 $0x88, s3;
	s6 =	simm.s32 @!p1 $0x1082;
	[sflag:s4] =	ssyncset.s32 $0xFFFFF086  }
0x25: {  	[simem:s6], [sflag:s4] =	dma.local [hbm:s3], $0xF7A  }
0x26: {  	[smem:$0x3F99] =	sst s1;
	(tag) =	ssettag s2;
	_ =	strace s9  }
0x27: {  	s1 =	sld [smem:$0x3FA9]  }
0x28: {  	s2 =	sld [smem:$0x3FAA]  }
0x29: {  	s4 =	sld [smem:$0x3FAC]  }
0x2a: {  	p0 =	seq.s32 s5, $0x0;
	s5 =	sld [smem:$0x3FAD]  }
0x2b: {  	s6 =	sld [smem:$0x3FAE]  }
0x2c: {  	s7 =	sld [smem:$0x3FAF]  }
0x2d: {  	s3 =	simm.s32 $0x108;
	s8 =	sld [smem:$0x3FB0]  }
0x2e: {  	s3 =	simm.s32 @!p0 $0x1082;
	s9 =	sld [smem:$0x3FB1]  }
0x2f: {  	lr =	sadd.s32 s0, s3;
	s0 =	sld [smem:$0x3FA8]  }
0x30: {  	s3 =	sld [smem:$0x3FAB]  }
0x31: {  	[smem:$0x3FB4] =	sst s10  }
0x32: {  	s10 =	sld [smem:$0x3FB2];
	_ =	sdelay $0x3  }
0x33: {  	p0 =	seq.s32 s10, $0x1;
	s10 =	sld [smem:$0x3FB4];
	_ =	sdelay $0x3  }
0x34: {  	[smem:$0x3FB4] =	sst s10  }
0x35: {  	s10 =	sld [smem:$0x3FB3];
	_ =	sdelay $0x3  }
0x36: {  	p1 =	seq.s32 s10, $0x1;
	s10 =	sld [smem:$0x3FB4];
	_ =	sdelay $0x3  }
0x37: {  	[smem:$0x3FB4] =	sst s10  }
0x38: {  	s10 =	sld [smem:$0x3FB5]  }
0x39: {  	_ = 	snop;
	(pc) =	sbr.ind lr, $3  }
0x3a: {  	_ = 	snop  }
0x3b: {  	_ = 	snop  }
0x3c: {  	p2 =	seq.s32 s10, $0x1;
	s10 =	sld [smem:$0x3FB4]  }
0x3d: {  	_ =	shalt  }
0x3e: {  	_ =	shalt  }
0x3f: {  	_ =	shalt  }
0x40: {  	_ =	shalt  }
0x41: {  	_ =	shalt  }
0x42: {  	_ =	shalt  }
0x43: {  	_ =	shalt  }
0x44: {  	_ =	shalt  }
0x45: {  	_ =	shalt  }
0x46: {  	_ =	shalt  }
0x47: {  	_ =	shalt  }
0x48: {  	_ =	shalt  }
0x49: {  	_ =	shalt  }
0x4a: {  	_ =	shalt  }
0x4b: {  	_ =	shalt  }
0x4c: {  	_ =	shalt  }
0x4d: {  	_ =	shalt  }
0x4e: {  	_ =	shalt  }
0x4f: {  	_ =	shalt  }
0x50: {  	_ =	shalt  }
0x51: {  	_ =	shalt  }
0x52: {  	_ =	shalt  }
0x53: {  	_ =	shalt  }
0x54: {  	_ =	shalt  }
0x55: {  	_ =	shalt  }
0x56: {  	_ =	shalt  }
0x57: {  	_ =	shalt  }
0x58: {  	_ =	shalt  }
0x59: {  	_ =	shalt  }
0x5a: {  	_ =	shalt  }
0x5b: {  	_ =	shalt  }
0x5c: {  	_ =	shalt  }
0x5d: {  	_ =	shalt  }
0x5e: {  	_ =	shalt  }
0x5f: {  	_ =	shalt  }
0x60: {  	_ =	shalt  }
0x61: {  	_ =	shalt  }
0x62: {  	_ =	shalt  }
0x63: {  	_ =	shalt  }
0x64: {  	_ =	shalt  }
0x65: {  	_ =	shalt  }
0x66: {  	_ =	shalt  }
0x67: {  	_ =	shalt  }
0x68: {  	_ =	shalt  }
0x69: {  	_ =	shalt  }
0x6a: {  	_ =	shalt  }
0x6b: {  	_ =	shalt  }
0x6c: {  	_ =	shalt  }
0x6d: {  	_ =	shalt  }
0x6e: {  	_ =	shalt  }
0x6f: {  	_ =	shalt  }
0x70: {  	_ =	shalt  }
0x71: {  	_ =	shalt  }
0x72: {  	_ =	shalt  }
0x73: {  	_ =	shalt  }
0x74: {  	_ =	shalt  }
0x75: {  	_ =	shalt  }
0x76: {  	_ =	shalt  }
0x77: {  	_ =	shalt  }
0x78: {  	_ =	shalt  }
0x79: {  	_ =	shalt  }
0x7a: {  	_ =	shalt  }
0x7b: {  	_ =	shalt  }
0x7c: {  	_ =	shalt  }
0x7d: {  	_ =	shalt  }
0x7e: {  	_ =	shalt  }
0x7f: {  	_ =	shalt  }
0x80: {  	_ =	shalt  }
0x81: {  	_ =	shalt  }
0x82: {  	_ =	shalt  }
0x83: {  	_ =	shalt  }
0x84: {  	_ =	shalt  }
0x85: {  	_ =	shalt  }
0x86: {  	_ =	shalt  }
0x87: {  	_ =	shalt  }
.Lfunc_end0:
.L_simem_size_0:
called_computation.1_lowered:
.L_overlay_start_0:
0x88: {  	s2 =	sld [smem:$0x3FD9]  }
0x89: {  	s3 =	sld [smem:$0x3FFE];
	_ =	sdelay $0x1  }
0x8a: {  	s1 =	srdreg.scid  }
0x8b: {  	s0 =	sand.u32 $0x1, s1  }
0x8c: {  	s17 =	sshll.u32 s0, $0xA;
	s2 =	sadd.s32 s3, s2  }
0x8d: {  	s2 =	sadd.s32 s2, s17  }
0x8e: {  	[smem:$0x3FC0] =	sst s2  }
0x8f: {  	_ = 	snop  }
0x90: {  	s2 =	sld [smem:$0x3FD0];
	(tm) =	ssettm $0x1  }
0x91: {  	s18 =	sld [smem:$0x3FFB];
	_ =	sdelay $0x3  }
0x92: {  	_ =	strace s18  }
0x93: {  	s3 =	sld [smem:$0x3FFC];
	_ =	sdelay $0x3  }
0x94: {  	_ =	strace s3  }
0x95: {  	s3 =	sld [smem:$0x3FFD];
	_ =	sdelay $0x3  }
0x96: {  	_ =	strace s3  }
0x97: {  	_ =	strace $0x8FFFFFFF  }
0x98: {  	s19 =	sld [smem:$0x3FDB];
	_ =	sdelay $0x1  }
0x99: {  	s4 =	simm.s32 $_scs_section_size  }
0x9a: {  	s5 =	simm.s32 $_size__tile_overlayer_lowered;
	s6 =	simm.s32 $_tile_overlayer_lowered  }
0x9b: {  	s22 =	simm.s32 $0x1BFF;
	s21 =	sshll.u32 s6, $0x1;
	s3 =	sadd.s32 s4, s19  }
0x9c: {  	s7 =	simm.s32 $0x0;
	s20 =	sshll.u32 s5, $0x1;
	s5 =	sadd.s32 s21, s3  }
0x9d: {  	[timem:s7], [sflag:s22] =	dma.local [hbm:s5], s20  }
0x9e: {  	_ =	swait.ge [sflag:s22], s20  }
0x9f: {  	s4 =	ssub.s32 $0x0, s20;
	[sflag:s22] =	ssyncset.done $0x0  }
0xa0: {  	[sflag:s22] =	ssyncadd.s32 s4;
	_ =	sdelay $0x1  }
0xa1: {  	s23 =	simm.s32 $0x1B8B  }
0xa2: {  	_ =	swait.ge [sflag:s23], $0x1  }
0xa3: {  	[sflag:s23] =	ssyncset.done $0x0  }
0xa4: {  	s25 =	simm.s32 $0x1B8E;
	s24 =	sld [smem:$0x3FFE];
	[sflag:s23] =	ssyncadd.s32 $0xFFFFFFFF  }
0xa5: {  	s26 =	simm.s32 $execute0_lowered;
	[smem:$0x3FD2] =	sst s25  }
0xa6: {  	s5 =	sshll.u32 s26, $0x1;
	_ =	strace $0x80000049;
	[dreg:$0x1] =	wrdreg $0xFFFFFFFF  }
0xa7: {  	s28 =	simm.s32 $_size_execute0_lowered;
	s3 =	sadd.s32 s3, s5;
	[dreg:$0x0] =	wrdreg $0x0  }
0xa8: {  	s5 =	sshll.u32 s28, $0x1;
	[dreg:$0x2] =	wrdreg s3  }
0xa9: {  	[dreg:$0x3] =	wrdreg s5  }
0xaa: {  	[dreg:$0x4] =	wrdreg $0xC0  }
0xab: {  	_ =	task [dreg:s7], $0x5FFFF  }
0xac: {  	[dreg:$0x1] =	wrdreg $0xFFFFFFFF  }
0xad: {  	[dreg:$0x0] =	wrdreg $0x60  }
0xae: {  	[dreg:$0x2] =	wrdreg s24  }
0xaf: {  	[dreg:$0x3] =	wrdreg s2  }
0xb0: {  	[dreg:$0x4] =	wrdreg $0xA8000  }
0xb1: {  	[dreg:$0x5] =	wrdreg $0x9  }
0xb2: {  	_ =	task.clear_ibuf [dreg:s7], $0x6FFFF;
	_ =	strace $0x90000049  }
0xb3: {  	s29 =	simm.s32 $0x9;
	_ =	strace $0x8000004B  }
0xb4: {  	_ =	swait.ge [sflag:s29], $0x1  }
0xb5: {  	[sflag:s29] =	ssyncadd.s32 $0xFFFFFFFF  }
0xb6: {  	_ =	strace $0x9000004B  }
0xb7: {  	_ =	sfence  }
0xb8: {  	s30 =	sld [smem:$0x0];
	_ =	sdelay $0x2  }
0xb9: {  	s31 =	sshll.u32 s1, $0xD;
	s1 =	sshrl.u32 s1, $0x2  }
0xba: {  	s3 =	sand.u32 $0x4000, s31;
	s1 =	sadd.s32 s1, s30  }
0xbb: {  	s0 =	sor.u32 s3, s0;
	s1 =	sshll.u32 s1, $0x11  }
0xbc: {  	s0 =	sor.u32 s1, s0  }
0xbd: {  	s0 =	sadd.s32 $0x8F2B, s0  }
0xbe: {  	[sflag:s0] =	ssyncadd.remote.s32 $0x1  }
0xbf: {  	_ =	sfence.sel $0xFFFF  }
0xc0: {  	[dreg:$0x0] =	wrdreg $0xFFFFFFFF;
	(pc) =	sbr.abs _section_cstart, $3  }
0xc1: {  	[dreg:$0x1] =	wrdreg $0xFFFFFFFF  }
0xc2: {  	_ =	task.clear_ibuf [dreg:s7], $0x2FFFF;
	_ =	strace $0x9FFFFFFF  }
0xc3: {  	(tm) =	ssettm $0x7FFFFFFF  }
tec
execute0_lowered:
.L_overlay_start_1:
0x0: {  	(tag) =	ssettag $0x1  }
0x1: {  	s0 =	rddreg [dreg:$0x0];
	s1 =	srdreg.scid  }
0x2: {  	s9 =	stileid.u32;
	s3 =	rddreg [dreg:$0x2]  }
0x3: {  	s4 =	simm.s32 $0x0;
	s15 =	simm.s32 $0x3;
	s28 =	simm.s32 $0x3800  }
0x4: {  	s30 =	simm.s32 $0x4800;
	s31 =	simm.s32 $0x60;
	s6 =	smul.u32 $0x50000, s9  }
0x5: {  	s1 =	sand.u32 $0x1, s1;
	s2 =	sshll.u32 s9, $0x1;
	s17 =	smul.u32 $0x280, s9  }
0x6: {  	[smem:$0x7FF] =	sst s4;
	s5 =	sadd.s32 $0xCA00, s0;
	s9 =	smul.u32 $0x2800, s9  }
0x7: {  	s2 =	sor.u32 s1, s2;
	s7 =	smul.u32 $0x28000, s1;
	s1 =	ssub.s32 $0x2, s1  }
0x8: {  	_ =	strace $0x8000004A;
	s2 =	smul.u32 $0x500, s2;
	s8 =	sshrl.u32 s1, $0x1  }
0x9: {  	s6 =	sshrl.u32 s6, $0x2;
	s20 =	sadd.s32 $0x80, s17;
	s11 =	sadd.s32 $0x100, s17  }
0xa: {  	s13 =	sadd.s32 $0x180, s17;
	s1 =	ssub.s32 s1, s8;
	s6 =	sadd.s32 s6, s3  }
0xb: {  	s21 =	sshll.u32 s20, $0x7;
	s22 =	sshll.u32 s11, $0x7;
	s11 =	sshll.u32 s11, $0x4  }
0xc: {  	s14 =	sshll.u32 s13, $0x7;
	s13 =	sshll.u32 s13, $0x4;
	s2 =	sadd.s32 s2, s0  }
0xd: {  	s0 =	sadd.s32 s7, s0;
	s1 =	smax.u32 s1, $0x1;
	s18 =	sadd.s32 $0x4000, s6  }
0xe: {  	s19 =	sadd.s32 $0x8000, s6;
	s10 =	sadd.s32 $0xC000, s6;
	[dreg:$0x4] =	wrdreg s1  }
0xf: {  	s12 =	sadd.s32 $0x10000, s6;
	s16 =	sadd.s32 s14, s3;
	[dreg:$0x5] =	wrdreg s18  }
0x10: {  	s14 =	simm.s32 $0x2800;
	s7 =	sadd.s32 $0x5D200, s2;
	[dreg:$0x6] =	wrdreg s19  }
0x11: {  	s8 =	sadd.s32 $0x2A00, s2;
	s0 =	sadd.s32 $0x67200, s0;
	[dreg:$0x7] =	wrdreg s10  }
0x12: {  	[dreg:$0x8] =	wrdreg s12;
	s10 =	sadd.s32 s21, s3;
	s1 =	sshll.u32 s20, $0x4  }
0x13: {  	s12 =	sadd.s32 s22, s3;
	s2 =	sadd.s32 $0x200, s17;
	s21 =	simm.s32 $0x9800  }
0x14: {  	s18 =	simm.s32 $0x2700;
	s19 =	simm.s32 $0x2780;
	s20 =	simm.s32 $0x0  }
0x15: {  	s23 =	sshll.u32 s2, $0x7;
	s2 =	sshll.u32 s2, $0x4;
	s9 =	sadd.s32 s9, s0  }
0x16: {  	s1 =	sadd.s32 s1, s0;
	s24 =	sadd.s32 s11, s0;
	[dreg:$0x9] =	wrdreg s9  }
0x17: {  	s25 =	sadd.s32 s13, s0;
	s26 =	sshrl.u32 s10, $0x3;
	[dreg:$0xa] =	wrdreg s1  }
0x18: {  	s29 =	sshrl.u32 s12, $0x3;
	s10 =	simm.s32 $0x7800;
	[dreg:$0xb] =	wrdreg s24  }
0x19: {  	s11 =	simm.s32 $0xC0;
	s12 =	simm.s32 $0x8800;
	[dreg:$0xc] =	wrdreg s25  }
0x1a: {  	s13 =	simm.s32 $0xE0;
	s17 =	sadd.s32 s23, s3;
	[dreg:$0xe] =	wrdreg s26  }
0x1b: {  	s0 =	sadd.s32 s2, s0;
	[dreg:$0xf] =	wrdreg s29;
	s24 =	sshrl.u32 s16, $0x3  }
0x1c: {  	s26 =	simm.s32 $0x20;
	s1 =	simm.s32 $0x5800;
	s2 =	simm.s32 $0x80  }
0x1d: {  	s9 =	simm.s32 $0xA0;
	s16 =	simm.s32 $0x1;
	[dreg:$0xd] =	wrdreg s0  }
0x1e: {  	s25 =	sshrl.u32 s17, $0x3;
	s0 =	simm.s32 $0x6800;
	s17 =	simm.s32 $0x2  }
.LBB2_1:
0x1f: {  	s22 =	rddreg [dreg:$0x1]  }
0x20: {  	[tilespmem:s14], [sflag:$0x3] =	stream.linear.gather [hbm4b:s22+s4], $0x4000, $0x38;
	[tilespmem:$0x1E800] =	vst v63  }
0x21: {  	_ =	swait.ge [sflag:s15], $0x4000  }
0x22: {  	[sflag:s15] =	ssyncset.done $0x0  }
0x23: {  	[sflag:s15] =	ssyncadd.s32 $0xFFFFC000  }
0x24: {  	[spmem:s6] =	stream.linear.scatter [tilespmem:s14], [sflag:$0x3], $0x4000, $0x38;
	[tilespmem:$0x1E800] =	vst v63  }
0x25: {  	_ =	swait.ge [sflag:s15], $0x4000  }
0x26: {  	[sflag:s15] =	ssyncset.done $0x0  }
0x27: {  	s23 =	rddreg [dreg:$0x5];
	[sflag:s15] =	ssyncadd.s32 $0xFFFFC000  }
0x28: {  	[spmem:s23] =	stream.linear.scatter [tilespmem:s14], [sflag:$0x3], $0x4000, $0x38;
	[tilespmem:$0x1E800] =	vst v63  }
0x29: {  	_ =	swait.ge [sflag:s15], $0x4000  }
0x2a: {  	[sflag:s15] =	ssyncset.done $0x0  }
0x2b: {  	s23 =	rddreg [dreg:$0x6];
	[sflag:s15] =	ssyncadd.s32 $0xFFFFC000  }
0x2c: {  	[spmem:s23] =	stream.linear.scatter [tilespmem:s14], [sflag:$0x3], $0x4000, $0x38;
	[tilespmem:$0x1E800] =	vst v63  }
0x2d: {  	_ =	swait.ge [sflag:s15], $0x4000  }
0x2e: {  	[sflag:s15] =	ssyncset.done $0x0  }
0x2f: {  	s23 =	rddreg [dreg:$0x7];
	[sflag:s15] =	ssyncadd.s32 $0xFFFFC000  }
0x30: {  	[spmem:s23] =	stream.linear.scatter [tilespmem:s14], [sflag:$0x3], $0x4000, $0x38;
	[tilespmem:$0x1E800] =	vst v63  }
0x31: {  	_ =	swait.ge [sflag:s15], $0x4000  }
0x32: {  	[sflag:s15] =	ssyncset.done $0x0  }
0x33: {  	s23 =	rddreg [dreg:$0x8];
	[sflag:s15] =	ssyncadd.s32 $0xFFFFC000  }
0x34: {  	[spmem:s23] =	stream.linear.scatter [tilespmem:s14], [sflag:$0x3], $0x4000, $0x38;
	[tilespmem:$0x1E800] =	vst v63  }
0x35: {  	_ =	swait.ge [sflag:s15], $0x4000  }
0x36: {  	[sflag:s15] =	ssyncset.done $0x0  }
0x37: {  	[sflag:s15] =	ssyncadd.s32 $0xFFFFC000  }
0x38: {  	[bflag:$0x0] =	sbarrier.arrive $0xFFFF  }
0x39: {  	[tilespmem:s4], [sflag:$0x3] =	stream.linear.gather [hbm4b:s7+s4], $0x1400, $0x38;
	[tilespmem:$0x1E800] =	vst v63  }
0x3a: {  	_ =	swait.ge [sflag:s15], $0x1400  }
0x3b: {  	[sflag:s15] =	ssyncset.done $0x0  }
0x3c: {  	s23 =	simm.s32 $0x1400;
	[sflag:s15] =	ssyncadd.s32 $0xFFFFEC00  }
0x3d: {  	[tilespmem:s23], [sflag:$0x3] =	stream.linear.gather [hbm4b:s8+s4], $0x1400, $0x38;
	[tilespmem:$0x1E800] =	vst v63  }
0x3e: {  	_ =	swait.ge [sflag:s15], $0x1400  }
0x3f: {  	[sflag:s15] =	ssyncset.done $0x0  }
0x40: {  	[sflag:s15] =	ssyncadd.s32 $0xFFFFEC00  }
0x41: {  	[tilespmem:s14], [sflag:$0x1] =	stream.indirect.gather [hbm4b:s5+s26], $0x80, s4, s26, $0xb8;
	[tilespmem:$0x1E800] =	vst v63  }
0x42: {  	_ = 	snop  }
0x43: {  	[tilespmem:s28], [sflag:$0x1] =	stream.indirect.gather [hbm4b:s5+s26], $0x80, s26, s26, $0xb8;
	[tilespmem:$0x1E800] =	vst v63  }
0x44: {  	s23 =	simm.s32 $0x40  }
0x45: {  	[tilespmem:s30], [sflag:$0x1] =	stream.indirect.gather [hbm4b:s5+s26], $0x80, s23, s26, $0xb8;
	[tilespmem:$0x1E800] =	vst v63  }
0x46: {  	_ = 	snop  }
0x47: {  	[tilespmem:s1], [sflag:$0x1] =	stream.indirect.gather [hbm4b:s5+s26], $0x80, s31, s26, $0xb8;
	[tilespmem:$0x1E800] =	vst v63  }
0x48: {  	_ = 	snop  }
0x49: {  	[tilespmem:s0], [sflag:$0x2] =	stream.indirect.gather [hbm4b:s5+s26], $0x80, s2, s26, $0xb8;
	[tilespmem:$0x1E800] =	vst v63  }
0x4a: {  	_ = 	snop  }
0x4b: {  	[tilespmem:s10], [sflag:$0x2] =	stream.indirect.gather [hbm4b:s5+s26], $0x80, s9, s26, $0xb8;
	[tilespmem:$0x1E800] =	vst v63  }
0x4c: {  	_ = 	snop  }
0x4d: {  	[tilespmem:s12], [sflag:$0x2] =	stream.indirect.gather [hbm4b:s5+s26], $0x80, s11, s26, $0xb8;
	[tilespmem:$0x1E800] =	vst v63  }
0x4e: {  	_ = 	snop  }
0x4f: {  	[tilespmem:s21], [sflag:$0x2] =	stream.indirect.gather [hbm4b:s5+s26], $0x80, s13, s26, $0xb8;
	[tilespmem:$0x1E800] =	vst v63  }
0x50: {  	_ =	swait.ge [sflag:s16], $0x4000  }
0x51: {  	[sflag:s16] =	ssyncset.done $0x0  }
0x52: {  	s23 =	simm.s32 $0x1400;
	[sflag:s16] =	ssyncadd.s32 $0xFFFFC000  }
0x53: {  	[spmem:s3] =	stream.indirect.scatter.add.f32 [tilespmem:s14], [sflag:$0x3], $0x80, s23, s2, $0xb8;
	[tilespmem:$0x1E800] =	vst v63  }
0x54: {  	_ =	swait.ge [sflag:s15], $0x4000  }
0x55: {  	[sflag:s15] =	ssyncset.done $0x0  }
0x56: {  	s23 =	simm.s32 $0x100;
	[sflag:s15] =	ssyncadd.s32 $0xFFFFC000  }
0x57: {  	[tilespmem:s14], [sflag:$0x1] =	stream.indirect.gather [hbm4b:s5+s26], $0x80, s23, s26, $0xb8;
	[tilespmem:$0x1E800] =	vst v63  }
0x58: {  	s23 =	simm.s32 $0x120  }
0x59: {  	[tilespmem:s28], [sflag:$0x1] =	stream.indirect.gather [hbm4b:s5+s26], $0x80, s23, s26, $0xb8;
	[tilespmem:$0x1E800] =	vst v63  }
0x5a: {  	s23 =	simm.s32 $0x140  }
0x5b: {  	[tilespmem:s30], [sflag:$0x1] =	stream.indirect.gather [hbm4b:s5+s26], $0x80, s23, s26, $0xb8;
	[tilespmem:$0x1E800] =	vst v63  }
0x5c: {  	s23 =	simm.s32 $0x160  }
0x5d: {  	[tilespmem:s1], [sflag:$0x1] =	stream.indirect.gather [hbm4b:s5+s26], $0x80, s23, s26, $0xb8;
	[tilespmem:$0x1E800] =	vst v63  }
0x5e: {  	_ =	swait.ge [sflag:s17], $0x4000  }
0x5f: {  	[sflag:s17] =	ssyncset.done $0x0  }
0x60: {  	s23 =	simm.s32 $0x1480;
	[sflag:s17] =	ssyncadd.s32 $0xFFFFC000  }
0x61: {  	[spmem:s3] =	stream.indirect.scatter.add.f32 [tilespmem:s0], [sflag:$0x3], $0x80, s23, s2, $0xb8;
	[tilespmem:$0x1E800] =	vst v63  }
0x62: {  	_ =	swait.ge [sflag:s15], $0x4000  }
0x63: {  	[sflag:s15] =	ssyncset.done $0x0  }
0x64: {  	s23 =	simm.s32 $0x180;
	[sflag:s15] =	ssyncadd.s32 $0xFFFFC000  }
0x65: {  	[tilespmem:s0], [sflag:$0x2] =	stream.indirect.gather [hbm4b:s5+s26], $0x80, s23, s26, $0xb8;
	[tilespmem:$0x1E800] =	vst v63  }
0x66: {  	s23 =	simm.s32 $0x1A0  }
0x67: {  	[tilespmem:s10], [sflag:$0x2] =	stream.indirect.gather [hbm4b:s5+s26], $0x80, s23, s26, $0xb8;
	[tilespmem:$0x1E800] =	vst v63  }
0x68: {  	s29 =	simm.s32 $0x1E0;
	s22 =	simm.s32 $0x400;
	s23 =	simm.s32 $0x1C0  }
0x69: {  	[tilespmem:s12], [sflag:$0x2] =	stream.indirect.gather [hbm4b:s5+s26], $0x80, s23, s26, $0xb8;
	[tilespmem:$0x1E800] =	vst v63  }
.LBB2_2:
0x6a: {  	[tilespmem:s21], [sflag:$0x2] =	stream.indirect.gather [hbm4b:s5+s26], $0x80, s29, s26, $0xb8;
	[tilespmem:$0x1E800] =	vst v63  }
0x6b: {  	s29 =	smov.u32 s22  }
0x6c: {  	p0 =	sne.s32 s22, $0x4800;
	s22 =	sadd.s32 $0x400, s22;
	_ =	swait.ge [sflag:s16], $0x4000  }
0x6d: {  	s29 =	sshra.s32 s29, $0x2;
	[sflag:s16] =	ssyncset.done $0x0  }
0x6e: {  	s23 =	sadd.s32 $0x1400, s29;
	[sflag:s16] =	ssyncadd.s32 $0xFFFFC000  }
0x6f: {  	[spmem:s3] =	stream.indirect.scatter.add.f32 [tilespmem:s14], [sflag:$0x3], $0x80, s23, s2, $0xb8;
	[tilespmem:$0x1E800] =	vst v63  }
0x70: {  	_ =	swait.ge [sflag:s15], $0x4000  }
0x71: {  	[sflag:s15] =	ssyncset.done $0x0  }
0x72: {  	s23 =	sadd.s32 $0x100, s29;
	[sflag:s15] =	ssyncadd.s32 $0xFFFFC000  }
0x73: {  	[tilespmem:s14], [sflag:$0x1] =	stream.indirect.gather [hbm4b:s5+s26], $0x80, s23, s26, $0xb8;
	[tilespmem:$0x1E800] =	vst v63  }
0x74: {  	s23 =	sadd.s32 $0x120, s29  }
0x75: {  	[tilespmem:s28], [sflag:$0x1] =	stream.indirect.gather [hbm4b:s5+s26], $0x80, s23, s26, $0xb8;
	[tilespmem:$0x1E800] =	vst v63  }
0x76: {  	s23 =	sadd.s32 $0x140, s29  }
0x77: {  	[tilespmem:s30], [sflag:$0x1] =	stream.indirect.gather [hbm4b:s5+s26], $0x80, s23, s26, $0xb8;
	[tilespmem:$0x1E800] =	vst v63  }
0x78: {  	s23 =	sadd.s32 $0x160, s29  }
0x79: {  	[tilespmem:s1], [sflag:$0x1] =	stream.indirect.gather [hbm4b:s5+s26], $0x80, s23, s26, $0xb8;
	[tilespmem:$0x1E800] =	vst v63  }
0x7a: {  	_ =	swait.ge [sflag:s17], $0x4000  }
0x7b: {  	[sflag:s17] =	ssyncset.done $0x0  }
0x7c: {  	s23 =	sadd.s32 $0x1480, s29;
	[sflag:s17] =	ssyncadd.s32 $0xFFFFC000  }
0x7d: {  	[spmem:s3] =	stream.indirect.scatter.add.f32 [tilespmem:s0], [sflag:$0x3], $0x80, s23, s2, $0xb8;
	[tilespmem:$0x1E800] =	vst v63  }
0x7e: {  	_ =	swait.ge [sflag:s15], $0x4000  }
0x7f: {  	[sflag:s15] =	ssyncset.done $0x0  }
0x80: {  	s23 =	sadd.s32 $0x180, s29;
	[sflag:s15] =	ssyncadd.s32 $0xFFFFC000  }
0x81: {  	[tilespmem:s0], [sflag:$0x2] =	stream.indirect.gather [hbm4b:s5+s26], $0x80, s23, s26, $0xb8;
	[tilespmem:$0x1E800] =	vst v63  }
.Ltmp0:
0x82: {  	s23 =	sadd.s32 $0x1A0, s29;
	(pc) =	sbr.rel @p0 .LBB2_2-.Ltmp0, $4  }
0x83: {  	[tilespmem:s10], [sflag:$0x2] =	stream.indirect.gather [hbm4b:s5+s26], $0x80, s23, s26, $0xb8;
	[tilespmem:$0x1E800] =	vst v63  }
0x84: {  	s23 =	sadd.s32 $0x1C0, s29  }
0x85: {  	[tilespmem:s12], [sflag:$0x2] =	stream.indirect.gather [hbm4b:s5+s26], $0x80, s23, s26, $0xb8;
	[tilespmem:$0x1E800] =	vst v63  }
0x86: {  	s29 =	sadd.s32 $0x1E0, s29  }
0x87: {  	[tilespmem:s21], [sflag:$0x2] =	stream.indirect.gather [hbm4b:s5+s26], $0x80, s29, s26, $0xb8;
	[tilespmem:$0x1E800] =	vst v63  }
0x88: {  	_ =	swait.ge [sflag:s16], $0x4000  }
0x89: {  	[sflag:s16] =	ssyncset.done $0x0  }
0x8a: {  	[sflag:s16] =	ssyncadd.s32 $0xFFFFC000  }
0x8b: {  	[spmem:s3] =	stream.indirect.scatter.add.f32 [tilespmem:s14], [sflag:$0x3], $0x80, s18, s2, $0xb8;
	[tilespmem:$0x1E800] =	vst v63  }
0x8c: {  	_ =	swait.ge [sflag:s15], $0x4000  }
0x8d: {  	[sflag:s15] =	ssyncset.done $0x0  }
0x8e: {  	[sflag:s15] =	ssyncadd.s32 $0xFFFFC000  }
0x8f: {  	_ =	swait.ge [sflag:s17], $0x4000  }
0x90: {  	[sflag:s17] =	ssyncset.done $0x0  }
0x91: {  	[sflag:s17] =	ssyncadd.s32 $0xFFFFC000  }
0x92: {  	[spmem:s3] =	stream.indirect.scatter.add.f32 [tilespmem:s0], [sflag:$0x3], $0x80, s19, s2, $0xb8;
	[tilespmem:$0x1E800] =	vst v63  }
0x93: {  	_ =	swait.ge [sflag:s15], $0x4000  }
0x94: {  	[sflag:s15] =	ssyncset.done $0x0  }
0x95: {  	s22 =	sadd.s32 $0x280, s7;
	s23 =	simm.s32 $0x0;
	[sflag:s15] =	ssyncadd.s32 $0xFFFFC000  }
0x96: {  	[tilespmem:s23], [sflag:$0x3] =	stream.linear.gather [hbm4b:s22+s23], $0x1400, $0x38;
	[tilespmem:$0x1E800] =	vst v63  }
0x97: {  	_ =	swait.ge [sflag:s15], $0x1400  }
0x98: {  	[sflag:s15] =	ssyncset.done $0x0  }
0x99: {  	s29 =	simm.s32 $0x1400;
	s22 =	sadd.s32 $0x280, s8;
	[sflag:s15] =	ssyncadd.s32 $0xFFFFEC00  }
0x9a: {  	[tilespmem:s29], [sflag:$0x3] =	stream.linear.gather [hbm4b:s22+s23], $0x1400, $0x38;
	[tilespmem:$0x1E800] =	vst v63  }
0x9b: {  	_ =	swait.ge [sflag:s15], $0x1400  }
0x9c: {  	[sflag:s15] =	ssyncset.done $0x0  }
0x9d: {  	[sflag:s15] =	ssyncadd.s32 $0xFFFFEC00  }
0x9e: {  	[tilespmem:s14], [sflag:$0x1] =	stream.indirect.gather [hbm4b:s5+s26], $0x80, s23, s26, $0xb8;
	[tilespmem:$0x1E800] =	vst v63  }
0x9f: {  	_ = 	snop  }
0xa0: {  	[tilespmem:s28], [sflag:$0x1] =	stream.indirect.gather [hbm4b:s5+s26], $0x80, s26, s26, $0xb8;
	[tilespmem:$0x1E800] =	vst v63  }
0xa1: {  	s23 =	simm.s32 $0x40  }
0xa2: {  	[tilespmem:s30], [sflag:$0x1] =	stream.indirect.gather [hbm4b:s5+s26], $0x80, s23, s26, $0xb8;
	[tilespmem:$0x1E800] =	vst v63  }
0xa3: {  	_ = 	snop  }
0xa4: {  	[tilespmem:s1], [sflag:$0x1] =	stream.indirect.gather [hbm4b:s5+s26], $0x80, s31, s26, $0xb8;
	[tilespmem:$0x1E800] =	vst v63  }
0xa5: {  	_ = 	snop  }
0xa6: {  	[tilespmem:s0], [sflag:$0x2] =	stream.indirect.gather [hbm4b:s5+s26], $0x80, s2, s26, $0xb8;
	[tilespmem:$0x1E800] =	vst v63  }
0xa7: {  	_ = 	snop  }
0xa8: {  	[tilespmem:s10], [sflag:$0x2] =	stream.indirect.gather [hbm4b:s5+s26], $0x80, s9, s26, $0xb8;
	[tilespmem:$0x1E800] =	vst v63  }
0xa9: {  	_ = 	snop  }
0xaa: {  	[tilespmem:s12], [sflag:$0x2] =	stream.indirect.gather [hbm4b:s5+s26], $0x80, s11, s26, $0xb8;
	[tilespmem:$0x1E800] =	vst v63  }
0xab: {  	_ = 	snop  }
0xac: {  	[tilespmem:s21], [sflag:$0x2] =	stream.indirect.gather [hbm4b:s5+s26], $0x80, s13, s26, $0xb8;
	[tilespmem:$0x1E800] =	vst v63  }
0xad: {  	_ =	swait.ge [sflag:s16], $0x4000  }
0xae: {  	[sflag:s16] =	ssyncset.done $0x0  }
0xaf: {  	s23 =	simm.s32 $0x1400;
	[sflag:s16] =	ssyncadd.s32 $0xFFFFC000  }
0xb0: {  	[spmem:s3] =	stream.indirect.scatter.add.f32 [tilespmem:s14], [sflag:$0x3], $0x80, s23, s2, $0xb8;
	[tilespmem:$0x1E800] =	vst v63  }
0xb1: {  	_ =	swait.ge [sflag:s15], $0x4000  }
0xb2: {  	[sflag:s15] =	ssyncset.done $0x0  }
0xb3: {  	s23 =	simm.s32 $0x100;
	[sflag:s15] =	ssyncadd.s32 $0xFFFFC000  }
0xb4: {  	[tilespmem:s14], [sflag:$0x1] =	stream.indirect.gather [hbm4b:s5+s26], $0x80, s23, s26, $0xb8;
	[tilespmem:$0x1E800] =	vst v63  }
0xb5: {  	s23 =	simm.s32 $0x120  }
0xb6: {  	[tilespmem:s28], [sflag:$0x1] =	stream.indirect.gather [hbm4b:s5+s26], $0x80, s23, s26, $0xb8;
	[tilespmem:$0x1E800] =	vst v63  }
0xb7: {  	s23 =	simm.s32 $0x140  }
0xb8: {  	[tilespmem:s30], [sflag:$0x1] =	stream.indirect.gather [hbm4b:s5+s26], $0x80, s23, s26, $0xb8;
	[tilespmem:$0x1E800] =	vst v63  }
0xb9: {  	s23 =	simm.s32 $0x160  }
0xba: {  	[tilespmem:s1], [sflag:$0x1] =	stream.indirect.gather [hbm4b:s5+s26], $0x80, s23, s26, $0xb8;
	[tilespmem:$0x1E800] =	vst v63  }
0xbb: {  	_ =	swait.ge [sflag:s17], $0x4000  }
0xbc: {  	[sflag:s17] =	ssyncset.done $0x0  }
0xbd: {  	s23 =	simm.s32 $0x1480;
	[sflag:s17] =	ssyncadd.s32 $0xFFFFC000  }
0xbe: {  	[spmem:s3] =	stream.indirect.scatter.add.f32 [tilespmem:s0], [sflag:$0x3], $0x80, s23, s2, $0xb8;
	[tilespmem:$0x1E800] =	vst v63  }
0xbf: {  	_ =	swait.ge [sflag:s15], $0x4000  }
0xc0: {  	[sflag:s15] =	ssyncset.done $0x0  }
0xc1: {  	s23 =	simm.s32 $0x180;
	[sflag:s15] =	ssyncadd.s32 $0xFFFFC000  }
0xc2: {  	[tilespmem:s0], [sflag:$0x2] =	stream.indirect.gather [hbm4b:s5+s26], $0x80, s23, s26, $0xb8;
	[tilespmem:$0x1E800] =	vst v63  }
0xc3: {  	s23 =	simm.s32 $0x1A0  }
0xc4: {  	[tilespmem:s10], [sflag:$0x2] =	stream.indirect.gather [hbm4b:s5+s26], $0x80, s23, s26, $0xb8;
	[tilespmem:$0x1E800] =	vst v63  }
0xc5: {  	s22 =	simm.s32 $0x400;
	s29 =	simm.s32 $0x1E0;
	s23 =	simm.s32 $0x1C0  }
0xc6: {  	[tilespmem:s12], [sflag:$0x2] =	stream.indirect.gather [hbm4b:s5+s26], $0x80, s23, s26, $0xb8;
	[tilespmem:$0x1E800] =	vst v63  }
.LBB2_4:
0xc7: {  	[tilespmem:s21], [sflag:$0x2] =	stream.indirect.gather [hbm4b:s5+s26], $0x80, s29, s26, $0xb8;
	[tilespmem:$0x1E800] =	vst v63  }
0xc8: {  	s23 =	smov.u32 s22  }
0xc9: {  	p0 =	sne.s32 s22, $0x4800;
	s22 =	sadd.s32 $0x400, s22;
	_ =	swait.ge [sflag:s16], $0x4000  }
0xca: {  	s23 =	sshra.s32 s23, $0x2;
	[sflag:s16] =	ssyncset.done $0x0  }
0xcb: {  	s29 =	sadd.s32 $0x1400, s23;
	[sflag:s16] =	ssyncadd.s32 $0xFFFFC000  }
0xcc: {  	[spmem:s3] =	stream.indirect.scatter.add.f32 [tilespmem:s14], [sflag:$0x3], $0x80, s29, s2, $0xb8;
	[tilespmem:$0x1E800] =	vst v63  }
0xcd: {  	_ =	swait.ge [sflag:s15], $0x4000  }
0xce: {  	[sflag:s15] =	ssyncset.done $0x0  }
0xcf: {  	s29 =	sadd.s32 $0x100, s23;
	[sflag:s15] =	ssyncadd.s32 $0xFFFFC000  }
0xd0: {  	[tilespmem:s14], [sflag:$0x1] =	stream.indirect.gather [hbm4b:s5+s26], $0x80, s29, s26, $0xb8;
	[tilespmem:$0x1E800] =	vst v63  }
0xd1: {  	s29 =	sadd.s32 $0x120, s23  }
0xd2: {  	[tilespmem:s28], [sflag:$0x1] =	stream.indirect.gather [hbm4b:s5+s26], $0x80, s29, s26, $0xb8;
	[tilespmem:$0x1E800] =	vst v63  }
0xd3: {  	s29 =	sadd.s32 $0x140, s23  }
0xd4: {  	[tilespmem:s30], [sflag:$0x1] =	stream.indirect.gather [hbm4b:s5+s26], $0x80, s29, s26, $0xb8;
	[tilespmem:$0x1E800] =	vst v63  }
0xd5: {  	s29 =	sadd.s32 $0x160, s23  }
0xd6: {  	[tilespmem:s1], [sflag:$0x1] =	stream.indirect.gather [hbm4b:s5+s26], $0x80, s29, s26, $0xb8;
	[tilespmem:$0x1E800] =	vst v63  }
0xd7: {  	_ =	swait.ge [sflag:s17], $0x4000  }
0xd8: {  	[sflag:s17] =	ssyncset.done $0x0  }
0xd9: {  	s29 =	sadd.s32 $0x1480, s23;
	[sflag:s17] =	ssyncadd.s32 $0xFFFFC000  }
0xda: {  	[spmem:s3] =	stream.indirect.scatter.add.f32 [tilespmem:s0], [sflag:$0x3], $0x80, s29, s2, $0xb8;
	[tilespmem:$0x1E800] =	vst v63  }
0xdb: {  	_ =	swait.ge [sflag:s15], $0x4000  }
0xdc: {  	[sflag:s15] =	ssyncset.done $0x0  }
0xdd: {  	s29 =	sadd.s32 $0x180, s23;
	[sflag:s15] =	ssyncadd.s32 $0xFFFFC000  }
0xde: {  	[tilespmem:s0], [sflag:$0x2] =	stream.indirect.gather [hbm4b:s5+s26], $0x80, s29, s26, $0xb8;
	[tilespmem:$0x1E800] =	vst v63  }
.Ltmp1:
0xdf: {  	s29 =	sadd.s32 $0x1A0, s23;
	(pc) =	sbr.rel @p0 .LBB2_4-.Ltmp1, $4  }
0xe0: {  	[tilespmem:s10], [sflag:$0x2] =	stream.indirect.gather [hbm4b:s5+s26], $0x80, s29, s26, $0xb8;
	[tilespmem:$0x1E800] =	vst v63  }
0xe1: {  	s29 =	sadd.s32 $0x1C0, s23  }
0xe2: {  	[tilespmem:s12], [sflag:$0x2] =	stream.indirect.gather [hbm4b:s5+s26], $0x80, s29, s26, $0xb8;
	[tilespmem:$0x1E800] =	vst v63  }
0xe3: {  	s29 =	sadd.s32 $0x1E0, s23  }
0xe4: {  	[tilespmem:s21], [sflag:$0x2] =	stream.indirect.gather [hbm4b:s5+s26], $0x80, s29, s26, $0xb8;
	[tilespmem:$0x1E800] =	vst v63  }
0xe5: {  	_ =	swait.ge [sflag:s16], $0x4000  }
0xe6: {  	[sflag:s16] =	ssyncset.done $0x0  }
0xe7: {  	[sflag:s16] =	ssyncadd.s32 $0xFFFFC000  }
0xe8: {  	[spmem:s3] =	stream.indirect.scatter.add.f32 [tilespmem:s14], [sflag:$0x3], $0x80, s18, s2, $0xb8;
	[tilespmem:$0x1E800] =	vst v63  }
0xe9: {  	_ =	swait.ge [sflag:s15], $0x4000  }
0xea: {  	[sflag:s15] =	ssyncset.done $0x0  }
0xeb: {  	[sflag:s15] =	ssyncadd.s32 $0xFFFFC000  }
0xec: {  	_ =	swait.ge [sflag:s17], $0x4000  }
0xed: {  	[sflag:s17] =	ssyncset.done $0x0  }
0xee: {  	[sflag:s17] =	ssyncadd.s32 $0xFFFFC000  }
0xef: {  	[spmem:s3] =	stream.indirect.scatter.add.f32 [tilespmem:s0], [sflag:$0x3], $0x80, s19, s2, $0xb8;
	[tilespmem:$0x1E800] =	vst v63  }
0xf0: {  	_ =	swait.ge [sflag:s15], $0x4000  }
0xf1: {  	[sflag:s15] =	ssyncset.done $0x0  }
0xf2: {  	s22 =	stileid.u32;
	[sflag:s15] =	ssyncadd.s32 $0xFFFFC000  }
0xf3: {  	s22 =	sshll.u32 s22, $0x6;
	[bflag:$0x0] =	sbarrier.arrive $0xFFFF  }
0xf4: {  	s23 =	sshrl.u32 s6, $0x3;
	s22 =	sor.u32 $0x1C03, s22;
	s29 =	rddreg [dreg:$0x9]  }
0xf5: {  	[hbm:s29], [sflag:s22] =	dma.local [spmem:s23], $0x800  }
0xf6: {  	_ =	swait.ge [sflag:s15], $0x800  }
0xf7: {  	[sflag:s15] =	ssyncset.done $0x0;
	s23 =	rddreg [dreg:$0xa]  }
0xf8: {  	s29 =	rddreg [dreg:$0xe];
	[sflag:s15] =	ssyncadd.s32 $0xFFFFF800  }
0xf9: {  	[hbm:s23], [sflag:s22] =	dma.local [spmem:s29], $0x800  }
0xfa: {  	_ =	swait.ge [sflag:s15], $0x800  }
0xfb: {  	[sflag:s15] =	ssyncset.done $0x0;
	s23 =	rddreg [dreg:$0xb]  }
0xfc: {  	s29 =	rddreg [dreg:$0xf];
	[sflag:s15] =	ssyncadd.s32 $0xFFFFF800  }
0xfd: {  	[hbm:s23], [sflag:s22] =	dma.local [spmem:s29], $0x800  }
0xfe: {  	_ =	swait.ge [sflag:s15], $0x800  }
0xff: {  	[sflag:s15] =	ssyncset.done $0x0  }
0x100: {  	s29 =	rddreg [dreg:$0xc];
	[sflag:s15] =	ssyncadd.s32 $0xFFFFF800  }
0x101: {  	[hbm:s29], [sflag:s22] =	dma.local [spmem:s24], $0x800  }
0x102: {  	_ =	swait.ge [sflag:s15], $0x800  }
0x103: {  	[sflag:s15] =	ssyncset.done $0x0  }
0x104: {  	s29 =	rddreg [dreg:$0xd];
	[sflag:s15] =	ssyncadd.s32 $0xFFFFF800  }
0x105: {  	[hbm:s29], [sflag:s22] =	dma.local [spmem:s25], $0x800  }
0x106: {  	_ =	swait.ge [sflag:s15], $0x800  }
0x107: {  	s20 =	sadd.s32 $0x1, s20;
	s29 =	rddreg [dreg:$0x4]  }
0x108: {  	p0 =	sne.s32 s20, s29  }
.Ltmp2:
0x109: {  	_ = 	snop;
	(pc) =	sbr.rel @p0 .LBB2_1-.Ltmp2, $3  }
0x10a: {  	_ =	sdelay $0x1  }
0x10b: {  	[sflag:s15] =	ssyncset.done $0x0  }
0x10c: {  	[sflag:s15] =	ssyncadd.s32 $0xFFFFF800  }
0x10d: {  	_ =	sfence.sel $0x180000  }
0x10e: {  	[bflag:$0x0] =	sbarrier.arrive $0xFFFF  }
0x10f: {  	_ =	strace $0x9000004A  }
0x110: {  	s0 =	stileid.u32;
	[bflag:$0x2] =	sbarrier.arrive $0xFFFF  }
0x111: {  	p0 =	sne.s32 s0, $0x0;
	s0 =	rddreg [dreg:$0x3]  }
0x112: {  	s0 =	sadd.s32 @!p0 $0x100000, s0  }
0x113: {  	[sflag:s0] =	ssyncadd.tile.s32 @!p0 $0x1;
	_ =	shalt  }
.Lfunc_end2:
_tile_overlayer_lowered:
.L_overlay_start_2:
0x114: {  	(tag) =	ssettag $0x2  }
0x115: {  	s0 =	rddreg [dreg:$0x0];
	s2 =	stileid.u32  }
0x116: {  	s1 =	rddreg [dreg:$0x1];
	p0 =	sne.s32 s2, $0x0  }
0x117: {  	s3 =	rddreg [dreg:$0x2];
	[bflag:$0x3] =	sbarrier.arrive $0xFFFF;
	s2 =	simm.s32 @!p0 $0x1C03  }
0x118: {  	[timem:s3], [sflag:s2] =	dma.local @!p0 [hbm:s0], s1  }
0x119: {  	s0 =	simm.s32 @!p0 $0x3  }
0x11a: {  	_ =	swait.ge @!p0 [sflag:s0], s1  }
0x11b: {  	s1 =	ssub.s32 @!p0 $0x0, s1;
	[sflag:s0] =	ssyncset.done @!p0 $0x0  }
0x11c: {  	[sflag:s0] =	ssyncadd.s32 @!p0 s1  }
0x11d: {  	[bflag:$0x3] =	sbarrier.arrive $0xFFFF  }
0x11e: {  	_ =	shalt  }

// kernel: kernel.16.cloned.1.call-start
scs
__scs_entry_jumppad:
0x0: {  	(pc) =	sbr.rel $0x88, $3  }
0x1: {  	(tag) =	ssettag $0x0;
	lr =	simm.s32 $0x1  }
0x2: {  	[smem:$0x3F99] =	sst lr;
	_ =	strace $0xD0000000  }
0x3: {  	_ = 	snop  }
0x4: {  	_ = 	snop  }
0x5: {  	_ = 	snop  }
0x6: {  	_ = 	snop  }
0x7: {  	_ = 	snop  }
__scs_overlays_trampoline_lowered:
0x8: {  	[smem:$0x3FA8] =	sst s0  }
0x9: {  	[smem:$0x3FA9] =	sst s1  }
0xa: {  	[smem:$0x3FAA] =	sst s2  }
0xb: {  	[smem:$0x3FAB] =	sst s3  }
0xc: {  	[smem:$0x3FAC] =	sst s4  }
0xd: {  	[smem:$0x3FAD] =	sst s5  }
0xe: {  	[smem:$0x3FAE] =	sst s6  }
0xf: {  	[smem:$0x3FAF] =	sst s7  }
0x10: {  	[smem:$0x3FB0] =	sst s8  }
0x11: {  	[smem:$0x3FB1] =	sst s9;
	s0 =	simm.s32 @!p0 $0x0  }
0x12: {  	s1 =	sld [smem:$0x3F97];
	s0 =	simm.s32 @p0 $0x1  }
0x13: {  	[smem:$0x3FB2] =	sst s0;
	s0 =	simm.s32 @!p1 $0x0  }
0x14: {  	s2 =	sld [smem:$0x3F96];
	s0 =	simm.s32 @p1 $0x1  }
0x15: {  	[smem:$0x3FB3] =	sst s0;
	s0 =	simm.s32 @!p2 $0x0  }
0x16: {  	s3 =	sld [smem:$0x3FDB];
	s0 =	simm.s32 @p2 $0x1  }
0x17: {  	s4 =	simm.s32 $0x1BF5;
	[smem:$0x3FB5] =	sst s0  }
0x18: {  	s0 =	sld [smem:$0x3F98];
	_ =	swait.ge [sflag:s4], $0x0  }
0x19: {  	s7 =	sld [smem:$0x3F99]  }
0x1a: {  	s8 =	sadd.s32 $0xFFFFE003, lr  }
0x1b: {  	s9 =	sadd.s32 $0xFFFFFEF7, lr;
	s5 =	simm.s32 $0xFFFFFFFF;
	p2 =	slt.u32 s8, $0xFFFFF086  }
0x1c: {  	p1 =	slt.u32 s9, $0xF7A;
	s5 =	simm.s32 @!p2 $0x0  }
0x1d: {  	s5 =	simm.s32 @p1 $0x1;
	p0 =	seq.s32 s7, s2  }
0x1e: {  	s7 =	smul.u32 @!p0 $0xF7A, s2;
	p2 =	seq.s32 @!p0 s5, $0x0  }
0x1f: {  	s9 =	smul.u32 $0xF7A, s1;
	s8 =	simm.s32 @!p0 $0x1BF5;
	p2 =	por !p2, p0  }
0x20: {  	[sflag:s8] =	ssyncset.s32 @!p0 $0xFFFFF086;
	s6 =	sadd.s32 @!p0 s3, s7;
	s7 =	simm.s32 @!p0 $0x108  }
0x21: {  	s3 =	sadd.s32 s3, s9;
	s6 =	sadd.s32 @!p0 $0x88, s6;
	s7 =	simm.s32 @p2 $0x1082  }
0x22: {  	[simem:s7], [sflag:s8] =	dma.local @!p0 [hbm:s6], $0xF7A  }
0x23: {  	s9 =	sor.u32 $0xD0000000, s2;
	s6 =	simm.s32 $0x108;
	_ =	swait.ge @!p0 [sflag:s8], $0x0  }
0x24: {  	s3 =	sadd.s32 $0x88, s3;
	s6 =	simm.s32 @!p1 $0x1082;
	[sflag:s4] =	ssyncset.s32 $0xFFFFF086  }
0x25: {  	[simem:s6], [sflag:s4] =	dma.local [hbm:s3], $0xF7A  }
0x26: {  	[smem:$0x3F99] =	sst s1;
	(tag) =	ssettag s2;
	_ =	strace s9  }
0x27: {  	s1 =	sld [smem:$0x3FA9]  }
0x28: {  	s2 =	sld [smem:$0x3FAA]  }
0x29: {  	s4 =	sld [smem:$0x3FAC]  }
0x2a: {  	p0 =	seq.s32 s5, $0x0;
	s5 =	sld [smem:$0x3FAD]  }
0x2b: {  	s6 =	sld [smem:$0x3FAE]  }
0x2c: {  	s7 =	sld [smem:$0x3FAF]  }
0x2d: {  	s3 =	simm.s32 $0x108;
	s8 =	sld [smem:$0x3FB0]  }
0x2e: {  	s3 =	simm.s32 @!p0 $0x1082;
	s9 =	sld [smem:$0x3FB1]  }
0x2f: {  	lr =	sadd.s32 s0, s3;
	s0 =	sld [smem:$0x3FA8]  }
0x30: {  	s3 =	sld [smem:$0x3FAB]  }
0x31: {  	[smem:$0x3FB4] =	sst s10  }
0x32: {  	s10 =	sld [smem:$0x3FB2];
	_ =	sdelay $0x3  }
0x33: {  	p0 =	seq.s32 s10, $0x1;
	s10 =	sld [smem:$0x3FB4];
	_ =	sdelay $0x3  }
0x34: {  	[smem:$0x3FB4] =	sst s10  }
0x35: {  	s10 =	sld [smem:$0x3FB3];
	_ =	sdelay $0x3  }
0x36: {  	p1 =	seq.s32 s10, $0x1;
	s10 =	sld [smem:$0x3FB4];
	_ =	sdelay $0x3  }
0x37: {  	[smem:$0x3FB4] =	sst s10  }
0x38: {  	s10 =	sld [smem:$0x3FB5]  }
0x39: {  	_ = 	snop;
	(pc) =	sbr.ind lr, $3  }
0x3a: {  	_ = 	snop  }
0x3b: {  	_ = 	snop  }
0x3c: {  	p2 =	seq.s32 s10, $0x1;
	s10 =	sld [smem:$0x3FB4]  }
0x3d: {  	_ =	shalt  }
0x3e: {  	_ =	shalt  }
0x3f: {  	_ =	shalt  }
0x40: {  	_ =	shalt  }
0x41: {  	_ =	shalt  }
0x42: {  	_ =	shalt  }
0x43: {  	_ =	shalt  }
0x44: {  	_ =	shalt  }
0x45: {  	_ =	shalt  }
0x46: {  	_ =	shalt  }
0x47: {  	_ =	shalt  }
0x48: {  	_ =	shalt  }
0x49: {  	_ =	shalt  }
0x4a: {  	_ =	shalt  }
0x4b: {  	_ =	shalt  }
0x4c: {  	_ =	shalt  }
0x4d: {  	_ =	shalt  }
0x4e: {  	_ =	shalt  }
0x4f: {  	_ =	shalt  }
0x50: {  	_ =	shalt  }
0x51: {  	_ =	shalt  }
0x52: {  	_ =	shalt  }
0x53: {  	_ =	shalt  }
0x54: {  	_ =	shalt  }
0x55: {  	_ =	shalt  }
0x56: {  	_ =	shalt  }
0x57: {  	_ =	shalt  }
0x58: {  	_ =	shalt  }
0x59: {  	_ =	shalt  }
0x5a: {  	_ =	shalt  }
0x5b: {  	_ =	shalt  }
0x5c: {  	_ =	shalt  }
0x5d: {  	_ =	shalt  }
0x5e: {  	_ =	shalt  }
0x5f: {  	_ =	shalt  }
0x60: {  	_ =	shalt  }
0x61: {  	_ =	shalt  }
0x62: {  	_ =	shalt  }
0x63: {  	_ =	shalt  }
0x64: {  	_ =	shalt  }
0x65: {  	_ =	shalt  }
0x66: {  	_ =	shalt  }
0x67: {  	_ =	shalt  }
0x68: {  	_ =	shalt  }
0x69: {  	_ =	shalt  }
0x6a: {  	_ =	shalt  }
0x6b: {  	_ =	shalt  }
0x6c: {  	_ =	shalt  }
0x6d: {  	_ =	shalt  }
0x6e: {  	_ =	shalt  }
0x6f: {  	_ =	shalt  }
0x70: {  	_ =	shalt  }
0x71: {  	_ =	shalt  }
0x72: {  	_ =	shalt  }
0x73: {  	_ =	shalt  }
0x74: {  	_ =	shalt  }
0x75: {  	_ =	shalt  }
0x76: {  	_ =	shalt  }
0x77: {  	_ =	shalt  }
0x78: {  	_ =	shalt  }
0x79: {  	_ =	shalt  }
0x7a: {  	_ =	shalt  }
0x7b: {  	_ =	shalt  }
0x7c: {  	_ =	shalt  }
0x7d: {  	_ =	shalt  }
0x7e: {  	_ =	shalt  }
0x7f: {  	_ =	shalt  }
0x80: {  	_ =	shalt  }
0x81: {  	_ =	shalt  }
0x82: {  	_ =	shalt  }
0x83: {  	_ =	shalt  }
0x84: {  	_ =	shalt  }
0x85: {  	_ =	shalt  }
0x86: {  	_ =	shalt  }
0x87: {  	_ =	shalt  }
.Lfunc_end0:
.L_simem_size_0:
called_computation.2_lowered:
.L_overlay_start_0:
0x88: {  	s2 =	sld [smem:$0x3FD9]  }
0x89: {  	s3 =	sld [smem:$0x3FFE];
	_ =	sdelay $0x1  }
0x8a: {  	s1 =	srdreg.scid  }
0x8b: {  	s0 =	sand.u32 $0x1, s1  }
0x8c: {  	s17 =	sshll.u32 s0, $0xA;
	s2 =	sadd.s32 s3, s2  }
0x8d: {  	s2 =	sadd.s32 s2, s17  }
0x8e: {  	[smem:$0x3FC0] =	sst s2  }
0x8f: {  	_ = 	snop  }
0x90: {  	s2 =	sld [smem:$0x3FD0];
	(tm) =	ssettm $0x1  }
0x91: {  	s18 =	sld [smem:$0x3FFB];
	_ =	sdelay $0x3  }
0x92: {  	_ =	strace s18  }
0x93: {  	s3 =	sld [smem:$0x3FFC];
	_ =	sdelay $0x3  }
0x94: {  	_ =	strace s3  }
0x95: {  	s3 =	sld [smem:$0x3FFD];
	_ =	sdelay $0x3  }
0x96: {  	_ =	strace s3  }
0x97: {  	_ =	strace $0x8FFFFFFF  }
0x98: {  	s19 =	sld [smem:$0x3FDB];
	_ =	sdelay $0x1  }
0x99: {  	s4 =	simm.s32 $_scs_section_size  }
0x9a: {  	s5 =	simm.s32 $_size__tile_overlayer_lowered;
	s6 =	simm.s32 $_tile_overlayer_lowered  }
0x9b: {  	s22 =	simm.s32 $0x1BFF;
	s21 =	sshll.u32 s6, $0x1;
	s3 =	sadd.s32 s4, s19  }
0x9c: {  	s7 =	simm.s32 $0x0;
	s20 =	sshll.u32 s5, $0x1;
	s5 =	sadd.s32 s21, s3  }
0x9d: {  	[timem:s7], [sflag:s22] =	dma.local [hbm:s5], s20  }
0x9e: {  	_ =	swait.ge [sflag:s22], s20  }
0x9f: {  	s4 =	ssub.s32 $0x0, s20;
	[sflag:s22] =	ssyncset.done $0x0  }
0xa0: {  	[sflag:s22] =	ssyncadd.s32 s4;
	_ =	sdelay $0x1  }
0xa1: {  	s23 =	simm.s32 $0x1B8B  }
0xa2: {  	_ =	swait.ge [sflag:s23], $0x1  }
0xa3: {  	[sflag:s23] =	ssyncset.done $0x0  }
0xa4: {  	s25 =	simm.s32 $0x1B8E;
	s24 =	sld [smem:$0x3FFE];
	[sflag:s23] =	ssyncadd.s32 $0xFFFFFFFF  }
0xa5: {  	s26 =	simm.s32 $execute0_lowered;
	[smem:$0x3FD2] =	sst s25  }
0xa6: {  	s5 =	sshll.u32 s26, $0x1;
	_ =	strace $0x8000004C;
	[dreg:$0x1] =	wrdreg $0xFFFFFFFF  }
0xa7: {  	s28 =	simm.s32 $_size_execute0_lowered;
	s3 =	sadd.s32 s3, s5;
	[dreg:$0x0] =	wrdreg $0x0  }
0xa8: {  	s5 =	sshll.u32 s28, $0x1;
	[dreg:$0x2] =	wrdreg s3  }
0xa9: {  	[dreg:$0x3] =	wrdreg s5  }
0xaa: {  	[dreg:$0x4] =	wrdreg $0xC0  }
0xab: {  	_ =	task [dreg:s7], $0x5FFFF  }
0xac: {  	[dreg:$0x1] =	wrdreg $0xFFFFFFFF  }
0xad: {  	[dreg:$0x0] =	wrdreg $0x60  }
0xae: {  	[dreg:$0x2] =	wrdreg s24  }
0xaf: {  	[dreg:$0x3] =	wrdreg s2  }
0xb0: {  	[dreg:$0x4] =	wrdreg $0xA8000  }
0xb1: {  	[dreg:$0x5] =	wrdreg $0x9  }
0xb2: {  	_ =	task.clear_ibuf [dreg:s7], $0x6FFFF;
	_ =	strace $0x9000004C  }
0xb3: {  	s29 =	simm.s32 $0x9;
	_ =	strace $0x8000004E  }
0xb4: {  	_ =	swait.ge [sflag:s29], $0x1  }
0xb5: {  	[sflag:s29] =	ssyncadd.s32 $0xFFFFFFFF  }
0xb6: {  	_ =	strace $0x9000004E  }
0xb7: {  	_ =	sfence  }
0xb8: {  	s30 =	sld [smem:$0x0];
	_ =	sdelay $0x2  }
0xb9: {  	s31 =	sshll.u32 s1, $0xD;
	s1 =	sshrl.u32 s1, $0x2  }
0xba: {  	s3 =	sand.u32 $0x4000, s31;
	s1 =	sadd.s32 s1, s30  }
0xbb: {  	s0 =	sor.u32 s3, s0;
	s1 =	sshll.u32 s1, $0x11  }
0xbc: {  	s0 =	sor.u32 s1, s0  }
0xbd: {  	s0 =	sadd.s32 $0x8F2B, s0  }
0xbe: {  	[sflag:s0] =	ssyncadd.remote.s32 $0x1  }
0xbf: {  	_ =	sfence.sel $0xFFFF  }
0xc0: {  	[dreg:$0x0] =	wrdreg $0xFFFFFFFF;
	(pc) =	sbr.abs _section_cstart, $3  }
0xc1: {  	[dreg:$0x1] =	wrdreg $0xFFFFFFFF  }
0xc2: {  	_ =	task.clear_ibuf [dreg:s7], $0x2FFFF;
	_ =	strace $0x9FFFFFFF  }
0xc3: {  	(tm) =	ssettm $0x7FFFFFFF  }
tec
execute0_lowered:
.L_overlay_start_1:
0x0: {  	(tag) =	ssettag $0x1  }
0x1: {  	s0 =	rddreg [dreg:$0x0];
	s1 =	srdreg.scid  }
0x2: {  	s9 =	stileid.u32;
	s3 =	rddreg [dreg:$0x2]  }
0x3: {  	s4 =	simm.s32 $0x0;
	s15 =	simm.s32 $0x3;
	s28 =	simm.s32 $0x3800  }
0x4: {  	s30 =	simm.s32 $0x4800;
	s31 =	simm.s32 $0x60;
	s6 =	smul.u32 $0x50000, s9  }
0x5: {  	s1 =	sand.u32 $0x1, s1;
	s2 =	sshll.u32 s9, $0x1;
	s17 =	smul.u32 $0x280, s9  }
0x6: {  	[smem:$0x7FF] =	sst s4;
	s5 =	sadd.s32 $0xCA00, s0;
	s9 =	smul.u32 $0x2800, s9  }
0x7: {  	s2 =	sor.u32 s1, s2;
	s7 =	smul.u32 $0x28000, s1;
	s1 =	ssub.s32 $0x2, s1  }
0x8: {  	_ =	strace $0x8000004D;
	s2 =	smul.u32 $0x500, s2;
	s8 =	sshrl.u32 s1, $0x1  }
0x9: {  	s6 =	sshrl.u32 s6, $0x2;
	s20 =	sadd.s32 $0x80, s17;
	s11 =	sadd.s32 $0x100, s17  }
0xa: {  	s13 =	sadd.s32 $0x180, s17;
	s1 =	ssub.s32 s1, s8;
	s6 =	sadd.s32 s6, s3  }
0xb: {  	s21 =	sshll.u32 s20, $0x7;
	s22 =	sshll.u32 s11, $0x7;
	s11 =	sshll.u32 s11, $0x4  }
0xc: {  	s14 =	sshll.u32 s13, $0x7;
	s13 =	sshll.u32 s13, $0x4;
	s2 =	sadd.s32 s2, s0  }
0xd: {  	s0 =	sadd.s32 s7, s0;
	s1 =	smax.u32 s1, $0x1;
	s18 =	sadd.s32 $0x4000, s6  }
0xe: {  	s19 =	sadd.s32 $0x8000, s6;
	s10 =	sadd.s32 $0xC000, s6;
	[dreg:$0x4] =	wrdreg s1  }
0xf: {  	s12 =	sadd.s32 $0x10000, s6;
	s16 =	sadd.s32 s14, s3;
	[dreg:$0x5] =	wrdreg s18  }
0x10: {  	s14 =	simm.s32 $0x2800;
	s7 =	sadd.s32 $0x5D200, s2;
	[dreg:$0x6] =	wrdreg s19  }
0x11: {  	s8 =	sadd.s32 $0x2A00, s2;
	s0 =	sadd.s32 $0x67200, s0;
	[dreg:$0x7] =	wrdreg s10  }
0x12: {  	[dreg:$0x8] =	wrdreg s12;
	s10 =	sadd.s32 s21, s3;
	s1 =	sshll.u32 s20, $0x4  }
0x13: {  	s12 =	sadd.s32 s22, s3;
	s2 =	sadd.s32 $0x200, s17;
	s21 =	simm.s32 $0x9800  }
0x14: {  	s18 =	simm.s32 $0x2700;
	s19 =	simm.s32 $0x2780;
	s20 =	simm.s32 $0x0  }
0x15: {  	s23 =	sshll.u32 s2, $0x7;
	s2 =	sshll.u32 s2, $0x4;
	s9 =	sadd.s32 s9, s0  }
0x16: {  	s1 =	sadd.s32 s1, s0;
	s24 =	sadd.s32 s11, s0;
	[dreg:$0x9] =	wrdreg s9  }
0x17: {  	s25 =	sadd.s32 s13, s0;
	s26 =	sshrl.u32 s10, $0x3;
	[dreg:$0xa] =	wrdreg s1  }
0x18: {  	s29 =	sshrl.u32 s12, $0x3;
	s10 =	simm.s32 $0x7800;
	[dreg:$0xb] =	wrdreg s24  }
0x19: {  	s11 =	simm.s32 $0xC0;
	s12 =	simm.s32 $0x8800;
	[dreg:$0xc] =	wrdreg s25  }
0x1a: {  	s13 =	simm.s32 $0xE0;
	s17 =	sadd.s32 s23, s3;
	[dreg:$0xe] =	wrdreg s26  }
0x1b: {  	s0 =	sadd.s32 s2, s0;
	[dreg:$0xf] =	wrdreg s29;
	s24 =	sshrl.u32 s16, $0x3  }
0x1c: {  	s26 =	simm.s32 $0x20;
	s1 =	simm.s32 $0x5800;
	s2 =	simm.s32 $0x80  }
0x1d: {  	s9 =	simm.s32 $0xA0;
	s16 =	simm.s32 $0x1;
	[dreg:$0xd] =	wrdreg s0  }
0x1e: {  	s25 =	sshrl.u32 s17, $0x3;
	s0 =	simm.s32 $0x6800;
	s17 =	simm.s32 $0x2  }
.LBB2_1:
0x1f: {  	s22 =	rddreg [dreg:$0x1]  }
0x20: {  	[tilespmem:s14], [sflag:$0x3] =	stream.linear.gather [hbm4b:s22+s4], $0x4000, $0x38;
	[tilespmem:$0x1E800] =	vst v63  }
0x21: {  	_ =	swait.ge [sflag:s15], $0x4000  }
0x22: {  	[sflag:s15] =	ssyncset.done $0x0  }
0x23: {  	[sflag:s15] =	ssyncadd.s32 $0xFFFFC000  }
0x24: {  	[spmem:s6] =	stream.linear.scatter [tilespmem:s14], [sflag:$0x3], $0x4000, $0x38;
	[tilespmem:$0x1E800] =	vst v63  }
0x25: {  	_ =	swait.ge [sflag:s15], $0x4000  }
0x26: {  	[sflag:s15] =	ssyncset.done $0x0  }
0x27: {  	s23 =	rddreg [dreg:$0x5];
	[sflag:s15] =	ssyncadd.s32 $0xFFFFC000  }
0x28: {  	[spmem:s23] =	stream.linear.scatter [tilespmem:s14], [sflag:$0x3], $0x4000, $0x38;
	[tilespmem:$0x1E800] =	vst v63  }
0x29: {  	_ =	swait.ge [sflag:s15], $0x4000  }
0x2a: {  	[sflag:s15] =	ssyncset.done $0x0  }
0x2b: {  	s23 =	rddreg [dreg:$0x6];
	[sflag:s15] =	ssyncadd.s32 $0xFFFFC000  }
0x2c: {  	[spmem:s23] =	stream.linear.scatter [tilespmem:s14], [sflag:$0x3], $0x4000, $0x38;
	[tilespmem:$0x1E800] =	vst v63  }
0x2d: {  	_ =	swait.ge [sflag:s15], $0x4000  }
0x2e: {  	[sflag:s15] =	ssyncset.done $0x0  }
0x2f: {  	s23 =	rddreg [dreg:$0x7];
	[sflag:s15] =	ssyncadd.s32 $0xFFFFC000  }
0x30: {  	[spmem:s23] =	stream.linear.scatter [tilespmem:s14], [sflag:$0x3], $0x4000, $0x38;
	[tilespmem:$0x1E800] =	vst v63  }
0x31: {  	_ =	swait.ge [sflag:s15], $0x4000  }
0x32: {  	[sflag:s15] =	ssyncset.done $0x0  }
0x33: {  	s23 =	rddreg [dreg:$0x8];
	[sflag:s15] =	ssyncadd.s32 $0xFFFFC000  }
0x34: {  	[spmem:s23] =	stream.linear.scatter [tilespmem:s14], [sflag:$0x3], $0x4000, $0x38;
	[tilespmem:$0x1E800] =	vst v63  }
0x35: {  	_ =	swait.ge [sflag:s15], $0x4000  }
0x36: {  	[sflag:s15] =	ssyncset.done $0x0  }
0x37: {  	[sflag:s15] =	ssyncadd.s32 $0xFFFFC000  }
0x38: {  	[bflag:$0x0] =	sbarrier.arrive $0xFFFF  }
0x39: {  	[tilespmem:s4], [sflag:$0x3] =	stream.linear.gather [hbm4b:s7+s4], $0x1400, $0x38;
	[tilespmem:$0x1E800] =	vst v63  }
0x3a: {  	_ =	swait.ge [sflag:s15], $0x1400  }
0x3b: {  	[sflag:s15] =	ssyncset.done $0x0  }
0x3c: {  	s23 =	simm.s32 $0x1400;
	[sflag:s15] =	ssyncadd.s32 $0xFFFFEC00  }
0x3d: {  	[tilespmem:s23], [sflag:$0x3] =	stream.linear.gather [hbm4b:s8+s4], $0x1400, $0x38;
	[tilespmem:$0x1E800] =	vst v63  }
0x3e: {  	_ =	swait.ge [sflag:s15], $0x1400  }
0x3f: {  	[sflag:s15] =	ssyncset.done $0x0  }
0x40: {  	[sflag:s15] =	ssyncadd.s32 $0xFFFFEC00  }
0x41: {  	[tilespmem:s14], [sflag:$0x1] =	stream.indirect.gather [hbm4b:s5+s26], $0x80, s4, s26, $0xb8;
	[tilespmem:$0x1E800] =	vst v63  }
0x42: {  	_ = 	snop  }
0x43: {  	[tilespmem:s28], [sflag:$0x1] =	stream.indirect.gather [hbm4b:s5+s26], $0x80, s26, s26, $0xb8;
	[tilespmem:$0x1E800] =	vst v63  }
0x44: {  	s23 =	simm.s32 $0x40  }
0x45: {  	[tilespmem:s30], [sflag:$0x1] =	stream.indirect.gather [hbm4b:s5+s26], $0x80, s23, s26, $0xb8;
	[tilespmem:$0x1E800] =	vst v63  }
0x46: {  	_ = 	snop  }
0x47: {  	[tilespmem:s1], [sflag:$0x1] =	stream.indirect.gather [hbm4b:s5+s26], $0x80, s31, s26, $0xb8;
	[tilespmem:$0x1E800] =	vst v63  }
0x48: {  	_ = 	snop  }
0x49: {  	[tilespmem:s0], [sflag:$0x2] =	stream.indirect.gather [hbm4b:s5+s26], $0x80, s2, s26, $0xb8;
	[tilespmem:$0x1E800] =	vst v63  }
0x4a: {  	_ = 	snop  }
0x4b: {  	[tilespmem:s10], [sflag:$0x2] =	stream.indirect.gather [hbm4b:s5+s26], $0x80, s9, s26, $0xb8;
	[tilespmem:$0x1E800] =	vst v63  }
0x4c: {  	_ = 	snop  }
0x4d: {  	[tilespmem:s12], [sflag:$0x2] =	stream.indirect.gather [hbm4b:s5+s26], $0x80, s11, s26, $0xb8;
	[tilespmem:$0x1E800] =	vst v63  }
0x4e: {  	_ = 	snop  }
0x4f: {  	[tilespmem:s21], [sflag:$0x2] =	stream.indirect.gather [hbm4b:s5+s26], $0x80, s13, s26, $0xb8;
	[tilespmem:$0x1E800] =	vst v63  }
0x50: {  	_ =	swait.ge [sflag:s16], $0x4000  }
0x51: {  	[sflag:s16] =	ssyncset.done $0x0  }
0x52: {  	s23 =	simm.s32 $0x1400;
	[sflag:s16] =	ssyncadd.s32 $0xFFFFC000  }
0x53: {  	[spmem:s3] =	stream.indirect.scatter.add.f32 [tilespmem:s14], [sflag:$0x3], $0x80, s23, s2, $0xb8;
	[tilespmem:$0x1E800] =	vst v63  }
0x54: {  	_ =	swait.ge [sflag:s15], $0x4000  }
0x55: {  	[sflag:s15] =	ssyncset.done $0x0  }
0x56: {  	s23 =	simm.s32 $0x100;
	[sflag:s15] =	ssyncadd.s32 $0xFFFFC000  }
0x57: {  	[tilespmem:s14], [sflag:$0x1] =	stream.indirect.gather [hbm4b:s5+s26], $0x80, s23, s26, $0xb8;
	[tilespmem:$0x1E800] =	vst v63  }
0x58: {  	s23 =	simm.s32 $0x120  }
0x59: {  	[tilespmem:s28], [sflag:$0x1] =	stream.indirect.gather [hbm4b:s5+s26], $0x80, s23, s26, $0xb8;
	[tilespmem:$0x1E800] =	vst v63  }
0x5a: {  	s23 =	simm.s32 $0x140  }
0x5b: {  	[tilespmem:s30], [sflag:$0x1] =	stream.indirect.gather [hbm4b:s5+s26], $0x80, s23, s26, $0xb8;
	[tilespmem:$0x1E800] =	vst v63  }
0x5c: {  	s23 =	simm.s32 $0x160  }
0x5d: {  	[tilespmem:s1], [sflag:$0x1] =	stream.indirect.gather [hbm4b:s5+s26], $0x80, s23, s26, $0xb8;
	[tilespmem:$0x1E800] =	vst v63  }
0x5e: {  	_ =	swait.ge [sflag:s17], $0x4000  }
0x5f: {  	[sflag:s17] =	ssyncset.done $0x0  }
0x60: {  	s23 =	simm.s32 $0x1480;
	[sflag:s17] =	ssyncadd.s32 $0xFFFFC000  }
0x61: {  	[spmem:s3] =	stream.indirect.scatter.add.f32 [tilespmem:s0], [sflag:$0x3], $0x80, s23, s2, $0xb8;
	[tilespmem:$0x1E800] =	vst v63  }
0x62: {  	_ =	swait.ge [sflag:s15], $0x4000  }
0x63: {  	[sflag:s15] =	ssyncset.done $0x0  }
0x64: {  	s23 =	simm.s32 $0x180;
	[sflag:s15] =	ssyncadd.s32 $0xFFFFC000  }
0x65: {  	[tilespmem:s0], [sflag:$0x2] =	stream.indirect.gather [hbm4b:s5+s26], $0x80, s23, s26, $0xb8;
	[tilespmem:$0x1E800] =	vst v63  }
0x66: {  	s23 =	simm.s32 $0x1A0  }
0x67: {  	[tilespmem:s10], [sflag:$0x2] =	stream.indirect.gather [hbm4b:s5+s26], $0x80, s23, s26, $0xb8;
	[tilespmem:$0x1E800] =	vst v63  }
0x68: {  	s29 =	simm.s32 $0x1E0;
	s22 =	simm.s32 $0x400;
	s23 =	simm.s32 $0x1C0  }
0x69: {  	[tilespmem:s12], [sflag:$0x2] =	stream.indirect.gather [hbm4b:s5+s26], $0x80, s23, s26, $0xb8;
	[tilespmem:$0x1E800] =	vst v63  }
.LBB2_2:
0x6a: {  	[tilespmem:s21], [sflag:$0x2] =	stream.indirect.gather [hbm4b:s5+s26], $0x80, s29, s26, $0xb8;
	[tilespmem:$0x1E800] =	vst v63  }
0x6b: {  	s29 =	smov.u32 s22  }
0x6c: {  	p0 =	sne.s32 s22, $0x4800;
	s22 =	sadd.s32 $0x400, s22;
	_ =	swait.ge [sflag:s16], $0x4000  }
0x6d: {  	s29 =	sshra.s32 s29, $0x2;
	[sflag:s16] =	ssyncset.done $0x0  }
0x6e: {  	s23 =	sadd.s32 $0x1400, s29;
	[sflag:s16] =	ssyncadd.s32 $0xFFFFC000  }
0x6f: {  	[spmem:s3] =	stream.indirect.scatter.add.f32 [tilespmem:s14], [sflag:$0x3], $0x80, s23, s2, $0xb8;
	[tilespmem:$0x1E800] =	vst v63  }
0x70: {  	_ =	swait.ge [sflag:s15], $0x4000  }
0x71: {  	[sflag:s15] =	ssyncset.done $0x0  }
0x72: {  	s23 =	sadd.s32 $0x100, s29;
	[sflag:s15] =	ssyncadd.s32 $0xFFFFC000  }
0x73: {  	[tilespmem:s14], [sflag:$0x1] =	stream.indirect.gather [hbm4b:s5+s26], $0x80, s23, s26, $0xb8;
	[tilespmem:$0x1E800] =	vst v63  }
0x74: {  	s23 =	sadd.s32 $0x120, s29  }
0x75: {  	[tilespmem:s28], [sflag:$0x1] =	stream.indirect.gather [hbm4b:s5+s26], $0x80, s23, s26, $0xb8;
	[tilespmem:$0x1E800] =	vst v63  }
0x76: {  	s23 =	sadd.s32 $0x140, s29  }
0x77: {  	[tilespmem:s30], [sflag:$0x1] =	stream.indirect.gather [hbm4b:s5+s26], $0x80, s23, s26, $0xb8;
	[tilespmem:$0x1E800] =	vst v63  }
0x78: {  	s23 =	sadd.s32 $0x160, s29  }
0x79: {  	[tilespmem:s1], [sflag:$0x1] =	stream.indirect.gather [hbm4b:s5+s26], $0x80, s23, s26, $0xb8;
	[tilespmem:$0x1E800] =	vst v63  }
0x7a: {  	_ =	swait.ge [sflag:s17], $0x4000  }
0x7b: {  	[sflag:s17] =	ssyncset.done $0x0  }
0x7c: {  	s23 =	sadd.s32 $0x1480, s29;
	[sflag:s17] =	ssyncadd.s32 $0xFFFFC000  }
0x7d: {  	[spmem:s3] =	stream.indirect.scatter.add.f32 [tilespmem:s0], [sflag:$0x3], $0x80, s23, s2, $0xb8;
	[tilespmem:$0x1E800] =	vst v63  }
0x7e: {  	_ =	swait.ge [sflag:s15], $0x4000  }
0x7f: {  	[sflag:s15] =	ssyncset.done $0x0  }
0x80: {  	s23 =	sadd.s32 $0x180, s29;
	[sflag:s15] =	ssyncadd.s32 $0xFFFFC000  }
0x81: {  	[tilespmem:s0], [sflag:$0x2] =	stream.indirect.gather [hbm4b:s5+s26], $0x80, s23, s26, $0xb8;
	[tilespmem:$0x1E800] =	vst v63  }
.Ltmp0:
0x82: {  	s23 =	sadd.s32 $0x1A0, s29;
	(pc) =	sbr.rel @p0 .LBB2_2-.Ltmp0, $4  }
0x83: {  	[tilespmem:s10], [sflag:$0x2] =	stream.indirect.gather [hbm4b:s5+s26], $0x80, s23, s26, $0xb8;
	[tilespmem:$0x1E800] =	vst v63  }
0x84: {  	s23 =	sadd.s32 $0x1C0, s29  }
0x85: {  	[tilespmem:s12], [sflag:$0x2] =	stream.indirect.gather [hbm4b:s5+s26], $0x80, s23, s26, $0xb8;
	[tilespmem:$0x1E800] =	vst v63  }
0x86: {  	s29 =	sadd.s32 $0x1E0, s29  }
0x87: {  	[tilespmem:s21], [sflag:$0x2] =	stream.indirect.gather [hbm4b:s5+s26], $0x80, s29, s26, $0xb8;
	[tilespmem:$0x1E800] =	vst v63  }
0x88: {  	_ =	swait.ge [sflag:s16], $0x4000  }
0x89: {  	[sflag:s16] =	ssyncset.done $0x0  }
0x8a: {  	[sflag:s16] =	ssyncadd.s32 $0xFFFFC000  }
0x8b: {  	[spmem:s3] =	stream.indirect.scatter.add.f32 [tilespmem:s14], [sflag:$0x3], $0x80, s18, s2, $0xb8;
	[tilespmem:$0x1E800] =	vst v63  }
0x8c: {  	_ =	swait.ge [sflag:s15], $0x4000  }
0x8d: {  	[sflag:s15] =	ssyncset.done $0x0  }
0x8e: {  	[sflag:s15] =	ssyncadd.s32 $0xFFFFC000  }
0x8f: {  	_ =	swait.ge [sflag:s17], $0x4000  }
0x90: {  	[sflag:s17] =	ssyncset.done $0x0  }
0x91: {  	[sflag:s17] =	ssyncadd.s32 $0xFFFFC000  }
0x92: {  	[spmem:s3] =	stream.indirect.scatter.add.f32 [tilespmem:s0], [sflag:$0x3], $0x80, s19, s2, $0xb8;
	[tilespmem:$0x1E800] =	vst v63  }
0x93: {  	_ =	swait.ge [sflag:s15], $0x4000  }
0x94: {  	[sflag:s15] =	ssyncset.done $0x0  }
0x95: {  	s22 =	sadd.s32 $0x280, s7;
	s23 =	simm.s32 $0x0;
	[sflag:s15] =	ssyncadd.s32 $0xFFFFC000  }
0x96: {  	[tilespmem:s23], [sflag:$0x3] =	stream.linear.gather [hbm4b:s22+s23], $0x1400, $0x38;
	[tilespmem:$0x1E800] =	vst v63  }
0x97: {  	_ =	swait.ge [sflag:s15], $0x1400  }
0x98: {  	[sflag:s15] =	ssyncset.done $0x0  }
0x99: {  	s29 =	simm.s32 $0x1400;
	s22 =	sadd.s32 $0x280, s8;
	[sflag:s15] =	ssyncadd.s32 $0xFFFFEC00  }
0x9a: {  	[tilespmem:s29], [sflag:$0x3] =	stream.linear.gather [hbm4b:s22+s23], $0x1400, $0x38;
	[tilespmem:$0x1E800] =	vst v63  }
0x9b: {  	_ =	swait.ge [sflag:s15], $0x1400  }
0x9c: {  	[sflag:s15] =	ssyncset.done $0x0  }
0x9d: {  	[sflag:s15] =	ssyncadd.s32 $0xFFFFEC00  }
0x9e: {  	[tilespmem:s14], [sflag:$0x1] =	stream.indirect.gather [hbm4b:s5+s26], $0x80, s23, s26, $0xb8;
	[tilespmem:$0x1E800] =	vst v63  }
0x9f: {  	_ = 	snop  }
0xa0: {  	[tilespmem:s28], [sflag:$0x1] =	stream.indirect.gather [hbm4b:s5+s26], $0x80, s26, s26, $0xb8;
	[tilespmem:$0x1E800] =	vst v63  }
0xa1: {  	s23 =	simm.s32 $0x40  }
0xa2: {  	[tilespmem:s30], [sflag:$0x1] =	stream.indirect.gather [hbm4b:s5+s26], $0x80, s23, s26, $0xb8;
	[tilespmem:$0x1E800] =	vst v63  }
0xa3: {  	_ = 	snop  }
0xa4: {  	[tilespmem:s1], [sflag:$0x1] =	stream.indirect.gather [hbm4b:s5+s26], $0x80, s31, s26, $0xb8;
	[tilespmem:$0x1E800] =	vst v63  }
0xa5: {  	_ = 	snop  }
0xa6: {  	[tilespmem:s0], [sflag:$0x2] =	stream.indirect.gather [hbm4b:s5+s26], $0x80, s2, s26, $0xb8;
	[tilespmem:$0x1E800] =	vst v63  }
0xa7: {  	_ = 	snop  }
0xa8: {  	[tilespmem:s10], [sflag:$0x2] =	stream.indirect.gather [hbm4b:s5+s26], $0x80, s9, s26, $0xb8;
	[tilespmem:$0x1E800] =	vst v63  }
0xa9: {  	_ = 	snop  }
0xaa: {  	[tilespmem:s12], [sflag:$0x2] =	stream.indirect.gather [hbm4b:s5+s26], $0x80, s11, s26, $0xb8;
	[tilespmem:$0x1E800] =	vst v63  }
0xab: {  	_ = 	snop  }
0xac: {  	[tilespmem:s21], [sflag:$0x2] =	stream.indirect.gather [hbm4b:s5+s26], $0x80, s13, s26, $0xb8;
	[tilespmem:$0x1E800] =	vst v63  }
0xad: {  	_ =	swait.ge [sflag:s16], $0x4000  }
0xae: {  	[sflag:s16] =	ssyncset.done $0x0  }
0xaf: {  	s23 =	simm.s32 $0x1400;
	[sflag:s16] =	ssyncadd.s32 $0xFFFFC000  }
0xb0: {  	[spmem:s3] =	stream.indirect.scatter.add.f32 [tilespmem:s14], [sflag:$0x3], $0x80, s23, s2, $0xb8;
	[tilespmem:$0x1E800] =	vst v63  }
0xb1: {  	_ =	swait.ge [sflag:s15], $0x4000  }
0xb2: {  	[sflag:s15] =	ssyncset.done $0x0  }
0xb3: {  	s23 =	simm.s32 $0x100;
	[sflag:s15] =	ssyncadd.s32 $0xFFFFC000  }
0xb4: {  	[tilespmem:s14], [sflag:$0x1] =	stream.indirect.gather [hbm4b:s5+s26], $0x80, s23, s26, $0xb8;
	[tilespmem:$0x1E800] =	vst v63  }
0xb5: {  	s23 =	simm.s32 $0x120  }
0xb6: {  	[tilespmem:s28], [sflag:$0x1] =	stream.indirect.gather [hbm4b:s5+s26], $0x80, s23, s26, $0xb8;
	[tilespmem:$0x1E800] =	vst v63  }
0xb7: {  	s23 =	simm.s32 $0x140  }
0xb8: {  	[tilespmem:s30], [sflag:$0x1] =	stream.indirect.gather [hbm4b:s5+s26], $0x80, s23, s26, $0xb8;
	[tilespmem:$0x1E800] =	vst v63  }
0xb9: {  	s23 =	simm.s32 $0x160  }
0xba: {  	[tilespmem:s1], [sflag:$0x1] =	stream.indirect.gather [hbm4b:s5+s26], $0x80, s23, s26, $0xb8;
	[tilespmem:$0x1E800] =	vst v63  }
0xbb: {  	_ =	swait.ge [sflag:s17], $0x4000  }
0xbc: {  	[sflag:s17] =	ssyncset.done $0x0  }
0xbd: {  	s23 =	simm.s32 $0x1480;
	[sflag:s17] =	ssyncadd.s32 $0xFFFFC000  }
0xbe: {  	[spmem:s3] =	stream.indirect.scatter.add.f32 [tilespmem:s0], [sflag:$0x3], $0x80, s23, s2, $0xb8;
	[tilespmem:$0x1E800] =	vst v63  }
0xbf: {  	_ =	swait.ge [sflag:s15], $0x4000  }
0xc0: {  	[sflag:s15] =	ssyncset.done $0x0  }
0xc1: {  	s23 =	simm.s32 $0x180;
	[sflag:s15] =	ssyncadd.s32 $0xFFFFC000  }
0xc2: {  	[tilespmem:s0], [sflag:$0x2] =	stream.indirect.gather [hbm4b:s5+s26], $0x80, s23, s26, $0xb8;
	[tilespmem:$0x1E800] =	vst v63  }
0xc3: {  	s23 =	simm.s32 $0x1A0  }
0xc4: {  	[tilespmem:s10], [sflag:$0x2] =	stream.indirect.gather [hbm4b:s5+s26], $0x80, s23, s26, $0xb8;
	[tilespmem:$0x1E800] =	vst v63  }
0xc5: {  	s22 =	simm.s32 $0x400;
	s29 =	simm.s32 $0x1E0;
	s23 =	simm.s32 $0x1C0  }
0xc6: {  	[tilespmem:s12], [sflag:$0x2] =	stream.indirect.gather [hbm4b:s5+s26], $0x80, s23, s26, $0xb8;
	[tilespmem:$0x1E800] =	vst v63  }
.LBB2_4:
0xc7: {  	[tilespmem:s21], [sflag:$0x2] =	stream.indirect.gather [hbm4b:s5+s26], $0x80, s29, s26, $0xb8;
	[tilespmem:$0x1E800] =	vst v63  }
0xc8: {  	s23 =	smov.u32 s22  }
0xc9: {  	p0 =	sne.s32 s22, $0x4800;
	s22 =	sadd.s32 $0x400, s22;
	_ =	swait.ge [sflag:s16], $0x4000  }
0xca: {  	s23 =	sshra.s32 s23, $0x2;
	[sflag:s16] =	ssyncset.done $0x0  }
0xcb: {  	s29 =	sadd.s32 $0x1400, s23;
	[sflag:s16] =	ssyncadd.s32 $0xFFFFC000  }
0xcc: {  	[spmem:s3] =	stream.indirect.scatter.add.f32 [tilespmem:s14], [sflag:$0x3], $0x80, s29, s2, $0xb8;
	[tilespmem:$0x1E800] =	vst v63  }
0xcd: {  	_ =	swait.ge [sflag:s15], $0x4000  }
0xce: {  	[sflag:s15] =	ssyncset.done $0x0  }
0xcf: {  	s29 =	sadd.s32 $0x100, s23;
	[sflag:s15] =	ssyncadd.s32 $0xFFFFC000  }
0xd0: {  	[tilespmem:s14], [sflag:$0x1] =	stream.indirect.gather [hbm4b:s5+s26], $0x80, s29, s26, $0xb8;
	[tilespmem:$0x1E800] =	vst v63  }
0xd1: {  	s29 =	sadd.s32 $0x120, s23  }
0xd2: {  	[tilespmem:s28], [sflag:$0x1] =	stream.indirect.gather [hbm4b:s5+s26], $0x80, s29, s26, $0xb8;
	[tilespmem:$0x1E800] =	vst v63  }
0xd3: {  	s29 =	sadd.s32 $0x140, s23  }
0xd4: {  	[tilespmem:s30], [sflag:$0x1] =	stream.indirect.gather [hbm4b:s5+s26], $0x80, s29, s26, $0xb8;
	[tilespmem:$0x1E800] =	vst v63  }
0xd5: {  	s29 =	sadd.s32 $0x160, s23  }
0xd6: {  	[tilespmem:s1], [sflag:$0x1] =	stream.indirect.gather [hbm4b:s5+s26], $0x80, s29, s26, $0xb8;
	[tilespmem:$0x1E800] =	vst v63  }
0xd7: {  	_ =	swait.ge [sflag:s17], $0x4000  }
0xd8: {  	[sflag:s17] =	ssyncset.done $0x0  }
0xd9: {  	s29 =	sadd.s32 $0x1480, s23;
	[sflag:s17] =	ssyncadd.s32 $0xFFFFC000  }
0xda: {  	[spmem:s3] =	stream.indirect.scatter.add.f32 [tilespmem:s0], [sflag:$0x3], $0x80, s29, s2, $0xb8;
	[tilespmem:$0x1E800] =	vst v63  }
0xdb: {  	_ =	swait.ge [sflag:s15], $0x4000  }
0xdc: {  	[sflag:s15] =	ssyncset.done $0x0  }
0xdd: {  	s29 =	sadd.s32 $0x180, s23;
	[sflag:s15] =	ssyncadd.s32 $0xFFFFC000  }
0xde: {  	[tilespmem:s0], [sflag:$0x2] =	stream.indirect.gather [hbm4b:s5+s26], $0x80, s29, s26, $0xb8;
	[tilespmem:$0x1E800] =	vst v63  }
.Ltmp1:
0xdf: {  	s29 =	sadd.s32 $0x1A0, s23;
	(pc) =	sbr.rel @p0 .LBB2_4-.Ltmp1, $4  }
0xe0: {  	[tilespmem:s10], [sflag:$0x2] =	stream.indirect.gather [hbm4b:s5+s26], $0x80, s29, s26, $0xb8;
	[tilespmem:$0x1E800] =	vst v63  }
0xe1: {  	s29 =	sadd.s32 $0x1C0, s23  }
0xe2: {  	[tilespmem:s12], [sflag:$0x2] =	stream.indirect.gather [hbm4b:s5+s26], $0x80, s29, s26, $0xb8;
	[tilespmem:$0x1E800] =	vst v63  }
0xe3: {  	s29 =	sadd.s32 $0x1E0, s23  }
0xe4: {  	[tilespmem:s21], [sflag:$0x2] =	stream.indirect.gather [hbm4b:s5+s26], $0x80, s29, s26, $0xb8;
	[tilespmem:$0x1E800] =	vst v63  }
0xe5: {  	_ =	swait.ge [sflag:s16], $0x4000  }
0xe6: {  	[sflag:s16] =	ssyncset.done $0x0  }
0xe7: {  	[sflag:s16] =	ssyncadd.s32 $0xFFFFC000  }
0xe8: {  	[spmem:s3] =	stream.indirect.scatter.add.f32 [tilespmem:s14], [sflag:$0x3], $0x80, s18, s2, $0xb8;
	[tilespmem:$0x1E800] =	vst v63  }
0xe9: {  	_ =	swait.ge [sflag:s15], $0x4000  }
0xea: {  	[sflag:s15] =	ssyncset.done $0x0  }
0xeb: {  	[sflag:s15] =	ssyncadd.s32 $0xFFFFC000  }
0xec: {  	_ =	swait.ge [sflag:s17], $0x4000  }
0xed: {  	[sflag:s17] =	ssyncset.done $0x0  }
0xee: {  	[sflag:s17] =	ssyncadd.s32 $0xFFFFC000  }
0xef: {  	[spmem:s3] =	stream.indirect.scatter.add.f32 [tilespmem:s0], [sflag:$0x3], $0x80, s19, s2, $0xb8;
	[tilespmem:$0x1E800] =	vst v63  }
0xf0: {  	_ =	swait.ge [sflag:s15], $0x4000  }
0xf1: {  	[sflag:s15] =	ssyncset.done $0x0  }
0xf2: {  	s22 =	stileid.u32;
	[sflag:s15] =	ssyncadd.s32 $0xFFFFC000  }
0xf3: {  	s22 =	sshll.u32 s22, $0x6;
	[bflag:$0x0] =	sbarrier.arrive $0xFFFF  }
0xf4: {  	s23 =	sshrl.u32 s6, $0x3;
	s22 =	sor.u32 $0x1C03, s22;
	s29 =	rddreg [dreg:$0x9]  }
0xf5: {  	[hbm:s29], [sflag:s22] =	dma.local [spmem:s23], $0x800  }
0xf6: {  	_ =	swait.ge [sflag:s15], $0x800  }
0xf7: {  	[sflag:s15] =	ssyncset.done $0x0;
	s23 =	rddreg [dreg:$0xa]  }
0xf8: {  	s29 =	rddreg [dreg:$0xe];
	[sflag:s15] =	ssyncadd.s32 $0xFFFFF800  }
0xf9: {  	[hbm:s23], [sflag:s22] =	dma.local [spmem:s29], $0x800  }
0xfa: {  	_ =	swait.ge [sflag:s15], $0x800  }
0xfb: {  	[sflag:s15] =	ssyncset.done $0x0;
	s23 =	rddreg [dreg:$0xb]  }
0xfc: {  	s29 =	rddreg [dreg:$0xf];
	[sflag:s15] =	ssyncadd.s32 $0xFFFFF800  }
0xfd: {  	[hbm:s23], [sflag:s22] =	dma.local [spmem:s29], $0x800  }
0xfe: {  	_ =	swait.ge [sflag:s15], $0x800  }
0xff: {  	[sflag:s15] =	ssyncset.done $0x0  }
0x100: {  	s29 =	rddreg [dreg:$0xc];
	[sflag:s15] =	ssyncadd.s32 $0xFFFFF800  }
0x101: {  	[hbm:s29], [sflag:s22] =	dma.local [spmem:s24], $0x800  }
0x102: {  	_ =	swait.ge [sflag:s15], $0x800  }
0x103: {  	[sflag:s15] =	ssyncset.done $0x0  }
0x104: {  	s29 =	rddreg [dreg:$0xd];
	[sflag:s15] =	ssyncadd.s32 $0xFFFFF800  }
0x105: {  	[hbm:s29], [sflag:s22] =	dma.local [spmem:s25], $0x800  }
0x106: {  	_ =	swait.ge [sflag:s15], $0x800  }
0x107: {  	s20 =	sadd.s32 $0x1, s20;
	s29 =	rddreg [dreg:$0x4]  }
0x108: {  	p0 =	sne.s32 s20, s29  }
.Ltmp2:
0x109: {  	_ = 	snop;
	(pc) =	sbr.rel @p0 .LBB2_1-.Ltmp2, $3  }
0x10a: {  	_ =	sdelay $0x1  }
0x10b: {  	[sflag:s15] =	ssyncset.done $0x0  }
0x10c: {  	[sflag:s15] =	ssyncadd.s32 $0xFFFFF800  }
0x10d: {  	_ =	sfence.sel $0x180000  }
0x10e: {  	[bflag:$0x0] =	sbarrier.arrive $0xFFFF  }
0x10f: {  	_ =	strace $0x9000004D  }
0x110: {  	s0 =	stileid.u32;
	[bflag:$0x2] =	sbarrier.arrive $0xFFFF  }
0x111: {  	p0 =	sne.s32 s0, $0x0;
	s0 =	rddreg [dreg:$0x3]  }
0x112: {  	s0 =	sadd.s32 @!p0 $0x100000, s0  }
0x113: {  	[sflag:s0] =	ssyncadd.tile.s32 @!p0 $0x1;
	_ =	shalt  }
.Lfunc_end2:
_tile_overlayer_lowered:
.L_overlay_start_2:
0x114: {  	(tag) =	ssettag $0x2  }
0x115: {  	s0 =	rddreg [dreg:$0x0];
	s2 =	stileid.u32  }
0x116: {  	s1 =	rddreg [dreg:$0x1];
	p0 =	sne.s32 s2, $0x0  }
0x117: {  	s3 =	rddreg [dreg:$0x2];
	[bflag:$0x3] =	sbarrier.arrive $0xFFFF;
	s2 =	simm.s32 @!p0 $0x1C03  }
0x118: {  	[timem:s3], [sflag:s2] =	dma.local @!p0 [hbm:s0], s1  }
0x119: {  	s0 =	simm.s32 @!p0 $0x3  }
0x11a: {  	_ =	swait.ge @!p0 [sflag:s0], s1  }
0x11b: {  	s1 =	ssub.s32 @!p0 $0x0, s1;
	[sflag:s0] =	ssyncset.done @!p0 $0x0  }
0x11c: {  	[sflag:s0] =	ssyncadd.s32 @!p0 s1  }
0x11d: {  	[bflag:$0x3] =	sbarrier.arrive $0xFFFF  }
0x11e: {  	_ =	shalt  }

// kernel: kernel.19.cloned.1.call-start
scs
__scs_entry_jumppad:
0x0: {  	(pc) =	sbr.rel $0x88, $3  }
0x1: {  	(tag) =	ssettag $0x0;
	lr =	simm.s32 $0x1  }
0x2: {  	[smem:$0x3F99] =	sst lr;
	_ =	strace $0xD0000000  }
0x3: {  	_ = 	snop  }
0x4: {  	_ = 	snop  }
0x5: {  	_ = 	snop  }
0x6: {  	_ = 	snop  }
0x7: {  	_ = 	snop  }
__scs_overlays_trampoline_lowered:
0x8: {  	[smem:$0x3FA8] =	sst s0  }
0x9: {  	[smem:$0x3FA9] =	sst s1  }
0xa: {  	[smem:$0x3FAA] =	sst s2  }
0xb: {  	[smem:$0x3FAB] =	sst s3  }
0xc: {  	[smem:$0x3FAC] =	sst s4  }
0xd: {  	[smem:$0x3FAD] =	sst s5  }
0xe: {  	[smem:$0x3FAE] =	sst s6  }
0xf: {  	[smem:$0x3FAF] =	sst s7  }
0x10: {  	[smem:$0x3FB0] =	sst s8  }
0x11: {  	[smem:$0x3FB1] =	sst s9;
	s0 =	simm.s32 @!p0 $0x0  }
0x12: {  	s1 =	sld [smem:$0x3F97];
	s0 =	simm.s32 @p0 $0x1  }
0x13: {  	[smem:$0x3FB2] =	sst s0;
	s0 =	simm.s32 @!p1 $0x0  }
0x14: {  	s2 =	sld [smem:$0x3F96];
	s0 =	simm.s32 @p1 $0x1  }
0x15: {  	[smem:$0x3FB3] =	sst s0;
	s0 =	simm.s32 @!p2 $0x0  }
0x16: {  	s3 =	sld [smem:$0x3FDB];
	s0 =	simm.s32 @p2 $0x1  }
0x17: {  	s4 =	simm.s32 $0x1BF5;
	[smem:$0x3FB5] =	sst s0  }
0x18: {  	s0 =	sld [smem:$0x3F98];
	_ =	swait.ge [sflag:s4], $0x0  }
0x19: {  	s7 =	sld [smem:$0x3F99]  }
0x1a: {  	s8 =	sadd.s32 $0xFFFFE003, lr  }
0x1b: {  	s9 =	sadd.s32 $0xFFFFFEF7, lr;
	s5 =	simm.s32 $0xFFFFFFFF;
	p2 =	slt.u32 s8, $0xFFFFF086  }
0x1c: {  	p1 =	slt.u32 s9, $0xF7A;
	s5 =	simm.s32 @!p2 $0x0  }
0x1d: {  	s5 =	simm.s32 @p1 $0x1;
	p0 =	seq.s32 s7, s2  }
0x1e: {  	s7 =	smul.u32 @!p0 $0xF7A, s2;
	p2 =	seq.s32 @!p0 s5, $0x0  }
0x1f: {  	s9 =	smul.u32 $0xF7A, s1;
	s8 =	simm.s32 @!p0 $0x1BF5;
	p2 =	por !p2, p0  }
0x20: {  	[sflag:s8] =	ssyncset.s32 @!p0 $0xFFFFF086;
	s6 =	sadd.s32 @!p0 s3, s7;
	s7 =	simm.s32 @!p0 $0x108  }
0x21: {  	s3 =	sadd.s32 s3, s9;
	s6 =	sadd.s32 @!p0 $0x88, s6;
	s7 =	simm.s32 @p2 $0x1082  }
0x22: {  	[simem:s7], [sflag:s8] =	dma.local @!p0 [hbm:s6], $0xF7A  }
0x23: {  	s9 =	sor.u32 $0xD0000000, s2;
	s6 =	simm.s32 $0x108;
	_ =	swait.ge @!p0 [sflag:s8], $0x0  }
0x24: {  	s3 =	sadd.s32 $0x88, s3;
	s6 =	simm.s32 @!p1 $0x1082;
	[sflag:s4] =	ssyncset.s32 $0xFFFFF086  }
0x25: {  	[simem:s6], [sflag:s4] =	dma.local [hbm:s3], $0xF7A  }
0x26: {  	[smem:$0x3F99] =	sst s1;
	(tag) =	ssettag s2;
	_ =	strace s9  }
0x27: {  	s1 =	sld [smem:$0x3FA9]  }
0x28: {  	s2 =	sld [smem:$0x3FAA]  }
0x29: {  	s4 =	sld [smem:$0x3FAC]  }
0x2a: {  	p0 =	seq.s32 s5, $0x0;
	s5 =	sld [smem:$0x3FAD]  }
0x2b: {  	s6 =	sld [smem:$0x3FAE]  }
0x2c: {  	s7 =	sld [smem:$0x3FAF]  }
0x2d: {  	s3 =	simm.s32 $0x108;
	s8 =	sld [smem:$0x3FB0]  }
0x2e: {  	s3 =	simm.s32 @!p0 $0x1082;
	s9 =	sld [smem:$0x3FB1]  }
0x2f: {  	lr =	sadd.s32 s0, s3;
	s0 =	sld [smem:$0x3FA8]  }
0x30: {  	s3 =	sld [smem:$0x3FAB]  }
0x31: {  	[smem:$0x3FB4] =	sst s10  }
0x32: {  	s10 =	sld [smem:$0x3FB2];
	_ =	sdelay $0x3  }
0x33: {  	p0 =	seq.s32 s10, $0x1;
	s10 =	sld [smem:$0x3FB4];
	_ =	sdelay $0x3  }
0x34: {  	[smem:$0x3FB4] =	sst s10  }
0x35: {  	s10 =	sld [smem:$0x3FB3];
	_ =	sdelay $0x3  }
0x36: {  	p1 =	seq.s32 s10, $0x1;
	s10 =	sld [smem:$0x3FB4];
	_ =	sdelay $0x3  }
0x37: {  	[smem:$0x3FB4] =	sst s10  }
0x38: {  	s10 =	sld [smem:$0x3FB5]  }
0x39: {  	_ = 	snop;
	(pc) =	sbr.ind lr, $3  }
0x3a: {  	_ = 	snop  }
0x3b: {  	_ = 	snop  }
0x3c: {  	p2 =	seq.s32 s10, $0x1;
	s10 =	sld [smem:$0x3FB4]  }
0x3d: {  	_ =	shalt  }
0x3e: {  	_ =	shalt  }
0x3f: {  	_ =	shalt  }
0x40: {  	_ =	shalt  }
0x41: {  	_ =	shalt  }
0x42: {  	_ =	shalt  }
0x43: {  	_ =	shalt  }
0x44: {  	_ =	shalt  }
0x45: {  	_ =	shalt  }
0x46: {  	_ =	shalt  }
0x47: {  	_ =	shalt  }
0x48: {  	_ =	shalt  }
0x49: {  	_ =	shalt  }
0x4a: {  	_ =	shalt  }
0x4b: {  	_ =	shalt  }
0x4c: {  	_ =	shalt  }
0x4d: {  	_ =	shalt  }
0x4e: {  	_ =	shalt  }
0x4f: {  	_ =	shalt  }
0x50: {  	_ =	shalt  }
0x51: {  	_ =	shalt  }
0x52: {  	_ =	shalt  }
0x53: {  	_ =	shalt  }
0x54: {  	_ =	shalt  }
0x55: {  	_ =	shalt  }
0x56: {  	_ =	shalt  }
0x57: {  	_ =	shalt  }
0x58: {  	_ =	shalt  }
0x59: {  	_ =	shalt  }
0x5a: {  	_ =	shalt  }
0x5b: {  	_ =	shalt  }
0x5c: {  	_ =	shalt  }
0x5d: {  	_ =	shalt  }
0x5e: {  	_ =	shalt  }
0x5f: {  	_ =	shalt  }
0x60: {  	_ =	shalt  }
0x61: {  	_ =	shalt  }
0x62: {  	_ =	shalt  }
0x63: {  	_ =	shalt  }
0x64: {  	_ =	shalt  }
0x65: {  	_ =	shalt  }
0x66: {  	_ =	shalt  }
0x67: {  	_ =	shalt  }
0x68: {  	_ =	shalt  }
0x69: {  	_ =	shalt  }
0x6a: {  	_ =	shalt  }
0x6b: {  	_ =	shalt  }
0x6c: {  	_ =	shalt  }
0x6d: {  	_ =	shalt  }
0x6e: {  	_ =	shalt  }
0x6f: {  	_ =	shalt  }
0x70: {  	_ =	shalt  }
0x71: {  	_ =	shalt  }
0x72: {  	_ =	shalt  }
0x73: {  	_ =	shalt  }
0x74: {  	_ =	shalt  }
0x75: {  	_ =	shalt  }
0x76: {  	_ =	shalt  }
0x77: {  	_ =	shalt  }
0x78: {  	_ =	shalt  }
0x79: {  	_ =	shalt  }
0x7a: {  	_ =	shalt  }
0x7b: {  	_ =	shalt  }
0x7c: {  	_ =	shalt  }
0x7d: {  	_ =	shalt  }
0x7e: {  	_ =	shalt  }
0x7f: {  	_ =	shalt  }
0x80: {  	_ =	shalt  }
0x81: {  	_ =	shalt  }
0x82: {  	_ =	shalt  }
0x83: {  	_ =	shalt  }
0x84: {  	_ =	shalt  }
0x85: {  	_ =	shalt  }
0x86: {  	_ =	shalt  }
0x87: {  	_ =	shalt  }
.Lfunc_end0:
.L_simem_size_0:
called_computation.3_lowered:
.L_overlay_start_0:
0x88: {  	s2 =	sld [smem:$0x3FD9]  }
0x89: {  	s3 =	sld [smem:$0x3FFE];
	_ =	sdelay $0x1  }
0x8a: {  	s1 =	srdreg.scid  }
0x8b: {  	s0 =	sand.u32 $0x1, s1  }
0x8c: {  	s17 =	sshll.u32 s0, $0xA;
	s2 =	sadd.s32 s3, s2  }
0x8d: {  	s2 =	sadd.s32 s2, s17  }
0x8e: {  	[smem:$0x3FC0] =	sst s2  }
0x8f: {  	_ = 	snop  }
0x90: {  	s2 =	sld [smem:$0x3FD0];
	(tm) =	ssettm $0x1  }
0x91: {  	s18 =	sld [smem:$0x3FFB];
	_ =	sdelay $0x3  }
0x92: {  	_ =	strace s18  }
0x93: {  	s3 =	sld [smem:$0x3FFC];
	_ =	sdelay $0x3  }
0x94: {  	_ =	strace s3  }
0x95: {  	s3 =	sld [smem:$0x3FFD];
	_ =	sdelay $0x3  }
0x96: {  	_ =	strace s3  }
0x97: {  	_ =	strace $0x8FFFFFFF  }
0x98: {  	s19 =	sld [smem:$0x3FDB];
	_ =	sdelay $0x1  }
0x99: {  	s4 =	simm.s32 $_scs_section_size  }
0x9a: {  	s5 =	simm.s32 $_size__tile_overlayer_lowered;
	s6 =	simm.s32 $_tile_overlayer_lowered  }
0x9b: {  	s22 =	simm.s32 $0x1BFF;
	s21 =	sshll.u32 s6, $0x1;
	s3 =	sadd.s32 s4, s19  }
0x9c: {  	s7 =	simm.s32 $0x0;
	s20 =	sshll.u32 s5, $0x1;
	s5 =	sadd.s32 s21, s3  }
0x9d: {  	[timem:s7], [sflag:s22] =	dma.local [hbm:s5], s20  }
0x9e: {  	_ =	swait.ge [sflag:s22], s20  }
0x9f: {  	s4 =	ssub.s32 $0x0, s20;
	[sflag:s22] =	ssyncset.done $0x0  }
0xa0: {  	[sflag:s22] =	ssyncadd.s32 s4;
	_ =	sdelay $0x1  }
0xa1: {  	s23 =	simm.s32 $0x1B8B  }
0xa2: {  	_ =	swait.ge [sflag:s23], $0x1  }
0xa3: {  	[sflag:s23] =	ssyncset.done $0x0  }
0xa4: {  	s25 =	simm.s32 $0x1B8E;
	s24 =	sld [smem:$0x3FFE];
	[sflag:s23] =	ssyncadd.s32 $0xFFFFFFFF  }
0xa5: {  	s26 =	simm.s32 $execute0_lowered;
	[smem:$0x3FD2] =	sst s25  }
0xa6: {  	s5 =	sshll.u32 s26, $0x1;
	_ =	strace $0x8000004F;
	[dreg:$0x1] =	wrdreg $0xFFFFFFFF  }
0xa7: {  	s28 =	simm.s32 $_size_execute0_lowered;
	s3 =	sadd.s32 s3, s5;
	[dreg:$0x0] =	wrdreg $0x0  }
0xa8: {  	s5 =	sshll.u32 s28, $0x1;
	[dreg:$0x2] =	wrdreg s3  }
0xa9: {  	[dreg:$0x3] =	wrdreg s5  }
0xaa: {  	[dreg:$0x4] =	wrdreg $0xC0  }
0xab: {  	_ =	task [dreg:s7], $0x5FFFF  }
0xac: {  	[dreg:$0x1] =	wrdreg $0xFFFFFFFF  }
0xad: {  	[dreg:$0x0] =	wrdreg $0x60  }
0xae: {  	[dreg:$0x2] =	wrdreg s24  }
0xaf: {  	[dreg:$0x3] =	wrdreg s2  }
0xb0: {  	[dreg:$0x4] =	wrdreg $0xA8000  }
0xb1: {  	[dreg:$0x5] =	wrdreg $0x9  }
0xb2: {  	_ =	task.clear_ibuf [dreg:s7], $0x6FFFF;
	_ =	strace $0x9000004F  }
0xb3: {  	s29 =	simm.s32 $0x9;
	_ =	strace $0x80000051  }
0xb4: {  	_ =	swait.ge [sflag:s29], $0x1  }
0xb5: {  	[sflag:s29] =	ssyncadd.s32 $0xFFFFFFFF  }
0xb6: {  	_ =	strace $0x90000051  }
0xb7: {  	_ =	sfence  }
0xb8: {  	s30 =	sld [smem:$0x0];
	_ =	sdelay $0x2  }
0xb9: {  	s31 =	sshll.u32 s1, $0xD;
	s1 =	sshrl.u32 s1, $0x2  }
0xba: {  	s3 =	sand.u32 $0x4000, s31;
	s1 =	sadd.s32 s1, s30  }
0xbb: {  	s0 =	sor.u32 s3, s0;
	s1 =	sshll.u32 s1, $0x11  }
0xbc: {  	s0 =	sor.u32 s1, s0  }
0xbd: {  	s0 =	sadd.s32 $0x8F2B, s0  }
0xbe: {  	[sflag:s0] =	ssyncadd.remote.s32 $0x1  }
0xbf: {  	_ =	sfence.sel $0xFFFF  }
0xc0: {  	[dreg:$0x0] =	wrdreg $0xFFFFFFFF;
	(pc) =	sbr.abs _section_cstart, $3  }
0xc1: {  	[dreg:$0x1] =	wrdreg $0xFFFFFFFF  }
0xc2: {  	_ =	task.clear_ibuf [dreg:s7], $0x2FFFF;
	_ =	strace $0x9FFFFFFF  }
0xc3: {  	(tm) =	ssettm $0x7FFFFFFF  }
tec
execute0_lowered:
.L_overlay_start_1:
0x0: {  	(tag) =	ssettag $0x1  }
0x1: {  	s0 =	rddreg [dreg:$0x0];
	s1 =	srdreg.scid  }
0x2: {  	s9 =	stileid.u32;
	s3 =	rddreg [dreg:$0x2]  }
0x3: {  	s4 =	simm.s32 $0x0;
	s15 =	simm.s32 $0x3;
	s28 =	simm.s32 $0x3800  }
0x4: {  	s30 =	simm.s32 $0x4800;
	s31 =	simm.s32 $0x60;
	s6 =	smul.u32 $0x50000, s9  }
0x5: {  	s1 =	sand.u32 $0x1, s1;
	s2 =	sshll.u32 s9, $0x1;
	s17 =	smul.u32 $0x280, s9  }
0x6: {  	[smem:$0x7FF] =	sst s4;
	s5 =	sadd.s32 $0xCA00, s0;
	s9 =	smul.u32 $0x2800, s9  }
0x7: {  	s2 =	sor.u32 s1, s2;
	s7 =	smul.u32 $0x28000, s1;
	s1 =	ssub.s32 $0x2, s1  }
0x8: {  	_ =	strace $0x80000050;
	s2 =	smul.u32 $0x500, s2;
	s8 =	sshrl.u32 s1, $0x1  }
0x9: {  	s6 =	sshrl.u32 s6, $0x2;
	s20 =	sadd.s32 $0x80, s17;
	s11 =	sadd.s32 $0x100, s17  }
0xa: {  	s13 =	sadd.s32 $0x180, s17;
	s1 =	ssub.s32 s1, s8;
	s6 =	sadd.s32 s6, s3  }
0xb: {  	s21 =	sshll.u32 s20, $0x7;
	s22 =	sshll.u32 s11, $0x7;
	s11 =	sshll.u32 s11, $0x4  }
0xc: {  	s14 =	sshll.u32 s13, $0x7;
	s13 =	sshll.u32 s13, $0x4;
	s2 =	sadd.s32 s2, s0  }
0xd: {  	s0 =	sadd.s32 s7, s0;
	s1 =	smax.u32 s1, $0x1;
	s18 =	sadd.s32 $0x4000, s6  }
0xe: {  	s19 =	sadd.s32 $0x8000, s6;
	s10 =	sadd.s32 $0xC000, s6;
	[dreg:$0x4] =	wrdreg s1  }
0xf: {  	s12 =	sadd.s32 $0x10000, s6;
	s16 =	sadd.s32 s14, s3;
	[dreg:$0x5] =	wrdreg s18  }
0x10: {  	s14 =	simm.s32 $0x2800;
	s7 =	sadd.s32 $0x5D200, s2;
	[dreg:$0x6] =	wrdreg s19  }
0x11: {  	s8 =	sadd.s32 $0x2A00, s2;
	s0 =	sadd.s32 $0x67200, s0;
	[dreg:$0x7] =	wrdreg s10  }
0x12: {  	[dreg:$0x8] =	wrdreg s12;
	s10 =	sadd.s32 s21, s3;
	s1 =	sshll.u32 s20, $0x4  }
0x13: {  	s12 =	sadd.s32 s22, s3;
	s2 =	sadd.s32 $0x200, s17;
	s21 =	simm.s32 $0x9800  }
0x14: {  	s18 =	simm.s32 $0x2700;
	s19 =	simm.s32 $0x2780;
	s20 =	simm.s32 $0x0  }
0x15: {  	s23 =	sshll.u32 s2, $0x7;
	s2 =	sshll.u32 s2, $0x4;
	s9 =	sadd.s32 s9, s0  }
0x16: {  	s1 =	sadd.s32 s1, s0;
	s24 =	sadd.s32 s11, s0;
	[dreg:$0x9] =	wrdreg s9  }
0x17: {  	s25 =	sadd.s32 s13, s0;
	s26 =	sshrl.u32 s10, $0x3;
	[dreg:$0xa] =	wrdreg s1  }
0x18: {  	s29 =	sshrl.u32 s12, $0x3;
	s10 =	simm.s32 $0x7800;
	[dreg:$0xb] =	wrdreg s24  }
0x19: {  	s11 =	simm.s32 $0xC0;
	s12 =	simm.s32 $0x8800;
	[dreg:$0xc] =	wrdreg s25  }
0x1a: {  	s13 =	simm.s32 $0xE0;
	s17 =	sadd.s32 s23, s3;
	[dreg:$0xe] =	wrdreg s26  }
0x1b: {  	s0 =	sadd.s32 s2, s0;
	[dreg:$0xf] =	wrdreg s29;
	s24 =	sshrl.u32 s16, $0x3  }
0x1c: {  	s26 =	simm.s32 $0x20;
	s1 =	simm.s32 $0x5800;
	s2 =	simm.s32 $0x80  }
0x1d: {  	s9 =	simm.s32 $0xA0;
	s16 =	simm.s32 $0x1;
	[dreg:$0xd] =	wrdreg s0  }
0x1e: {  	s25 =	sshrl.u32 s17, $0x3;
	s0 =	simm.s32 $0x6800;
	s17 =	simm.s32 $0x2  }
.LBB2_1:
0x1f: {  	s22 =	rddreg [dreg:$0x1]  }
0x20: {  	[tilespmem:s14], [sflag:$0x3] =	stream.linear.gather [hbm4b:s22+s4], $0x4000, $0x38;
	[tilespmem:$0x1E800] =	vst v63  }
0x21: {  	_ =	swait.ge [sflag:s15], $0x4000  }
0x22: {  	[sflag:s15] =	ssyncset.done $0x0  }
0x23: {  	[sflag:s15] =	ssyncadd.s32 $0xFFFFC000  }
0x24: {  	[spmem:s6] =	stream.linear.scatter [tilespmem:s14], [sflag:$0x3], $0x4000, $0x38;
	[tilespmem:$0x1E800] =	vst v63  }
0x25: {  	_ =	swait.ge [sflag:s15], $0x4000  }
0x26: {  	[sflag:s15] =	ssyncset.done $0x0  }
0x27: {  	s23 =	rddreg [dreg:$0x5];
	[sflag:s15] =	ssyncadd.s32 $0xFFFFC000  }
0x28: {  	[spmem:s23] =	stream.linear.scatter [tilespmem:s14], [sflag:$0x3], $0x4000, $0x38;
	[tilespmem:$0x1E800] =	vst v63  }
0x29: {  	_ =	swait.ge [sflag:s15], $0x4000  }
0x2a: {  	[sflag:s15] =	ssyncset.done $0x0  }
0x2b: {  	s23 =	rddreg [dreg:$0x6];
	[sflag:s15] =	ssyncadd.s32 $0xFFFFC000  }
0x2c: {  	[spmem:s23] =	stream.linear.scatter [tilespmem:s14], [sflag:$0x3], $0x4000, $0x38;
	[tilespmem:$0x1E800] =	vst v63  }
0x2d: {  	_ =	swait.ge [sflag:s15], $0x4000  }
0x2e: {  	[sflag:s15] =	ssyncset.done $0x0  }
0x2f: {  	s23 =	rddreg [dreg:$0x7];
	[sflag:s15] =	ssyncadd.s32 $0xFFFFC000  }
0x30: {  	[spmem:s23] =	stream.linear.scatter [tilespmem:s14], [sflag:$0x3], $0x4000, $0x38;
	[tilespmem:$0x1E800] =	vst v63  }
0x31: {  	_ =	swait.ge [sflag:s15], $0x4000  }
0x32: {  	[sflag:s15] =	ssyncset.done $0x0  }
0x33: {  	s23 =	rddreg [dreg:$0x8];
	[sflag:s15] =	ssyncadd.s32 $0xFFFFC000  }
0x34: {  	[spmem:s23] =	stream.linear.scatter [tilespmem:s14], [sflag:$0x3], $0x4000, $0x38;
	[tilespmem:$0x1E800] =	vst v63  }
0x35: {  	_ =	swait.ge [sflag:s15], $0x4000  }
0x36: {  	[sflag:s15] =	ssyncset.done $0x0  }
0x37: {  	[sflag:s15] =	ssyncadd.s32 $0xFFFFC000  }
0x38: {  	[bflag:$0x0] =	sbarrier.arrive $0xFFFF  }
0x39: {  	[tilespmem:s4], [sflag:$0x3] =	stream.linear.gather [hbm4b:s7+s4], $0x1400, $0x38;
	[tilespmem:$0x1E800] =	vst v63  }
0x3a: {  	_ =	swait.ge [sflag:s15], $0x1400  }
0x3b: {  	[sflag:s15] =	ssyncset.done $0x0  }
0x3c: {  	s23 =	simm.s32 $0x1400;
	[sflag:s15] =	ssyncadd.s32 $0xFFFFEC00  }
0x3d: {  	[tilespmem:s23], [sflag:$0x3] =	stream.linear.gather [hbm4b:s8+s4], $0x1400, $0x38;
	[tilespmem:$0x1E800] =	vst v63  }
0x3e: {  	_ =	swait.ge [sflag:s15], $0x1400  }
0x3f: {  	[sflag:s15] =	ssyncset.done $0x0  }
0x40: {  	[sflag:s15] =	ssyncadd.s32 $0xFFFFEC00  }
0x41: {  	[tilespmem:s14], [sflag:$0x1] =	stream.indirect.gather [hbm4b:s5+s26], $0x80, s4, s26, $0xb8;
	[tilespmem:$0x1E800] =	vst v63  }
0x42: {  	_ = 	snop  }
0x43: {  	[tilespmem:s28], [sflag:$0x1] =	stream.indirect.gather [hbm4b:s5+s26], $0x80, s26, s26, $0xb8;
	[tilespmem:$0x1E800] =	vst v63  }
0x44: {  	s23 =	simm.s32 $0x40  }
0x45: {  	[tilespmem:s30], [sflag:$0x1] =	stream.indirect.gather [hbm4b:s5+s26], $0x80, s23, s26, $0xb8;
	[tilespmem:$0x1E800] =	vst v63  }
0x46: {  	_ = 	snop  }
0x47: {  	[tilespmem:s1], [sflag:$0x1] =	stream.indirect.gather [hbm4b:s5+s26], $0x80, s31, s26, $0xb8;
	[tilespmem:$0x1E800] =	vst v63  }
0x48: {  	_ = 	snop  }
0x49: {  	[tilespmem:s0], [sflag:$0x2] =	stream.indirect.gather [hbm4b:s5+s26], $0x80, s2, s26, $0xb8;
	[tilespmem:$0x1E800] =	vst v63  }
0x4a: {  	_ = 	snop  }
0x4b: {  	[tilespmem:s10], [sflag:$0x2] =	stream.indirect.gather [hbm4b:s5+s26], $0x80, s9, s26, $0xb8;
	[tilespmem:$0x1E800] =	vst v63  }
0x4c: {  	_ = 	snop  }
0x4d: {  	[tilespmem:s12], [sflag:$0x2] =	stream.indirect.gather [hbm4b:s5+s26], $0x80, s11, s26, $0xb8;
	[tilespmem:$0x1E800] =	vst v63  }
0x4e: {  	_ = 	snop  }
0x4f: {  	[tilespmem:s21], [sflag:$0x2] =	stream.indirect.gather [hbm4b:s5+s26], $0x80, s13, s26, $0xb8;
	[tilespmem:$0x1E800] =	vst v63  }
0x50: {  	_ =	swait.ge [sflag:s16], $0x4000  }
0x51: {  	[sflag:s16] =	ssyncset.done $0x0  }
0x52: {  	s23 =	simm.s32 $0x1400;
	[sflag:s16] =	ssyncadd.s32 $0xFFFFC000  }
0x53: {  	[spmem:s3] =	stream.indirect.scatter.add.f32 [tilespmem:s14], [sflag:$0x3], $0x80, s23, s2, $0xb8;
	[tilespmem:$0x1E800] =	vst v63  }
0x54: {  	_ =	swait.ge [sflag:s15], $0x4000  }
0x55: {  	[sflag:s15] =	ssyncset.done $0x0  }
0x56: {  	s23 =	simm.s32 $0x100;
	[sflag:s15] =	ssyncadd.s32 $0xFFFFC000  }
0x57: {  	[tilespmem:s14], [sflag:$0x1] =	stream.indirect.gather [hbm4b:s5+s26], $0x80, s23, s26, $0xb8;
	[tilespmem:$0x1E800] =	vst v63  }
0x58: {  	s23 =	simm.s32 $0x120  }
0x59: {  	[tilespmem:s28], [sflag:$0x1] =	stream.indirect.gather [hbm4b:s5+s26], $0x80, s23, s26, $0xb8;
	[tilespmem:$0x1E800] =	vst v63  }
0x5a: {  	s23 =	simm.s32 $0x140  }
0x5b: {  	[tilespmem:s30], [sflag:$0x1] =	stream.indirect.gather [hbm4b:s5+s26], $0x80, s23, s26, $0xb8;
	[tilespmem:$0x1E800] =	vst v63  }
0x5c: {  	s23 =	simm.s32 $0x160  }
0x5d: {  	[tilespmem:s1], [sflag:$0x1] =	stream.indirect.gather [hbm4b:s5+s26], $0x80, s23, s26, $0xb8;
	[tilespmem:$0x1E800] =	vst v63  }
0x5e: {  	_ =	swait.ge [sflag:s17], $0x4000  }
0x5f: {  	[sflag:s17] =	ssyncset.done $0x0  }
0x60: {  	s23 =	simm.s32 $0x1480;
	[sflag:s17] =	ssyncadd.s32 $0xFFFFC000  }
0x61: {  	[spmem:s3] =	stream.indirect.scatter.add.f32 [tilespmem:s0], [sflag:$0x3], $0x80, s23, s2, $0xb8;
	[tilespmem:$0x1E800] =	vst v63  }
0x62: {  	_ =	swait.ge [sflag:s15], $0x4000  }
0x63: {  	[sflag:s15] =	ssyncset.done $0x0  }
0x64: {  	s23 =	simm.s32 $0x180;
	[sflag:s15] =	ssyncadd.s32 $0xFFFFC000  }
0x65: {  	[tilespmem:s0], [sflag:$0x2] =	stream.indirect.gather [hbm4b:s5+s26], $0x80, s23, s26, $0xb8;
	[tilespmem:$0x1E800] =	vst v63  }
0x66: {  	s23 =	simm.s32 $0x1A0  }
0x67: {  	[tilespmem:s10], [sflag:$0x2] =	stream.indirect.gather [hbm4b:s5+s26], $0x80, s23, s26, $0xb8;
	[tilespmem:$0x1E800] =	vst v63  }
0x68: {  	s29 =	simm.s32 $0x1E0;
	s22 =	simm.s32 $0x400;
	s23 =	simm.s32 $0x1C0  }
0x69: {  	[tilespmem:s12], [sflag:$0x2] =	stream.indirect.gather [hbm4b:s5+s26], $0x80, s23, s26, $0xb8;
	[tilespmem:$0x1E800] =	vst v63  }
.LBB2_2:
0x6a: {  	[tilespmem:s21], [sflag:$0x2] =	stream.indirect.gather [hbm4b:s5+s26], $0x80, s29, s26, $0xb8;
	[tilespmem:$0x1E800] =	vst v63  }
0x6b: {  	s29 =	smov.u32 s22  }
0x6c: {  	p0 =	sne.s32 s22, $0x4800;
	s22 =	sadd.s32 $0x400, s22;
	_ =	swait.ge [sflag:s16], $0x4000  }
0x6d: {  	s29 =	sshra.s32 s29, $0x2;
	[sflag:s16] =	ssyncset.done $0x0  }
0x6e: {  	s23 =	sadd.s32 $0x1400, s29;
	[sflag:s16] =	ssyncadd.s32 $0xFFFFC000  }
0x6f: {  	[spmem:s3] =	stream.indirect.scatter.add.f32 [tilespmem:s14], [sflag:$0x3], $0x80, s23, s2, $0xb8;
	[tilespmem:$0x1E800] =	vst v63  }
0x70: {  	_ =	swait.ge [sflag:s15], $0x4000  }
0x71: {  	[sflag:s15] =	ssyncset.done $0x0  }
0x72: {  	s23 =	sadd.s32 $0x100, s29;
	[sflag:s15] =	ssyncadd.s32 $0xFFFFC000  }
0x73: {  	[tilespmem:s14], [sflag:$0x1] =	stream.indirect.gather [hbm4b:s5+s26], $0x80, s23, s26, $0xb8;
	[tilespmem:$0x1E800] =	vst v63  }
0x74: {  	s23 =	sadd.s32 $0x120, s29  }
0x75: {  	[tilespmem:s28], [sflag:$0x1] =	stream.indirect.gather [hbm4b:s5+s26], $0x80, s23, s26, $0xb8;
	[tilespmem:$0x1E800] =	vst v63  }
0x76: {  	s23 =	sadd.s32 $0x140, s29  }
0x77: {  	[tilespmem:s30], [sflag:$0x1] =	stream.indirect.gather [hbm4b:s5+s26], $0x80, s23, s26, $0xb8;
	[tilespmem:$0x1E800] =	vst v63  }
0x78: {  	s23 =	sadd.s32 $0x160, s29  }
0x79: {  	[tilespmem:s1], [sflag:$0x1] =	stream.indirect.gather [hbm4b:s5+s26], $0x80, s23, s26, $0xb8;
	[tilespmem:$0x1E800] =	vst v63  }
0x7a: {  	_ =	swait.ge [sflag:s17], $0x4000  }
0x7b: {  	[sflag:s17] =	ssyncset.done $0x0  }
0x7c: {  	s23 =	sadd.s32 $0x1480, s29;
	[sflag:s17] =	ssyncadd.s32 $0xFFFFC000  }
0x7d: {  	[spmem:s3] =	stream.indirect.scatter.add.f32 [tilespmem:s0], [sflag:$0x3], $0x80, s23, s2, $0xb8;
	[tilespmem:$0x1E800] =	vst v63  }
0x7e: {  	_ =	swait.ge [sflag:s15], $0x4000  }
0x7f: {  	[sflag:s15] =	ssyncset.done $0x0  }
0x80: {  	s23 =	sadd.s32 $0x180, s29;
	[sflag:s15] =	ssyncadd.s32 $0xFFFFC000  }
0x81: {  	[tilespmem:s0], [sflag:$0x2] =	stream.indirect.gather [hbm4b:s5+s26], $0x80, s23, s26, $0xb8;
	[tilespmem:$0x1E800] =	vst v63  }
.Ltmp0:
0x82: {  	s23 =	sadd.s32 $0x1A0, s29;
	(pc) =	sbr.rel @p0 .LBB2_2-.Ltmp0, $4  }
0x83: {  	[tilespmem:s10], [sflag:$0x2] =	stream.indirect.gather [hbm4b:s5+s26], $0x80, s23, s26, $0xb8;
	[tilespmem:$0x1E800] =	vst v63  }
0x84: {  	s23 =	sadd.s32 $0x1C0, s29  }
0x85: {  	[tilespmem:s12], [sflag:$0x2] =	stream.indirect.gather [hbm4b:s5+s26], $0x80, s23, s26, $0xb8;
	[tilespmem:$0x1E800] =	vst v63  }
0x86: {  	s29 =	sadd.s32 $0x1E0, s29  }
0x87: {  	[tilespmem:s21], [sflag:$0x2] =	stream.indirect.gather [hbm4b:s5+s26], $0x80, s29, s26, $0xb8;
	[tilespmem:$0x1E800] =	vst v63  }
0x88: {  	_ =	swait.ge [sflag:s16], $0x4000  }
0x89: {  	[sflag:s16] =	ssyncset.done $0x0  }
0x8a: {  	[sflag:s16] =	ssyncadd.s32 $0xFFFFC000  }
0x8b: {  	[spmem:s3] =	stream.indirect.scatter.add.f32 [tilespmem:s14], [sflag:$0x3], $0x80, s18, s2, $0xb8;
	[tilespmem:$0x1E800] =	vst v63  }
0x8c: {  	_ =	swait.ge [sflag:s15], $0x4000  }
0x8d: {  	[sflag:s15] =	ssyncset.done $0x0  }
0x8e: {  	[sflag:s15] =	ssyncadd.s32 $0xFFFFC000  }
0x8f: {  	_ =	swait.ge [sflag:s17], $0x4000  }
0x90: {  	[sflag:s17] =	ssyncset.done $0x0  }
0x91: {  	[sflag:s17] =	ssyncadd.s32 $0xFFFFC000  }
0x92: {  	[spmem:s3] =	stream.indirect.scatter.add.f32 [tilespmem:s0], [sflag:$0x3], $0x80, s19, s2, $0xb8;
	[tilespmem:$0x1E800] =	vst v63  }
0x93: {  	_ =	swait.ge [sflag:s15], $0x4000  }
0x94: {  	[sflag:s15] =	ssyncset.done $0x0  }
0x95: {  	s22 =	sadd.s32 $0x280, s7;
	s23 =	simm.s32 $0x0;
	[sflag:s15] =	ssyncadd.s32 $0xFFFFC000  }
0x96: {  	[tilespmem:s23], [sflag:$0x3] =	stream.linear.gather [hbm4b:s22+s23], $0x1400, $0x38;
	[tilespmem:$0x1E800] =	vst v63  }
0x97: {  	_ =	swait.ge [sflag:s15], $0x1400  }
0x98: {  	[sflag:s15] =	ssyncset.done $0x0  }
0x99: {  	s29 =	simm.s32 $0x1400;
	s22 =	sadd.s32 $0x280, s8;
	[sflag:s15] =	ssyncadd.s32 $0xFFFFEC00  }
0x9a: {  	[tilespmem:s29], [sflag:$0x3] =	stream.linear.gather [hbm4b:s22+s23], $0x1400, $0x38;
	[tilespmem:$0x1E800] =	vst v63  }
0x9b: {  	_ =	swait.ge [sflag:s15], $0x1400  }
0x9c: {  	[sflag:s15] =	ssyncset.done $0x0  }
0x9d: {  	[sflag:s15] =	ssyncadd.s32 $0xFFFFEC00  }
0x9e: {  	[tilespmem:s14], [sflag:$0x1] =	stream.indirect.gather [hbm4b:s5+s26], $0x80, s23, s26, $0xb8;
	[tilespmem:$0x1E800] =	vst v63  }
0x9f: {  	_ = 	snop  }
0xa0: {  	[tilespmem:s28], [sflag:$0x1] =	stream.indirect.gather [hbm4b:s5+s26], $0x80, s26, s26, $0xb8;
	[tilespmem:$0x1E800] =	vst v63  }
0xa1: {  	s23 =	simm.s32 $0x40  }
0xa2: {  	[tilespmem:s30], [sflag:$0x1] =	stream.indirect.gather [hbm4b:s5+s26], $0x80, s23, s26, $0xb8;
	[tilespmem:$0x1E800] =	vst v63  }
0xa3: {  	_ = 	snop  }
0xa4: {  	[tilespmem:s1], [sflag:$0x1] =	stream.indirect.gather [hbm4b:s5+s26], $0x80, s31, s26, $0xb8;
	[tilespmem:$0x1E800] =	vst v63  }
0xa5: {  	_ = 	snop  }
0xa6: {  	[tilespmem:s0], [sflag:$0x2] =	stream.indirect.gather [hbm4b:s5+s26], $0x80, s2, s26, $0xb8;
	[tilespmem:$0x1E800] =	vst v63  }
0xa7: {  	_ = 	snop  }
0xa8: {  	[tilespmem:s10], [sflag:$0x2] =	stream.indirect.gather [hbm4b:s5+s26], $0x80, s9, s26, $0xb8;
	[tilespmem:$0x1E800] =	vst v63  }
0xa9: {  	_ = 	snop  }
0xaa: {  	[tilespmem:s12], [sflag:$0x2] =	stream.indirect.gather [hbm4b:s5+s26], $0x80, s11, s26, $0xb8;
	[tilespmem:$0x1E800] =	vst v63  }
0xab: {  	_ = 	snop  }
0xac: {  	[tilespmem:s21], [sflag:$0x2] =	stream.indirect.gather [hbm4b:s5+s26], $0x80, s13, s26, $0xb8;
	[tilespmem:$0x1E800] =	vst v63  }
0xad: {  	_ =	swait.ge [sflag:s16], $0x4000  }
0xae: {  	[sflag:s16] =	ssyncset.done $0x0  }
0xaf: {  	s23 =	simm.s32 $0x1400;
	[sflag:s16] =	ssyncadd.s32 $0xFFFFC000  }
0xb0: {  	[spmem:s3] =	stream.indirect.scatter.add.f32 [tilespmem:s14], [sflag:$0x3], $0x80, s23, s2, $0xb8;
	[tilespmem:$0x1E800] =	vst v63  }
0xb1: {  	_ =	swait.ge [sflag:s15], $0x4000  }
0xb2: {  	[sflag:s15] =	ssyncset.done $0x0  }
0xb3: {  	s23 =	simm.s32 $0x100;
	[sflag:s15] =	ssyncadd.s32 $0xFFFFC000  }
0xb4: {  	[tilespmem:s14], [sflag:$0x1] =	stream.indirect.gather [hbm4b:s5+s26], $0x80, s23, s26, $0xb8;
	[tilespmem:$0x1E800] =	vst v63  }
0xb5: {  	s23 =	simm.s32 $0x120  }
0xb6: {  	[tilespmem:s28], [sflag:$0x1] =	stream.indirect.gather [hbm4b:s5+s26], $0x80, s23, s26, $0xb8;
	[tilespmem:$0x1E800] =	vst v63  }
0xb7: {  	s23 =	simm.s32 $0x140  }
0xb8: {  	[tilespmem:s30], [sflag:$0x1] =	stream.indirect.gather [hbm4b:s5+s26], $0x80, s23, s26, $0xb8;
	[tilespmem:$0x1E800] =	vst v63  }
0xb9: {  	s23 =	simm.s32 $0x160  }
0xba: {  	[tilespmem:s1], [sflag:$0x1] =	stream.indirect.gather [hbm4b:s5+s26], $0x80, s23, s26, $0xb8;
	[tilespmem:$0x1E800] =	vst v63  }
0xbb: {  	_ =	swait.ge [sflag:s17], $0x4000  }
0xbc: {  	[sflag:s17] =	ssyncset.done $0x0  }
0xbd: {  	s23 =	simm.s32 $0x1480;
	[sflag:s17] =	ssyncadd.s32 $0xFFFFC000  }
0xbe: {  	[spmem:s3] =	stream.indirect.scatter.add.f32 [tilespmem:s0], [sflag:$0x3], $0x80, s23, s2, $0xb8;
	[tilespmem:$0x1E800] =	vst v63  }
0xbf: {  	_ =	swait.ge [sflag:s15], $0x4000  }
0xc0: {  	[sflag:s15] =	ssyncset.done $0x0  }
0xc1: {  	s23 =	simm.s32 $0x180;
	[sflag:s15] =	ssyncadd.s32 $0xFFFFC000  }
0xc2: {  	[tilespmem:s0], [sflag:$0x2] =	stream.indirect.gather [hbm4b:s5+s26], $0x80, s23, s26, $0xb8;
	[tilespmem:$0x1E800] =	vst v63  }
0xc3: {  	s23 =	simm.s32 $0x1A0  }
0xc4: {  	[tilespmem:s10], [sflag:$0x2] =	stream.indirect.gather [hbm4b:s5+s26], $0x80, s23, s26, $0xb8;
	[tilespmem:$0x1E800] =	vst v63  }
0xc5: {  	s22 =	simm.s32 $0x400;
	s29 =	simm.s32 $0x1E0;
	s23 =	simm.s32 $0x1C0  }
0xc6: {  	[tilespmem:s12], [sflag:$0x2] =	stream.indirect.gather [hbm4b:s5+s26], $0x80, s23, s26, $0xb8;
	[tilespmem:$0x1E800] =	vst v63  }
.LBB2_4:
0xc7: {  	[tilespmem:s21], [sflag:$0x2] =	stream.indirect.gather [hbm4b:s5+s26], $0x80, s29, s26, $0xb8;
	[tilespmem:$0x1E800] =	vst v63  }
0xc8: {  	s23 =	smov.u32 s22  }
0xc9: {  	p0 =	sne.s32 s22, $0x4800;
	s22 =	sadd.s32 $0x400, s22;
	_ =	swait.ge [sflag:s16], $0x4000  }
0xca: {  	s23 =	sshra.s32 s23, $0x2;
	[sflag:s16] =	ssyncset.done $0x0  }
0xcb: {  	s29 =	sadd.s32 $0x1400, s23;
	[sflag:s16] =	ssyncadd.s32 $0xFFFFC000  }
0xcc: {  	[spmem:s3] =	stream.indirect.scatter.add.f32 [tilespmem:s14], [sflag:$0x3], $0x80, s29, s2, $0xb8;
	[tilespmem:$0x1E800] =	vst v63  }
0xcd: {  	_ =	swait.ge [sflag:s15], $0x4000  }
0xce: {  	[sflag:s15] =	ssyncset.done $0x0  }
0xcf: {  	s29 =	sadd.s32 $0x100, s23;
	[sflag:s15] =	ssyncadd.s32 $0xFFFFC000  }
0xd0: {  	[tilespmem:s14], [sflag:$0x1] =	stream.indirect.gather [hbm4b:s5+s26], $0x80, s29, s26, $0xb8;
	[tilespmem:$0x1E800] =	vst v63  }
0xd1: {  	s29 =	sadd.s32 $0x120, s23  }
0xd2: {  	[tilespmem:s28], [sflag:$0x1] =	stream.indirect.gather [hbm4b:s5+s26], $0x80, s29, s26, $0xb8;
	[tilespmem:$0x1E800] =	vst v63  }
0xd3: {  	s29 =	sadd.s32 $0x140, s23  }
0xd4: {  	[tilespmem:s30], [sflag:$0x1] =	stream.indirect.gather [hbm4b:s5+s26], $0x80, s29, s26, $0xb8;
	[tilespmem:$0x1E800] =	vst v63  }
0xd5: {  	s29 =	sadd.s32 $0x160, s23  }
0xd6: {  	[tilespmem:s1], [sflag:$0x1] =	stream.indirect.gather [hbm4b:s5+s26], $0x80, s29, s26, $0xb8;
	[tilespmem:$0x1E800] =	vst v63  }
0xd7: {  	_ =	swait.ge [sflag:s17], $0x4000  }
0xd8: {  	[sflag:s17] =	ssyncset.done $0x0  }
0xd9: {  	s29 =	sadd.s32 $0x1480, s23;
	[sflag:s17] =	ssyncadd.s32 $0xFFFFC000  }
0xda: {  	[spmem:s3] =	stream.indirect.scatter.add.f32 [tilespmem:s0], [sflag:$0x3], $0x80, s29, s2, $0xb8;
	[tilespmem:$0x1E800] =	vst v63  }
0xdb: {  	_ =	swait.ge [sflag:s15], $0x4000  }
0xdc: {  	[sflag:s15] =	ssyncset.done $0x0  }
0xdd: {  	s29 =	sadd.s32 $0x180, s23;
	[sflag:s15] =	ssyncadd.s32 $0xFFFFC000  }
0xde: {  	[tilespmem:s0], [sflag:$0x2] =	stream.indirect.gather [hbm4b:s5+s26], $0x80, s29, s26, $0xb8;
	[tilespmem:$0x1E800] =	vst v63  }
.Ltmp1:
0xdf: {  	s29 =	sadd.s32 $0x1A0, s23;
	(pc) =	sbr.rel @p0 .LBB2_4-.Ltmp1, $4  }
0xe0: {  	[tilespmem:s10], [sflag:$0x2] =	stream.indirect.gather [hbm4b:s5+s26], $0x80, s29, s26, $0xb8;
	[tilespmem:$0x1E800] =	vst v63  }
0xe1: {  	s29 =	sadd.s32 $0x1C0, s23  }
0xe2: {  	[tilespmem:s12], [sflag:$0x2] =	stream.indirect.gather [hbm4b:s5+s26], $0x80, s29, s26, $0xb8;
	[tilespmem:$0x1E800] =	vst v63  }
0xe3: {  	s29 =	sadd.s32 $0x1E0, s23  }
0xe4: {  	[tilespmem:s21], [sflag:$0x2] =	stream.indirect.gather [hbm4b:s5+s26], $0x80, s29, s26, $0xb8;
	[tilespmem:$0x1E800] =	vst v63  }
0xe5: {  	_ =	swait.ge [sflag:s16], $0x4000  }
0xe6: {  	[sflag:s16] =	ssyncset.done $0x0  }
0xe7: {  	[sflag:s16] =	ssyncadd.s32 $0xFFFFC000  }
0xe8: {  	[spmem:s3] =	stream.indirect.scatter.add.f32 [tilespmem:s14], [sflag:$0x3], $0x80, s18, s2, $0xb8;
	[tilespmem:$0x1E800] =	vst v63  }
0xe9: {  	_ =	swait.ge [sflag:s15], $0x4000  }
0xea: {  	[sflag:s15] =	ssyncset.done $0x0  }
0xeb: {  	[sflag:s15] =	ssyncadd.s32 $0xFFFFC000  }
0xec: {  	_ =	swait.ge [sflag:s17], $0x4000  }
0xed: {  	[sflag:s17] =	ssyncset.done $0x0  }
0xee: {  	[sflag:s17] =	ssyncadd.s32 $0xFFFFC000  }
0xef: {  	[spmem:s3] =	stream.indirect.scatter.add.f32 [tilespmem:s0], [sflag:$0x3], $0x80, s19, s2, $0xb8;
	[tilespmem:$0x1E800] =	vst v63  }
0xf0: {  	_ =	swait.ge [sflag:s15], $0x4000  }
0xf1: {  	[sflag:s15] =	ssyncset.done $0x0  }
0xf2: {  	s22 =	stileid.u32;
	[sflag:s15] =	ssyncadd.s32 $0xFFFFC000  }
0xf3: {  	s22 =	sshll.u32 s22, $0x6;
	[bflag:$0x0] =	sbarrier.arrive $0xFFFF  }
0xf4: {  	s23 =	sshrl.u32 s6, $0x3;
	s22 =	sor.u32 $0x1C03, s22;
	s29 =	rddreg [dreg:$0x9]  }
0xf5: {  	[hbm:s29], [sflag:s22] =	dma.local [spmem:s23], $0x800  }
0xf6: {  	_ =	swait.ge [sflag:s15], $0x800  }
0xf7: {  	[sflag:s15] =	ssyncset.done $0x0;
	s23 =	rddreg [dreg:$0xa]  }
0xf8: {  	s29 =	rddreg [dreg:$0xe];
	[sflag:s15] =	ssyncadd.s32 $0xFFFFF800  }
0xf9: {  	[hbm:s23], [sflag:s22] =	dma.local [spmem:s29], $0x800  }
0xfa: {  	_ =	swait.ge [sflag:s15], $0x800  }
0xfb: {  	[sflag:s15] =	ssyncset.done $0x0;
	s23 =	rddreg [dreg:$0xb]  }
0xfc: {  	s29 =	rddreg [dreg:$0xf];
	[sflag:s15] =	ssyncadd.s32 $0xFFFFF800  }
0xfd: {  	[hbm:s23], [sflag:s22] =	dma.local [spmem:s29], $0x800  }
0xfe: {  	_ =	swait.ge [sflag:s15], $0x800  }
0xff: {  	[sflag:s15] =	ssyncset.done $0x0  }
0x100: {  	s29 =	rddreg [dreg:$0xc];
	[sflag:s15] =	ssyncadd.s32 $0xFFFFF800  }
0x101: {  	[hbm:s29], [sflag:s22] =	dma.local [spmem:s24], $0x800  }
0x102: {  	_ =	swait.ge [sflag:s15], $0x800  }
0x103: {  	[sflag:s15] =	ssyncset.done $0x0  }
0x104: {  	s29 =	rddreg [dreg:$0xd];
	[sflag:s15] =	ssyncadd.s32 $0xFFFFF800  }
0x105: {  	[hbm:s29], [sflag:s22] =	dma.local [spmem:s25], $0x800  }
0x106: {  	_ =	swait.ge [sflag:s15], $0x800  }
0x107: {  	s20 =	sadd.s32 $0x1, s20;
	s29 =	rddreg [dreg:$0x4]  }
0x108: {  	p0 =	sne.s32 s20, s29  }
.Ltmp2:
0x109: {  	_ = 	snop;
	(pc) =	sbr.rel @p0 .LBB2_1-.Ltmp2, $3  }
0x10a: {  	_ =	sdelay $0x1  }
0x10b: {  	[sflag:s15] =	ssyncset.done $0x0  }
0x10c: {  	[sflag:s15] =	ssyncadd.s32 $0xFFFFF800  }
0x10d: {  	_ =	sfence.sel $0x180000  }
0x10e: {  	[bflag:$0x0] =	sbarrier.arrive $0xFFFF  }
0x10f: {  	_ =	strace $0x90000050  }
0x110: {  	s0 =	stileid.u32;
	[bflag:$0x2] =	sbarrier.arrive $0xFFFF  }
0x111: {  	p0 =	sne.s32 s0, $0x0;
	s0 =	rddreg [dreg:$0x3]  }
0x112: {  	s0 =	sadd.s32 @!p0 $0x100000, s0  }
0x113: {  	[sflag:s0] =	ssyncadd.tile.s32 @!p0 $0x1;
	_ =	shalt  }
.Lfunc_end2:
_tile_overlayer_lowered:
.L_overlay_start_2:
0x114: {  	(tag) =	ssettag $0x2  }
0x115: {  	s0 =	rddreg [dreg:$0x0];
	s2 =	stileid.u32  }
0x116: {  	s1 =	rddreg [dreg:$0x1];
	p0 =	sne.s32 s2, $0x0  }
0x117: {  	s3 =	rddreg [dreg:$0x2];
	[bflag:$0x3] =	sbarrier.arrive $0xFFFF;
	s2 =	simm.s32 @!p0 $0x1C03  }
0x118: {  	[timem:s3], [sflag:s2] =	dma.local @!p0 [hbm:s0], s1  }
0x119: {  	s0 =	simm.s32 @!p0 $0x3  }
0x11a: {  	_ =	swait.ge @!p0 [sflag:s0], s1  }
0x11b: {  	s1 =	ssub.s32 @!p0 $0x0, s1;
	[sflag:s0] =	ssyncset.done @!p0 $0x0  }
0x11c: {  	[sflag:s0] =	ssyncadd.s32 @!p0 s1  }
0x11d: {  	[bflag:$0x3] =	sbarrier.arrive $0xFFFF  }
0x11e: {  	_ =	shalt  }

</sc_bundles>
